<compile_context>
chip_gen: v7x
topology: tpu7x:2x2x1
jax: 0.10.2.dev20260603
libtpu: 0.0.44.dev20260713+nightly
codegen_flags: <defaults>
</compile_context>

<pallas_src>
import functools

import jax
import jax.numpy as jnp
from jax import lax
from jax.experimental import pallas as pl
from jax.experimental.pallas import tpu as pltpu
from jax.experimental.pallas import tpu_sc as plsc

_L = 10000
_B = 4096
_NC = 2
_NS = 16
_NW = _NC * _NS
_K = 4
_CB = _B // _K
_BPW = _CB // _NW
_R = 8
_NG = _BPW // _R


def _sc_gather_chunk(idx_chunk, trans_matrix):
    mesh = plsc.VectorSubcoreMesh(core_axis_name="c", subcore_axis_name="s")

    @functools.partial(
        pl.kernel,
        mesh=mesh,
        out_type=jax.ShapeDtypeStruct((_CB, _L), jnp.float32),
        scratch_types=[
            pltpu.VMEM((_BPW + 16,), jnp.int32),
            *[pltpu.VMEM((1, _L), jnp.float32) for _ in range(_R)],
            *[pltpu.SemaphoreType.DMA for _ in range(2 * _R)],
        ],
    )
    def body(idx_hbm, table_hbm, out_hbm, idx_v, *rest):
        bufs = rest[:_R]
        gsems = rest[_R:2 * _R]
        osems = rest[2 * _R:]
        wid = lax.axis_index("s") * _NC + lax.axis_index("c")
        base = wid * _BPW

        pltpu.sync_copy(idx_hbm.at[pl.ds(base, _BPW)],
                        idx_v.at[pl.ds(0, _BPW)])

        def start_gather(row, s):
            pltpu.make_async_copy(
                table_hbm.at[pl.ds(row, 1)], bufs[s], gsems[s]).start()

        def wait_gather(s):
            pltpu.make_async_copy(
                table_hbm.at[pl.ds(0, 1)], bufs[s], gsems[s]).wait()

        def start_out(row, s):
            pltpu.make_async_copy(
                bufs[s], out_hbm.at[pl.ds(row, 1)], osems[s]).start()

        def wait_out(s):
            pltpu.make_async_copy(
                bufs[s], out_hbm.at[pl.ds(base, 1)], osems[s]).wait()

        v0 = idx_v[pl.ds(0, 16)]
        for s in range(_R):
            start_gather(v0[s], s)

        def step(q, carry):
            off = pl.multiple_of(q * 16, 8)
            vq = idx_v[pl.ds(off, 16)]
            for s in range(_R):
                wait_gather(s)
                start_out(base + q * 16 + s, s)
            for s in range(_R):
                wait_out(s)
                start_gather(vq[8 + s], s)
            for s in range(_R):
                wait_gather(s)
                start_out(base + q * 16 + 8 + s, s)
            offn = pl.multiple_of(q * 16 + 16, 8)
            vn = idx_v[pl.ds(offn, 16)]
            for s in range(_R):
                wait_out(s)

                @pl.when(q * 16 + 16 + s < _BPW)
                def _(s=s, vn=vn):
                    start_gather(vn[s], s)

            return carry

        lax.fori_loop(0, _NG // 2, step, 0)

    return body(idx_chunk, trans_matrix)


_LB = 2560
_RB = 256
_NLB = -(-_L // _LB)
_NRB = _CB // _RB


def _tc_scatter_band(ot_prev, piece, band):

    def body(_, in_ref, out_ref):
        out_ref[...] = in_ref[...].T

    return pl.pallas_call(
        body,
        grid=(_NLB, _NRB),
        in_specs=[
            pl.BlockSpec(memory_space=pl.ANY),
            pl.BlockSpec((_RB, _LB), lambda j, r: (r, j)),
        ],
        out_specs=pl.BlockSpec(
            (_LB, _RB), lambda j, r, band=band: (j, band * _NRB + r)),
        out_shape=jax.ShapeDtypeStruct((_L, _B), jnp.float32),
        input_output_aliases={0: 0},
    )(ot_prev, piece)


def _tc_scatter_band0(piece):
    def body(in_ref, out_ref):
        out_ref[...] = in_ref[...].T

    return pl.pallas_call(
        body,
        grid=(_NLB, _NRB),
        in_specs=[pl.BlockSpec((_RB, _LB), lambda j, r: (r, j))],
        out_specs=pl.BlockSpec((_LB, _RB), lambda j, r: (j, r)),
        out_shape=jax.ShapeDtypeStruct((_L, _B), jnp.float32),
    )(piece)


def kernel(traj, trans_matrix):
    last_loc = traj[:, -1, 1].astype(jnp.int32)
    ot = None
    for i in range(_K):
        piece = _sc_gather_chunk(
            lax.dynamic_slice(last_loc, (_CB * i,), (_CB,)), trans_matrix)
        ot = _tc_scatter_band0(piece) if ot is None else _tc_scatter_band(
            ot, piece, i)
    return ot.T

# --- scband reference (transcript-rebuilt; emitter-appended) ---
"""Pipeline reference for scband-markov-chain-80135499808970 (READ-ONLY COPY).

The authoritative reference and input builder live on the scoring server;
editing this copy changes nothing except your own understanding.
"""

import jax, jax.numpy as jnp
import numpy as np

L_DIM = 10000
BATCH = 4096
HIST = 50

def setup_inputs(seed: int = 0) -> dict:
    key = jax.random.key(seed)
    k1, k2 = jax.random.split(key)
    traj = jax.random.randint(k1, (BATCH, HIST, 2), 0, L_DIM, dtype=jnp.int32)
    trans_matrix = jax.random.normal(k2, (L_DIM, L_DIM), dtype=jnp.float32)
    return {"traj": traj, "trans_matrix": trans_matrix}

def reference(traj, trans_matrix):
    # Faithful translation of MarkovChain.forward with no *args:
    # traj_len = traj.size(1); last_loc = traj[range(B), traj_len-1, 1]
    batch = traj.shape[0]
    traj_len = traj.shape[1]
    last_loc = traj[jnp.arange(batch), traj_len - 1, 1].astype(jnp.int32)
    logits = jnp.take(trans_matrix, last_loc, axis=0)
    return logits

if __name__ == "__main__":
    import jax
    _d = setup_inputs()
    print(jax.jit(kernel)(*tuple(_d.values())))

</pallas_src>

<mosaic_0001>
#map = affine_map<(d0, d1) -> (0)>
#map1 = affine_map<(d0, d1) -> (0, 0)>
module attributes {stable_mosaic.version = 14 : i64} {
  func.func @body(%arg0: i32, %arg1: i32, %arg2: memref<1024xi32, #tpu.memory_space<hbm>>, %arg3: memref<10000x10000xf32, #tpu.memory_space<hbm>>, %arg4: memref<1024x10000xf32, #tpu.memory_space<hbm>>, %arg5: memref<48xi32, #tpu.memory_space<vmem>>, %arg6: memref<1x10000xf32, #tpu.memory_space<vmem>>, %arg7: memref<1x10000xf32, #tpu.memory_space<vmem>>, %arg8: memref<1x10000xf32, #tpu.memory_space<vmem>>, %arg9: memref<1x10000xf32, #tpu.memory_space<vmem>>, %arg10: memref<1x10000xf32, #tpu.memory_space<vmem>>, %arg11: memref<1x10000xf32, #tpu.memory_space<vmem>>, %arg12: memref<1x10000xf32, #tpu.memory_space<vmem>>, %arg13: memref<1x10000xf32, #tpu.memory_space<vmem>>, %arg14: memref<!tpu.dma_semaphore, #tpu.memory_space<semaphore_mem>>, %arg15: memref<!tpu.dma_semaphore, #tpu.memory_space<semaphore_mem>>, %arg16: memref<!tpu.dma_semaphore, #tpu.memory_space<semaphore_mem>>, %arg17: memref<!tpu.dma_semaphore, #tpu.memory_space<semaphore_mem>>, %arg18: memref<!tpu.dma_semaphore, #tpu.memory_space<semaphore_mem>>, %arg19: memref<!tpu.dma_semaphore, #tpu.memory_space<semaphore_mem>>, %arg20: memref<!tpu.dma_semaphore, #tpu.memory_space<semaphore_mem>>, %arg21: memref<!tpu.dma_semaphore, #tpu.memory_space<semaphore_mem>>, %arg22: memref<!tpu.dma_semaphore, #tpu.memory_space<semaphore_mem>>, %arg23: memref<!tpu.dma_semaphore, #tpu.memory_space<semaphore_mem>>, %arg24: memref<!tpu.dma_semaphore, #tpu.memory_space<semaphore_mem>>, %arg25: memref<!tpu.dma_semaphore, #tpu.memory_space<semaphore_mem>>, %arg26: memref<!tpu.dma_semaphore, #tpu.memory_space<semaphore_mem>>, %arg27: memref<!tpu.dma_semaphore, #tpu.memory_space<semaphore_mem>>, %arg28: memref<!tpu.dma_semaphore, #tpu.memory_space<semaphore_mem>>, %arg29: memref<!tpu.dma_semaphore, #tpu.memory_space<semaphore_mem>>) attributes {dimension_semantics = [#tpu.dimension_semantics<core_parallel>, #tpu.dimension_semantics<subcore_parallel>], iteration_bounds = array<i64: 2, 16>, scalar_prefetch = 0 : i64, scratch_operands = 25 : i64, tpu.core_type = #tpu.core_type<sc_vector_subcore>, window_params = [{transform_indices = #map}, {transform_indices = #map1}, {transform_indices = #map1}]} {
    %mul3A = arith.constant 2 : i32
    %mul3A_0 = arith.muli %arg1, %mul3A : i32
    %add3A = arith.addi %mul3A_0, %arg0 : i32
    %mul3A_1 = arith.constant 32 : i32
    %mul3A_2 = arith.muli %add3A, %mul3A_1 : i32
    "tpu.region"() ({
      %run_scoped3A = tpu.sem_alloc : memref<!tpu.dma_semaphore, #tpu.memory_space<semaphore_mem>>
      %dma_start3A_55 = arith.constant 0 : i32
      %dma_start3A_56 = tpu.memref_slice %arg5[%dma_start3A_55] : memref<48xi32, #tpu.memory_space<vmem>> -> memref<32xi32, #tpu.memory_space<vmem>>
      %dma_start3A_57 = tpu.memref_slice %arg2[%mul3A_2] : memref<1024xi32, #tpu.memory_space<hbm>> -> memref<32xi32, #tpu.memory_space<hbm>>
      %dma_start3A_58 = arith.constant 0 : i32
      %dma_start3A_59 = tpu.memref_slice %arg5[%dma_start3A_58] : memref<48xi32, #tpu.memory_space<vmem>> -> memref<32xi32, #tpu.memory_space<vmem>>
      %dma_start3A_60 = tpu.memref_slice %arg2[%mul3A_2] : memref<1024xi32, #tpu.memory_space<hbm>> -> memref<32xi32, #tpu.memory_space<hbm>>
      tpu.enqueue_dma source(%dma_start3A_60 : memref<32xi32, #tpu.memory_space<hbm>>) target(%dma_start3A_59 : memref<32xi32, #tpu.memory_space<vmem>>) target_semaphore(%run_scoped3A : memref<!tpu.dma_semaphore, #tpu.memory_space<semaphore_mem>>)
      %dma_wait3A = arith.constant 0 : i32
      %dma_wait3A_61 = tpu.memref_slice %arg5[%dma_wait3A] : memref<48xi32, #tpu.memory_space<vmem>> -> memref<32xi32, #tpu.memory_space<vmem>>
      %dma_wait3A_62 = tpu.memref_slice %arg2[%mul3A_2] : memref<1024xi32, #tpu.memory_space<hbm>> -> memref<32xi32, #tpu.memory_space<hbm>>
      %dma_wait3A_63 = arith.constant 0 : i32
      %dma_wait3A_64 = tpu.memref_slice %arg5[%dma_wait3A_63] : memref<48xi32, #tpu.memory_space<vmem>> -> memref<32xi32, #tpu.memory_space<vmem>>
      %dma_wait3A_65 = tpu.memref_slice %arg2[%mul3A_2] : memref<1024xi32, #tpu.memory_space<hbm>> -> memref<32xi32, #tpu.memory_space<hbm>>
      tpu.wait_dma2 semaphore(%run_scoped3A : memref<!tpu.dma_semaphore, #tpu.memory_space<semaphore_mem>>) src(%dma_wait3A_65 : memref<32xi32, #tpu.memory_space<hbm>>) dst(%dma_wait3A_64 : memref<32xi32, #tpu.memory_space<vmem>>)
      tpu.yield
    }) : () -> ()
    %get3A = arith.constant 0 : index
    %get3A_3 = tpu.vector_load %arg5[%get3A] {strides = array<i32>} : memref<48xi32, #tpu.memory_space<vmem>>, vector<16xi32>,
    %get3A_4 = vector.shape_cast %get3A_3 : vector<16xi32> to vector<16xi32>
    %slice3A = vector.extract_strided_slice %get3A_4 {offsets = [0], sizes = [1], strides = [1]} : vector<16xi32> to vector<1xi32>
    %squeeze3A = vector.extract %slice3A[0] : i32 from vector<1xi32>
    %dma_start3A = arith.constant 0 : i32
    %dma_start3A_5 = tpu.memref_slice %arg3[%squeeze3A, %dma_start3A] : memref<10000x10000xf32, #tpu.memory_space<hbm>> -> memref<1x10000xf32, #tpu.memory_space<hbm>>
    %dma_start3A_6 = arith.constant 0 : i32
    %dma_start3A_7 = tpu.memref_slice %arg3[%squeeze3A, %dma_start3A_6] : memref<10000x10000xf32, #tpu.memory_space<hbm>> -> memref<1x10000xf32, #tpu.memory_space<hbm>>
    tpu.enqueue_dma source(%dma_start3A_7 : memref<1x10000xf32, #tpu.memory_space<hbm>>) target(%arg6 : memref<1x10000xf32, #tpu.memory_space<vmem>>) target_semaphore(%arg14 : memref<!tpu.dma_semaphore, #tpu.memory_space<semaphore_mem>>)
    %slice3A_8 = vector.extract_strided_slice %get3A_4 {offsets = [1], sizes = [1], strides = [1]} : vector<16xi32> to vector<1xi32>
    %squeeze3A_9 = vector.extract %slice3A_8[0] : i32 from vector<1xi32>
    %dma_start3A_10 = arith.constant 0 : i32
    %dma_start3A_11 = tpu.memref_slice %arg3[%squeeze3A_9, %dma_start3A_10] : memref<10000x10000xf32, #tpu.memory_space<hbm>> -> memref<1x10000xf32, #tpu.memory_space<hbm>>
    %dma_start3A_12 = arith.constant 0 : i32
    %dma_start3A_13 = tpu.memref_slice %arg3[%squeeze3A_9, %dma_start3A_12] : memref<10000x10000xf32, #tpu.memory_space<hbm>> -> memref<1x10000xf32, #tpu.memory_space<hbm>>
    tpu.enqueue_dma source(%dma_start3A_13 : memref<1x10000xf32, #tpu.memory_space<hbm>>) target(%arg7 : memref<1x10000xf32, #tpu.memory_space<vmem>>) target_semaphore(%arg15 : memref<!tpu.dma_semaphore, #tpu.memory_space<semaphore_mem>>)
    %slice3A_14 = vector.extract_strided_slice %get3A_4 {offsets = [2], sizes = [1], strides = [1]} : vector<16xi32> to vector<1xi32>
    %squeeze3A_15 = vector.extract %slice3A_14[0] : i32 from vector<1xi32>
    %dma_start3A_16 = arith.constant 0 : i32
    %dma_start3A_17 = tpu.memref_slice %arg3[%squeeze3A_15, %dma_start3A_16] : memref<10000x10000xf32, #tpu.memory_space<hbm>> -> memref<1x10000xf32, #tpu.memory_space<hbm>>
    %dma_start3A_18 = arith.constant 0 : i32
    %dma_start3A_19 = tpu.memref_slice %arg3[%squeeze3A_15, %dma_start3A_18] : memref<10000x10000xf32, #tpu.memory_space<hbm>> -> memref<1x10000xf32, #tpu.memory_space<hbm>>
    tpu.enqueue_dma source(%dma_start3A_19 : memref<1x10000xf32, #tpu.memory_space<hbm>>) target(%arg8 : memref<1x10000xf32, #tpu.memory_space<vmem>>) target_semaphore(%arg16 : memref<!tpu.dma_semaphore, #tpu.memory_space<semaphore_mem>>)
    %slice3A_20 = vector.extract_strided_slice %get3A_4 {offsets = [3], sizes = [1], strides = [1]} : vector<16xi32> to vector<1xi32>
    %squeeze3A_21 = vector.extract %slice3A_20[0] : i32 from vector<1xi32>
    %dma_start3A_22 = arith.constant 0 : i32
    %dma_start3A_23 = tpu.memref_slice %arg3[%squeeze3A_21, %dma_start3A_22] : memref<10000x10000xf32, #tpu.memory_space<hbm>> -> memref<1x10000xf32, #tpu.memory_space<hbm>>
    %dma_start3A_24 = arith.constant 0 : i32
    %dma_start3A_25 = tpu.memref_slice %arg3[%squeeze3A_21, %dma_start3A_24] : memref<10000x10000xf32, #tpu.memory_space<hbm>> -> memref<1x10000xf32, #tpu.memory_space<hbm>>
    tpu.enqueue_dma source(%dma_start3A_25 : memref<1x10000xf32, #tpu.memory_space<hbm>>) target(%arg9 : memref<1x10000xf32, #tpu.memory_space<vmem>>) target_semaphore(%arg17 : memref<!tpu.dma_semaphore, #tpu.memory_space<semaphore_mem>>)
    %slice3A_26 = vector.extract_strided_slice %get3A_4 {offsets = [4], sizes = [1], strides = [1]} : vector<16xi32> to vector<1xi32>
    %squeeze3A_27 = vector.extract %slice3A_26[0] : i32 from vector<1xi32>
    %dma_start3A_28 = arith.constant 0 : i32
    %dma_start3A_29 = tpu.memref_slice %arg3[%squeeze3A_27, %dma_start3A_28] : memref<10000x10000xf32, #tpu.memory_space<hbm>> -> memref<1x10000xf32, #tpu.memory_space<hbm>>
    %dma_start3A_30 = arith.constant 0 : i32
    %dma_start3A_31 = tpu.memref_slice %arg3[%squeeze3A_27, %dma_start3A_30] : memref<10000x10000xf32, #tpu.memory_space<hbm>> -> memref<1x10000xf32, #tpu.memory_space<hbm>>
    tpu.enqueue_dma source(%dma_start3A_31 : memref<1x10000xf32, #tpu.memory_space<hbm>>) target(%arg10 : memref<1x10000xf32, #tpu.memory_space<vmem>>) target_semaphore(%arg18 : memref<!tpu.dma_semaphore, #tpu.memory_space<semaphore_mem>>)
    %slice3A_32 = vector.extract_strided_slice %get3A_4 {offsets = [5], sizes = [1], strides = [1]} : vector<16xi32> to vector<1xi32>
    %squeeze3A_33 = vector.extract %slice3A_32[0] : i32 from vector<1xi32>
    %dma_start3A_34 = arith.constant 0 : i32
    %dma_start3A_35 = tpu.memref_slice %arg3[%squeeze3A_33, %dma_start3A_34] : memref<10000x10000xf32, #tpu.memory_space<hbm>> -> memref<1x10000xf32, #tpu.memory_space<hbm>>
    %dma_start3A_36 = arith.constant 0 : i32
    %dma_start3A_37 = tpu.memref_slice %arg3[%squeeze3A_33, %dma_start3A_36] : memref<10000x10000xf32, #tpu.memory_space<hbm>> -> memref<1x10000xf32, #tpu.memory_space<hbm>>
    tpu.enqueue_dma source(%dma_start3A_37 : memref<1x10000xf32, #tpu.memory_space<hbm>>) target(%arg11 : memref<1x10000xf32, #tpu.memory_space<vmem>>) target_semaphore(%arg19 : memref<!tpu.dma_semaphore, #tpu.memory_space<semaphore_mem>>)
    %slice3A_38 = vector.extract_strided_slice %get3A_4 {offsets = [6], sizes = [1], strides = [1]} : vector<16xi32> to vector<1xi32>
    %squeeze3A_39 = vector.extract %slice3A_38[0] : i32 from vector<1xi32>
    %dma_start3A_40 = arith.constant 0 : i32
    %dma_start3A_41 = tpu.memref_slice %arg3[%squeeze3A_39, %dma_start3A_40] : memref<10000x10000xf32, #tpu.memory_space<hbm>> -> memref<1x10000xf32, #tpu.memory_space<hbm>>
    %dma_start3A_42 = arith.constant 0 : i32
    %dma_start3A_43 = tpu.memref_slice %arg3[%squeeze3A_39, %dma_start3A_42] : memref<10000x10000xf32, #tpu.memory_space<hbm>> -> memref<1x10000xf32, #tpu.memory_space<hbm>>
    tpu.enqueue_dma source(%dma_start3A_43 : memref<1x10000xf32, #tpu.memory_space<hbm>>) target(%arg12 : memref<1x10000xf32, #tpu.memory_space<vmem>>) target_semaphore(%arg20 : memref<!tpu.dma_semaphore, #tpu.memory_space<semaphore_mem>>)
    %slice3A_44 = vector.extract_strided_slice %get3A_4 {offsets = [7], sizes = [1], strides = [1]} : vector<16xi32> to vector<1xi32>
    %squeeze3A_45 = vector.extract %slice3A_44[0] : i32 from vector<1xi32>
    %dma_start3A_46 = arith.constant 0 : i32
    %dma_start3A_47 = tpu.memref_slice %arg3[%squeeze3A_45, %dma_start3A_46] : memref<10000x10000xf32, #tpu.memory_space<hbm>> -> memref<1x10000xf32, #tpu.memory_space<hbm>>
    %dma_start3A_48 = arith.constant 0 : i32
    %dma_start3A_49 = tpu.memref_slice %arg3[%squeeze3A_45, %dma_start3A_48] : memref<10000x10000xf32, #tpu.memory_space<hbm>> -> memref<1x10000xf32, #tpu.memory_space<hbm>>
    tpu.enqueue_dma source(%dma_start3A_49 : memref<1x10000xf32, #tpu.memory_space<hbm>>) target(%arg13 : memref<1x10000xf32, #tpu.memory_space<vmem>>) target_semaphore(%arg21 : memref<!tpu.dma_semaphore, #tpu.memory_space<semaphore_mem>>)
    %scan3A = arith.constant 0 : i32
    %scan3A_50 = arith.constant 0 : i32
    %scan3A_51 = arith.constant 2 : i32
    %scan3A_52 = arith.addi %scan3A_50, %scan3A_51 : i32
    %scan3A_53 = arith.constant 1 : i32
    scf.for %scan3A_55 = %scan3A_50 to %scan3A_52 step %scan3A_53  : i32 {
      %mul3A_56 = arith.constant 16 : i32
      %mul3A_57 = arith.muli %scan3A_55, %mul3A_56 : i32
      %multiple_of3A = tpu.assume_multiple %mul3A_57, 8 : i32
      %get3A_58 = arith.index_cast %multiple_of3A : i32 to index
      %get3A_59 = tpu.vector_load %arg5[%get3A_58] {strides = array<i32>} : memref<48xi32, #tpu.memory_space<vmem>>, vector<16xi32>,
      %get3A_60 = vector.shape_cast %get3A_59 : vector<16xi32> to vector<16xi32>
      %dma_wait3A = arith.constant 0 : i32
      %dma_wait3A_61 = arith.constant 0 : i32
      %dma_wait3A_62 = tpu.memref_slice %arg3[%dma_wait3A, %dma_wait3A_61] : memref<10000x10000xf32, #tpu.memory_space<hbm>> -> memref<1x10000xf32, #tpu.memory_space<hbm>>
      %dma_wait3A_63 = arith.constant 0 : i32
      %dma_wait3A_64 = arith.constant 0 : i32
      %dma_wait3A_65 = tpu.memref_slice %arg3[%dma_wait3A_63, %dma_wait3A_64] : memref<10000x10000xf32, #tpu.memory_space<hbm>> -> memref<1x10000xf32, #tpu.memory_space<hbm>>
      tpu.wait_dma2 semaphore(%arg14 : memref<!tpu.dma_semaphore, #tpu.memory_space<semaphore_mem>>) src(%dma_wait3A_65 : memref<1x10000xf32, #tpu.memory_space<hbm>>) dst(%arg6 : memref<1x10000xf32, #tpu.memory_space<vmem>>)
      %mul3A_66 = arith.constant 16 : i32
      %mul3A_67 = arith.muli %scan3A_55, %mul3A_66 : i32
      %add3A_68 = arith.addi %mul3A_2, %mul3A_67 : i32
      %add3A_69 = arith.constant 0 : i32
      %add3A_70 = arith.addi %add3A_68, %add3A_69 : i32
      %dma_start3A_71 = arith.constant 0 : i32
      %dma_start3A_72 = tpu.memref_slice %arg4[%add3A_70, %dma_start3A_71] : memref<1024x10000xf32, #tpu.memory_space<hbm>> -> memref<1x10000xf32, #tpu.memory_space<hbm>>
      %dma_start3A_73 = arith.constant 0 : i32
      %dma_start3A_74 = tpu.memref_slice %arg4[%add3A_70, %dma_start3A_73] : memref<1024x10000xf32, #tpu.memory_space<hbm>> -> memref<1x10000xf32, #tpu.memory_space<hbm>>
      tpu.enqueue_dma source(%arg6 : memref<1x10000xf32, #tpu.memory_space<vmem>>) target(%dma_start3A_74 : memref<1x10000xf32, #tpu.memory_space<hbm>>) target_semaphore(%arg22 : memref<!tpu.dma_semaphore, #tpu.memory_space<semaphore_mem>>)
      %dma_wait3A_75 = arith.constant 0 : i32
      %dma_wait3A_76 = arith.constant 0 : i32
      %dma_wait3A_77 = tpu.memref_slice %arg3[%dma_wait3A_75, %dma_wait3A_76] : memref<10000x10000xf32, #tpu.memory_space<hbm>> -> memref<1x10000xf32, #tpu.memory_space<hbm>>
      %dma_wait3A_78 = arith.constant 0 : i32
      %dma_wait3A_79 = arith.constant 0 : i32
      %dma_wait3A_80 = tpu.memref_slice %arg3[%dma_wait3A_78, %dma_wait3A_79] : memref<10000x10000xf32, #tpu.memory_space<hbm>> -> memref<1x10000xf32, #tpu.memory_space<hbm>>
      tpu.wait_dma2 semaphore(%arg15 : memref<!tpu.dma_semaphore, #tpu.memory_space<semaphore_mem>>) src(%dma_wait3A_80 : memref<1x10000xf32, #tpu.memory_space<hbm>>) dst(%arg7 : memref<1x10000xf32, #tpu.memory_space<vmem>>)
      %mul3A_81 = arith.constant 16 : i32
      %mul3A_82 = arith.muli %scan3A_55, %mul3A_81 : i32
      %add3A_83 = arith.addi %mul3A_2, %mul3A_82 : i32
      %add3A_84 = arith.constant 1 : i32
      %add3A_85 = arith.addi %add3A_83, %add3A_84 : i32
      %dma_start3A_86 = arith.constant 0 : i32
      %dma_start3A_87 = tpu.memref_slice %arg4[%add3A_85, %dma_start3A_86] : memref<1024x10000xf32, #tpu.memory_space<hbm>> -> memref<1x10000xf32, #tpu.memory_space<hbm>>
      %dma_start3A_88 = arith.constant 0 : i32
      %dma_start3A_89 = tpu.memref_slice %arg4[%add3A_85, %dma_start3A_88] : memref<1024x10000xf32, #tpu.memory_space<hbm>> -> memref<1x10000xf32, #tpu.memory_space<hbm>>
      tpu.enqueue_dma source(%arg7 : memref<1x10000xf32, #tpu.memory_space<vmem>>) target(%dma_start3A_89 : memref<1x10000xf32, #tpu.memory_space<hbm>>) target_semaphore(%arg23 : memref<!tpu.dma_semaphore, #tpu.memory_space<semaphore_mem>>)
      %dma_wait3A_90 = arith.constant 0 : i32
      %dma_wait3A_91 = arith.constant 0 : i32
      %dma_wait3A_92 = tpu.memref_slice %arg3[%dma_wait3A_90, %dma_wait3A_91] : memref<10000x10000xf32, #tpu.memory_space<hbm>> -> memref<1x10000xf32, #tpu.memory_space<hbm>>
      %dma_wait3A_93 = arith.constant 0 : i32
      %dma_wait3A_94 = arith.constant 0 : i32
      %dma_wait3A_95 = tpu.memref_slice %arg3[%dma_wait3A_93, %dma_wait3A_94] : memref<10000x10000xf32, #tpu.memory_space<hbm>> -> memref<1x10000xf32, #tpu.memory_space<hbm>>
      tpu.wait_dma2 semaphore(%arg16 : memref<!tpu.dma_semaphore, #tpu.memory_space<semaphore_mem>>) src(%dma_wait3A_95 : memref<1x10000xf32, #tpu.memory_space<hbm>>) dst(%arg8 : memref<1x10000xf32, #tpu.memory_space<vmem>>)
      %mul3A_96 = arith.constant 16 : i32
      %mul3A_97 = arith.muli %scan3A_55, %mul3A_96 : i32
      %add3A_98 = arith.addi %mul3A_2, %mul3A_97 : i32
      %add3A_99 = arith.constant 2 : i32
      %add3A_100 = arith.addi %add3A_98, %add3A_99 : i32
      %dma_start3A_101 = arith.constant 0 : i32
      %dma_start3A_102 = tpu.memref_slice %arg4[%add3A_100, %dma_start3A_101] : memref<1024x10000xf32, #tpu.memory_space<hbm>> -> memref<1x10000xf32, #tpu.memory_space<hbm>>
      %dma_start3A_103 = arith.constant 0 : i32
      %dma_start3A_104 = tpu.memref_slice %arg4[%add3A_100, %dma_start3A_103] : memref<1024x10000xf32, #tpu.memory_space<hbm>> -> memref<1x10000xf32, #tpu.memory_space<hbm>>
      tpu.enqueue_dma source(%arg8 : memref<1x10000xf32, #tpu.memory_space<vmem>>) target(%dma_start3A_104 : memref<1x10000xf32, #tpu.memory_space<hbm>>) target_semaphore(%arg24 : memref<!tpu.dma_semaphore, #tpu.memory_space<semaphore_mem>>)
      %dma_wait3A_105 = arith.constant 0 : i32
      %dma_wait3A_106 = arith.constant 0 : i32
      %dma_wait3A_107 = tpu.memref_slice %arg3[%dma_wait3A_105, %dma_wait3A_106] : memref<10000x10000xf32, #tpu.memory_space<hbm>> -> memref<1x10000xf32, #tpu.memory_space<hbm>>
      %dma_wait3A_108 = arith.constant 0 : i32
      %dma_wait3A_109 = arith.constant 0 : i32
      %dma_wait3A_110 = tpu.memref_slice %arg3[%dma_wait3A_108, %dma_wait3A_109] : memref<10000x10000xf32, #tpu.memory_space<hbm>> -> memref<1x10000xf32, #tpu.memory_space<hbm>>
      tpu.wait_dma2 semaphore(%arg17 : memref<!tpu.dma_semaphore, #tpu.memory_space<semaphore_mem>>) src(%dma_wait3A_110 : memref<1x10000xf32, #tpu.memory_space<hbm>>) dst(%arg9 : memref<1x10000xf32, #tpu.memory_space<vmem>>)
      %mul3A_111 = arith.constant 16 : i32
      %mul3A_112 = arith.muli %scan3A_55, %mul3A_111 : i32
      %add3A_113 = arith.addi %mul3A_2, %mul3A_112 : i32
      %add3A_114 = arith.constant 3 : i32
      %add3A_115 = arith.addi %add3A_113, %add3A_114 : i32
      %dma_start3A_116 = arith.constant 0 : i32
      %dma_start3A_117 = tpu.memref_slice %arg4[%add3A_115, %dma_start3A_116] : memref<1024x10000xf32, #tpu.memory_space<hbm>> -> memref<1x10000xf32, #tpu.memory_space<hbm>>
      %dma_start3A_118 = arith.constant 0 : i32
      %dma_start3A_119 = tpu.memref_slice %arg4[%add3A_115, %dma_start3A_118] : memref<1024x10000xf32, #tpu.memory_space<hbm>> -> memref<1x10000xf32, #tpu.memory_space<hbm>>
      tpu.enqueue_dma source(%arg9 : memref<1x10000xf32, #tpu.memory_space<vmem>>) target(%dma_start3A_119 : memref<1x10000xf32, #tpu.memory_space<hbm>>) target_semaphore(%arg25 : memref<!tpu.dma_semaphore, #tpu.memory_space<semaphore_mem>>)
      %dma_wait3A_120 = arith.constant 0 : i32
      %dma_wait3A_121 = arith.constant 0 : i32
      %dma_wait3A_122 = tpu.memref_slice %arg3[%dma_wait3A_120, %dma_wait3A_121] : memref<10000x10000xf32, #tpu.memory_space<hbm>> -> memref<1x10000xf32, #tpu.memory_space<hbm>>
      %dma_wait3A_123 = arith.constant 0 : i32
      %dma_wait3A_124 = arith.constant 0 : i32
      %dma_wait3A_125 = tpu.memref_slice %arg3[%dma_wait3A_123, %dma_wait3A_124] : memref<10000x10000xf32, #tpu.memory_space<hbm>> -> memref<1x10000xf32, #tpu.memory_space<hbm>>
      tpu.wait_dma2 semaphore(%arg18 : memref<!tpu.dma_semaphore, #tpu.memory_space<semaphore_mem>>) src(%dma_wait3A_125 : memref<1x10000xf32, #tpu.memory_space<hbm>>) dst(%arg10 : memref<1x10000xf32, #tpu.memory_space<vmem>>)
      %mul3A_126 = arith.constant 16 : i32
      %mul3A_127 = arith.muli %scan3A_55, %mul3A_126 : i32
      %add3A_128 = arith.addi %mul3A_2, %mul3A_127 : i32
      %add3A_129 = arith.constant 4 : i32
      %add3A_130 = arith.addi %add3A_128, %add3A_129 : i32
      %dma_start3A_131 = arith.constant 0 : i32
      %dma_start3A_132 = tpu.memref_slice %arg4[%add3A_130, %dma_start3A_131] : memref<1024x10000xf32, #tpu.memory_space<hbm>> -> memref<1x10000xf32, #tpu.memory_space<hbm>>
      %dma_start3A_133 = arith.constant 0 : i32
      %dma_start3A_134 = tpu.memref_slice %arg4[%add3A_130, %dma_start3A_133] : memref<1024x10000xf32, #tpu.memory_space<hbm>> -> memref<1x10000xf32, #tpu.memory_space<hbm>>
      tpu.enqueue_dma source(%arg10 : memref<1x10000xf32, #tpu.memory_space<vmem>>) target(%dma_start3A_134 : memref<1x10000xf32, #tpu.memory_space<hbm>>) target_semaphore(%arg26 : memref<!tpu.dma_semaphore, #tpu.memory_space<semaphore_mem>>)
      %dma_wait3A_135 = arith.constant 0 : i32
      %dma_wait3A_136 = arith.constant 0 : i32
      %dma_wait3A_137 = tpu.memref_slice %arg3[%dma_wait3A_135, %dma_wait3A_136] : memref<10000x10000xf32, #tpu.memory_space<hbm>> -> memref<1x10000xf32, #tpu.memory_space<hbm>>
      %dma_wait3A_138 = arith.constant 0 : i32
      %dma_wait3A_139 = arith.constant 0 : i32
      %dma_wait3A_140 = tpu.memref_slice %arg3[%dma_wait3A_138, %dma_wait3A_139] : memref<10000x10000xf32, #tpu.memory_space<hbm>> -> memref<1x10000xf32, #tpu.memory_space<hbm>>
      tpu.wait_dma2 semaphore(%arg19 : memref<!tpu.dma_semaphore, #tpu.memory_space<semaphore_mem>>) src(%dma_wait3A_140 : memref<1x10000xf32, #tpu.memory_space<hbm>>) dst(%arg11 : memref<1x10000xf32, #tpu.memory_space<vmem>>)
      %mul3A_141 = arith.constant 16 : i32
      %mul3A_142 = arith.muli %scan3A_55, %mul3A_141 : i32
      %add3A_143 = arith.addi %mul3A_2, %mul3A_142 : i32
      %add3A_144 = arith.constant 5 : i32
      %add3A_145 = arith.addi %add3A_143, %add3A_144 : i32
      %dma_start3A_146 = arith.constant 0 : i32
      %dma_start3A_147 = tpu.memref_slice %arg4[%add3A_145, %dma_start3A_146] : memref<1024x10000xf32, #tpu.memory_space<hbm>> -> memref<1x10000xf32, #tpu.memory_space<hbm>>
      %dma_start3A_148 = arith.constant 0 : i32
      %dma_start3A_149 = tpu.memref_slice %arg4[%add3A_145, %dma_start3A_148] : memref<1024x10000xf32, #tpu.memory_space<hbm>> -> memref<1x10000xf32, #tpu.memory_space<hbm>>
      tpu.enqueue_dma source(%arg11 : memref<1x10000xf32, #tpu.memory_space<vmem>>) target(%dma_start3A_149 : memref<1x10000xf32, #tpu.memory_space<hbm>>) target_semaphore(%arg27 : memref<!tpu.dma_semaphore, #tpu.memory_space<semaphore_mem>>)
      %dma_wait3A_150 = arith.constant 0 : i32
      %dma_wait3A_151 = arith.constant 0 : i32
      %dma_wait3A_152 = tpu.memref_slice %arg3[%dma_wait3A_150, %dma_wait3A_151] : memref<10000x10000xf32, #tpu.memory_space<hbm>> -> memref<1x10000xf32, #tpu.memory_space<hbm>>
      %dma_wait3A_153 = arith.constant 0 : i32
      %dma_wait3A_154 = arith.constant 0 : i32
      %dma_wait3A_155 = tpu.memref_slice %arg3[%dma_wait3A_153, %dma_wait3A_154] : memref<10000x10000xf32, #tpu.memory_space<hbm>> -> memref<1x10000xf32, #tpu.memory_space<hbm>>
      tpu.wait_dma2 semaphore(%arg20 : memref<!tpu.dma_semaphore, #tpu.memory_space<semaphore_mem>>) src(%dma_wait3A_155 : memref<1x10000xf32, #tpu.memory_space<hbm>>) dst(%arg12 : memref<1x10000xf32, #tpu.memory_space<vmem>>)
      %mul3A_156 = arith.constant 16 : i32
      %mul3A_157 = arith.muli %scan3A_55, %mul3A_156 : i32
      %add3A_158 = arith.addi %mul3A_2, %mul3A_157 : i32
      %add3A_159 = arith.constant 6 : i32
      %add3A_160 = arith.addi %add3A_158, %add3A_159 : i32
      %dma_start3A_161 = arith.constant 0 : i32
      %dma_start3A_162 = tpu.memref_slice %arg4[%add3A_160, %dma_start3A_161] : memref<1024x10000xf32, #tpu.memory_space<hbm>> -> memref<1x10000xf32, #tpu.memory_space<hbm>>
      %dma_start3A_163 = arith.constant 0 : i32
      %dma_start3A_164 = tpu.memref_slice %arg4[%add3A_160, %dma_start3A_163] : memref<1024x10000xf32, #tpu.memory_space<hbm>> -> memref<1x10000xf32, #tpu.memory_space<hbm>>
      tpu.enqueue_dma source(%arg12 : memref<1x10000xf32, #tpu.memory_space<vmem>>) target(%dma_start3A_164 : memref<1x10000xf32, #tpu.memory_space<hbm>>) target_semaphore(%arg28 : memref<!tpu.dma_semaphore, #tpu.memory_space<semaphore_mem>>)
      %dma_wait3A_165 = arith.constant 0 : i32
      %dma_wait3A_166 = arith.constant 0 : i32
      %dma_wait3A_167 = tpu.memref_slice %arg3[%dma_wait3A_165, %dma_wait3A_166] : memref<10000x10000xf32, #tpu.memory_space<hbm>> -> memref<1x10000xf32, #tpu.memory_space<hbm>>
      %dma_wait3A_168 = arith.constant 0 : i32
      %dma_wait3A_169 = arith.constant 0 : i32
      %dma_wait3A_170 = tpu.memref_slice %arg3[%dma_wait3A_168, %dma_wait3A_169] : memref<10000x10000xf32, #tpu.memory_space<hbm>> -> memref<1x10000xf32, #tpu.memory_space<hbm>>
      tpu.wait_dma2 semaphore(%arg21 : memref<!tpu.dma_semaphore, #tpu.memory_space<semaphore_mem>>) src(%dma_wait3A_170 : memref<1x10000xf32, #tpu.memory_space<hbm>>) dst(%arg13 : memref<1x10000xf32, #tpu.memory_space<vmem>>)
      %mul3A_171 = arith.constant 16 : i32
      %mul3A_172 = arith.muli %scan3A_55, %mul3A_171 : i32
      %add3A_173 = arith.addi %mul3A_2, %mul3A_172 : i32
      %add3A_174 = arith.constant 7 : i32
      %add3A_175 = arith.addi %add3A_173, %add3A_174 : i32
      %dma_start3A_176 = arith.constant 0 : i32
      %dma_start3A_177 = tpu.memref_slice %arg4[%add3A_175, %dma_start3A_176] : memref<1024x10000xf32, #tpu.memory_space<hbm>> -> memref<1x10000xf32, #tpu.memory_space<hbm>>
      %dma_start3A_178 = arith.constant 0 : i32
      %dma_start3A_179 = tpu.memref_slice %arg4[%add3A_175, %dma_start3A_178] : memref<1024x10000xf32, #tpu.memory_space<hbm>> -> memref<1x10000xf32, #tpu.memory_space<hbm>>
      tpu.enqueue_dma source(%arg13 : memref<1x10000xf32, #tpu.memory_space<vmem>>) target(%dma_start3A_179 : memref<1x10000xf32, #tpu.memory_space<hbm>>) target_semaphore(%arg29 : memref<!tpu.dma_semaphore, #tpu.memory_space<semaphore_mem>>)
      %dma_wait3A_180 = arith.constant 0 : i32
      %dma_wait3A_181 = tpu.memref_slice %arg4[%mul3A_2, %dma_wait3A_180] : memref<1024x10000xf32, #tpu.memory_space<hbm>> -> memref<1x10000xf32, #tpu.memory_space<hbm>>
      %dma_wait3A_182 = arith.constant 0 : i32
      %dma_wait3A_183 = tpu.memref_slice %arg4[%mul3A_2, %dma_wait3A_182] : memref<1024x10000xf32, #tpu.memory_space<hbm>> -> memref<1x10000xf32, #tpu.memory_space<hbm>>
      tpu.wait_dma2 semaphore(%arg22 : memref<!tpu.dma_semaphore, #tpu.memory_space<semaphore_mem>>) src(%arg6 : memref<1x10000xf32, #tpu.memory_space<vmem>>) dst(%dma_wait3A_183 : memref<1x10000xf32, #tpu.memory_space<hbm>>)
      %slice3A_184 = vector.extract_strided_slice %get3A_60 {offsets = [8], sizes = [1], strides = [1]} : vector<16xi32> to vector<1xi32>
      %squeeze3A_185 = vector.extract %slice3A_184[0] : i32 from vector<1xi32>
      %dma_start3A_186 = arith.constant 0 : i32
      %dma_start3A_187 = tpu.memref_slice %arg3[%squeeze3A_185, %dma_start3A_186] : memref<10000x10000xf32, #tpu.memory_space<hbm>> -> memref<1x10000xf32, #tpu.memory_space<hbm>>
      %dma_start3A_188 = arith.constant 0 : i32
      %dma_start3A_189 = tpu.memref_slice %arg3[%squeeze3A_185, %dma_start3A_188] : memref<10000x10000xf32, #tpu.memory_space<hbm>> -> memref<1x10000xf32, #tpu.memory_space<hbm>>
      tpu.enqueue_dma source(%dma_start3A_189 : memref<1x10000xf32, #tpu.memory_space<hbm>>) target(%arg6 : memref<1x10000xf32, #tpu.memory_space<vmem>>) target_semaphore(%arg14 : memref<!tpu.dma_semaphore, #tpu.memory_space<semaphore_mem>>)
      %dma_wait3A_190 = arith.constant 0 : i32
      %dma_wait3A_191 = tpu.memref_slice %arg4[%mul3A_2, %dma_wait3A_190] : memref<1024x10000xf32, #tpu.memory_space<hbm>> -> memref<1x10000xf32, #tpu.memory_space<hbm>>
      %dma_wait3A_192 = arith.constant 0 : i32
      %dma_wait3A_193 = tpu.memref_slice %arg4[%mul3A_2, %dma_wait3A_192] : memref<1024x10000xf32, #tpu.memory_space<hbm>> -> memref<1x10000xf32, #tpu.memory_space<hbm>>
      tpu.wait_dma2 semaphore(%arg23 : memref<!tpu.dma_semaphore, #tpu.memory_space<semaphore_mem>>) src(%arg7 : memref<1x10000xf32, #tpu.memory_space<vmem>>) dst(%dma_wait3A_193 : memref<1x10000xf32, #tpu.memory_space<hbm>>)
      %slice3A_194 = vector.extract_strided_slice %get3A_60 {offsets = [9], sizes = [1], strides = [1]} : vector<16xi32> to vector<1xi32>
      %squeeze3A_195 = vector.extract %slice3A_194[0] : i32 from vector<1xi32>
      %dma_start3A_196 = arith.constant 0 : i32
      %dma_start3A_197 = tpu.memref_slice %arg3[%squeeze3A_195, %dma_start3A_196] : memref<10000x10000xf32, #tpu.memory_space<hbm>> -> memref<1x10000xf32, #tpu.memory_space<hbm>>
      %dma_start3A_198 = arith.constant 0 : i32
      %dma_start3A_199 = tpu.memref_slice %arg3[%squeeze3A_195, %dma_start3A_198] : memref<10000x10000xf32, #tpu.memory_space<hbm>> -> memref<1x10000xf32, #tpu.memory_space<hbm>>
      tpu.enqueue_dma source(%dma_start3A_199 : memref<1x10000xf32, #tpu.memory_space<hbm>>) target(%arg7 : memref<1x10000xf32, #tpu.memory_space<vmem>>) target_semaphore(%arg15 : memref<!tpu.dma_semaphore, #tpu.memory_space<semaphore_mem>>)
      %dma_wait3A_200 = arith.constant 0 : i32
      %dma_wait3A_201 = tpu.memref_slice %arg4[%mul3A_2, %dma_wait3A_200] : memref<1024x10000xf32, #tpu.memory_space<hbm>> -> memref<1x10000xf32, #tpu.memory_space<hbm>>
      %dma_wait3A_202 = arith.constant 0 : i32
      %dma_wait3A_203 = tpu.memref_slice %arg4[%mul3A_2, %dma_wait3A_202] : memref<1024x10000xf32, #tpu.memory_space<hbm>> -> memref<1x10000xf32, #tpu.memory_space<hbm>>
      tpu.wait_dma2 semaphore(%arg24 : memref<!tpu.dma_semaphore, #tpu.memory_space<semaphore_mem>>) src(%arg8 : memref<1x10000xf32, #tpu.memory_space<vmem>>) dst(%dma_wait3A_203 : memref<1x10000xf32, #tpu.memory_space<hbm>>)
      %slice3A_204 = vector.extract_strided_slice %get3A_60 {offsets = [10], sizes = [1], strides = [1]} : vector<16xi32> to vector<1xi32>
      %squeeze3A_205 = vector.extract %slice3A_204[0] : i32 from vector<1xi32>
      %dma_start3A_206 = arith.constant 0 : i32
      %dma_start3A_207 = tpu.memref_slice %arg3[%squeeze3A_205, %dma_start3A_206] : memref<10000x10000xf32, #tpu.memory_space<hbm>> -> memref<1x10000xf32, #tpu.memory_space<hbm>>
      %dma_start3A_208 = arith.constant 0 : i32
      %dma_start3A_209 = tpu.memref_slice %arg3[%squeeze3A_205, %dma_start3A_208] : memref<10000x10000xf32, #tpu.memory_space<hbm>> -> memref<1x10000xf32, #tpu.memory_space<hbm>>
      tpu.enqueue_dma source(%dma_start3A_209 : memref<1x10000xf32, #tpu.memory_space<hbm>>) target(%arg8 : memref<1x10000xf32, #tpu.memory_space<vmem>>) target_semaphore(%arg16 : memref<!tpu.dma_semaphore, #tpu.memory_space<semaphore_mem>>)
      %dma_wait3A_210 = arith.constant 0 : i32
      %dma_wait3A_211 = tpu.memref_slice %arg4[%mul3A_2, %dma_wait3A_210] : memref<1024x10000xf32, #tpu.memory_space<hbm>> -> memref<1x10000xf32, #tpu.memory_space<hbm>>
      %dma_wait3A_212 = arith.constant 0 : i32
      %dma_wait3A_213 = tpu.memref_slice %arg4[%mul3A_2, %dma_wait3A_212] : memref<1024x10000xf32, #tpu.memory_space<hbm>> -> memref<1x10000xf32, #tpu.memory_space<hbm>>
      tpu.wait_dma2 semaphore(%arg25 : memref<!tpu.dma_semaphore, #tpu.memory_space<semaphore_mem>>) src(%arg9 : memref<1x10000xf32, #tpu.memory_space<vmem>>) dst(%dma_wait3A_213 : memref<1x10000xf32, #tpu.memory_space<hbm>>)
      %slice3A_214 = vector.extract_strided_slice %get3A_60 {offsets = [11], sizes = [1], strides = [1]} : vector<16xi32> to vector<1xi32>
      %squeeze3A_215 = vector.extract %slice3A_214[0] : i32 from vector<1xi32>
      %dma_start3A_216 = arith.constant 0 : i32
      %dma_start3A_217 = tpu.memref_slice %arg3[%squeeze3A_215, %dma_start3A_216] : memref<10000x10000xf32, #tpu.memory_space<hbm>> -> memref<1x10000xf32, #tpu.memory_space<hbm>>
      %dma_start3A_218 = arith.constant 0 : i32
      %dma_start3A_219 = tpu.memref_slice %arg3[%squeeze3A_215, %dma_start3A_218] : memref<10000x10000xf32, #tpu.memory_space<hbm>> -> memref<1x10000xf32, #tpu.memory_space<hbm>>
      tpu.enqueue_dma source(%dma_start3A_219 : memref<1x10000xf32, #tpu.memory_space<hbm>>) target(%arg9 : memref<1x10000xf32, #tpu.memory_space<vmem>>) target_semaphore(%arg17 : memref<!tpu.dma_semaphore, #tpu.memory_space<semaphore_mem>>)
      %dma_wait3A_220 = arith.constant 0 : i32
      %dma_wait3A_221 = tpu.memref_slice %arg4[%mul3A_2, %dma_wait3A_220] : memref<1024x10000xf32, #tpu.memory_space<hbm>> -> memref<1x10000xf32, #tpu.memory_space<hbm>>
      %dma_wait3A_222 = arith.constant 0 : i32
      %dma_wait3A_223 = tpu.memref_slice %arg4[%mul3A_2, %dma_wait3A_222] : memref<1024x10000xf32, #tpu.memory_space<hbm>> -> memref<1x10000xf32, #tpu.memory_space<hbm>>
      tpu.wait_dma2 semaphore(%arg26 : memref<!tpu.dma_semaphore, #tpu.memory_space<semaphore_mem>>) src(%arg10 : memref<1x10000xf32, #tpu.memory_space<vmem>>) dst(%dma_wait3A_223 : memref<1x10000xf32, #tpu.memory_space<hbm>>)
      %slice3A_224 = vector.extract_strided_slice %get3A_60 {offsets = [12], sizes = [1], strides = [1]} : vector<16xi32> to vector<1xi32>
      %squeeze3A_225 = vector.extract %slice3A_224[0] : i32 from vector<1xi32>
      %dma_start3A_226 = arith.constant 0 : i32
      %dma_start3A_227 = tpu.memref_slice %arg3[%squeeze3A_225, %dma_start3A_226] : memref<10000x10000xf32, #tpu.memory_space<hbm>> -> memref<1x10000xf32, #tpu.memory_space<hbm>>
      %dma_start3A_228 = arith.constant 0 : i32
      %dma_start3A_229 = tpu.memref_slice %arg3[%squeeze3A_225, %dma_start3A_228] : memref<10000x10000xf32, #tpu.memory_space<hbm>> -> memref<1x10000xf32, #tpu.memory_space<hbm>>
      tpu.enqueue_dma source(%dma_start3A_229 : memref<1x10000xf32, #tpu.memory_space<hbm>>) target(%arg10 : memref<1x10000xf32, #tpu.memory_space<vmem>>) target_semaphore(%arg18 : memref<!tpu.dma_semaphore, #tpu.memory_space<semaphore_mem>>)
      %dma_wait3A_230 = arith.constant 0 : i32
      %dma_wait3A_231 = tpu.memref_slice %arg4[%mul3A_2, %dma_wait3A_230] : memref<1024x10000xf32, #tpu.memory_space<hbm>> -> memref<1x10000xf32, #tpu.memory_space<hbm>>
      %dma_wait3A_232 = arith.constant 0 : i32
      %dma_wait3A_233 = tpu.memref_slice %arg4[%mul3A_2, %dma_wait3A_232] : memref<1024x10000xf32, #tpu.memory_space<hbm>> -> memref<1x10000xf32, #tpu.memory_space<hbm>>
      tpu.wait_dma2 semaphore(%arg27 : memref<!tpu.dma_semaphore, #tpu.memory_space<semaphore_mem>>) src(%arg11 : memref<1x10000xf32, #tpu.memory_space<vmem>>) dst(%dma_wait3A_233 : memref<1x10000xf32, #tpu.memory_space<hbm>>)
      %slice3A_234 = vector.extract_strided_slice %get3A_60 {offsets = [13], sizes = [1], strides = [1]} : vector<16xi32> to vector<1xi32>
      %squeeze3A_235 = vector.extract %slice3A_234[0] : i32 from vector<1xi32>
      %dma_start3A_236 = arith.constant 0 : i32
      %dma_start3A_237 = tpu.memref_slice %arg3[%squeeze3A_235, %dma_start3A_236] : memref<10000x10000xf32, #tpu.memory_space<hbm>> -> memref<1x10000xf32, #tpu.memory_space<hbm>>
      %dma_start3A_238 = arith.constant 0 : i32
      %dma_start3A_239 = tpu.memref_slice %arg3[%squeeze3A_235, %dma_start3A_238] : memref<10000x10000xf32, #tpu.memory_space<hbm>> -> memref<1x10000xf32, #tpu.memory_space<hbm>>
      tpu.enqueue_dma source(%dma_start3A_239 : memref<1x10000xf32, #tpu.memory_space<hbm>>) target(%arg11 : memref<1x10000xf32, #tpu.memory_space<vmem>>) target_semaphore(%arg19 : memref<!tpu.dma_semaphore, #tpu.memory_space<semaphore_mem>>)
      %dma_wait3A_240 = arith.constant 0 : i32
      %dma_wait3A_241 = tpu.memref_slice %arg4[%mul3A_2, %dma_wait3A_240] : memref<1024x10000xf32, #tpu.memory_space<hbm>> -> memref<1x10000xf32, #tpu.memory_space<hbm>>
      %dma_wait3A_242 = arith.constant 0 : i32
      %dma_wait3A_243 = tpu.memref_slice %arg4[%mul3A_2, %dma_wait3A_242] : memref<1024x10000xf32, #tpu.memory_space<hbm>> -> memref<1x10000xf32, #tpu.memory_space<hbm>>
      tpu.wait_dma2 semaphore(%arg28 : memref<!tpu.dma_semaphore, #tpu.memory_space<semaphore_mem>>) src(%arg12 : memref<1x10000xf32, #tpu.memory_space<vmem>>) dst(%dma_wait3A_243 : memref<1x10000xf32, #tpu.memory_space<hbm>>)
      %slice3A_244 = vector.extract_strided_slice %get3A_60 {offsets = [14], sizes = [1], strides = [1]} : vector<16xi32> to vector<1xi32>
      %squeeze3A_245 = vector.extract %slice3A_244[0] : i32 from vector<1xi32>
      %dma_start3A_246 = arith.constant 0 : i32
      %dma_start3A_247 = tpu.memref_slice %arg3[%squeeze3A_245, %dma_start3A_246] : memref<10000x10000xf32, #tpu.memory_space<hbm>> -> memref<1x10000xf32, #tpu.memory_space<hbm>>
      %dma_start3A_248 = arith.constant 0 : i32
      %dma_start3A_249 = tpu.memref_slice %arg3[%squeeze3A_245, %dma_start3A_248] : memref<10000x10000xf32, #tpu.memory_space<hbm>> -> memref<1x10000xf32, #tpu.memory_space<hbm>>
      tpu.enqueue_dma source(%dma_start3A_249 : memref<1x10000xf32, #tpu.memory_space<hbm>>) target(%arg12 : memref<1x10000xf32, #tpu.memory_space<vmem>>) target_semaphore(%arg20 : memref<!tpu.dma_semaphore, #tpu.memory_space<semaphore_mem>>)
      %dma_wait3A_250 = arith.constant 0 : i32
      %dma_wait3A_251 = tpu.memref_slice %arg4[%mul3A_2, %dma_wait3A_250] : memref<1024x10000xf32, #tpu.memory_space<hbm>> -> memref<1x10000xf32, #tpu.memory_space<hbm>>
      %dma_wait3A_252 = arith.constant 0 : i32
      %dma_wait3A_253 = tpu.memref_slice %arg4[%mul3A_2, %dma_wait3A_252] : memref<1024x10000xf32, #tpu.memory_space<hbm>> -> memref<1x10000xf32, #tpu.memory_space<hbm>>
      tpu.wait_dma2 semaphore(%arg29 : memref<!tpu.dma_semaphore, #tpu.memory_space<semaphore_mem>>) src(%arg13 : memref<1x10000xf32, #tpu.memory_space<vmem>>) dst(%dma_wait3A_253 : memref<1x10000xf32, #tpu.memory_space<hbm>>)
      %slice3A_254 = vector.extract_strided_slice %get3A_60 {offsets = [15], sizes = [1], strides = [1]} : vector<16xi32> to vector<1xi32>
      %squeeze3A_255 = vector.extract %slice3A_254[0] : i32 from vector<1xi32>
      %dma_start3A_256 = arith.constant 0 : i32
      %dma_start3A_257 = tpu.memref_slice %arg3[%squeeze3A_255, %dma_start3A_256] : memref<10000x10000xf32, #tpu.memory_space<hbm>> -> memref<1x10000xf32, #tpu.memory_space<hbm>>
      %dma_start3A_258 = arith.constant 0 : i32
      %dma_start3A_259 = tpu.memref_slice %arg3[%squeeze3A_255, %dma_start3A_258] : memref<10000x10000xf32, #tpu.memory_space<hbm>> -> memref<1x10000xf32, #tpu.memory_space<hbm>>
      tpu.enqueue_dma source(%dma_start3A_259 : memref<1x10000xf32, #tpu.memory_space<hbm>>) target(%arg13 : memref<1x10000xf32, #tpu.memory_space<vmem>>) target_semaphore(%arg21 : memref<!tpu.dma_semaphore, #tpu.memory_space<semaphore_mem>>)
      %dma_wait3A_260 = arith.constant 0 : i32
      %dma_wait3A_261 = arith.constant 0 : i32
      %dma_wait3A_262 = tpu.memref_slice %arg3[%dma_wait3A_260, %dma_wait3A_261] : memref<10000x10000xf32, #tpu.memory_space<hbm>> -> memref<1x10000xf32, #tpu.memory_space<hbm>>
      %dma_wait3A_263 = arith.constant 0 : i32
      %dma_wait3A_264 = arith.constant 0 : i32
      %dma_wait3A_265 = tpu.memref_slice %arg3[%dma_wait3A_263, %dma_wait3A_264] : memref<10000x10000xf32, #tpu.memory_space<hbm>> -> memref<1x10000xf32, #tpu.memory_space<hbm>>
      tpu.wait_dma2 semaphore(%arg14 : memref<!tpu.dma_semaphore, #tpu.memory_space<semaphore_mem>>) src(%dma_wait3A_265 : memref<1x10000xf32, #tpu.memory_space<hbm>>) dst(%arg6 : memref<1x10000xf32, #tpu.memory_space<vmem>>)
      %mul3A_266 = arith.constant 16 : i32
      %mul3A_267 = arith.muli %scan3A_55, %mul3A_266 : i32
      %add3A_268 = arith.addi %mul3A_2, %mul3A_267 : i32
      %add3A_269 = arith.constant 8 : i32
      %add3A_270 = arith.addi %add3A_268, %add3A_269 : i32
      %add3A_271 = arith.constant 0 : i32
      %add3A_272 = arith.addi %add3A_270, %add3A_271 : i32
      %dma_start3A_273 = arith.constant 0 : i32
      %dma_start3A_274 = tpu.memref_slice %arg4[%add3A_272, %dma_start3A_273] : memref<1024x10000xf32, #tpu.memory_space<hbm>> -> memref<1x10000xf32, #tpu.memory_space<hbm>>
      %dma_start3A_275 = arith.constant 0 : i32
      %dma_start3A_276 = tpu.memref_slice %arg4[%add3A_272, %dma_start3A_275] : memref<1024x10000xf32, #tpu.memory_space<hbm>> -> memref<1x10000xf32, #tpu.memory_space<hbm>>
      tpu.enqueue_dma source(%arg6 : memref<1x10000xf32, #tpu.memory_space<vmem>>) target(%dma_start3A_276 : memref<1x10000xf32, #tpu.memory_space<hbm>>) target_semaphore(%arg22 : memref<!tpu.dma_semaphore, #tpu.memory_space<semaphore_mem>>)
      %dma_wait3A_277 = arith.constant 0 : i32
      %dma_wait3A_278 = arith.constant 0 : i32
      %dma_wait3A_279 = tpu.memref_slice %arg3[%dma_wait3A_277, %dma_wait3A_278] : memref<10000x10000xf32, #tpu.memory_space<hbm>> -> memref<1x10000xf32, #tpu.memory_space<hbm>>
      %dma_wait3A_280 = arith.constant 0 : i32
      %dma_wait3A_281 = arith.constant 0 : i32
      %dma_wait3A_282 = tpu.memref_slice %arg3[%dma_wait3A_280, %dma_wait3A_281] : memref<10000x10000xf32, #tpu.memory_space<hbm>> -> memref<1x10000xf32, #tpu.memory_space<hbm>>
      tpu.wait_dma2 semaphore(%arg15 : memref<!tpu.dma_semaphore, #tpu.memory_space<semaphore_mem>>) src(%dma_wait3A_282 : memref<1x10000xf32, #tpu.memory_space<hbm>>) dst(%arg7 : memref<1x10000xf32, #tpu.memory_space<vmem>>)
      %mul3A_283 = arith.constant 16 : i32
      %mul3A_284 = arith.muli %scan3A_55, %mul3A_283 : i32
      %add3A_285 = arith.addi %mul3A_2, %mul3A_284 : i32
      %add3A_286 = arith.constant 8 : i32
      %add3A_287 = arith.addi %add3A_285, %add3A_286 : i32
      %add3A_288 = arith.constant 1 : i32
      %add3A_289 = arith.addi %add3A_287, %add3A_288 : i32
      %dma_start3A_290 = arith.constant 0 : i32
      %dma_start3A_291 = tpu.memref_slice %arg4[%add3A_289, %dma_start3A_290] : memref<1024x10000xf32, #tpu.memory_space<hbm>> -> memref<1x10000xf32, #tpu.memory_space<hbm>>
      %dma_start3A_292 = arith.constant 0 : i32
      %dma_start3A_293 = tpu.memref_slice %arg4[%add3A_289, %dma_start3A_292] : memref<1024x10000xf32, #tpu.memory_space<hbm>> -> memref<1x10000xf32, #tpu.memory_space<hbm>>
      tpu.enqueue_dma source(%arg7 : memref<1x10000xf32, #tpu.memory_space<vmem>>) target(%dma_start3A_293 : memref<1x10000xf32, #tpu.memory_space<hbm>>) target_semaphore(%arg23 : memref<!tpu.dma_semaphore, #tpu.memory_space<semaphore_mem>>)
      %dma_wait3A_294 = arith.constant 0 : i32
      %dma_wait3A_295 = arith.constant 0 : i32
      %dma_wait3A_296 = tpu.memref_slice %arg3[%dma_wait3A_294, %dma_wait3A_295] : memref<10000x10000xf32, #tpu.memory_space<hbm>> -> memref<1x10000xf32, #tpu.memory_space<hbm>>
      %dma_wait3A_297 = arith.constant 0 : i32
      %dma_wait3A_298 = arith.constant 0 : i32
      %dma_wait3A_299 = tpu.memref_slice %arg3[%dma_wait3A_297, %dma_wait3A_298] : memref<10000x10000xf32, #tpu.memory_space<hbm>> -> memref<1x10000xf32, #tpu.memory_space<hbm>>
      tpu.wait_dma2 semaphore(%arg16 : memref<!tpu.dma_semaphore, #tpu.memory_space<semaphore_mem>>) src(%dma_wait3A_299 : memref<1x10000xf32, #tpu.memory_space<hbm>>) dst(%arg8 : memref<1x10000xf32, #tpu.memory_space<vmem>>)
      %mul3A_300 = arith.constant 16 : i32
      %mul3A_301 = arith.muli %scan3A_55, %mul3A_300 : i32
      %add3A_302 = arith.addi %mul3A_2, %mul3A_301 : i32
      %add3A_303 = arith.constant 8 : i32
      %add3A_304 = arith.addi %add3A_302, %add3A_303 : i32
      %add3A_305 = arith.constant 2 : i32
      %add3A_306 = arith.addi %add3A_304, %add3A_305 : i32
      %dma_start3A_307 = arith.constant 0 : i32
      %dma_start3A_308 = tpu.memref_slice %arg4[%add3A_306, %dma_start3A_307] : memref<1024x10000xf32, #tpu.memory_space<hbm>> -> memref<1x10000xf32, #tpu.memory_space<hbm>>
      %dma_start3A_309 = arith.constant 0 : i32
      %dma_start3A_310 = tpu.memref_slice %arg4[%add3A_306, %dma_start3A_309] : memref<1024x10000xf32, #tpu.memory_space<hbm>> -> memref<1x10000xf32, #tpu.memory_space<hbm>>
      tpu.enqueue_dma source(%arg8 : memref<1x10000xf32, #tpu.memory_space<vmem>>) target(%dma_start3A_310 : memref<1x10000xf32, #tpu.memory_space<hbm>>) target_semaphore(%arg24 : memref<!tpu.dma_semaphore, #tpu.memory_space<semaphore_mem>>)
      %dma_wait3A_311 = arith.constant 0 : i32
      %dma_wait3A_312 = arith.constant 0 : i32
      %dma_wait3A_313 = tpu.memref_slice %arg3[%dma_wait3A_311, %dma_wait3A_312] : memref<10000x10000xf32, #tpu.memory_space<hbm>> -> memref<1x10000xf32, #tpu.memory_space<hbm>>
      %dma_wait3A_314 = arith.constant 0 : i32
      %dma_wait3A_315 = arith.constant 0 : i32
      %dma_wait3A_316 = tpu.memref_slice %arg3[%dma_wait3A_314, %dma_wait3A_315] : memref<10000x10000xf32, #tpu.memory_space<hbm>> -> memref<1x10000xf32, #tpu.memory_space<hbm>>
      tpu.wait_dma2 semaphore(%arg17 : memref<!tpu.dma_semaphore, #tpu.memory_space<semaphore_mem>>) src(%dma_wait3A_316 : memref<1x10000xf32, #tpu.memory_space<hbm>>) dst(%arg9 : memref<1x10000xf32, #tpu.memory_space<vmem>>)
      %mul3A_317 = arith.constant 16 : i32
      %mul3A_318 = arith.muli %scan3A_55, %mul3A_317 : i32
      %add3A_319 = arith.addi %mul3A_2, %mul3A_318 : i32
      %add3A_320 = arith.constant 8 : i32
      %add3A_321 = arith.addi %add3A_319, %add3A_320 : i32
      %add3A_322 = arith.constant 3 : i32
      %add3A_323 = arith.addi %add3A_321, %add3A_322 : i32
      %dma_start3A_324 = arith.constant 0 : i32
      %dma_start3A_325 = tpu.memref_slice %arg4[%add3A_323, %dma_start3A_324] : memref<1024x10000xf32, #tpu.memory_space<hbm>> -> memref<1x10000xf32, #tpu.memory_space<hbm>>
      %dma_start3A_326 = arith.constant 0 : i32
      %dma_start3A_327 = tpu.memref_slice %arg4[%add3A_323, %dma_start3A_326] : memref<1024x10000xf32, #tpu.memory_space<hbm>> -> memref<1x10000xf32, #tpu.memory_space<hbm>>
      tpu.enqueue_dma source(%arg9 : memref<1x10000xf32, #tpu.memory_space<vmem>>) target(%dma_start3A_327 : memref<1x10000xf32, #tpu.memory_space<hbm>>) target_semaphore(%arg25 : memref<!tpu.dma_semaphore, #tpu.memory_space<semaphore_mem>>)
      %dma_wait3A_328 = arith.constant 0 : i32
      %dma_wait3A_329 = arith.constant 0 : i32
      %dma_wait3A_330 = tpu.memref_slice %arg3[%dma_wait3A_328, %dma_wait3A_329] : memref<10000x10000xf32, #tpu.memory_space<hbm>> -> memref<1x10000xf32, #tpu.memory_space<hbm>>
      %dma_wait3A_331 = arith.constant 0 : i32
      %dma_wait3A_332 = arith.constant 0 : i32
      %dma_wait3A_333 = tpu.memref_slice %arg3[%dma_wait3A_331, %dma_wait3A_332] : memref<10000x10000xf32, #tpu.memory_space<hbm>> -> memref<1x10000xf32, #tpu.memory_space<hbm>>
      tpu.wait_dma2 semaphore(%arg18 : memref<!tpu.dma_semaphore, #tpu.memory_space<semaphore_mem>>) src(%dma_wait3A_333 : memref<1x10000xf32, #tpu.memory_space<hbm>>) dst(%arg10 : memref<1x10000xf32, #tpu.memory_space<vmem>>)
      %mul3A_334 = arith.constant 16 : i32
      %mul3A_335 = arith.muli %scan3A_55, %mul3A_334 : i32
      %add3A_336 = arith.addi %mul3A_2, %mul3A_335 : i32
      %add3A_337 = arith.constant 8 : i32
      %add3A_338 = arith.addi %add3A_336, %add3A_337 : i32
      %add3A_339 = arith.constant 4 : i32
      %add3A_340 = arith.addi %add3A_338, %add3A_339 : i32
      %dma_start3A_341 = arith.constant 0 : i32
      %dma_start3A_342 = tpu.memref_slice %arg4[%add3A_340, %dma_start3A_341] : memref<1024x10000xf32, #tpu.memory_space<hbm>> -> memref<1x10000xf32, #tpu.memory_space<hbm>>
      %dma_start3A_343 = arith.constant 0 : i32
      %dma_start3A_344 = tpu.memref_slice %arg4[%add3A_340, %dma_start3A_343] : memref<1024x10000xf32, #tpu.memory_space<hbm>> -> memref<1x10000xf32, #tpu.memory_space<hbm>>
      tpu.enqueue_dma source(%arg10 : memref<1x10000xf32, #tpu.memory_space<vmem>>) target(%dma_start3A_344 : memref<1x10000xf32, #tpu.memory_space<hbm>>) target_semaphore(%arg26 : memref<!tpu.dma_semaphore, #tpu.memory_space<semaphore_mem>>)
      %dma_wait3A_345 = arith.constant 0 : i32
      %dma_wait3A_346 = arith.constant 0 : i32
      %dma_wait3A_347 = tpu.memref_slice %arg3[%dma_wait3A_345, %dma_wait3A_346] : memref<10000x10000xf32, #tpu.memory_space<hbm>> -> memref<1x10000xf32, #tpu.memory_space<hbm>>
      %dma_wait3A_348 = arith.constant 0 : i32
      %dma_wait3A_349 = arith.constant 0 : i32
      %dma_wait3A_350 = tpu.memref_slice %arg3[%dma_wait3A_348, %dma_wait3A_349] : memref<10000x10000xf32, #tpu.memory_space<hbm>> -> memref<1x10000xf32, #tpu.memory_space<hbm>>
      tpu.wait_dma2 semaphore(%arg19 : memref<!tpu.dma_semaphore, #tpu.memory_space<semaphore_mem>>) src(%dma_wait3A_350 : memref<1x10000xf32, #tpu.memory_space<hbm>>) dst(%arg11 : memref<1x10000xf32, #tpu.memory_space<vmem>>)
      %mul3A_351 = arith.constant 16 : i32
      %mul3A_352 = arith.muli %scan3A_55, %mul3A_351 : i32
      %add3A_353 = arith.addi %mul3A_2, %mul3A_352 : i32
      %add3A_354 = arith.constant 8 : i32
      %add3A_355 = arith.addi %add3A_353, %add3A_354 : i32
      %add3A_356 = arith.constant 5 : i32
      %add3A_357 = arith.addi %add3A_355, %add3A_356 : i32
      %dma_start3A_358 = arith.constant 0 : i32
      %dma_start3A_359 = tpu.memref_slice %arg4[%add3A_357, %dma_start3A_358] : memref<1024x10000xf32, #tpu.memory_space<hbm>> -> memref<1x10000xf32, #tpu.memory_space<hbm>>
      %dma_start3A_360 = arith.constant 0 : i32
      %dma_start3A_361 = tpu.memref_slice %arg4[%add3A_357, %dma_start3A_360] : memref<1024x10000xf32, #tpu.memory_space<hbm>> -> memref<1x10000xf32, #tpu.memory_space<hbm>>
      tpu.enqueue_dma source(%arg11 : memref<1x10000xf32, #tpu.memory_space<vmem>>) target(%dma_start3A_361 : memref<1x10000xf32, #tpu.memory_space<hbm>>) target_semaphore(%arg27 : memref<!tpu.dma_semaphore, #tpu.memory_space<semaphore_mem>>)
      %dma_wait3A_362 = arith.constant 0 : i32
      %dma_wait3A_363 = arith.constant 0 : i32
      %dma_wait3A_364 = tpu.memref_slice %arg3[%dma_wait3A_362, %dma_wait3A_363] : memref<10000x10000xf32, #tpu.memory_space<hbm>> -> memref<1x10000xf32, #tpu.memory_space<hbm>>
      %dma_wait3A_365 = arith.constant 0 : i32
      %dma_wait3A_366 = arith.constant 0 : i32
      %dma_wait3A_367 = tpu.memref_slice %arg3[%dma_wait3A_365, %dma_wait3A_366] : memref<10000x10000xf32, #tpu.memory_space<hbm>> -> memref<1x10000xf32, #tpu.memory_space<hbm>>
      tpu.wait_dma2 semaphore(%arg20 : memref<!tpu.dma_semaphore, #tpu.memory_space<semaphore_mem>>) src(%dma_wait3A_367 : memref<1x10000xf32, #tpu.memory_space<hbm>>) dst(%arg12 : memref<1x10000xf32, #tpu.memory_space<vmem>>)
      %mul3A_368 = arith.constant 16 : i32
      %mul3A_369 = arith.muli %scan3A_55, %mul3A_368 : i32
      %add3A_370 = arith.addi %mul3A_2, %mul3A_369 : i32
      %add3A_371 = arith.constant 8 : i32
      %add3A_372 = arith.addi %add3A_370, %add3A_371 : i32
      %add3A_373 = arith.constant 6 : i32
      %add3A_374 = arith.addi %add3A_372, %add3A_373 : i32
      %dma_start3A_375 = arith.constant 0 : i32
      %dma_start3A_376 = tpu.memref_slice %arg4[%add3A_374, %dma_start3A_375] : memref<1024x10000xf32, #tpu.memory_space<hbm>> -> memref<1x10000xf32, #tpu.memory_space<hbm>>
      %dma_start3A_377 = arith.constant 0 : i32
      %dma_start3A_378 = tpu.memref_slice %arg4[%add3A_374, %dma_start3A_377] : memref<1024x10000xf32, #tpu.memory_space<hbm>> -> memref<1x10000xf32, #tpu.memory_space<hbm>>
      tpu.enqueue_dma source(%arg12 : memref<1x10000xf32, #tpu.memory_space<vmem>>) target(%dma_start3A_378 : memref<1x10000xf32, #tpu.memory_space<hbm>>) target_semaphore(%arg28 : memref<!tpu.dma_semaphore, #tpu.memory_space<semaphore_mem>>)
      %dma_wait3A_379 = arith.constant 0 : i32
      %dma_wait3A_380 = arith.constant 0 : i32
      %dma_wait3A_381 = tpu.memref_slice %arg3[%dma_wait3A_379, %dma_wait3A_380] : memref<10000x10000xf32, #tpu.memory_space<hbm>> -> memref<1x10000xf32, #tpu.memory_space<hbm>>
      %dma_wait3A_382 = arith.constant 0 : i32
      %dma_wait3A_383 = arith.constant 0 : i32
      %dma_wait3A_384 = tpu.memref_slice %arg3[%dma_wait3A_382, %dma_wait3A_383] : memref<10000x10000xf32, #tpu.memory_space<hbm>> -> memref<1x10000xf32, #tpu.memory_space<hbm>>
      tpu.wait_dma2 semaphore(%arg21 : memref<!tpu.dma_semaphore, #tpu.memory_space<semaphore_mem>>) src(%dma_wait3A_384 : memref<1x10000xf32, #tpu.memory_space<hbm>>) dst(%arg13 : memref<1x10000xf32, #tpu.memory_space<vmem>>)
      %mul3A_385 = arith.constant 16 : i32
      %mul3A_386 = arith.muli %scan3A_55, %mul3A_385 : i32
      %add3A_387 = arith.addi %mul3A_2, %mul3A_386 : i32
      %add3A_388 = arith.constant 8 : i32
      %add3A_389 = arith.addi %add3A_387, %add3A_388 : i32
      %add3A_390 = arith.constant 7 : i32
      %add3A_391 = arith.addi %add3A_389, %add3A_390 : i32
      %dma_start3A_392 = arith.constant 0 : i32
      %dma_start3A_393 = tpu.memref_slice %arg4[%add3A_391, %dma_start3A_392] : memref<1024x10000xf32, #tpu.memory_space<hbm>> -> memref<1x10000xf32, #tpu.memory_space<hbm>>
      %dma_start3A_394 = arith.constant 0 : i32
      %dma_start3A_395 = tpu.memref_slice %arg4[%add3A_391, %dma_start3A_394] : memref<1024x10000xf32, #tpu.memory_space<hbm>> -> memref<1x10000xf32, #tpu.memory_space<hbm>>
      tpu.enqueue_dma source(%arg13 : memref<1x10000xf32, #tpu.memory_space<vmem>>) target(%dma_start3A_395 : memref<1x10000xf32, #tpu.memory_space<hbm>>) target_semaphore(%arg29 : memref<!tpu.dma_semaphore, #tpu.memory_space<semaphore_mem>>)
      %mul3A_396 = arith.constant 16 : i32
      %mul3A_397 = arith.muli %scan3A_55, %mul3A_396 : i32
      %add3A_398 = arith.constant 16 : i32
      %add3A_399 = arith.addi %mul3A_397, %add3A_398 : i32
      %multiple_of3A_400 = tpu.assume_multiple %add3A_399, 8 : i32
      %get3A_401 = arith.index_cast %multiple_of3A_400 : i32 to index
      %get3A_402 = tpu.vector_load %arg5[%get3A_401] {strides = array<i32>} : memref<48xi32, #tpu.memory_space<vmem>>, vector<16xi32>,
      %get3A_403 = vector.shape_cast %get3A_402 : vector<16xi32> to vector<16xi32>
      %dma_wait3A_404 = arith.constant 0 : i32
      %dma_wait3A_405 = tpu.memref_slice %arg4[%mul3A_2, %dma_wait3A_404] : memref<1024x10000xf32, #tpu.memory_space<hbm>> -> memref<1x10000xf32, #tpu.memory_space<hbm>>
      %dma_wait3A_406 = arith.constant 0 : i32
      %dma_wait3A_407 = tpu.memref_slice %arg4[%mul3A_2, %dma_wait3A_406] : memref<1024x10000xf32, #tpu.memory_space<hbm>> -> memref<1x10000xf32, #tpu.memory_space<hbm>>
      tpu.wait_dma2 semaphore(%arg22 : memref<!tpu.dma_semaphore, #tpu.memory_space<semaphore_mem>>) src(%arg6 : memref<1x10000xf32, #tpu.memory_space<vmem>>) dst(%dma_wait3A_407 : memref<1x10000xf32, #tpu.memory_space<hbm>>)
      %mul3A_408 = arith.constant 16 : i32
      %mul3A_409 = arith.muli %scan3A_55, %mul3A_408 : i32
      %add3A_410 = arith.constant 16 : i32
      %add3A_411 = arith.addi %mul3A_409, %add3A_410 : i32
      %add3A_412 = arith.constant 0 : i32
      %add3A_413 = arith.addi %add3A_411, %add3A_412 : i32
      %lt3A = arith.constant 32 : i32
      %lt3A_414 = arith.cmpi slt, %add3A_413, %lt3A : i32
      %convert_element_type3A = arith.extui %lt3A_414 : i1 to i32
      %cond3A = arith.constant 0 : i32
      %cond3A_415 = arith.cmpi ne, %convert_element_type3A, %cond3A : i32
      scf.if %cond3A_415 {
        %slice3A_521 = vector.extract_strided_slice %get3A_403 {offsets = [0], sizes = [1], strides = [1]} : vector<16xi32> to vector<1xi32>
        %squeeze3A_522 = vector.extract %slice3A_521[0] : i32 from vector<1xi32>
        %dma_start3A_523 = arith.constant 0 : i32
        %dma_start3A_524 = tpu.memref_slice %arg3[%squeeze3A_522, %dma_start3A_523] : memref<10000x10000xf32, #tpu.memory_space<hbm>> -> memref<1x10000xf32, #tpu.memory_space<hbm>>
        %dma_start3A_525 = arith.constant 0 : i32
        %dma_start3A_526 = tpu.memref_slice %arg3[%squeeze3A_522, %dma_start3A_525] : memref<10000x10000xf32, #tpu.memory_space<hbm>> -> memref<1x10000xf32, #tpu.memory_space<hbm>>
        tpu.enqueue_dma source(%dma_start3A_526 : memref<1x10000xf32, #tpu.memory_space<hbm>>) target(%arg6 : memref<1x10000xf32, #tpu.memory_space<vmem>>) target_semaphore(%arg14 : memref<!tpu.dma_semaphore, #tpu.memory_space<semaphore_mem>>)
      } else {
      }
      %dma_wait3A_416 = arith.constant 0 : i32
      %dma_wait3A_417 = tpu.memref_slice %arg4[%mul3A_2, %dma_wait3A_416] : memref<1024x10000xf32, #tpu.memory_space<hbm>> -> memref<1x10000xf32, #tpu.memory_space<hbm>>
      %dma_wait3A_418 = arith.constant 0 : i32
      %dma_wait3A_419 = tpu.memref_slice %arg4[%mul3A_2, %dma_wait3A_418] : memref<1024x10000xf32, #tpu.memory_space<hbm>> -> memref<1x10000xf32, #tpu.memory_space<hbm>>
      tpu.wait_dma2 semaphore(%arg23 : memref<!tpu.dma_semaphore, #tpu.memory_space<semaphore_mem>>) src(%arg7 : memref<1x10000xf32, #tpu.memory_space<vmem>>) dst(%dma_wait3A_419 : memref<1x10000xf32, #tpu.memory_space<hbm>>)
      %mul3A_420 = arith.constant 16 : i32
      %mul3A_421 = arith.muli %scan3A_55, %mul3A_420 : i32
      %add3A_422 = arith.constant 16 : i32
      %add3A_423 = arith.addi %mul3A_421, %add3A_422 : i32
      %add3A_424 = arith.constant 1 : i32
      %add3A_425 = arith.addi %add3A_423, %add3A_424 : i32
      %lt3A_426 = arith.constant 32 : i32
      %lt3A_427 = arith.cmpi slt, %add3A_425, %lt3A_426 : i32
      %convert_element_type3A_428 = arith.extui %lt3A_427 : i1 to i32
      %cond3A_429 = arith.constant 0 : i32
      %cond3A_430 = arith.cmpi ne, %convert_element_type3A_428, %cond3A_429 : i32
      scf.if %cond3A_430 {
        %slice3A_521 = vector.extract_strided_slice %get3A_403 {offsets = [1], sizes = [1], strides = [1]} : vector<16xi32> to vector<1xi32>
        %squeeze3A_522 = vector.extract %slice3A_521[0] : i32 from vector<1xi32>
        %dma_start3A_523 = arith.constant 0 : i32
        %dma_start3A_524 = tpu.memref_slice %arg3[%squeeze3A_522, %dma_start3A_523] : memref<10000x10000xf32, #tpu.memory_space<hbm>> -> memref<1x10000xf32, #tpu.memory_space<hbm>>
        %dma_start3A_525 = arith.constant 0 : i32
        %dma_start3A_526 = tpu.memref_slice %arg3[%squeeze3A_522, %dma_start3A_525] : memref<10000x10000xf32, #tpu.memory_space<hbm>> -> memref<1x10000xf32, #tpu.memory_space<hbm>>
        tpu.enqueue_dma source(%dma_start3A_526 : memref<1x10000xf32, #tpu.memory_space<hbm>>) target(%arg7 : memref<1x10000xf32, #tpu.memory_space<vmem>>) target_semaphore(%arg15 : memref<!tpu.dma_semaphore, #tpu.memory_space<semaphore_mem>>)
      } else {
      }
      %dma_wait3A_431 = arith.constant 0 : i32
      %dma_wait3A_432 = tpu.memref_slice %arg4[%mul3A_2, %dma_wait3A_431] : memref<1024x10000xf32, #tpu.memory_space<hbm>> -> memref<1x10000xf32, #tpu.memory_space<hbm>>
      %dma_wait3A_433 = arith.constant 0 : i32
      %dma_wait3A_434 = tpu.memref_slice %arg4[%mul3A_2, %dma_wait3A_433] : memref<1024x10000xf32, #tpu.memory_space<hbm>> -> memref<1x10000xf32, #tpu.memory_space<hbm>>
      tpu.wait_dma2 semaphore(%arg24 : memref<!tpu.dma_semaphore, #tpu.memory_space<semaphore_mem>>) src(%arg8 : memref<1x10000xf32, #tpu.memory_space<vmem>>) dst(%dma_wait3A_434 : memref<1x10000xf32, #tpu.memory_space<hbm>>)
      %mul3A_435 = arith.constant 16 : i32
      %mul3A_436 = arith.muli %scan3A_55, %mul3A_435 : i32
      %add3A_437 = arith.constant 16 : i32
      %add3A_438 = arith.addi %mul3A_436, %add3A_437 : i32
      %add3A_439 = arith.constant 2 : i32
      %add3A_440 = arith.addi %add3A_438, %add3A_439 : i32
      %lt3A_441 = arith.constant 32 : i32
      %lt3A_442 = arith.cmpi slt, %add3A_440, %lt3A_441 : i32
      %convert_element_type3A_443 = arith.extui %lt3A_442 : i1 to i32
      %cond3A_444 = arith.constant 0 : i32
      %cond3A_445 = arith.cmpi ne, %convert_element_type3A_443, %cond3A_444 : i32
      scf.if %cond3A_445 {
        %slice3A_521 = vector.extract_strided_slice %get3A_403 {offsets = [2], sizes = [1], strides = [1]} : vector<16xi32> to vector<1xi32>
        %squeeze3A_522 = vector.extract %slice3A_521[0] : i32 from vector<1xi32>
        %dma_start3A_523 = arith.constant 0 : i32
        %dma_start3A_524 = tpu.memref_slice %arg3[%squeeze3A_522, %dma_start3A_523] : memref<10000x10000xf32, #tpu.memory_space<hbm>> -> memref<1x10000xf32, #tpu.memory_space<hbm>>
        %dma_start3A_525 = arith.constant 0 : i32
        %dma_start3A_526 = tpu.memref_slice %arg3[%squeeze3A_522, %dma_start3A_525] : memref<10000x10000xf32, #tpu.memory_space<hbm>> -> memref<1x10000xf32, #tpu.memory_space<hbm>>
        tpu.enqueue_dma source(%dma_start3A_526 : memref<1x10000xf32, #tpu.memory_space<hbm>>) target(%arg8 : memref<1x10000xf32, #tpu.memory_space<vmem>>) target_semaphore(%arg16 : memref<!tpu.dma_semaphore, #tpu.memory_space<semaphore_mem>>)
      } else {
      }
      %dma_wait3A_446 = arith.constant 0 : i32
      %dma_wait3A_447 = tpu.memref_slice %arg4[%mul3A_2, %dma_wait3A_446] : memref<1024x10000xf32, #tpu.memory_space<hbm>> -> memref<1x10000xf32, #tpu.memory_space<hbm>>
      %dma_wait3A_448 = arith.constant 0 : i32
      %dma_wait3A_449 = tpu.memref_slice %arg4[%mul3A_2, %dma_wait3A_448] : memref<1024x10000xf32, #tpu.memory_space<hbm>> -> memref<1x10000xf32, #tpu.memory_space<hbm>>
      tpu.wait_dma2 semaphore(%arg25 : memref<!tpu.dma_semaphore, #tpu.memory_space<semaphore_mem>>) src(%arg9 : memref<1x10000xf32, #tpu.memory_space<vmem>>) dst(%dma_wait3A_449 : memref<1x10000xf32, #tpu.memory_space<hbm>>)
      %mul3A_450 = arith.constant 16 : i32
      %mul3A_451 = arith.muli %scan3A_55, %mul3A_450 : i32
      %add3A_452 = arith.constant 16 : i32
      %add3A_453 = arith.addi %mul3A_451, %add3A_452 : i32
      %add3A_454 = arith.constant 3 : i32
      %add3A_455 = arith.addi %add3A_453, %add3A_454 : i32
      %lt3A_456 = arith.constant 32 : i32
      %lt3A_457 = arith.cmpi slt, %add3A_455, %lt3A_456 : i32
      %convert_element_type3A_458 = arith.extui %lt3A_457 : i1 to i32
      %cond3A_459 = arith.constant 0 : i32
      %cond3A_460 = arith.cmpi ne, %convert_element_type3A_458, %cond3A_459 : i32
      scf.if %cond3A_460 {
        %slice3A_521 = vector.extract_strided_slice %get3A_403 {offsets = [3], sizes = [1], strides = [1]} : vector<16xi32> to vector<1xi32>
        %squeeze3A_522 = vector.extract %slice3A_521[0] : i32 from vector<1xi32>
        %dma_start3A_523 = arith.constant 0 : i32
        %dma_start3A_524 = tpu.memref_slice %arg3[%squeeze3A_522, %dma_start3A_523] : memref<10000x10000xf32, #tpu.memory_space<hbm>> -> memref<1x10000xf32, #tpu.memory_space<hbm>>
        %dma_start3A_525 = arith.constant 0 : i32
        %dma_start3A_526 = tpu.memref_slice %arg3[%squeeze3A_522, %dma_start3A_525] : memref<10000x10000xf32, #tpu.memory_space<hbm>> -> memref<1x10000xf32, #tpu.memory_space<hbm>>
        tpu.enqueue_dma source(%dma_start3A_526 : memref<1x10000xf32, #tpu.memory_space<hbm>>) target(%arg9 : memref<1x10000xf32, #tpu.memory_space<vmem>>) target_semaphore(%arg17 : memref<!tpu.dma_semaphore, #tpu.memory_space<semaphore_mem>>)
      } else {
      }
      %dma_wait3A_461 = arith.constant 0 : i32
      %dma_wait3A_462 = tpu.memref_slice %arg4[%mul3A_2, %dma_wait3A_461] : memref<1024x10000xf32, #tpu.memory_space<hbm>> -> memref<1x10000xf32, #tpu.memory_space<hbm>>
      %dma_wait3A_463 = arith.constant 0 : i32
      %dma_wait3A_464 = tpu.memref_slice %arg4[%mul3A_2, %dma_wait3A_463] : memref<1024x10000xf32, #tpu.memory_space<hbm>> -> memref<1x10000xf32, #tpu.memory_space<hbm>>
      tpu.wait_dma2 semaphore(%arg26 : memref<!tpu.dma_semaphore, #tpu.memory_space<semaphore_mem>>) src(%arg10 : memref<1x10000xf32, #tpu.memory_space<vmem>>) dst(%dma_wait3A_464 : memref<1x10000xf32, #tpu.memory_space<hbm>>)
      %mul3A_465 = arith.constant 16 : i32
      %mul3A_466 = arith.muli %scan3A_55, %mul3A_465 : i32
      %add3A_467 = arith.constant 16 : i32
      %add3A_468 = arith.addi %mul3A_466, %add3A_467 : i32
      %add3A_469 = arith.constant 4 : i32
      %add3A_470 = arith.addi %add3A_468, %add3A_469 : i32
      %lt3A_471 = arith.constant 32 : i32
      %lt3A_472 = arith.cmpi slt, %add3A_470, %lt3A_471 : i32
      %convert_element_type3A_473 = arith.extui %lt3A_472 : i1 to i32
      %cond3A_474 = arith.constant 0 : i32
      %cond3A_475 = arith.cmpi ne, %convert_element_type3A_473, %cond3A_474 : i32
      scf.if %cond3A_475 {
        %slice3A_521 = vector.extract_strided_slice %get3A_403 {offsets = [4], sizes = [1], strides = [1]} : vector<16xi32> to vector<1xi32>
        %squeeze3A_522 = vector.extract %slice3A_521[0] : i32 from vector<1xi32>
        %dma_start3A_523 = arith.constant 0 : i32
        %dma_start3A_524 = tpu.memref_slice %arg3[%squeeze3A_522, %dma_start3A_523] : memref<10000x10000xf32, #tpu.memory_space<hbm>> -> memref<1x10000xf32, #tpu.memory_space<hbm>>
        %dma_start3A_525 = arith.constant 0 : i32
        %dma_start3A_526 = tpu.memref_slice %arg3[%squeeze3A_522, %dma_start3A_525] : memref<10000x10000xf32, #tpu.memory_space<hbm>> -> memref<1x10000xf32, #tpu.memory_space<hbm>>
        tpu.enqueue_dma source(%dma_start3A_526 : memref<1x10000xf32, #tpu.memory_space<hbm>>) target(%arg10 : memref<1x10000xf32, #tpu.memory_space<vmem>>) target_semaphore(%arg18 : memref<!tpu.dma_semaphore, #tpu.memory_space<semaphore_mem>>)
      } else {
      }
      %dma_wait3A_476 = arith.constant 0 : i32
      %dma_wait3A_477 = tpu.memref_slice %arg4[%mul3A_2, %dma_wait3A_476] : memref<1024x10000xf32, #tpu.memory_space<hbm>> -> memref<1x10000xf32, #tpu.memory_space<hbm>>
      %dma_wait3A_478 = arith.constant 0 : i32
      %dma_wait3A_479 = tpu.memref_slice %arg4[%mul3A_2, %dma_wait3A_478] : memref<1024x10000xf32, #tpu.memory_space<hbm>> -> memref<1x10000xf32, #tpu.memory_space<hbm>>
      tpu.wait_dma2 semaphore(%arg27 : memref<!tpu.dma_semaphore, #tpu.memory_space<semaphore_mem>>) src(%arg11 : memref<1x10000xf32, #tpu.memory_space<vmem>>) dst(%dma_wait3A_479 : memref<1x10000xf32, #tpu.memory_space<hbm>>)
      %mul3A_480 = arith.constant 16 : i32
      %mul3A_481 = arith.muli %scan3A_55, %mul3A_480 : i32
      %add3A_482 = arith.constant 16 : i32
      %add3A_483 = arith.addi %mul3A_481, %add3A_482 : i32
      %add3A_484 = arith.constant 5 : i32
      %add3A_485 = arith.addi %add3A_483, %add3A_484 : i32
      %lt3A_486 = arith.constant 32 : i32
      %lt3A_487 = arith.cmpi slt, %add3A_485, %lt3A_486 : i32
      %convert_element_type3A_488 = arith.extui %lt3A_487 : i1 to i32
      %cond3A_489 = arith.constant 0 : i32
      %cond3A_490 = arith.cmpi ne, %convert_element_type3A_488, %cond3A_489 : i32
      scf.if %cond3A_490 {
        %slice3A_521 = vector.extract_strided_slice %get3A_403 {offsets = [5], sizes = [1], strides = [1]} : vector<16xi32> to vector<1xi32>
        %squeeze3A_522 = vector.extract %slice3A_521[0] : i32 from vector<1xi32>
        %dma_start3A_523 = arith.constant 0 : i32
        %dma_start3A_524 = tpu.memref_slice %arg3[%squeeze3A_522, %dma_start3A_523] : memref<10000x10000xf32, #tpu.memory_space<hbm>> -> memref<1x10000xf32, #tpu.memory_space<hbm>>
        %dma_start3A_525 = arith.constant 0 : i32
        %dma_start3A_526 = tpu.memref_slice %arg3[%squeeze3A_522, %dma_start3A_525] : memref<10000x10000xf32, #tpu.memory_space<hbm>> -> memref<1x10000xf32, #tpu.memory_space<hbm>>
        tpu.enqueue_dma source(%dma_start3A_526 : memref<1x10000xf32, #tpu.memory_space<hbm>>) target(%arg11 : memref<1x10000xf32, #tpu.memory_space<vmem>>) target_semaphore(%arg19 : memref<!tpu.dma_semaphore, #tpu.memory_space<semaphore_mem>>)
      } else {
      }
      %dma_wait3A_491 = arith.constant 0 : i32
      %dma_wait3A_492 = tpu.memref_slice %arg4[%mul3A_2, %dma_wait3A_491] : memref<1024x10000xf32, #tpu.memory_space<hbm>> -> memref<1x10000xf32, #tpu.memory_space<hbm>>
      %dma_wait3A_493 = arith.constant 0 : i32
      %dma_wait3A_494 = tpu.memref_slice %arg4[%mul3A_2, %dma_wait3A_493] : memref<1024x10000xf32, #tpu.memory_space<hbm>> -> memref<1x10000xf32, #tpu.memory_space<hbm>>
      tpu.wait_dma2 semaphore(%arg28 : memref<!tpu.dma_semaphore, #tpu.memory_space<semaphore_mem>>) src(%arg12 : memref<1x10000xf32, #tpu.memory_space<vmem>>) dst(%dma_wait3A_494 : memref<1x10000xf32, #tpu.memory_space<hbm>>)
      %mul3A_495 = arith.constant 16 : i32
      %mul3A_496 = arith.muli %scan3A_55, %mul3A_495 : i32
      %add3A_497 = arith.constant 16 : i32
      %add3A_498 = arith.addi %mul3A_496, %add3A_497 : i32
      %add3A_499 = arith.constant 6 : i32
      %add3A_500 = arith.addi %add3A_498, %add3A_499 : i32
      %lt3A_501 = arith.constant 32 : i32
      %lt3A_502 = arith.cmpi slt, %add3A_500, %lt3A_501 : i32
      %convert_element_type3A_503 = arith.extui %lt3A_502 : i1 to i32
      %cond3A_504 = arith.constant 0 : i32
      %cond3A_505 = arith.cmpi ne, %convert_element_type3A_503, %cond3A_504 : i32
      scf.if %cond3A_505 {
        %slice3A_521 = vector.extract_strided_slice %get3A_403 {offsets = [6], sizes = [1], strides = [1]} : vector<16xi32> to vector<1xi32>
        %squeeze3A_522 = vector.extract %slice3A_521[0] : i32 from vector<1xi32>
        %dma_start3A_523 = arith.constant 0 : i32
        %dma_start3A_524 = tpu.memref_slice %arg3[%squeeze3A_522, %dma_start3A_523] : memref<10000x10000xf32, #tpu.memory_space<hbm>> -> memref<1x10000xf32, #tpu.memory_space<hbm>>
        %dma_start3A_525 = arith.constant 0 : i32
        %dma_start3A_526 = tpu.memref_slice %arg3[%squeeze3A_522, %dma_start3A_525] : memref<10000x10000xf32, #tpu.memory_space<hbm>> -> memref<1x10000xf32, #tpu.memory_space<hbm>>
        tpu.enqueue_dma source(%dma_start3A_526 : memref<1x10000xf32, #tpu.memory_space<hbm>>) target(%arg12 : memref<1x10000xf32, #tpu.memory_space<vmem>>) target_semaphore(%arg20 : memref<!tpu.dma_semaphore, #tpu.memory_space<semaphore_mem>>)
      } else {
      }
      %dma_wait3A_506 = arith.constant 0 : i32
      %dma_wait3A_507 = tpu.memref_slice %arg4[%mul3A_2, %dma_wait3A_506] : memref<1024x10000xf32, #tpu.memory_space<hbm>> -> memref<1x10000xf32, #tpu.memory_space<hbm>>
      %dma_wait3A_508 = arith.constant 0 : i32
      %dma_wait3A_509 = tpu.memref_slice %arg4[%mul3A_2, %dma_wait3A_508] : memref<1024x10000xf32, #tpu.memory_space<hbm>> -> memref<1x10000xf32, #tpu.memory_space<hbm>>
      tpu.wait_dma2 semaphore(%arg29 : memref<!tpu.dma_semaphore, #tpu.memory_space<semaphore_mem>>) src(%arg13 : memref<1x10000xf32, #tpu.memory_space<vmem>>) dst(%dma_wait3A_509 : memref<1x10000xf32, #tpu.memory_space<hbm>>)
      %mul3A_510 = arith.constant 16 : i32
      %mul3A_511 = arith.muli %scan3A_55, %mul3A_510 : i32
      %add3A_512 = arith.constant 16 : i32
      %add3A_513 = arith.addi %mul3A_511, %add3A_512 : i32
      %add3A_514 = arith.constant 7 : i32
      %add3A_515 = arith.addi %add3A_513, %add3A_514 : i32
      %lt3A_516 = arith.constant 32 : i32
      %lt3A_517 = arith.cmpi slt, %add3A_515, %lt3A_516 : i32
      %convert_element_type3A_518 = arith.extui %lt3A_517 : i1 to i32
      %cond3A_519 = arith.constant 0 : i32
      %cond3A_520 = arith.cmpi ne, %convert_element_type3A_518, %cond3A_519 : i32
      scf.if %cond3A_520 {
        %slice3A_521 = vector.extract_strided_slice %get3A_403 {offsets = [7], sizes = [1], strides = [1]} : vector<16xi32> to vector<1xi32>
        %squeeze3A_522 = vector.extract %slice3A_521[0] : i32 from vector<1xi32>
        %dma_start3A_523 = arith.constant 0 : i32
        %dma_start3A_524 = tpu.memref_slice %arg3[%squeeze3A_522, %dma_start3A_523] : memref<10000x10000xf32, #tpu.memory_space<hbm>> -> memref<1x10000xf32, #tpu.memory_space<hbm>>
        %dma_start3A_525 = arith.constant 0 : i32
        %dma_start3A_526 = tpu.memref_slice %arg3[%squeeze3A_522, %dma_start3A_525] : memref<10000x10000xf32, #tpu.memory_space<hbm>> -> memref<1x10000xf32, #tpu.memory_space<hbm>>
        tpu.enqueue_dma source(%dma_start3A_526 : memref<1x10000xf32, #tpu.memory_space<hbm>>) target(%arg13 : memref<1x10000xf32, #tpu.memory_space<vmem>>) target_semaphore(%arg21 : memref<!tpu.dma_semaphore, #tpu.memory_space<semaphore_mem>>)
      } else {
      }
    }
    %scan3A_54 = arith.constant 2 : i32
    return
  }
}

#map = affine_map<(d0, d1) -> (0)>
#map1 = affine_map<(d0, d1) -> (0, 0)>
module attributes {stable_mosaic.version = 14 : i64} {
  func.func @body(%arg0: i32, %arg1: i32, %arg2: memref<1024xi32, #tpu.memory_space<hbm>>, %arg3: memref<10000x10000xf32, #tpu.memory_space<hbm>>, %arg4: memref<1024x10000xf32, #tpu.memory_space<hbm>>, %arg5: memref<48xi32, #tpu.memory_space<vmem>>, %arg6: memref<1x10000xf32, #tpu.memory_space<vmem>>, %arg7: memref<1x10000xf32, #tpu.memory_space<vmem>>, %arg8: memref<1x10000xf32, #tpu.memory_space<vmem>>, %arg9: memref<1x10000xf32, #tpu.memory_space<vmem>>, %arg10: memref<1x10000xf32, #tpu.memory_space<vmem>>, %arg11: memref<1x10000xf32, #tpu.memory_space<vmem>>, %arg12: memref<1x10000xf32, #tpu.memory_space<vmem>>, %arg13: memref<1x10000xf32, #tpu.memory_space<vmem>>, %arg14: memref<!tpu.dma_semaphore, #tpu.memory_space<semaphore_mem>>, %arg15: memref<!tpu.dma_semaphore, #tpu.memory_space<semaphore_mem>>, %arg16: memref<!tpu.dma_semaphore, #tpu.memory_space<semaphore_mem>>, %arg17: memref<!tpu.dma_semaphore, #tpu.memory_space<semaphore_mem>>, %arg18: memref<!tpu.dma_semaphore, #tpu.memory_space<semaphore_mem>>, %arg19: memref<!tpu.dma_semaphore, #tpu.memory_space<semaphore_mem>>, %arg20: memref<!tpu.dma_semaphore, #tpu.memory_space<semaphore_mem>>, %arg21: memref<!tpu.dma_semaphore, #tpu.memory_space<semaphore_mem>>, %arg22: memref<!tpu.dma_semaphore, #tpu.memory_space<semaphore_mem>>, %arg23: memref<!tpu.dma_semaphore, #tpu.memory_space<semaphore_mem>>, %arg24: memref<!tpu.dma_semaphore, #tpu.memory_space<semaphore_mem>>, %arg25: memref<!tpu.dma_semaphore, #tpu.memory_space<semaphore_mem>>, %arg26: memref<!tpu.dma_semaphore, #tpu.memory_space<semaphore_mem>>, %arg27: memref<!tpu.dma_semaphore, #tpu.memory_space<semaphore_mem>>, %arg28: memref<!tpu.dma_semaphore, #tpu.memory_space<semaphore_mem>>, %arg29: memref<!tpu.dma_semaphore, #tpu.memory_space<semaphore_mem>>) attributes {dimension_semantics = [#tpu.dimension_semantics<core_parallel>, #tpu.dimension_semantics<subcore_parallel>], iteration_bounds = array<i64: 2, 16>, scalar_prefetch = 0 : i64, scratch_operands = 25 : i64, tpu.core_type = #tpu.core_type<sc_vector_subcore>, window_params = [{transform_indices = #map}, {transform_indices = #map1}, {transform_indices = #map1}]} {
    %mul3A = arith.constant 2 : i32
    %mul3A_0 = arith.muli %arg1, %mul3A : i32
    %add3A = arith.addi %mul3A_0, %arg0 : i32
    %mul3A_1 = arith.constant 32 : i32
    %mul3A_2 = arith.muli %add3A, %mul3A_1 : i32
    "tpu.region"() ({
      %run_scoped3A = tpu.sem_alloc : memref<!tpu.dma_semaphore, #tpu.memory_space<semaphore_mem>>
      %dma_start3A_55 = arith.constant 0 : i32
      %dma_start3A_56 = tpu.memref_slice %arg5[%dma_start3A_55] : memref<48xi32, #tpu.memory_space<vmem>> -> memref<32xi32, #tpu.memory_space<vmem>>
      %dma_start3A_57 = tpu.memref_slice %arg2[%mul3A_2] : memref<1024xi32, #tpu.memory_space<hbm>> -> memref<32xi32, #tpu.memory_space<hbm>>
      %dma_start3A_58 = arith.constant 0 : i32
      %dma_start3A_59 = tpu.memref_slice %arg5[%dma_start3A_58] : memref<48xi32, #tpu.memory_space<vmem>> -> memref<32xi32, #tpu.memory_space<vmem>>
      %dma_start3A_60 = tpu.memref_slice %arg2[%mul3A_2] : memref<1024xi32, #tpu.memory_space<hbm>> -> memref<32xi32, #tpu.memory_space<hbm>>
      tpu.enqueue_dma source(%dma_start3A_60 : memref<32xi32, #tpu.memory_space<hbm>>) target(%dma_start3A_59 : memref<32xi32, #tpu.memory_space<vmem>>) target_semaphore(%run_scoped3A : memref<!tpu.dma_semaphore, #tpu.memory_space<semaphore_mem>>)
      %dma_wait3A = arith.constant 0 : i32
      %dma_wait3A_61 = tpu.memref_slice %arg5[%dma_wait3A] : memref<48xi32, #tpu.memory_space<vmem>> -> memref<32xi32, #tpu.memory_space<vmem>>
      %dma_wait3A_62 = tpu.memref_slice %arg2[%mul3A_2] : memref<1024xi32, #tpu.memory_space<hbm>> -> memref<32xi32, #tpu.memory_space<hbm>>
      %dma_wait3A_63 = arith.constant 0 : i32
      %dma_wait3A_64 = tpu.memref_slice %arg5[%dma_wait3A_63] : memref<48xi32, #tpu.memory_space<vmem>> -> memref<32xi32, #tpu.memory_space<vmem>>
      %dma_wait3A_65 = tpu.memref_slice %arg2[%mul3A_2] : memref<1024xi32, #tpu.memory_space<hbm>> -> memref<32xi32, #tpu.memory_space<hbm>>
      tpu.wait_dma2 semaphore(%run_scoped3A : memref<!tpu.dma_semaphore, #tpu.memory_space<semaphore_mem>>) src(%dma_wait3A_65 : memref<32xi32, #tpu.memory_space<hbm>>) dst(%dma_wait3A_64 : memref<32xi32, #tpu.memory_space<vmem>>)
      tpu.yield
    }) : () -> ()
    %get3A = arith.constant 0 : index
    %get3A_3 = tpu.vector_load %arg5[%get3A] {strides = array<i32>} : memref<48xi32, #tpu.memory_space<vmem>>, vector<16xi32>,
    %get3A_4 = vector.shape_cast %get3A_3 : vector<16xi32> to vector<16xi32>
    %slice3A = vector.extract_strided_slice %get3A_4 {offsets = [0], sizes = [1], strides = [1]} : vector<16xi32> to vector<1xi32>
    %squeeze3A = vector.extract %slice3A[0] : i32 from vector<1xi32>
    %dma_start3A = arith.constant 0 : i32
    %dma_start3A_5 = tpu.memref_slice %arg3[%squeeze3A, %dma_start3A] : memref<10000x10000xf32, #tpu.memory_space<hbm>> -> memref<1x10000xf32, #tpu.memory_space<hbm>>
    %dma_start3A_6 = arith.constant 0 : i32
    %dma_start3A_7 = tpu.memref_slice %arg3[%squeeze3A, %dma_start3A_6] : memref<10000x10000xf32, #tpu.memory_space<hbm>> -> memref<1x10000xf32, #tpu.memory_space<hbm>>
    tpu.enqueue_dma source(%dma_start3A_7 : memref<1x10000xf32, #tpu.memory_space<hbm>>) target(%arg6 : memref<1x10000xf32, #tpu.memory_space<vmem>>) target_semaphore(%arg14 : memref<!tpu.dma_semaphore, #tpu.memory_space<semaphore_mem>>)
    %slice3A_8 = vector.extract_strided_slice %get3A_4 {offsets = [1], sizes = [1], strides = [1]} : vector<16xi32> to vector<1xi32>
    %squeeze3A_9 = vector.extract %slice3A_8[0] : i32 from vector<1xi32>
    %dma_start3A_10 = arith.constant 0 : i32
    %dma_start3A_11 = tpu.memref_slice %arg3[%squeeze3A_9, %dma_start3A_10] : memref<10000x10000xf32, #tpu.memory_space<hbm>> -> memref<1x10000xf32, #tpu.memory_space<hbm>>
    %dma_start3A_12 = arith.constant 0 : i32
    %dma_start3A_13 = tpu.memref_slice %arg3[%squeeze3A_9, %dma_start3A_12] : memref<10000x10000xf32, #tpu.memory_space<hbm>> -> memref<1x10000xf32, #tpu.memory_space<hbm>>
    tpu.enqueue_dma source(%dma_start3A_13 : memref<1x10000xf32, #tpu.memory_space<hbm>>) target(%arg7 : memref<1x10000xf32, #tpu.memory_space<vmem>>) target_semaphore(%arg15 : memref<!tpu.dma_semaphore, #tpu.memory_space<semaphore_mem>>)
    %slice3A_14 = vector.extract_strided_slice %get3A_4 {offsets = [2], sizes = [1], strides = [1]} : vector<16xi32> to vector<1xi32>
    %squeeze3A_15 = vector.extract %slice3A_14[0] : i32 from vector<1xi32>
    %dma_start3A_16 = arith.constant 0 : i32
    %dma_start3A_17 = tpu.memref_slice %arg3[%squeeze3A_15, %dma_start3A_16] : memref<10000x10000xf32, #tpu.memory_space<hbm>> -> memref<1x10000xf32, #tpu.memory_space<hbm>>
    %dma_start3A_18 = arith.constant 0 : i32
    %dma_start3A_19 = tpu.memref_slice %arg3[%squeeze3A_15, %dma_start3A_18] : memref<10000x10000xf32, #tpu.memory_space<hbm>> -> memref<1x10000xf32, #tpu.memory_space<hbm>>
    tpu.enqueue_dma source(%dma_start3A_19 : memref<1x10000xf32, #tpu.memory_space<hbm>>) target(%arg8 : memref<1x10000xf32, #tpu.memory_space<vmem>>) target_semaphore(%arg16 : memref<!tpu.dma_semaphore, #tpu.memory_space<semaphore_mem>>)
    %slice3A_20 = vector.extract_strided_slice %get3A_4 {offsets = [3], sizes = [1], strides = [1]} : vector<16xi32> to vector<1xi32>
    %squeeze3A_21 = vector.extract %slice3A_20[0] : i32 from vector<1xi32>
    %dma_start3A_22 = arith.constant 0 : i32
    %dma_start3A_23 = tpu.memref_slice %arg3[%squeeze3A_21, %dma_start3A_22] : memref<10000x10000xf32, #tpu.memory_space<hbm>> -> memref<1x10000xf32, #tpu.memory_space<hbm>>
    %dma_start3A_24 = arith.constant 0 : i32
    %dma_start3A_25 = tpu.memref_slice %arg3[%squeeze3A_21, %dma_start3A_24] : memref<10000x10000xf32, #tpu.memory_space<hbm>> -> memref<1x10000xf32, #tpu.memory_space<hbm>>
    tpu.enqueue_dma source(%dma_start3A_25 : memref<1x10000xf32, #tpu.memory_space<hbm>>) target(%arg9 : memref<1x10000xf32, #tpu.memory_space<vmem>>) target_semaphore(%arg17 : memref<!tpu.dma_semaphore, #tpu.memory_space<semaphore_mem>>)
    %slice3A_26 = vector.extract_strided_slice %get3A_4 {offsets = [4], sizes = [1], strides = [1]} : vector<16xi32> to vector<1xi32>
    %squeeze3A_27 = vector.extract %slice3A_26[0] : i32 from vector<1xi32>
    %dma_start3A_28 = arith.constant 0 : i32
    %dma_start3A_29 = tpu.memref_slice %arg3[%squeeze3A_27, %dma_start3A_28] : memref<10000x10000xf32, #tpu.memory_space<hbm>> -> memref<1x10000xf32, #tpu.memory_space<hbm>>
    %dma_start3A_30 = arith.constant 0 : i32
    %dma_start3A_31 = tpu.memref_slice %arg3[%squeeze3A_27, %dma_start3A_30] : memref<10000x10000xf32, #tpu.memory_space<hbm>> -> memref<1x10000xf32, #tpu.memory_space<hbm>>
    tpu.enqueue_dma source(%dma_start3A_31 : memref<1x10000xf32, #tpu.memory_space<hbm>>) target(%arg10 : memref<1x10000xf32, #tpu.memory_space<vmem>>) target_semaphore(%arg18 : memref<!tpu.dma_semaphore, #tpu.memory_space<semaphore_mem>>)
    %slice3A_32 = vector.extract_strided_slice %get3A_4 {offsets = [5], sizes = [1], strides = [1]} : vector<16xi32> to vector<1xi32>
    %squeeze3A_33 = vector.extract %slice3A_32[0] : i32 from vector<1xi32>
    %dma_start3A_34 = arith.constant 0 : i32
    %dma_start3A_35 = tpu.memref_slice %arg3[%squeeze3A_33, %dma_start3A_34] : memref<10000x10000xf32, #tpu.memory_space<hbm>> -> memref<1x10000xf32, #tpu.memory_space<hbm>>
    %dma_start3A_36 = arith.constant 0 : i32
    %dma_start3A_37 = tpu.memref_slice %arg3[%squeeze3A_33, %dma_start3A_36] : memref<10000x10000xf32, #tpu.memory_space<hbm>> -> memref<1x10000xf32, #tpu.memory_space<hbm>>
    tpu.enqueue_dma source(%dma_start3A_37 : memref<1x10000xf32, #tpu.memory_space<hbm>>) target(%arg11 : memref<1x10000xf32, #tpu.memory_space<vmem>>) target_semaphore(%arg19 : memref<!tpu.dma_semaphore, #tpu.memory_space<semaphore_mem>>)
    %slice3A_38 = vector.extract_strided_slice %get3A_4 {offsets = [6], sizes = [1], strides = [1]} : vector<16xi32> to vector<1xi32>
    %squeeze3A_39 = vector.extract %slice3A_38[0] : i32 from vector<1xi32>
    %dma_start3A_40 = arith.constant 0 : i32
    %dma_start3A_41 = tpu.memref_slice %arg3[%squeeze3A_39, %dma_start3A_40] : memref<10000x10000xf32, #tpu.memory_space<hbm>> -> memref<1x10000xf32, #tpu.memory_space<hbm>>
    %dma_start3A_42 = arith.constant 0 : i32
    %dma_start3A_43 = tpu.memref_slice %arg3[%squeeze3A_39, %dma_start3A_42] : memref<10000x10000xf32, #tpu.memory_space<hbm>> -> memref<1x10000xf32, #tpu.memory_space<hbm>>
    tpu.enqueue_dma source(%dma_start3A_43 : memref<1x10000xf32, #tpu.memory_space<hbm>>) target(%arg12 : memref<1x10000xf32, #tpu.memory_space<vmem>>) target_semaphore(%arg20 : memref<!tpu.dma_semaphore, #tpu.memory_space<semaphore_mem>>)
    %slice3A_44 = vector.extract_strided_slice %get3A_4 {offsets = [7], sizes = [1], strides = [1]} : vector<16xi32> to vector<1xi32>
    %squeeze3A_45 = vector.extract %slice3A_44[0] : i32 from vector<1xi32>
    %dma_start3A_46 = arith.constant 0 : i32
    %dma_start3A_47 = tpu.memref_slice %arg3[%squeeze3A_45, %dma_start3A_46] : memref<10000x10000xf32, #tpu.memory_space<hbm>> -> memref<1x10000xf32, #tpu.memory_space<hbm>>
    %dma_start3A_48 = arith.constant 0 : i32
    %dma_start3A_49 = tpu.memref_slice %arg3[%squeeze3A_45, %dma_start3A_48] : memref<10000x10000xf32, #tpu.memory_space<hbm>> -> memref<1x10000xf32, #tpu.memory_space<hbm>>
    tpu.enqueue_dma source(%dma_start3A_49 : memref<1x10000xf32, #tpu.memory_space<hbm>>) target(%arg13 : memref<1x10000xf32, #tpu.memory_space<vmem>>) target_semaphore(%arg21 : memref<!tpu.dma_semaphore, #tpu.memory_space<semaphore_mem>>)
    %scan3A = arith.constant 0 : i32
    %scan3A_50 = arith.constant 0 : i32
    %scan3A_51 = arith.constant 2 : i32
    %scan3A_52 = arith.addi %scan3A_50, %scan3A_51 : i32
    %scan3A_53 = arith.constant 1 : i32
    scf.for %scan3A_55 = %scan3A_50 to %scan3A_52 step %scan3A_53  : i32 {
      %mul3A_56 = arith.constant 16 : i32
      %mul3A_57 = arith.muli %scan3A_55, %mul3A_56 : i32
      %multiple_of3A = tpu.assume_multiple %mul3A_57, 8 : i32
      %get3A_58 = arith.index_cast %multiple_of3A : i32 to index
      %get3A_59 = tpu.vector_load %arg5[%get3A_58] {strides = array<i32>} : memref<48xi32, #tpu.memory_space<vmem>>, vector<16xi32>,
      %get3A_60 = vector.shape_cast %get3A_59 : vector<16xi32> to vector<16xi32>
      %dma_wait3A = arith.constant 0 : i32
      %dma_wait3A_61 = arith.constant 0 : i32
      %dma_wait3A_62 = tpu.memref_slice %arg3[%dma_wait3A, %dma_wait3A_61] : memref<10000x10000xf32, #tpu.memory_space<hbm>> -> memref<1x10000xf32, #tpu.memory_space<hbm>>
      %dma_wait3A_63 = arith.constant 0 : i32
      %dma_wait3A_64 = arith.constant 0 : i32
      %dma_wait3A_65 = tpu.memref_slice %arg3[%dma_wait3A_63, %dma_wait3A_64] : memref<10000x10000xf32, #tpu.memory_space<hbm>> -> memref<1x10000xf32, #tpu.memory_space<hbm>>
      tpu.wait_dma2 semaphore(%arg14 : memref<!tpu.dma_semaphore, #tpu.memory_space<semaphore_mem>>) src(%dma_wait3A_65 : memref<1x10000xf32, #tpu.memory_space<hbm>>) dst(%arg6 : memref<1x10000xf32, #tpu.memory_space<vmem>>)
      %mul3A_66 = arith.constant 16 : i32
      %mul3A_67 = arith.muli %scan3A_55, %mul3A_66 : i32
      %add3A_68 = arith.addi %mul3A_2, %mul3A_67 : i32
      %add3A_69 = arith.constant 0 : i32
      %add3A_70 = arith.addi %add3A_68, %add3A_69 : i32
      %dma_start3A_71 = arith.constant 0 : i32
      %dma_start3A_72 = tpu.memref_slice %arg4[%add3A_70, %dma_start3A_71] : memref<1024x10000xf32, #tpu.memory_space<hbm>> -> memref<1x10000xf32, #tpu.memory_space<hbm>>
      %dma_start3A_73 = arith.constant 0 : i32
      %dma_start3A_74 = tpu.memref_slice %arg4[%add3A_70, %dma_start3A_73] : memref<1024x10000xf32, #tpu.memory_space<hbm>> -> memref<1x10000xf32, #tpu.memory_space<hbm>>
      tpu.enqueue_dma source(%arg6 : memref<1x10000xf32, #tpu.memory_space<vmem>>) target(%dma_start3A_74 : memref<1x10000xf32, #tpu.memory_space<hbm>>) target_semaphore(%arg22 : memref<!tpu.dma_semaphore, #tpu.memory_space<semaphore_mem>>)
      %dma_wait3A_75 = arith.constant 0 : i32
      %dma_wait3A_76 = arith.constant 0 : i32
      %dma_wait3A_77 = tpu.memref_slice %arg3[%dma_wait3A_75, %dma_wait3A_76] : memref<10000x10000xf32, #tpu.memory_space<hbm>> -> memref<1x10000xf32, #tpu.memory_space<hbm>>
      %dma_wait3A_78 = arith.constant 0 : i32
      %dma_wait3A_79 = arith.constant 0 : i32
      %dma_wait3A_80 = tpu.memref_slice %arg3[%dma_wait3A_78, %dma_wait3A_79] : memref<10000x10000xf32, #tpu.memory_space<hbm>> -> memref<1x10000xf32, #tpu.memory_space<hbm>>
      tpu.wait_dma2 semaphore(%arg15 : memref<!tpu.dma_semaphore, #tpu.memory_space<semaphore_mem>>) src(%dma_wait3A_80 : memref<1x10000xf32, #tpu.memory_space<hbm>>) dst(%arg7 : memref<1x10000xf32, #tpu.memory_space<vmem>>)
      %mul3A_81 = arith.constant 16 : i32
      %mul3A_82 = arith.muli %scan3A_55, %mul3A_81 : i32
      %add3A_83 = arith.addi %mul3A_2, %mul3A_82 : i32
      %add3A_84 = arith.constant 1 : i32
      %add3A_85 = arith.addi %add3A_83, %add3A_84 : i32
      %dma_start3A_86 = arith.constant 0 : i32
      %dma_start3A_87 = tpu.memref_slice %arg4[%add3A_85, %dma_start3A_86] : memref<1024x10000xf32, #tpu.memory_space<hbm>> -> memref<1x10000xf32, #tpu.memory_space<hbm>>
      %dma_start3A_88 = arith.constant 0 : i32
      %dma_start3A_89 = tpu.memref_slice %arg4[%add3A_85, %dma_start3A_88] : memref<1024x10000xf32, #tpu.memory_space<hbm>> -> memref<1x10000xf32, #tpu.memory_space<hbm>>
      tpu.enqueue_dma source(%arg7 : memref<1x10000xf32, #tpu.memory_space<vmem>>) target(%dma_start3A_89 : memref<1x10000xf32, #tpu.memory_space<hbm>>) target_semaphore(%arg23 : memref<!tpu.dma_semaphore, #tpu.memory_space<semaphore_mem>>)
      %dma_wait3A_90 = arith.constant 0 : i32
      %dma_wait3A_91 = arith.constant 0 : i32
      %dma_wait3A_92 = tpu.memref_slice %arg3[%dma_wait3A_90, %dma_wait3A_91] : memref<10000x10000xf32, #tpu.memory_space<hbm>> -> memref<1x10000xf32, #tpu.memory_space<hbm>>
      %dma_wait3A_93 = arith.constant 0 : i32
      %dma_wait3A_94 = arith.constant 0 : i32
      %dma_wait3A_95 = tpu.memref_slice %arg3[%dma_wait3A_93, %dma_wait3A_94] : memref<10000x10000xf32, #tpu.memory_space<hbm>> -> memref<1x10000xf32, #tpu.memory_space<hbm>>
      tpu.wait_dma2 semaphore(%arg16 : memref<!tpu.dma_semaphore, #tpu.memory_space<semaphore_mem>>) src(%dma_wait3A_95 : memref<1x10000xf32, #tpu.memory_space<hbm>>) dst(%arg8 : memref<1x10000xf32, #tpu.memory_space<vmem>>)
      %mul3A_96 = arith.constant 16 : i32
      %mul3A_97 = arith.muli %scan3A_55, %mul3A_96 : i32
      %add3A_98 = arith.addi %mul3A_2, %mul3A_97 : i32
      %add3A_99 = arith.constant 2 : i32
      %add3A_100 = arith.addi %add3A_98, %add3A_99 : i32
      %dma_start3A_101 = arith.constant 0 : i32
      %dma_start3A_102 = tpu.memref_slice %arg4[%add3A_100, %dma_start3A_101] : memref<1024x10000xf32, #tpu.memory_space<hbm>> -> memref<1x10000xf32, #tpu.memory_space<hbm>>
      %dma_start3A_103 = arith.constant 0 : i32
      %dma_start3A_104 = tpu.memref_slice %arg4[%add3A_100, %dma_start3A_103] : memref<1024x10000xf32, #tpu.memory_space<hbm>> -> memref<1x10000xf32, #tpu.memory_space<hbm>>
      tpu.enqueue_dma source(%arg8 : memref<1x10000xf32, #tpu.memory_space<vmem>>) target(%dma_start3A_104 : memref<1x10000xf32, #tpu.memory_space<hbm>>) target_semaphore(%arg24 : memref<!tpu.dma_semaphore, #tpu.memory_space<semaphore_mem>>)
      %dma_wait3A_105 = arith.constant 0 : i32
      %dma_wait3A_106 = arith.constant 0 : i32
      %dma_wait3A_107 = tpu.memref_slice %arg3[%dma_wait3A_105, %dma_wait3A_106] : memref<10000x10000xf32, #tpu.memory_space<hbm>> -> memref<1x10000xf32, #tpu.memory_space<hbm>>
      %dma_wait3A_108 = arith.constant 0 : i32
      %dma_wait3A_109 = arith.constant 0 : i32
      %dma_wait3A_110 = tpu.memref_slice %arg3[%dma_wait3A_108, %dma_wait3A_109] : memref<10000x10000xf32, #tpu.memory_space<hbm>> -> memref<1x10000xf32, #tpu.memory_space<hbm>>
      tpu.wait_dma2 semaphore(%arg17 : memref<!tpu.dma_semaphore, #tpu.memory_space<semaphore_mem>>) src(%dma_wait3A_110 : memref<1x10000xf32, #tpu.memory_space<hbm>>) dst(%arg9 : memref<1x10000xf32, #tpu.memory_space<vmem>>)
      %mul3A_111 = arith.constant 16 : i32
      %mul3A_112 = arith.muli %scan3A_55, %mul3A_111 : i32
      %add3A_113 = arith.addi %mul3A_2, %mul3A_112 : i32
      %add3A_114 = arith.constant 3 : i32
      %add3A_115 = arith.addi %add3A_113, %add3A_114 : i32
      %dma_start3A_116 = arith.constant 0 : i32
      %dma_start3A_117 = tpu.memref_slice %arg4[%add3A_115, %dma_start3A_116] : memref<1024x10000xf32, #tpu.memory_space<hbm>> -> memref<1x10000xf32, #tpu.memory_space<hbm>>
      %dma_start3A_118 = arith.constant 0 : i32
      %dma_start3A_119 = tpu.memref_slice %arg4[%add3A_115, %dma_start3A_118] : memref<1024x10000xf32, #tpu.memory_space<hbm>> -> memref<1x10000xf32, #tpu.memory_space<hbm>>
      tpu.enqueue_dma source(%arg9 : memref<1x10000xf32, #tpu.memory_space<vmem>>) target(%dma_start3A_119 : memref<1x10000xf32, #tpu.memory_space<hbm>>) target_semaphore(%arg25 : memref<!tpu.dma_semaphore, #tpu.memory_space<semaphore_mem>>)
      %dma_wait3A_120 = arith.constant 0 : i32
      %dma_wait3A_121 = arith.constant 0 : i32
      %dma_wait3A_122 = tpu.memref_slice %arg3[%dma_wait3A_120, %dma_wait3A_121] : memref<10000x10000xf32, #tpu.memory_space<hbm>> -> memref<1x10000xf32, #tpu.memory_space<hbm>>
      %dma_wait3A_123 = arith.constant 0 : i32
      %dma_wait3A_124 = arith.constant 0 : i32
      %dma_wait3A_125 = tpu.memref_slice %arg3[%dma_wait3A_123, %dma_wait3A_124] : memref<10000x10000xf32, #tpu.memory_space<hbm>> -> memref<1x10000xf32, #tpu.memory_space<hbm>>
      tpu.wait_dma2 semaphore(%arg18 : memref<!tpu.dma_semaphore, #tpu.memory_space<semaphore_mem>>) src(%dma_wait3A_125 : memref<1x10000xf32, #tpu.memory_space<hbm>>) dst(%arg10 : memref<1x10000xf32, #tpu.memory_space<vmem>>)
      %mul3A_126 = arith.constant 16 : i32
      %mul3A_127 = arith.muli %scan3A_55, %mul3A_126 : i32
      %add3A_128 = arith.addi %mul3A_2, %mul3A_127 : i32
      %add3A_129 = arith.constant 4 : i32
      %add3A_130 = arith.addi %add3A_128, %add3A_129 : i32
      %dma_start3A_131 = arith.constant 0 : i32
      %dma_start3A_132 = tpu.memref_slice %arg4[%add3A_130, %dma_start3A_131] : memref<1024x10000xf32, #tpu.memory_space<hbm>> -> memref<1x10000xf32, #tpu.memory_space<hbm>>
      %dma_start3A_133 = arith.constant 0 : i32
      %dma_start3A_134 = tpu.memref_slice %arg4[%add3A_130, %dma_start3A_133] : memref<1024x10000xf32, #tpu.memory_space<hbm>> -> memref<1x10000xf32, #tpu.memory_space<hbm>>
      tpu.enqueue_dma source(%arg10 : memref<1x10000xf32, #tpu.memory_space<vmem>>) target(%dma_start3A_134 : memref<1x10000xf32, #tpu.memory_space<hbm>>) target_semaphore(%arg26 : memref<!tpu.dma_semaphore, #tpu.memory_space<semaphore_mem>>)
      %dma_wait3A_135 = arith.constant 0 : i32
      %dma_wait3A_136 = arith.constant 0 : i32
      %dma_wait3A_137 = tpu.memref_slice %arg3[%dma_wait3A_135, %dma_wait3A_136] : memref<10000x10000xf32, #tpu.memory_space<hbm>> -> memref<1x10000xf32, #tpu.memory_space<hbm>>
      %dma_wait3A_138 = arith.constant 0 : i32
      %dma_wait3A_139 = arith.constant 0 : i32
      %dma_wait3A_140 = tpu.memref_slice %arg3[%dma_wait3A_138, %dma_wait3A_139] : memref<10000x10000xf32, #tpu.memory_space<hbm>> -> memref<1x10000xf32, #tpu.memory_space<hbm>>
      tpu.wait_dma2 semaphore(%arg19 : memref<!tpu.dma_semaphore, #tpu.memory_space<semaphore_mem>>) src(%dma_wait3A_140 : memref<1x10000xf32, #tpu.memory_space<hbm>>) dst(%arg11 : memref<1x10000xf32, #tpu.memory_space<vmem>>)
      %mul3A_141 = arith.constant 16 : i32
      %mul3A_142 = arith.muli %scan3A_55, %mul3A_141 : i32
      %add3A_143 = arith.addi %mul3A_2, %mul3A_142 : i32
      %add3A_144 = arith.constant 5 : i32
      %add3A_145 = arith.addi %add3A_143, %add3A_144 : i32
      %dma_start3A_146 = arith.constant 0 : i32
      %dma_start3A_147 = tpu.memref_slice %arg4[%add3A_145, %dma_start3A_146] : memref<1024x10000xf32, #tpu.memory_space<hbm>> -> memref<1x10000xf32, #tpu.memory_space<hbm>>
      %dma_start3A_148 = arith.constant 0 : i32
      %dma_start3A_149 = tpu.memref_slice %arg4[%add3A_145, %dma_start3A_148] : memref<1024x10000xf32, #tpu.memory_space<hbm>> -> memref<1x10000xf32, #tpu.memory_space<hbm>>
      tpu.enqueue_dma source(%arg11 : memref<1x10000xf32, #tpu.memory_space<vmem>>) target(%dma_start3A_149 : memref<1x10000xf32, #tpu.memory_space<hbm>>) target_semaphore(%arg27 : memref<!tpu.dma_semaphore, #tpu.memory_space<semaphore_mem>>)
      %dma_wait3A_150 = arith.constant 0 : i32
      %dma_wait3A_151 = arith.constant 0 : i32
      %dma_wait3A_152 = tpu.memref_slice %arg3[%dma_wait3A_150, %dma_wait3A_151] : memref<10000x10000xf32, #tpu.memory_space<hbm>> -> memref<1x10000xf32, #tpu.memory_space<hbm>>
      %dma_wait3A_153 = arith.constant 0 : i32
      %dma_wait3A_154 = arith.constant 0 : i32
      %dma_wait3A_155 = tpu.memref_slice %arg3[%dma_wait3A_153, %dma_wait3A_154] : memref<10000x10000xf32, #tpu.memory_space<hbm>> -> memref<1x10000xf32, #tpu.memory_space<hbm>>
      tpu.wait_dma2 semaphore(%arg20 : memref<!tpu.dma_semaphore, #tpu.memory_space<semaphore_mem>>) src(%dma_wait3A_155 : memref<1x10000xf32, #tpu.memory_space<hbm>>) dst(%arg12 : memref<1x10000xf32, #tpu.memory_space<vmem>>)
      %mul3A_156 = arith.constant 16 : i32
      %mul3A_157 = arith.muli %scan3A_55, %mul3A_156 : i32
      %add3A_158 = arith.addi %mul3A_2, %mul3A_157 : i32
      %add3A_159 = arith.constant 6 : i32
      %add3A_160 = arith.addi %add3A_158, %add3A_159 : i32
      %dma_start3A_161 = arith.constant 0 : i32
      %dma_start3A_162 = tpu.memref_slice %arg4[%add3A_160, %dma_start3A_161] : memref<1024x10000xf32, #tpu.memory_space<hbm>> -> memref<1x10000xf32, #tpu.memory_space<hbm>>
      %dma_start3A_163 = arith.constant 0 : i32
      %dma_start3A_164 = tpu.memref_slice %arg4[%add3A_160, %dma_start3A_163] : memref<1024x10000xf32, #tpu.memory_space<hbm>> -> memref<1x10000xf32, #tpu.memory_space<hbm>>
      tpu.enqueue_dma source(%arg12 : memref<1x10000xf32, #tpu.memory_space<vmem>>) target(%dma_start3A_164 : memref<1x10000xf32, #tpu.memory_space<hbm>>) target_semaphore(%arg28 : memref<!tpu.dma_semaphore, #tpu.memory_space<semaphore_mem>>)
      %dma_wait3A_165 = arith.constant 0 : i32
      %dma_wait3A_166 = arith.constant 0 : i32
      %dma_wait3A_167 = tpu.memref_slice %arg3[%dma_wait3A_165, %dma_wait3A_166] : memref<10000x10000xf32, #tpu.memory_space<hbm>> -> memref<1x10000xf32, #tpu.memory_space<hbm>>
      %dma_wait3A_168 = arith.constant 0 : i32
      %dma_wait3A_169 = arith.constant 0 : i32
      %dma_wait3A_170 = tpu.memref_slice %arg3[%dma_wait3A_168, %dma_wait3A_169] : memref<10000x10000xf32, #tpu.memory_space<hbm>> -> memref<1x10000xf32, #tpu.memory_space<hbm>>
      tpu.wait_dma2 semaphore(%arg21 : memref<!tpu.dma_semaphore, #tpu.memory_space<semaphore_mem>>) src(%dma_wait3A_170 : memref<1x10000xf32, #tpu.memory_space<hbm>>) dst(%arg13 : memref<1x10000xf32, #tpu.memory_space<vmem>>)
      %mul3A_171 = arith.constant 16 : i32
      %mul3A_172 = arith.muli %scan3A_55, %mul3A_171 : i32
      %add3A_173 = arith.addi %mul3A_2, %mul3A_172 : i32
      %add3A_174 = arith.constant 7 : i32
      %add3A_175 = arith.addi %add3A_173, %add3A_174 : i32
      %dma_start3A_176 = arith.constant 0 : i32
      %dma_start3A_177 = tpu.memref_slice %arg4[%add3A_175, %dma_start3A_176] : memref<1024x10000xf32, #tpu.memory_space<hbm>> -> memref<1x10000xf32, #tpu.memory_space<hbm>>
      %dma_start3A_178 = arith.constant 0 : i32
      %dma_start3A_179 = tpu.memref_slice %arg4[%add3A_175, %dma_start3A_178] : memref<1024x10000xf32, #tpu.memory_space<hbm>> -> memref<1x10000xf32, #tpu.memory_space<hbm>>
      tpu.enqueue_dma source(%arg13 : memref<1x10000xf32, #tpu.memory_space<vmem>>) target(%dma_start3A_179 : memref<1x10000xf32, #tpu.memory_space<hbm>>) target_semaphore(%arg29 : memref<!tpu.dma_semaphore, #tpu.memory_space<semaphore_mem>>)
      %dma_wait3A_180 = arith.constant 0 : i32
      %dma_wait3A_181 = tpu.memref_slice %arg4[%mul3A_2, %dma_wait3A_180] : memref<1024x10000xf32, #tpu.memory_space<hbm>> -> memref<1x10000xf32, #tpu.memory_space<hbm>>
      %dma_wait3A_182 = arith.constant 0 : i32
      %dma_wait3A_183 = tpu.memref_slice %arg4[%mul3A_2, %dma_wait3A_182] : memref<1024x10000xf32, #tpu.memory_space<hbm>> -> memref<1x10000xf32, #tpu.memory_space<hbm>>
      tpu.wait_dma2 semaphore(%arg22 : memref<!tpu.dma_semaphore, #tpu.memory_space<semaphore_mem>>) src(%arg6 : memref<1x10000xf32, #tpu.memory_space<vmem>>) dst(%dma_wait3A_183 : memref<1x10000xf32, #tpu.memory_space<hbm>>)
      %slice3A_184 = vector.extract_strided_slice %get3A_60 {offsets = [8], sizes = [1], strides = [1]} : vector<16xi32> to vector<1xi32>
      %squeeze3A_185 = vector.extract %slice3A_184[0] : i32 from vector<1xi32>
      %dma_start3A_186 = arith.constant 0 : i32
      %dma_start3A_187 = tpu.memref_slice %arg3[%squeeze3A_185, %dma_start3A_186] : memref<10000x10000xf32, #tpu.memory_space<hbm>> -> memref<1x10000xf32, #tpu.memory_space<hbm>>
      %dma_start3A_188 = arith.constant 0 : i32
      %dma_start3A_189 = tpu.memref_slice %arg3[%squeeze3A_185, %dma_start3A_188] : memref<10000x10000xf32, #tpu.memory_space<hbm>> -> memref<1x10000xf32, #tpu.memory_space<hbm>>
      tpu.enqueue_dma source(%dma_start3A_189 : memref<1x10000xf32, #tpu.memory_space<hbm>>) target(%arg6 : memref<1x10000xf32, #tpu.memory_space<vmem>>) target_semaphore(%arg14 : memref<!tpu.dma_semaphore, #tpu.memory_space<semaphore_mem>>)
      %dma_wait3A_190 = arith.constant 0 : i32
      %dma_wait3A_191 = tpu.memref_slice %arg4[%mul3A_2, %dma_wait3A_190] : memref<1024x10000xf32, #tpu.memory_space<hbm>> -> memref<1x10000xf32, #tpu.memory_space<hbm>>
      %dma_wait3A_192 = arith.constant 0 : i32
      %dma_wait3A_193 = tpu.memref_slice %arg4[%mul3A_2, %dma_wait3A_192] : memref<1024x10000xf32, #tpu.memory_space<hbm>> -> memref<1x10000xf32, #tpu.memory_space<hbm>>
      tpu.wait_dma2 semaphore(%arg23 : memref<!tpu.dma_semaphore, #tpu.memory_space<semaphore_mem>>) src(%arg7 : memref<1x10000xf32, #tpu.memory_space<vmem>>) dst(%dma_wait3A_193 : memref<1x10000xf32, #tpu.memory_space<hbm>>)
      %slice3A_194 = vector.extract_strided_slice %get3A_60 {offsets = [9], sizes = [1], strides = [1]} : vector<16xi32> to vector<1xi32>
      %squeeze3A_195 = vector.extract %slice3A_194[0] : i32 from vector<1xi32>
      %dma_start3A_196 = arith.constant 0 : i32
      %dma_start3A_197 = tpu.memref_slice %arg3[%squeeze3A_195, %dma_start3A_196] : memref<10000x10000xf32, #tpu.memory_space<hbm>> -> memref<1x10000xf32, #tpu.memory_space<hbm>>
      %dma_start3A_198 = arith.constant 0 : i32
      %dma_start3A_199 = tpu.memref_slice %arg3[%squeeze3A_195, %dma_start3A_198] : memref<10000x10000xf32, #tpu.memory_space<hbm>> -> memref<1x10000xf32, #tpu.memory_space<hbm>>
      tpu.enqueue_dma source(%dma_start3A_199 : memref<1x10000xf32, #tpu.memory_space<hbm>>) target(%arg7 : memref<1x10000xf32, #tpu.memory_space<vmem>>) target_semaphore(%arg15 : memref<!tpu.dma_semaphore, #tpu.memory_space<semaphore_mem>>)
      %dma_wait3A_200 = arith.constant 0 : i32
      %dma_wait3A_201 = tpu.memref_slice %arg4[%mul3A_2, %dma_wait3A_200] : memref<1024x10000xf32, #tpu.memory_space<hbm>> -> memref<1x10000xf32, #tpu.memory_space<hbm>>
      %dma_wait3A_202 = arith.constant 0 : i32
      %dma_wait3A_203 = tpu.memref_slice %arg4[%mul3A_2, %dma_wait3A_202] : memref<1024x10000xf32, #tpu.memory_space<hbm>> -> memref<1x10000xf32, #tpu.memory_space<hbm>>
      tpu.wait_dma2 semaphore(%arg24 : memref<!tpu.dma_semaphore, #tpu.memory_space<semaphore_mem>>) src(%arg8 : memref<1x10000xf32, #tpu.memory_space<vmem>>) dst(%dma_wait3A_203 : memref<1x10000xf32, #tpu.memory_space<hbm>>)
      %slice3A_204 = vector.extract_strided_slice %get3A_60 {offsets = [10], sizes = [1], strides = [1]} : vector<16xi32> to vector<1xi32>
      %squeeze3A_205 = vector.extract %slice3A_204[0] : i32 from vector<1xi32>
      %dma_start3A_206 = arith.constant 0 : i32
      %dma_start3A_207 = tpu.memref_slice %arg3[%squeeze3A_205, %dma_start3A_206] : memref<10000x10000xf32, #tpu.memory_space<hbm>> -> memref<1x10000xf32, #tpu.memory_space<hbm>>
      %dma_start3A_208 = arith.constant 0 : i32
      %dma_start3A_209 = tpu.memref_slice %arg3[%squeeze3A_205, %dma_start3A_208] : memref<10000x10000xf32, #tpu.memory_space<hbm>> -> memref<1x10000xf32, #tpu.memory_space<hbm>>
      tpu.enqueue_dma source(%dma_start3A_209 : memref<1x10000xf32, #tpu.memory_space<hbm>>) target(%arg8 : memref<1x10000xf32, #tpu.memory_space<vmem>>) target_semaphore(%arg16 : memref<!tpu.dma_semaphore, #tpu.memory_space<semaphore_mem>>)
      %dma_wait3A_210 = arith.constant 0 : i32
      %dma_wait3A_211 = tpu.memref_slice %arg4[%mul3A_2, %dma_wait3A_210] : memref<1024x10000xf32, #tpu.memory_space<hbm>> -> memref<1x10000xf32, #tpu.memory_space<hbm>>
      %dma_wait3A_212 = arith.constant 0 : i32
      %dma_wait3A_213 = tpu.memref_slice %arg4[%mul3A_2, %dma_wait3A_212] : memref<1024x10000xf32, #tpu.memory_space<hbm>> -> memref<1x10000xf32, #tpu.memory_space<hbm>>
      tpu.wait_dma2 semaphore(%arg25 : memref<!tpu.dma_semaphore, #tpu.memory_space<semaphore_mem>>) src(%arg9 : memref<1x10000xf32, #tpu.memory_space<vmem>>) dst(%dma_wait3A_213 : memref<1x10000xf32, #tpu.memory_space<hbm>>)
      %slice3A_214 = vector.extract_strided_slice %get3A_60 {offsets = [11], sizes = [1], strides = [1]} : vector<16xi32> to vector<1xi32>
      %squeeze3A_215 = vector.extract %slice3A_214[0] : i32 from vector<1xi32>
      %dma_start3A_216 = arith.constant 0 : i32
      %dma_start3A_217 = tpu.memref_slice %arg3[%squeeze3A_215, %dma_start3A_216] : memref<10000x10000xf32, #tpu.memory_space<hbm>> -> memref<1x10000xf32, #tpu.memory_space<hbm>>
      %dma_start3A_218 = arith.constant 0 : i32
      %dma_start3A_219 = tpu.memref_slice %arg3[%squeeze3A_215, %dma_start3A_218] : memref<10000x10000xf32, #tpu.memory_space<hbm>> -> memref<1x10000xf32, #tpu.memory_space<hbm>>
      tpu.enqueue_dma source(%dma_start3A_219 : memref<1x10000xf32, #tpu.memory_space<hbm>>) target(%arg9 : memref<1x10000xf32, #tpu.memory_space<vmem>>) target_semaphore(%arg17 : memref<!tpu.dma_semaphore, #tpu.memory_space<semaphore_mem>>)
      %dma_wait3A_220 = arith.constant 0 : i32
      %dma_wait3A_221 = tpu.memref_slice %arg4[%mul3A_2, %dma_wait3A_220] : memref<1024x10000xf32, #tpu.memory_space<hbm>> -> memref<1x10000xf32, #tpu.memory_space<hbm>>
      %dma_wait3A_222 = arith.constant 0 : i32
      %dma_wait3A_223 = tpu.memref_slice %arg4[%mul3A_2, %dma_wait3A_222] : memref<1024x10000xf32, #tpu.memory_space<hbm>> -> memref<1x10000xf32, #tpu.memory_space<hbm>>
      tpu.wait_dma2 semaphore(%arg26 : memref<!tpu.dma_semaphore, #tpu.memory_space<semaphore_mem>>) src(%arg10 : memref<1x10000xf32, #tpu.memory_space<vmem>>) dst(%dma_wait3A_223 : memref<1x10000xf32, #tpu.memory_space<hbm>>)
      %slice3A_224 = vector.extract_strided_slice %get3A_60 {offsets = [12], sizes = [1], strides = [1]} : vector<16xi32> to vector<1xi32>
      %squeeze3A_225 = vector.extract %slice3A_224[0] : i32 from vector<1xi32>
      %dma_start3A_226 = arith.constant 0 : i32
      %dma_start3A_227 = tpu.memref_slice %arg3[%squeeze3A_225, %dma_start3A_226] : memref<10000x10000xf32, #tpu.memory_space<hbm>> -> memref<1x10000xf32, #tpu.memory_space<hbm>>
      %dma_start3A_228 = arith.constant 0 : i32
      %dma_start3A_229 = tpu.memref_slice %arg3[%squeeze3A_225, %dma_start3A_228] : memref<10000x10000xf32, #tpu.memory_space<hbm>> -> memref<1x10000xf32, #tpu.memory_space<hbm>>
      tpu.enqueue_dma source(%dma_start3A_229 : memref<1x10000xf32, #tpu.memory_space<hbm>>) target(%arg10 : memref<1x10000xf32, #tpu.memory_space<vmem>>) target_semaphore(%arg18 : memref<!tpu.dma_semaphore, #tpu.memory_space<semaphore_mem>>)
      %dma_wait3A_230 = arith.constant 0 : i32
      %dma_wait3A_231 = tpu.memref_slice %arg4[%mul3A_2, %dma_wait3A_230] : memref<1024x10000xf32, #tpu.memory_space<hbm>> -> memref<1x10000xf32, #tpu.memory_space<hbm>>
      %dma_wait3A_232 = arith.constant 0 : i32
      %dma_wait3A_233 = tpu.memref_slice %arg4[%mul3A_2, %dma_wait3A_232] : memref<1024x10000xf32, #tpu.memory_space<hbm>> -> memref<1x10000xf32, #tpu.memory_space<hbm>>
      tpu.wait_dma2 semaphore(%arg27 : memref<!tpu.dma_semaphore, #tpu.memory_space<semaphore_mem>>) src(%arg11 : memref<1x10000xf32, #tpu.memory_space<vmem>>) dst(%dma_wait3A_233 : memref<1x10000xf32, #tpu.memory_space<hbm>>)
      %slice3A_234 = vector.extract_strided_slice %get3A_60 {offsets = [13], sizes = [1], strides = [1]} : vector<16xi32> to vector<1xi32>
      %squeeze3A_235 = vector.extract %slice3A_234[0] : i32 from vector<1xi32>
      %dma_start3A_236 = arith.constant 0 : i32
      %dma_start3A_237 = tpu.memref_slice %arg3[%squeeze3A_235, %dma_start3A_236] : memref<10000x10000xf32, #tpu.memory_space<hbm>> -> memref<1x10000xf32, #tpu.memory_space<hbm>>
      %dma_start3A_238 = arith.constant 0 : i32
      %dma_start3A_239 = tpu.memref_slice %arg3[%squeeze3A_235, %dma_start3A_238] : memref<10000x10000xf32, #tpu.memory_space<hbm>> -> memref<1x10000xf32, #tpu.memory_space<hbm>>
      tpu.enqueue_dma source(%dma_start3A_239 : memref<1x10000xf32, #tpu.memory_space<hbm>>) target(%arg11 : memref<1x10000xf32, #tpu.memory_space<vmem>>) target_semaphore(%arg19 : memref<!tpu.dma_semaphore, #tpu.memory_space<semaphore_mem>>)
      %dma_wait3A_240 = arith.constant 0 : i32
      %dma_wait3A_241 = tpu.memref_slice %arg4[%mul3A_2, %dma_wait3A_240] : memref<1024x10000xf32, #tpu.memory_space<hbm>> -> memref<1x10000xf32, #tpu.memory_space<hbm>>
      %dma_wait3A_242 = arith.constant 0 : i32
      %dma_wait3A_243 = tpu.memref_slice %arg4[%mul3A_2, %dma_wait3A_242] : memref<1024x10000xf32, #tpu.memory_space<hbm>> -> memref<1x10000xf32, #tpu.memory_space<hbm>>
      tpu.wait_dma2 semaphore(%arg28 : memref<!tpu.dma_semaphore, #tpu.memory_space<semaphore_mem>>) src(%arg12 : memref<1x10000xf32, #tpu.memory_space<vmem>>) dst(%dma_wait3A_243 : memref<1x10000xf32, #tpu.memory_space<hbm>>)
      %slice3A_244 = vector.extract_strided_slice %get3A_60 {offsets = [14], sizes = [1], strides = [1]} : vector<16xi32> to vector<1xi32>
      %squeeze3A_245 = vector.extract %slice3A_244[0] : i32 from vector<1xi32>
      %dma_start3A_246 = arith.constant 0 : i32
      %dma_start3A_247 = tpu.memref_slice %arg3[%squeeze3A_245, %dma_start3A_246] : memref<10000x10000xf32, #tpu.memory_space<hbm>> -> memref<1x10000xf32, #tpu.memory_space<hbm>>
      %dma_start3A_248 = arith.constant 0 : i32
      %dma_start3A_249 = tpu.memref_slice %arg3[%squeeze3A_245, %dma_start3A_248] : memref<10000x10000xf32, #tpu.memory_space<hbm>> -> memref<1x10000xf32, #tpu.memory_space<hbm>>
      tpu.enqueue_dma source(%dma_start3A_249 : memref<1x10000xf32, #tpu.memory_space<hbm>>) target(%arg12 : memref<1x10000xf32, #tpu.memory_space<vmem>>) target_semaphore(%arg20 : memref<!tpu.dma_semaphore, #tpu.memory_space<semaphore_mem>>)
      %dma_wait3A_250 = arith.constant 0 : i32
      %dma_wait3A_251 = tpu.memref_slice %arg4[%mul3A_2, %dma_wait3A_250] : memref<1024x10000xf32, #tpu.memory_space<hbm>> -> memref<1x10000xf32, #tpu.memory_space<hbm>>
      %dma_wait3A_252 = arith.constant 0 : i32
      %dma_wait3A_253 = tpu.memref_slice %arg4[%mul3A_2, %dma_wait3A_252] : memref<1024x10000xf32, #tpu.memory_space<hbm>> -> memref<1x10000xf32, #tpu.memory_space<hbm>>
      tpu.wait_dma2 semaphore(%arg29 : memref<!tpu.dma_semaphore, #tpu.memory_space<semaphore_mem>>) src(%arg13 : memref<1x10000xf32, #tpu.memory_space<vmem>>) dst(%dma_wait3A_253 : memref<1x10000xf32, #tpu.memory_space<hbm>>)
      %slice3A_254 = vector.extract_strided_slice %get3A_60 {offsets = [15], sizes = [1], strides = [1]} : vector<16xi32> to vector<1xi32>
      %squeeze3A_255 = vector.extract %slice3A_254[0] : i32 from vector<1xi32>
      %dma_start3A_256 = arith.constant 0 : i32
      %dma_start3A_257 = tpu.memref_slice %arg3[%squeeze3A_255, %dma_start3A_256] : memref<10000x10000xf32, #tpu.memory_space<hbm>> -> memref<1x10000xf32, #tpu.memory_space<hbm>>
      %dma_start3A_258 = arith.constant 0 : i32
      %dma_start3A_259 = tpu.memref_slice %arg3[%squeeze3A_255, %dma_start3A_258] : memref<10000x10000xf32, #tpu.memory_space<hbm>> -> memref<1x10000xf32, #tpu.memory_space<hbm>>
      tpu.enqueue_dma source(%dma_start3A_259 : memref<1x10000xf32, #tpu.memory_space<hbm>>) target(%arg13 : memref<1x10000xf32, #tpu.memory_space<vmem>>) target_semaphore(%arg21 : memref<!tpu.dma_semaphore, #tpu.memory_space<semaphore_mem>>)
      %dma_wait3A_260 = arith.constant 0 : i32
      %dma_wait3A_261 = arith.constant 0 : i32
      %dma_wait3A_262 = tpu.memref_slice %arg3[%dma_wait3A_260, %dma_wait3A_261] : memref<10000x10000xf32, #tpu.memory_space<hbm>> -> memref<1x10000xf32, #tpu.memory_space<hbm>>
      %dma_wait3A_263 = arith.constant 0 : i32
      %dma_wait3A_264 = arith.constant 0 : i32
      %dma_wait3A_265 = tpu.memref_slice %arg3[%dma_wait3A_263, %dma_wait3A_264] : memref<10000x10000xf32, #tpu.memory_space<hbm>> -> memref<1x10000xf32, #tpu.memory_space<hbm>>
      tpu.wait_dma2 semaphore(%arg14 : memref<!tpu.dma_semaphore, #tpu.memory_space<semaphore_mem>>) src(%dma_wait3A_265 : memref<1x10000xf32, #tpu.memory_space<hbm>>) dst(%arg6 : memref<1x10000xf32, #tpu.memory_space<vmem>>)
      %mul3A_266 = arith.constant 16 : i32
      %mul3A_267 = arith.muli %scan3A_55, %mul3A_266 : i32
      %add3A_268 = arith.addi %mul3A_2, %mul3A_267 : i32
      %add3A_269 = arith.constant 8 : i32
      %add3A_270 = arith.addi %add3A_268, %add3A_269 : i32
      %add3A_271 = arith.constant 0 : i32
      %add3A_272 = arith.addi %add3A_270, %add3A_271 : i32
      %dma_start3A_273 = arith.constant 0 : i32
      %dma_start3A_274 = tpu.memref_slice %arg4[%add3A_272, %dma_start3A_273] : memref<1024x10000xf32, #tpu.memory_space<hbm>> -> memref<1x10000xf32, #tpu.memory_space<hbm>>
      %dma_start3A_275 = arith.constant 0 : i32
      %dma_start3A_276 = tpu.memref_slice %arg4[%add3A_272, %dma_start3A_275] : memref<1024x10000xf32, #tpu.memory_space<hbm>> -> memref<1x10000xf32, #tpu.memory_space<hbm>>
      tpu.enqueue_dma source(%arg6 : memref<1x10000xf32, #tpu.memory_space<vmem>>) target(%dma_start3A_276 : memref<1x10000xf32, #tpu.memory_space<hbm>>) target_semaphore(%arg22 : memref<!tpu.dma_semaphore, #tpu.memory_space<semaphore_mem>>)
      %dma_wait3A_277 = arith.constant 0 : i32
      %dma_wait3A_278 = arith.constant 0 : i32
      %dma_wait3A_279 = tpu.memref_slice %arg3[%dma_wait3A_277, %dma_wait3A_278] : memref<10000x10000xf32, #tpu.memory_space<hbm>> -> memref<1x10000xf32, #tpu.memory_space<hbm>>
      %dma_wait3A_280 = arith.constant 0 : i32
      %dma_wait3A_281 = arith.constant 0 : i32
      %dma_wait3A_282 = tpu.memref_slice %arg3[%dma_wait3A_280, %dma_wait3A_281] : memref<10000x10000xf32, #tpu.memory_space<hbm>> -> memref<1x10000xf32, #tpu.memory_space<hbm>>
      tpu.wait_dma2 semaphore(%arg15 : memref<!tpu.dma_semaphore, #tpu.memory_space<semaphore_mem>>) src(%dma_wait3A_282 : memref<1x10000xf32, #tpu.memory_space<hbm>>) dst(%arg7 : memref<1x10000xf32, #tpu.memory_space<vmem>>)
      %mul3A_283 = arith.constant 16 : i32
      %mul3A_284 = arith.muli %scan3A_55, %mul3A_283 : i32
      %add3A_285 = arith.addi %mul3A_2, %mul3A_284 : i32
      %add3A_286 = arith.constant 8 : i32
      %add3A_287 = arith.addi %add3A_285, %add3A_286 : i32
      %add3A_288 = arith.constant 1 : i32
      %add3A_289 = arith.addi %add3A_287, %add3A_288 : i32
      %dma_start3A_290 = arith.constant 0 : i32
      %dma_start3A_291 = tpu.memref_slice %arg4[%add3A_289, %dma_start3A_290] : memref<1024x10000xf32, #tpu.memory_space<hbm>> -> memref<1x10000xf32, #tpu.memory_space<hbm>>
      %dma_start3A_292 = arith.constant 0 : i32
      %dma_start3A_293 = tpu.memref_slice %arg4[%add3A_289, %dma_start3A_292] : memref<1024x10000xf32, #tpu.memory_space<hbm>> -> memref<1x10000xf32, #tpu.memory_space<hbm>>
      tpu.enqueue_dma source(%arg7 : memref<1x10000xf32, #tpu.memory_space<vmem>>) target(%dma_start3A_293 : memref<1x10000xf32, #tpu.memory_space<hbm>>) target_semaphore(%arg23 : memref<!tpu.dma_semaphore, #tpu.memory_space<semaphore_mem>>)
      %dma_wait3A_294 = arith.constant 0 : i32
      %dma_wait3A_295 = arith.constant 0 : i32
      %dma_wait3A_296 = tpu.memref_slice %arg3[%dma_wait3A_294, %dma_wait3A_295] : memref<10000x10000xf32, #tpu.memory_space<hbm>> -> memref<1x10000xf32, #tpu.memory_space<hbm>>
      %dma_wait3A_297 = arith.constant 0 : i32
      %dma_wait3A_298 = arith.constant 0 : i32
      %dma_wait3A_299 = tpu.memref_slice %arg3[%dma_wait3A_297, %dma_wait3A_298] : memref<10000x10000xf32, #tpu.memory_space<hbm>> -> memref<1x10000xf32, #tpu.memory_space<hbm>>
      tpu.wait_dma2 semaphore(%arg16 : memref<!tpu.dma_semaphore, #tpu.memory_space<semaphore_mem>>) src(%dma_wait3A_299 : memref<1x10000xf32, #tpu.memory_space<hbm>>) dst(%arg8 : memref<1x10000xf32, #tpu.memory_space<vmem>>)
      %mul3A_300 = arith.constant 16 : i32
      %mul3A_301 = arith.muli %scan3A_55, %mul3A_300 : i32
      %add3A_302 = arith.addi %mul3A_2, %mul3A_301 : i32
      %add3A_303 = arith.constant 8 : i32
      %add3A_304 = arith.addi %add3A_302, %add3A_303 : i32
      %add3A_305 = arith.constant 2 : i32
      %add3A_306 = arith.addi %add3A_304, %add3A_305 : i32
      %dma_start3A_307 = arith.constant 0 : i32
      %dma_start3A_308 = tpu.memref_slice %arg4[%add3A_306, %dma_start3A_307] : memref<1024x10000xf32, #tpu.memory_space<hbm>> -> memref<1x10000xf32, #tpu.memory_space<hbm>>
      %dma_start3A_309 = arith.constant 0 : i32
      %dma_start3A_310 = tpu.memref_slice %arg4[%add3A_306, %dma_start3A_309] : memref<1024x10000xf32, #tpu.memory_space<hbm>> -> memref<1x10000xf32, #tpu.memory_space<hbm>>
      tpu.enqueue_dma source(%arg8 : memref<1x10000xf32, #tpu.memory_space<vmem>>) target(%dma_start3A_310 : memref<1x10000xf32, #tpu.memory_space<hbm>>) target_semaphore(%arg24 : memref<!tpu.dma_semaphore, #tpu.memory_space<semaphore_mem>>)
      %dma_wait3A_311 = arith.constant 0 : i32
      %dma_wait3A_312 = arith.constant 0 : i32
      %dma_wait3A_313 = tpu.memref_slice %arg3[%dma_wait3A_311, %dma_wait3A_312] : memref<10000x10000xf32, #tpu.memory_space<hbm>> -> memref<1x10000xf32, #tpu.memory_space<hbm>>
      %dma_wait3A_314 = arith.constant 0 : i32
      %dma_wait3A_315 = arith.constant 0 : i32
      %dma_wait3A_316 = tpu.memref_slice %arg3[%dma_wait3A_314, %dma_wait3A_315] : memref<10000x10000xf32, #tpu.memory_space<hbm>> -> memref<1x10000xf32, #tpu.memory_space<hbm>>
      tpu.wait_dma2 semaphore(%arg17 : memref<!tpu.dma_semaphore, #tpu.memory_space<semaphore_mem>>) src(%dma_wait3A_316 : memref<1x10000xf32, #tpu.memory_space<hbm>>) dst(%arg9 : memref<1x10000xf32, #tpu.memory_space<vmem>>)
      %mul3A_317 = arith.constant 16 : i32
      %mul3A_318 = arith.muli %scan3A_55, %mul3A_317 : i32
      %add3A_319 = arith.addi %mul3A_2, %mul3A_318 : i32
      %add3A_320 = arith.constant 8 : i32
      %add3A_321 = arith.addi %add3A_319, %add3A_320 : i32
      %add3A_322 = arith.constant 3 : i32
      %add3A_323 = arith.addi %add3A_321, %add3A_322 : i32
      %dma_start3A_324 = arith.constant 0 : i32
      %dma_start3A_325 = tpu.memref_slice %arg4[%add3A_323, %dma_start3A_324] : memref<1024x10000xf32, #tpu.memory_space<hbm>> -> memref<1x10000xf32, #tpu.memory_space<hbm>>
      %dma_start3A_326 = arith.constant 0 : i32
      %dma_start3A_327 = tpu.memref_slice %arg4[%add3A_323, %dma_start3A_326] : memref<1024x10000xf32, #tpu.memory_space<hbm>> -> memref<1x10000xf32, #tpu.memory_space<hbm>>
      tpu.enqueue_dma source(%arg9 : memref<1x10000xf32, #tpu.memory_space<vmem>>) target(%dma_start3A_327 : memref<1x10000xf32, #tpu.memory_space<hbm>>) target_semaphore(%arg25 : memref<!tpu.dma_semaphore, #tpu.memory_space<semaphore_mem>>)
      %dma_wait3A_328 = arith.constant 0 : i32
      %dma_wait3A_329 = arith.constant 0 : i32
      %dma_wait3A_330 = tpu.memref_slice %arg3[%dma_wait3A_328, %dma_wait3A_329] : memref<10000x10000xf32, #tpu.memory_space<hbm>> -> memref<1x10000xf32, #tpu.memory_space<hbm>>
      %dma_wait3A_331 = arith.constant 0 : i32
      %dma_wait3A_332 = arith.constant 0 : i32
      %dma_wait3A_333 = tpu.memref_slice %arg3[%dma_wait3A_331, %dma_wait3A_332] : memref<10000x10000xf32, #tpu.memory_space<hbm>> -> memref<1x10000xf32, #tpu.memory_space<hbm>>
      tpu.wait_dma2 semaphore(%arg18 : memref<!tpu.dma_semaphore, #tpu.memory_space<semaphore_mem>>) src(%dma_wait3A_333 : memref<1x10000xf32, #tpu.memory_space<hbm>>) dst(%arg10 : memref<1x10000xf32, #tpu.memory_space<vmem>>)
      %mul3A_334 = arith.constant 16 : i32
      %mul3A_335 = arith.muli %scan3A_55, %mul3A_334 : i32
      %add3A_336 = arith.addi %mul3A_2, %mul3A_335 : i32
      %add3A_337 = arith.constant 8 : i32
      %add3A_338 = arith.addi %add3A_336, %add3A_337 : i32
      %add3A_339 = arith.constant 4 : i32
      %add3A_340 = arith.addi %add3A_338, %add3A_339 : i32
      %dma_start3A_341 = arith.constant 0 : i32
      %dma_start3A_342 = tpu.memref_slice %arg4[%add3A_340, %dma_start3A_341] : memref<1024x10000xf32, #tpu.memory_space<hbm>> -> memref<1x10000xf32, #tpu.memory_space<hbm>>
      %dma_start3A_343 = arith.constant 0 : i32
      %dma_start3A_344 = tpu.memref_slice %arg4[%add3A_340, %dma_start3A_343] : memref<1024x10000xf32, #tpu.memory_space<hbm>> -> memref<1x10000xf32, #tpu.memory_space<hbm>>
      tpu.enqueue_dma source(%arg10 : memref<1x10000xf32, #tpu.memory_space<vmem>>) target(%dma_start3A_344 : memref<1x10000xf32, #tpu.memory_space<hbm>>) target_semaphore(%arg26 : memref<!tpu.dma_semaphore, #tpu.memory_space<semaphore_mem>>)
      %dma_wait3A_345 = arith.constant 0 : i32
      %dma_wait3A_346 = arith.constant 0 : i32
      %dma_wait3A_347 = tpu.memref_slice %arg3[%dma_wait3A_345, %dma_wait3A_346] : memref<10000x10000xf32, #tpu.memory_space<hbm>> -> memref<1x10000xf32, #tpu.memory_space<hbm>>
      %dma_wait3A_348 = arith.constant 0 : i32
      %dma_wait3A_349 = arith.constant 0 : i32
      %dma_wait3A_350 = tpu.memref_slice %arg3[%dma_wait3A_348, %dma_wait3A_349] : memref<10000x10000xf32, #tpu.memory_space<hbm>> -> memref<1x10000xf32, #tpu.memory_space<hbm>>
      tpu.wait_dma2 semaphore(%arg19 : memref<!tpu.dma_semaphore, #tpu.memory_space<semaphore_mem>>) src(%dma_wait3A_350 : memref<1x10000xf32, #tpu.memory_space<hbm>>) dst(%arg11 : memref<1x10000xf32, #tpu.memory_space<vmem>>)
      %mul3A_351 = arith.constant 16 : i32
      %mul3A_352 = arith.muli %scan3A_55, %mul3A_351 : i32
      %add3A_353 = arith.addi %mul3A_2, %mul3A_352 : i32
      %add3A_354 = arith.constant 8 : i32
      %add3A_355 = arith.addi %add3A_353, %add3A_354 : i32
      %add3A_356 = arith.constant 5 : i32
      %add3A_357 = arith.addi %add3A_355, %add3A_356 : i32
      %dma_start3A_358 = arith.constant 0 : i32
      %dma_start3A_359 = tpu.memref_slice %arg4[%add3A_357, %dma_start3A_358] : memref<1024x10000xf32, #tpu.memory_space<hbm>> -> memref<1x10000xf32, #tpu.memory_space<hbm>>
      %dma_start3A_360 = arith.constant 0 : i32
      %dma_start3A_361 = tpu.memref_slice %arg4[%add3A_357, %dma_start3A_360] : memref<1024x10000xf32, #tpu.memory_space<hbm>> -> memref<1x10000xf32, #tpu.memory_space<hbm>>
      tpu.enqueue_dma source(%arg11 : memref<1x10000xf32, #tpu.memory_space<vmem>>) target(%dma_start3A_361 : memref<1x10000xf32, #tpu.memory_space<hbm>>) target_semaphore(%arg27 : memref<!tpu.dma_semaphore, #tpu.memory_space<semaphore_mem>>)
      %dma_wait3A_362 = arith.constant 0 : i32
      %dma_wait3A_363 = arith.constant 0 : i32
      %dma_wait3A_364 = tpu.memref_slice %arg3[%dma_wait3A_362, %dma_wait3A_363] : memref<10000x10000xf32, #tpu.memory_space<hbm>> -> memref<1x10000xf32, #tpu.memory_space<hbm>>
      %dma_wait3A_365 = arith.constant 0 : i32
      %dma_wait3A_366 = arith.constant 0 : i32
      %dma_wait3A_367 = tpu.memref_slice %arg3[%dma_wait3A_365, %dma_wait3A_366] : memref<10000x10000xf32, #tpu.memory_space<hbm>> -> memref<1x10000xf32, #tpu.memory_space<hbm>>
      tpu.wait_dma2 semaphore(%arg20 : memref<!tpu.dma_semaphore, #tpu.memory_space<semaphore_mem>>) src(%dma_wait3A_367 : memref<1x10000xf32, #tpu.memory_space<hbm>>) dst(%arg12 : memref<1x10000xf32, #tpu.memory_space<vmem>>)
      %mul3A_368 = arith.constant 16 : i32
      %mul3A_369 = arith.muli %scan3A_55, %mul3A_368 : i32
      %add3A_370 = arith.addi %mul3A_2, %mul3A_369 : i32
      %add3A_371 = arith.constant 8 : i32
      %add3A_372 = arith.addi %add3A_370, %add3A_371 : i32
      %add3A_373 = arith.constant 6 : i32
      %add3A_374 = arith.addi %add3A_372, %add3A_373 : i32
      %dma_start3A_375 = arith.constant 0 : i32
      %dma_start3A_376 = tpu.memref_slice %arg4[%add3A_374, %dma_start3A_375] : memref<1024x10000xf32, #tpu.memory_space<hbm>> -> memref<1x10000xf32, #tpu.memory_space<hbm>>
      %dma_start3A_377 = arith.constant 0 : i32
      %dma_start3A_378 = tpu.memref_slice %arg4[%add3A_374, %dma_start3A_377] : memref<1024x10000xf32, #tpu.memory_space<hbm>> -> memref<1x10000xf32, #tpu.memory_space<hbm>>
      tpu.enqueue_dma source(%arg12 : memref<1x10000xf32, #tpu.memory_space<vmem>>) target(%dma_start3A_378 : memref<1x10000xf32, #tpu.memory_space<hbm>>) target_semaphore(%arg28 : memref<!tpu.dma_semaphore, #tpu.memory_space<semaphore_mem>>)
      %dma_wait3A_379 = arith.constant 0 : i32
      %dma_wait3A_380 = arith.constant 0 : i32
      %dma_wait3A_381 = tpu.memref_slice %arg3[%dma_wait3A_379, %dma_wait3A_380] : memref<10000x10000xf32, #tpu.memory_space<hbm>> -> memref<1x10000xf32, #tpu.memory_space<hbm>>
      %dma_wait3A_382 = arith.constant 0 : i32
      %dma_wait3A_383 = arith.constant 0 : i32
      %dma_wait3A_384 = tpu.memref_slice %arg3[%dma_wait3A_382, %dma_wait3A_383] : memref<10000x10000xf32, #tpu.memory_space<hbm>> -> memref<1x10000xf32, #tpu.memory_space<hbm>>
      tpu.wait_dma2 semaphore(%arg21 : memref<!tpu.dma_semaphore, #tpu.memory_space<semaphore_mem>>) src(%dma_wait3A_384 : memref<1x10000xf32, #tpu.memory_space<hbm>>) dst(%arg13 : memref<1x10000xf32, #tpu.memory_space<vmem>>)
      %mul3A_385 = arith.constant 16 : i32
      %mul3A_386 = arith.muli %scan3A_55, %mul3A_385 : i32
      %add3A_387 = arith.addi %mul3A_2, %mul3A_386 : i32
      %add3A_388 = arith.constant 8 : i32
      %add3A_389 = arith.addi %add3A_387, %add3A_388 : i32
      %add3A_390 = arith.constant 7 : i32
      %add3A_391 = arith.addi %add3A_389, %add3A_390 : i32
      %dma_start3A_392 = arith.constant 0 : i32
      %dma_start3A_393 = tpu.memref_slice %arg4[%add3A_391, %dma_start3A_392] : memref<1024x10000xf32, #tpu.memory_space<hbm>> -> memref<1x10000xf32, #tpu.memory_space<hbm>>
      %dma_start3A_394 = arith.constant 0 : i32
      %dma_start3A_395 = tpu.memref_slice %arg4[%add3A_391, %dma_start3A_394] : memref<1024x10000xf32, #tpu.memory_space<hbm>> -> memref<1x10000xf32, #tpu.memory_space<hbm>>
      tpu.enqueue_dma source(%arg13 : memref<1x10000xf32, #tpu.memory_space<vmem>>) target(%dma_start3A_395 : memref<1x10000xf32, #tpu.memory_space<hbm>>) target_semaphore(%arg29 : memref<!tpu.dma_semaphore, #tpu.memory_space<semaphore_mem>>)
      %mul3A_396 = arith.constant 16 : i32
      %mul3A_397 = arith.muli %scan3A_55, %mul3A_396 : i32
      %add3A_398 = arith.constant 16 : i32
      %add3A_399 = arith.addi %mul3A_397, %add3A_398 : i32
      %multiple_of3A_400 = tpu.assume_multiple %add3A_399, 8 : i32
      %get3A_401 = arith.index_cast %multiple_of3A_400 : i32 to index
      %get3A_402 = tpu.vector_load %arg5[%get3A_401] {strides = array<i32>} : memref<48xi32, #tpu.memory_space<vmem>>, vector<16xi32>,
      %get3A_403 = vector.shape_cast %get3A_402 : vector<16xi32> to vector<16xi32>
      %dma_wait3A_404 = arith.constant 0 : i32
      %dma_wait3A_405 = tpu.memref_slice %arg4[%mul3A_2, %dma_wait3A_404] : memref<1024x10000xf32, #tpu.memory_space<hbm>> -> memref<1x10000xf32, #tpu.memory_space<hbm>>
      %dma_wait3A_406 = arith.constant 0 : i32
      %dma_wait3A_407 = tpu.memref_slice %arg4[%mul3A_2, %dma_wait3A_406] : memref<1024x10000xf32, #tpu.memory_space<hbm>> -> memref<1x10000xf32, #tpu.memory_space<hbm>>
      tpu.wait_dma2 semaphore(%arg22 : memref<!tpu.dma_semaphore, #tpu.memory_space<semaphore_mem>>) src(%arg6 : memref<1x10000xf32, #tpu.memory_space<vmem>>) dst(%dma_wait3A_407 : memref<1x10000xf32, #tpu.memory_space<hbm>>)
      %mul3A_408 = arith.constant 16 : i32
      %mul3A_409 = arith.muli %scan3A_55, %mul3A_408 : i32
      %add3A_410 = arith.constant 16 : i32
      %add3A_411 = arith.addi %mul3A_409, %add3A_410 : i32
      %add3A_412 = arith.constant 0 : i32
      %add3A_413 = arith.addi %add3A_411, %add3A_412 : i32
      %lt3A = arith.constant 32 : i32
      %lt3A_414 = arith.cmpi slt, %add3A_413, %lt3A : i32
      %convert_element_type3A = arith.extui %lt3A_414 : i1 to i32
      %cond3A = arith.constant 0 : i32
      %cond3A_415 = arith.cmpi ne, %convert_element_type3A, %cond3A : i32
      scf.if %cond3A_415 {
        %slice3A_521 = vector.extract_strided_slice %get3A_403 {offsets = [0], sizes = [1], strides = [1]} : vector<16xi32> to vector<1xi32>
        %squeeze3A_522 = vector.extract %slice3A_521[0] : i32 from vector<1xi32>
        %dma_start3A_523 = arith.constant 0 : i32
        %dma_start3A_524 = tpu.memref_slice %arg3[%squeeze3A_522, %dma_start3A_523] : memref<10000x10000xf32, #tpu.memory_space<hbm>> -> memref<1x10000xf32, #tpu.memory_space<hbm>>
        %dma_start3A_525 = arith.constant 0 : i32
        %dma_start3A_526 = tpu.memref_slice %arg3[%squeeze3A_522, %dma_start3A_525] : memref<10000x10000xf32, #tpu.memory_space<hbm>> -> memref<1x10000xf32, #tpu.memory_space<hbm>>
        tpu.enqueue_dma source(%dma_start3A_526 : memref<1x10000xf32, #tpu.memory_space<hbm>>) target(%arg6 : memref<1x10000xf32, #tpu.memory_space<vmem>>) target_semaphore(%arg14 : memref<!tpu.dma_semaphore, #tpu.memory_space<semaphore_mem>>)
      } else {
      }
      %dma_wait3A_416 = arith.constant 0 : i32
      %dma_wait3A_417 = tpu.memref_slice %arg4[%mul3A_2, %dma_wait3A_416] : memref<1024x10000xf32, #tpu.memory_space<hbm>> -> memref<1x10000xf32, #tpu.memory_space<hbm>>
      %dma_wait3A_418 = arith.constant 0 : i32
      %dma_wait3A_419 = tpu.memref_slice %arg4[%mul3A_2, %dma_wait3A_418] : memref<1024x10000xf32, #tpu.memory_space<hbm>> -> memref<1x10000xf32, #tpu.memory_space<hbm>>
      tpu.wait_dma2 semaphore(%arg23 : memref<!tpu.dma_semaphore, #tpu.memory_space<semaphore_mem>>) src(%arg7 : memref<1x10000xf32, #tpu.memory_space<vmem>>) dst(%dma_wait3A_419 : memref<1x10000xf32, #tpu.memory_space<hbm>>)
      %mul3A_420 = arith.constant 16 : i32
      %mul3A_421 = arith.muli %scan3A_55, %mul3A_420 : i32
      %add3A_422 = arith.constant 16 : i32
      %add3A_423 = arith.addi %mul3A_421, %add3A_422 : i32
      %add3A_424 = arith.constant 1 : i32
      %add3A_425 = arith.addi %add3A_423, %add3A_424 : i32
      %lt3A_426 = arith.constant 32 : i32
      %lt3A_427 = arith.cmpi slt, %add3A_425, %lt3A_426 : i32
      %convert_element_type3A_428 = arith.extui %lt3A_427 : i1 to i32
      %cond3A_429 = arith.constant 0 : i32
      %cond3A_430 = arith.cmpi ne, %convert_element_type3A_428, %cond3A_429 : i32
      scf.if %cond3A_430 {
        %slice3A_521 = vector.extract_strided_slice %get3A_403 {offsets = [1], sizes = [1], strides = [1]} : vector<16xi32> to vector<1xi32>
        %squeeze3A_522 = vector.extract %slice3A_521[0] : i32 from vector<1xi32>
        %dma_start3A_523 = arith.constant 0 : i32
        %dma_start3A_524 = tpu.memref_slice %arg3[%squeeze3A_522, %dma_start3A_523] : memref<10000x10000xf32, #tpu.memory_space<hbm>> -> memref<1x10000xf32, #tpu.memory_space<hbm>>
        %dma_start3A_525 = arith.constant 0 : i32
        %dma_start3A_526 = tpu.memref_slice %arg3[%squeeze3A_522, %dma_start3A_525] : memref<10000x10000xf32, #tpu.memory_space<hbm>> -> memref<1x10000xf32, #tpu.memory_space<hbm>>
        tpu.enqueue_dma source(%dma_start3A_526 : memref<1x10000xf32, #tpu.memory_space<hbm>>) target(%arg7 : memref<1x10000xf32, #tpu.memory_space<vmem>>) target_semaphore(%arg15 : memref<!tpu.dma_semaphore, #tpu.memory_space<semaphore_mem>>)
      } else {
      }
      %dma_wait3A_431 = arith.constant 0 : i32
      %dma_wait3A_432 = tpu.memref_slice %arg4[%mul3A_2, %dma_wait3A_431] : memref<1024x10000xf32, #tpu.memory_space<hbm>> -> memref<1x10000xf32, #tpu.memory_space<hbm>>
      %dma_wait3A_433 = arith.constant 0 : i32
      %dma_wait3A_434 = tpu.memref_slice %arg4[%mul3A_2, %dma_wait3A_433] : memref<1024x10000xf32, #tpu.memory_space<hbm>> -> memref<1x10000xf32, #tpu.memory_space<hbm>>
      tpu.wait_dma2 semaphore(%arg24 : memref<!tpu.dma_semaphore, #tpu.memory_space<semaphore_mem>>) src(%arg8 : memref<1x10000xf32, #tpu.memory_space<vmem>>) dst(%dma_wait3A_434 : memref<1x10000xf32, #tpu.memory_space<hbm>>)
      %mul3A_435 = arith.constant 16 : i32
      %mul3A_436 = arith.muli %scan3A_55, %mul3A_435 : i32
      %add3A_437 = arith.constant 16 : i32
      %add3A_438 = arith.addi %mul3A_436, %add3A_437 : i32
      %add3A_439 = arith.constant 2 : i32
      %add3A_440 = arith.addi %add3A_438, %add3A_439 : i32
      %lt3A_441 = arith.constant 32 : i32
      %lt3A_442 = arith.cmpi slt, %add3A_440, %lt3A_441 : i32
      %convert_element_type3A_443 = arith.extui %lt3A_442 : i1 to i32
      %cond3A_444 = arith.constant 0 : i32
      %cond3A_445 = arith.cmpi ne, %convert_element_type3A_443, %cond3A_444 : i32
      scf.if %cond3A_445 {
        %slice3A_521 = vector.extract_strided_slice %get3A_403 {offsets = [2], sizes = [1], strides = [1]} : vector<16xi32> to vector<1xi32>
        %squeeze3A_522 = vector.extract %slice3A_521[0] : i32 from vector<1xi32>
        %dma_start3A_523 = arith.constant 0 : i32
        %dma_start3A_524 = tpu.memref_slice %arg3[%squeeze3A_522, %dma_start3A_523] : memref<10000x10000xf32, #tpu.memory_space<hbm>> -> memref<1x10000xf32, #tpu.memory_space<hbm>>
        %dma_start3A_525 = arith.constant 0 : i32
        %dma_start3A_526 = tpu.memref_slice %arg3[%squeeze3A_522, %dma_start3A_525] : memref<10000x10000xf32, #tpu.memory_space<hbm>> -> memref<1x10000xf32, #tpu.memory_space<hbm>>
        tpu.enqueue_dma source(%dma_start3A_526 : memref<1x10000xf32, #tpu.memory_space<hbm>>) target(%arg8 : memref<1x10000xf32, #tpu.memory_space<vmem>>) target_semaphore(%arg16 : memref<!tpu.dma_semaphore, #tpu.memory_space<semaphore_mem>>)
      } else {
      }
      %dma_wait3A_446 = arith.constant 0 : i32
      %dma_wait3A_447 = tpu.memref_slice %arg4[%mul3A_2, %dma_wait3A_446] : memref<1024x10000xf32, #tpu.memory_space<hbm>> -> memref<1x10000xf32, #tpu.memory_space<hbm>>
      %dma_wait3A_448 = arith.constant 0 : i32
      %dma_wait3A_449 = tpu.memref_slice %arg4[%mul3A_2, %dma_wait3A_448] : memref<1024x10000xf32, #tpu.memory_space<hbm>> -> memref<1x10000xf32, #tpu.memory_space<hbm>>
      tpu.wait_dma2 semaphore(%arg25 : memref<!tpu.dma_semaphore, #tpu.memory_space<semaphore_mem>>) src(%arg9 : memref<1x10000xf32, #tpu.memory_space<vmem>>) dst(%dma_wait3A_449 : memref<1x10000xf32, #tpu.memory_space<hbm>>)
      %mul3A_450 = arith.constant 16 : i32
      %mul3A_451 = arith.muli %scan3A_55, %mul3A_450 : i32
      %add3A_452 = arith.constant 16 : i32
      %add3A_453 = arith.addi %mul3A_451, %add3A_452 : i32
      %add3A_454 = arith.constant 3 : i32
      %add3A_455 = arith.addi %add3A_453, %add3A_454 : i32
      %lt3A_456 = arith.constant 32 : i32
      %lt3A_457 = arith.cmpi slt, %add3A_455, %lt3A_456 : i32
      %convert_element_type3A_458 = arith.extui %lt3A_457 : i1 to i32
      %cond3A_459 = arith.constant 0 : i32
      %cond3A_460 = arith.cmpi ne, %convert_element_type3A_458, %cond3A_459 : i32
      scf.if %cond3A_460 {
        %slice3A_521 = vector.extract_strided_slice %get3A_403 {offsets = [3], sizes = [1], strides = [1]} : vector<16xi32> to vector<1xi32>
        %squeeze3A_522 = vector.extract %slice3A_521[0] : i32 from vector<1xi32>
        %dma_start3A_523 = arith.constant 0 : i32
        %dma_start3A_524 = tpu.memref_slice %arg3[%squeeze3A_522, %dma_start3A_523] : memref<10000x10000xf32, #tpu.memory_space<hbm>> -> memref<1x10000xf32, #tpu.memory_space<hbm>>
        %dma_start3A_525 = arith.constant 0 : i32
        %dma_start3A_526 = tpu.memref_slice %arg3[%squeeze3A_522, %dma_start3A_525] : memref<10000x10000xf32, #tpu.memory_space<hbm>> -> memref<1x10000xf32, #tpu.memory_space<hbm>>
        tpu.enqueue_dma source(%dma_start3A_526 : memref<1x10000xf32, #tpu.memory_space<hbm>>) target(%arg9 : memref<1x10000xf32, #tpu.memory_space<vmem>>) target_semaphore(%arg17 : memref<!tpu.dma_semaphore, #tpu.memory_space<semaphore_mem>>)
      } else {
      }
      %dma_wait3A_461 = arith.constant 0 : i32
      %dma_wait3A_462 = tpu.memref_slice %arg4[%mul3A_2, %dma_wait3A_461] : memref<1024x10000xf32, #tpu.memory_space<hbm>> -> memref<1x10000xf32, #tpu.memory_space<hbm>>
      %dma_wait3A_463 = arith.constant 0 : i32
      %dma_wait3A_464 = tpu.memref_slice %arg4[%mul3A_2, %dma_wait3A_463] : memref<1024x10000xf32, #tpu.memory_space<hbm>> -> memref<1x10000xf32, #tpu.memory_space<hbm>>
      tpu.wait_dma2 semaphore(%arg26 : memref<!tpu.dma_semaphore, #tpu.memory_space<semaphore_mem>>) src(%arg10 : memref<1x10000xf32, #tpu.memory_space<vmem>>) dst(%dma_wait3A_464 : memref<1x10000xf32, #tpu.memory_space<hbm>>)
      %mul3A_465 = arith.constant 16 : i32
      %mul3A_466 = arith.muli %scan3A_55, %mul3A_465 : i32
      %add3A_467 = arith.constant 16 : i32
      %add3A_468 = arith.addi %mul3A_466, %add3A_467 : i32
      %add3A_469 = arith.constant 4 : i32
      %add3A_470 = arith.addi %add3A_468, %add3A_469 : i32
      %lt3A_471 = arith.constant 32 : i32
      %lt3A_472 = arith.cmpi slt, %add3A_470, %lt3A_471 : i32
      %convert_element_type3A_473 = arith.extui %lt3A_472 : i1 to i32
      %cond3A_474 = arith.constant 0 : i32
      %cond3A_475 = arith.cmpi ne, %convert_element_type3A_473, %cond3A_474 : i32
      scf.if %cond3A_475 {
        %slice3A_521 = vector.extract_strided_slice %get3A_403 {offsets = [4], sizes = [1], strides = [1]} : vector<16xi32> to vector<1xi32>
        %squeeze3A_522 = vector.extract %slice3A_521[0] : i32 from vector<1xi32>
        %dma_start3A_523 = arith.constant 0 : i32
        %dma_start3A_524 = tpu.memref_slice %arg3[%squeeze3A_522, %dma_start3A_523] : memref<10000x10000xf32, #tpu.memory_space<hbm>> -> memref<1x10000xf32, #tpu.memory_space<hbm>>
        %dma_start3A_525 = arith.constant 0 : i32
        %dma_start3A_526 = tpu.memref_slice %arg3[%squeeze3A_522, %dma_start3A_525] : memref<10000x10000xf32, #tpu.memory_space<hbm>> -> memref<1x10000xf32, #tpu.memory_space<hbm>>
        tpu.enqueue_dma source(%dma_start3A_526 : memref<1x10000xf32, #tpu.memory_space<hbm>>) target(%arg10 : memref<1x10000xf32, #tpu.memory_space<vmem>>) target_semaphore(%arg18 : memref<!tpu.dma_semaphore, #tpu.memory_space<semaphore_mem>>)
      } else {
      }
      %dma_wait3A_476 = arith.constant 0 : i32
      %dma_wait3A_477 = tpu.memref_slice %arg4[%mul3A_2, %dma_wait3A_476] : memref<1024x10000xf32, #tpu.memory_space<hbm>> -> memref<1x10000xf32, #tpu.memory_space<hbm>>
      %dma_wait3A_478 = arith.constant 0 : i32
      %dma_wait3A_479 = tpu.memref_slice %arg4[%mul3A_2, %dma_wait3A_478] : memref<1024x10000xf32, #tpu.memory_space<hbm>> -> memref<1x10000xf32, #tpu.memory_space<hbm>>
      tpu.wait_dma2 semaphore(%arg27 : memref<!tpu.dma_semaphore, #tpu.memory_space<semaphore_mem>>) src(%arg11 : memref<1x10000xf32, #tpu.memory_space<vmem>>) dst(%dma_wait3A_479 : memref<1x10000xf32, #tpu.memory_space<hbm>>)
      %mul3A_480 = arith.constant 16 : i32
      %mul3A_481 = arith.muli %scan3A_55, %mul3A_480 : i32
      %add3A_482 = arith.constant 16 : i32
      %add3A_483 = arith.addi %mul3A_481, %add3A_482 : i32
      %add3A_484 = arith.constant 5 : i32
      %add3A_485 = arith.addi %add3A_483, %add3A_484 : i32
      %lt3A_486 = arith.constant 32 : i32
      %lt3A_487 = arith.cmpi slt, %add3A_485, %lt3A_486 : i32
      %convert_element_type3A_488 = arith.extui %lt3A_487 : i1 to i32
      %cond3A_489 = arith.constant 0 : i32
      %cond3A_490 = arith.cmpi ne, %convert_element_type3A_488, %cond3A_489 : i32
      scf.if %cond3A_490 {
        %slice3A_521 = vector.extract_strided_slice %get3A_403 {offsets = [5], sizes = [1], strides = [1]} : vector<16xi32> to vector<1xi32>
        %squeeze3A_522 = vector.extract %slice3A_521[0] : i32 from vector<1xi32>
        %dma_start3A_523 = arith.constant 0 : i32
        %dma_start3A_524 = tpu.memref_slice %arg3[%squeeze3A_522, %dma_start3A_523] : memref<10000x10000xf32, #tpu.memory_space<hbm>> -> memref<1x10000xf32, #tpu.memory_space<hbm>>
        %dma_start3A_525 = arith.constant 0 : i32
        %dma_start3A_526 = tpu.memref_slice %arg3[%squeeze3A_522, %dma_start3A_525] : memref<10000x10000xf32, #tpu.memory_space<hbm>> -> memref<1x10000xf32, #tpu.memory_space<hbm>>
        tpu.enqueue_dma source(%dma_start3A_526 : memref<1x10000xf32, #tpu.memory_space<hbm>>) target(%arg11 : memref<1x10000xf32, #tpu.memory_space<vmem>>) target_semaphore(%arg19 : memref<!tpu.dma_semaphore, #tpu.memory_space<semaphore_mem>>)
      } else {
      }
      %dma_wait3A_491 = arith.constant 0 : i32
      %dma_wait3A_492 = tpu.memref_slice %arg4[%mul3A_2, %dma_wait3A_491] : memref<1024x10000xf32, #tpu.memory_space<hbm>> -> memref<1x10000xf32, #tpu.memory_space<hbm>>
      %dma_wait3A_493 = arith.constant 0 : i32
      %dma_wait3A_494 = tpu.memref_slice %arg4[%mul3A_2, %dma_wait3A_493] : memref<1024x10000xf32, #tpu.memory_space<hbm>> -> memref<1x10000xf32, #tpu.memory_space<hbm>>
      tpu.wait_dma2 semaphore(%arg28 : memref<!tpu.dma_semaphore, #tpu.memory_space<semaphore_mem>>) src(%arg12 : memref<1x10000xf32, #tpu.memory_space<vmem>>) dst(%dma_wait3A_494 : memref<1x10000xf32, #tpu.memory_space<hbm>>)
      %mul3A_495 = arith.constant 16 : i32
      %mul3A_496 = arith.muli %scan3A_55, %mul3A_495 : i32
      %add3A_497 = arith.constant 16 : i32
      %add3A_498 = arith.addi %mul3A_496, %add3A_497 : i32
      %add3A_499 = arith.constant 6 : i32
      %add3A_500 = arith.addi %add3A_498, %add3A_499 : i32
      %lt3A_501 = arith.constant 32 : i32
      %lt3A_502 = arith.cmpi slt, %add3A_500, %lt3A_501 : i32
      %convert_element_type3A_503 = arith.extui %lt3A_502 : i1 to i32
      %cond3A_504 = arith.constant 0 : i32
      %cond3A_505 = arith.cmpi ne, %convert_element_type3A_503, %cond3A_504 : i32
      scf.if %cond3A_505 {
        %slice3A_521 = vector.extract_strided_slice %get3A_403 {offsets = [6], sizes = [1], strides = [1]} : vector<16xi32> to vector<1xi32>
        %squeeze3A_522 = vector.extract %slice3A_521[0] : i32 from vector<1xi32>
        %dma_start3A_523 = arith.constant 0 : i32
        %dma_start3A_524 = tpu.memref_slice %arg3[%squeeze3A_522, %dma_start3A_523] : memref<10000x10000xf32, #tpu.memory_space<hbm>> -> memref<1x10000xf32, #tpu.memory_space<hbm>>
        %dma_start3A_525 = arith.constant 0 : i32
        %dma_start3A_526 = tpu.memref_slice %arg3[%squeeze3A_522, %dma_start3A_525] : memref<10000x10000xf32, #tpu.memory_space<hbm>> -> memref<1x10000xf32, #tpu.memory_space<hbm>>
        tpu.enqueue_dma source(%dma_start3A_526 : memref<1x10000xf32, #tpu.memory_space<hbm>>) target(%arg12 : memref<1x10000xf32, #tpu.memory_space<vmem>>) target_semaphore(%arg20 : memref<!tpu.dma_semaphore, #tpu.memory_space<semaphore_mem>>)
      } else {
      }
      %dma_wait3A_506 = arith.constant 0 : i32
      %dma_wait3A_507 = tpu.memref_slice %arg4[%mul3A_2, %dma_wait3A_506] : memref<1024x10000xf32, #tpu.memory_space<hbm>> -> memref<1x10000xf32, #tpu.memory_space<hbm>>
      %dma_wait3A_508 = arith.constant 0 : i32
      %dma_wait3A_509 = tpu.memref_slice %arg4[%mul3A_2, %dma_wait3A_508] : memref<1024x10000xf32, #tpu.memory_space<hbm>> -> memref<1x10000xf32, #tpu.memory_space<hbm>>
      tpu.wait_dma2 semaphore(%arg29 : memref<!tpu.dma_semaphore, #tpu.memory_space<semaphore_mem>>) src(%arg13 : memref<1x10000xf32, #tpu.memory_space<vmem>>) dst(%dma_wait3A_509 : memref<1x10000xf32, #tpu.memory_space<hbm>>)
      %mul3A_510 = arith.constant 16 : i32
      %mul3A_511 = arith.muli %scan3A_55, %mul3A_510 : i32
      %add3A_512 = arith.constant 16 : i32
      %add3A_513 = arith.addi %mul3A_511, %add3A_512 : i32
      %add3A_514 = arith.constant 7 : i32
      %add3A_515 = arith.addi %add3A_513, %add3A_514 : i32
      %lt3A_516 = arith.constant 32 : i32
      %lt3A_517 = arith.cmpi slt, %add3A_515, %lt3A_516 : i32
      %convert_element_type3A_518 = arith.extui %lt3A_517 : i1 to i32
      %cond3A_519 = arith.constant 0 : i32
      %cond3A_520 = arith.cmpi ne, %convert_element_type3A_518, %cond3A_519 : i32
      scf.if %cond3A_520 {
        %slice3A_521 = vector.extract_strided_slice %get3A_403 {offsets = [7], sizes = [1], strides = [1]} : vector<16xi32> to vector<1xi32>
        %squeeze3A_522 = vector.extract %slice3A_521[0] : i32 from vector<1xi32>
        %dma_start3A_523 = arith.constant 0 : i32
        %dma_start3A_524 = tpu.memref_slice %arg3[%squeeze3A_522, %dma_start3A_523] : memref<10000x10000xf32, #tpu.memory_space<hbm>> -> memref<1x10000xf32, #tpu.memory_space<hbm>>
        %dma_start3A_525 = arith.constant 0 : i32
        %dma_start3A_526 = tpu.memref_slice %arg3[%squeeze3A_522, %dma_start3A_525] : memref<10000x10000xf32, #tpu.memory_space<hbm>> -> memref<1x10000xf32, #tpu.memory_space<hbm>>
        tpu.enqueue_dma source(%dma_start3A_526 : memref<1x10000xf32, #tpu.memory_space<hbm>>) target(%arg13 : memref<1x10000xf32, #tpu.memory_space<vmem>>) target_semaphore(%arg21 : memref<!tpu.dma_semaphore, #tpu.memory_space<semaphore_mem>>)
      } else {
      }
    }
    %scan3A_54 = arith.constant 2 : i32
    return
  }
}

#map = affine_map<(d0, d1) -> (0)>
#map1 = affine_map<(d0, d1) -> (0, 0)>
module attributes {stable_mosaic.version = 14 : i64} {
  func.func @body(%arg0: i32, %arg1: i32, %arg2: memref<1024xi32, #tpu.memory_space<hbm>>, %arg3: memref<10000x10000xf32, #tpu.memory_space<hbm>>, %arg4: memref<1024x10000xf32, #tpu.memory_space<hbm>>, %arg5: memref<48xi32, #tpu.memory_space<vmem>>, %arg6: memref<1x10000xf32, #tpu.memory_space<vmem>>, %arg7: memref<1x10000xf32, #tpu.memory_space<vmem>>, %arg8: memref<1x10000xf32, #tpu.memory_space<vmem>>, %arg9: memref<1x10000xf32, #tpu.memory_space<vmem>>, %arg10: memref<1x10000xf32, #tpu.memory_space<vmem>>, %arg11: memref<1x10000xf32, #tpu.memory_space<vmem>>, %arg12: memref<1x10000xf32, #tpu.memory_space<vmem>>, %arg13: memref<1x10000xf32, #tpu.memory_space<vmem>>, %arg14: memref<!tpu.dma_semaphore, #tpu.memory_space<semaphore_mem>>, %arg15: memref<!tpu.dma_semaphore, #tpu.memory_space<semaphore_mem>>, %arg16: memref<!tpu.dma_semaphore, #tpu.memory_space<semaphore_mem>>, %arg17: memref<!tpu.dma_semaphore, #tpu.memory_space<semaphore_mem>>, %arg18: memref<!tpu.dma_semaphore, #tpu.memory_space<semaphore_mem>>, %arg19: memref<!tpu.dma_semaphore, #tpu.memory_space<semaphore_mem>>, %arg20: memref<!tpu.dma_semaphore, #tpu.memory_space<semaphore_mem>>, %arg21: memref<!tpu.dma_semaphore, #tpu.memory_space<semaphore_mem>>, %arg22: memref<!tpu.dma_semaphore, #tpu.memory_space<semaphore_mem>>, %arg23: memref<!tpu.dma_semaphore, #tpu.memory_space<semaphore_mem>>, %arg24: memref<!tpu.dma_semaphore, #tpu.memory_space<semaphore_mem>>, %arg25: memref<!tpu.dma_semaphore, #tpu.memory_space<semaphore_mem>>, %arg26: memref<!tpu.dma_semaphore, #tpu.memory_space<semaphore_mem>>, %arg27: memref<!tpu.dma_semaphore, #tpu.memory_space<semaphore_mem>>, %arg28: memref<!tpu.dma_semaphore, #tpu.memory_space<semaphore_mem>>, %arg29: memref<!tpu.dma_semaphore, #tpu.memory_space<semaphore_mem>>) attributes {dimension_semantics = [#tpu.dimension_semantics<core_parallel>, #tpu.dimension_semantics<subcore_parallel>], iteration_bounds = array<i64: 2, 16>, scalar_prefetch = 0 : i64, scratch_operands = 25 : i64, tpu.core_type = #tpu.core_type<sc_vector_subcore>, window_params = [{transform_indices = #map}, {transform_indices = #map1}, {transform_indices = #map1}]} {
    %mul3A = arith.constant 2 : i32
    %mul3A_0 = arith.muli %arg1, %mul3A : i32
    %add3A = arith.addi %mul3A_0, %arg0 : i32
    %mul3A_1 = arith.constant 32 : i32
    %mul3A_2 = arith.muli %add3A, %mul3A_1 : i32
    "tpu.region"() ({
      %run_scoped3A = tpu.sem_alloc : memref<!tpu.dma_semaphore, #tpu.memory_space<semaphore_mem>>
      %dma_start3A_55 = arith.constant 0 : i32
      %dma_start3A_56 = tpu.memref_slice %arg5[%dma_start3A_55] : memref<48xi32, #tpu.memory_space<vmem>> -> memref<32xi32, #tpu.memory_space<vmem>>
      %dma_start3A_57 = tpu.memref_slice %arg2[%mul3A_2] : memref<1024xi32, #tpu.memory_space<hbm>> -> memref<32xi32, #tpu.memory_space<hbm>>
      %dma_start3A_58 = arith.constant 0 : i32
      %dma_start3A_59 = tpu.memref_slice %arg5[%dma_start3A_58] : memref<48xi32, #tpu.memory_space<vmem>> -> memref<32xi32, #tpu.memory_space<vmem>>
      %dma_start3A_60 = tpu.memref_slice %arg2[%mul3A_2] : memref<1024xi32, #tpu.memory_space<hbm>> -> memref<32xi32, #tpu.memory_space<hbm>>
      tpu.enqueue_dma source(%dma_start3A_60 : memref<32xi32, #tpu.memory_space<hbm>>) target(%dma_start3A_59 : memref<32xi32, #tpu.memory_space<vmem>>) target_semaphore(%run_scoped3A : memref<!tpu.dma_semaphore, #tpu.memory_space<semaphore_mem>>)
      %dma_wait3A = arith.constant 0 : i32
      %dma_wait3A_61 = tpu.memref_slice %arg5[%dma_wait3A] : memref<48xi32, #tpu.memory_space<vmem>> -> memref<32xi32, #tpu.memory_space<vmem>>
      %dma_wait3A_62 = tpu.memref_slice %arg2[%mul3A_2] : memref<1024xi32, #tpu.memory_space<hbm>> -> memref<32xi32, #tpu.memory_space<hbm>>
      %dma_wait3A_63 = arith.constant 0 : i32
      %dma_wait3A_64 = tpu.memref_slice %arg5[%dma_wait3A_63] : memref<48xi32, #tpu.memory_space<vmem>> -> memref<32xi32, #tpu.memory_space<vmem>>
      %dma_wait3A_65 = tpu.memref_slice %arg2[%mul3A_2] : memref<1024xi32, #tpu.memory_space<hbm>> -> memref<32xi32, #tpu.memory_space<hbm>>
      tpu.wait_dma2 semaphore(%run_scoped3A : memref<!tpu.dma_semaphore, #tpu.memory_space<semaphore_mem>>) src(%dma_wait3A_65 : memref<32xi32, #tpu.memory_space<hbm>>) dst(%dma_wait3A_64 : memref<32xi32, #tpu.memory_space<vmem>>)
      tpu.yield
    }) : () -> ()
    %get3A = arith.constant 0 : index
    %get3A_3 = tpu.vector_load %arg5[%get3A] {strides = array<i32>} : memref<48xi32, #tpu.memory_space<vmem>>, vector<16xi32>,
    %get3A_4 = vector.shape_cast %get3A_3 : vector<16xi32> to vector<16xi32>
    %slice3A = vector.extract_strided_slice %get3A_4 {offsets = [0], sizes = [1], strides = [1]} : vector<16xi32> to vector<1xi32>
    %squeeze3A = vector.extract %slice3A[0] : i32 from vector<1xi32>
    %dma_start3A = arith.constant 0 : i32
    %dma_start3A_5 = tpu.memref_slice %arg3[%squeeze3A, %dma_start3A] : memref<10000x10000xf32, #tpu.memory_space<hbm>> -> memref<1x10000xf32, #tpu.memory_space<hbm>>
    %dma_start3A_6 = arith.constant 0 : i32
    %dma_start3A_7 = tpu.memref_slice %arg3[%squeeze3A, %dma_start3A_6] : memref<10000x10000xf32, #tpu.memory_space<hbm>> -> memref<1x10000xf32, #tpu.memory_space<hbm>>
    tpu.enqueue_dma source(%dma_start3A_7 : memref<1x10000xf32, #tpu.memory_space<hbm>>) target(%arg6 : memref<1x10000xf32, #tpu.memory_space<vmem>>) target_semaphore(%arg14 : memref<!tpu.dma_semaphore, #tpu.memory_space<semaphore_mem>>)
    %slice3A_8 = vector.extract_strided_slice %get3A_4 {offsets = [1], sizes = [1], strides = [1]} : vector<16xi32> to vector<1xi32>
    %squeeze3A_9 = vector.extract %slice3A_8[0] : i32 from vector<1xi32>
    %dma_start3A_10 = arith.constant 0 : i32
    %dma_start3A_11 = tpu.memref_slice %arg3[%squeeze3A_9, %dma_start3A_10] : memref<10000x10000xf32, #tpu.memory_space<hbm>> -> memref<1x10000xf32, #tpu.memory_space<hbm>>
    %dma_start3A_12 = arith.constant 0 : i32
    %dma_start3A_13 = tpu.memref_slice %arg3[%squeeze3A_9, %dma_start3A_12] : memref<10000x10000xf32, #tpu.memory_space<hbm>> -> memref<1x10000xf32, #tpu.memory_space<hbm>>
    tpu.enqueue_dma source(%dma_start3A_13 : memref<1x10000xf32, #tpu.memory_space<hbm>>) target(%arg7 : memref<1x10000xf32, #tpu.memory_space<vmem>>) target_semaphore(%arg15 : memref<!tpu.dma_semaphore, #tpu.memory_space<semaphore_mem>>)
    %slice3A_14 = vector.extract_strided_slice %get3A_4 {offsets = [2], sizes = [1], strides = [1]} : vector<16xi32> to vector<1xi32>
    %squeeze3A_15 = vector.extract %slice3A_14[0] : i32 from vector<1xi32>
    %dma_start3A_16 = arith.constant 0 : i32
    %dma_start3A_17 = tpu.memref_slice %arg3[%squeeze3A_15, %dma_start3A_16] : memref<10000x10000xf32, #tpu.memory_space<hbm>> -> memref<1x10000xf32, #tpu.memory_space<hbm>>
    %dma_start3A_18 = arith.constant 0 : i32
    %dma_start3A_19 = tpu.memref_slice %arg3[%squeeze3A_15, %dma_start3A_18] : memref<10000x10000xf32, #tpu.memory_space<hbm>> -> memref<1x10000xf32, #tpu.memory_space<hbm>>
    tpu.enqueue_dma source(%dma_start3A_19 : memref<1x10000xf32, #tpu.memory_space<hbm>>) target(%arg8 : memref<1x10000xf32, #tpu.memory_space<vmem>>) target_semaphore(%arg16 : memref<!tpu.dma_semaphore, #tpu.memory_space<semaphore_mem>>)
    %slice3A_20 = vector.extract_strided_slice %get3A_4 {offsets = [3], sizes = [1], strides = [1]} : vector<16xi32> to vector<1xi32>
    %squeeze3A_21 = vector.extract %slice3A_20[0] : i32 from vector<1xi32>
    %dma_start3A_22 = arith.constant 0 : i32
    %dma_start3A_23 = tpu.memref_slice %arg3[%squeeze3A_21, %dma_start3A_22] : memref<10000x10000xf32, #tpu.memory_space<hbm>> -> memref<1x10000xf32, #tpu.memory_space<hbm>>
    %dma_start3A_24 = arith.constant 0 : i32
    %dma_start3A_25 = tpu.memref_slice %arg3[%squeeze3A_21, %dma_start3A_24] : memref<10000x10000xf32, #tpu.memory_space<hbm>> -> memref<1x10000xf32, #tpu.memory_space<hbm>>
    tpu.enqueue_dma source(%dma_start3A_25 : memref<1x10000xf32, #tpu.memory_space<hbm>>) target(%arg9 : memref<1x10000xf32, #tpu.memory_space<vmem>>) target_semaphore(%arg17 : memref<!tpu.dma_semaphore, #tpu.memory_space<semaphore_mem>>)
    %slice3A_26 = vector.extract_strided_slice %get3A_4 {offsets = [4], sizes = [1], strides = [1]} : vector<16xi32> to vector<1xi32>
    %squeeze3A_27 = vector.extract %slice3A_26[0] : i32 from vector<1xi32>
    %dma_start3A_28 = arith.constant 0 : i32
    %dma_start3A_29 = tpu.memref_slice %arg3[%squeeze3A_27, %dma_start3A_28] : memref<10000x10000xf32, #tpu.memory_space<hbm>> -> memref<1x10000xf32, #tpu.memory_space<hbm>>
    %dma_start3A_30 = arith.constant 0 : i32
    %dma_start3A_31 = tpu.memref_slice %arg3[%squeeze3A_27, %dma_start3A_30] : memref<10000x10000xf32, #tpu.memory_space<hbm>> -> memref<1x10000xf32, #tpu.memory_space<hbm>>
    tpu.enqueue_dma source(%dma_start3A_31 : memref<1x10000xf32, #tpu.memory_space<hbm>>) target(%arg10 : memref<1x10000xf32, #tpu.memory_space<vmem>>) target_semaphore(%arg18 : memref<!tpu.dma_semaphore, #tpu.memory_space<semaphore_mem>>)
    %slice3A_32 = vector.extract_strided_slice %get3A_4 {offsets = [5], sizes = [1], strides = [1]} : vector<16xi32> to vector<1xi32>
    %squeeze3A_33 = vector.extract %slice3A_32[0] : i32 from vector<1xi32>
    %dma_start3A_34 = arith.constant 0 : i32
    %dma_start3A_35 = tpu.memref_slice %arg3[%squeeze3A_33, %dma_start3A_34] : memref<10000x10000xf32, #tpu.memory_space<hbm>> -> memref<1x10000xf32, #tpu.memory_space<hbm>>
    %dma_start3A_36 = arith.constant 0 : i32
    %dma_start3A_37 = tpu.memref_slice %arg3[%squeeze3A_33, %dma_start3A_36] : memref<10000x10000xf32, #tpu.memory_space<hbm>> -> memref<1x10000xf32, #tpu.memory_space<hbm>>
    tpu.enqueue_dma source(%dma_start3A_37 : memref<1x10000xf32, #tpu.memory_space<hbm>>) target(%arg11 : memref<1x10000xf32, #tpu.memory_space<vmem>>) target_semaphore(%arg19 : memref<!tpu.dma_semaphore, #tpu.memory_space<semaphore_mem>>)
    %slice3A_38 = vector.extract_strided_slice %get3A_4 {offsets = [6], sizes = [1], strides = [1]} : vector<16xi32> to vector<1xi32>
    %squeeze3A_39 = vector.extract %slice3A_38[0] : i32 from vector<1xi32>
    %dma_start3A_40 = arith.constant 0 : i32
    %dma_start3A_41 = tpu.memref_slice %arg3[%squeeze3A_39, %dma_start3A_40] : memref<10000x10000xf32, #tpu.memory_space<hbm>> -> memref<1x10000xf32, #tpu.memory_space<hbm>>
    %dma_start3A_42 = arith.constant 0 : i32
    %dma_start3A_43 = tpu.memref_slice %arg3[%squeeze3A_39, %dma_start3A_42] : memref<10000x10000xf32, #tpu.memory_space<hbm>> -> memref<1x10000xf32, #tpu.memory_space<hbm>>
    tpu.enqueue_dma source(%dma_start3A_43 : memref<1x10000xf32, #tpu.memory_space<hbm>>) target(%arg12 : memref<1x10000xf32, #tpu.memory_space<vmem>>) target_semaphore(%arg20 : memref<!tpu.dma_semaphore, #tpu.memory_space<semaphore_mem>>)
    %slice3A_44 = vector.extract_strided_slice %get3A_4 {offsets = [7], sizes = [1], strides = [1]} : vector<16xi32> to vector<1xi32>
    %squeeze3A_45 = vector.extract %slice3A_44[0] : i32 from vector<1xi32>
    %dma_start3A_46 = arith.constant 0 : i32
    %dma_start3A_47 = tpu.memref_slice %arg3[%squeeze3A_45, %dma_start3A_46] : memref<10000x10000xf32, #tpu.memory_space<hbm>> -> memref<1x10000xf32, #tpu.memory_space<hbm>>
    %dma_start3A_48 = arith.constant 0 : i32
    %dma_start3A_49 = tpu.memref_slice %arg3[%squeeze3A_45, %dma_start3A_48] : memref<10000x10000xf32, #tpu.memory_space<hbm>> -> memref<1x10000xf32, #tpu.memory_space<hbm>>
    tpu.enqueue_dma source(%dma_start3A_49 : memref<1x10000xf32, #tpu.memory_space<hbm>>) target(%arg13 : memref<1x10000xf32, #tpu.memory_space<vmem>>) target_semaphore(%arg21 : memref<!tpu.dma_semaphore, #tpu.memory_space<semaphore_mem>>)
    %scan3A = arith.constant 0 : i32
    %scan3A_50 = arith.constant 0 : i32
    %scan3A_51 = arith.constant 2 : i32
    %scan3A_52 = arith.addi %scan3A_50, %scan3A_51 : i32
    %scan3A_53 = arith.constant 1 : i32
    scf.for %scan3A_55 = %scan3A_50 to %scan3A_52 step %scan3A_53  : i32 {
      %mul3A_56 = arith.constant 16 : i32
      %mul3A_57 = arith.muli %scan3A_55, %mul3A_56 : i32
      %multiple_of3A = tpu.assume_multiple %mul3A_57, 8 : i32
      %get3A_58 = arith.index_cast %multiple_of3A : i32 to index
      %get3A_59 = tpu.vector_load %arg5[%get3A_58] {strides = array<i32>} : memref<48xi32, #tpu.memory_space<vmem>>, vector<16xi32>,
      %get3A_60 = vector.shape_cast %get3A_59 : vector<16xi32> to vector<16xi32>
      %dma_wait3A = arith.constant 0 : i32
      %dma_wait3A_61 = arith.constant 0 : i32
      %dma_wait3A_62 = tpu.memref_slice %arg3[%dma_wait3A, %dma_wait3A_61] : memref<10000x10000xf32, #tpu.memory_space<hbm>> -> memref<1x10000xf32, #tpu.memory_space<hbm>>
      %dma_wait3A_63 = arith.constant 0 : i32
      %dma_wait3A_64 = arith.constant 0 : i32
      %dma_wait3A_65 = tpu.memref_slice %arg3[%dma_wait3A_63, %dma_wait3A_64] : memref<10000x10000xf32, #tpu.memory_space<hbm>> -> memref<1x10000xf32, #tpu.memory_space<hbm>>
      tpu.wait_dma2 semaphore(%arg14 : memref<!tpu.dma_semaphore, #tpu.memory_space<semaphore_mem>>) src(%dma_wait3A_65 : memref<1x10000xf32, #tpu.memory_space<hbm>>) dst(%arg6 : memref<1x10000xf32, #tpu.memory_space<vmem>>)
      %mul3A_66 = arith.constant 16 : i32
      %mul3A_67 = arith.muli %scan3A_55, %mul3A_66 : i32
      %add3A_68 = arith.addi %mul3A_2, %mul3A_67 : i32
      %add3A_69 = arith.constant 0 : i32
      %add3A_70 = arith.addi %add3A_68, %add3A_69 : i32
      %dma_start3A_71 = arith.constant 0 : i32
      %dma_start3A_72 = tpu.memref_slice %arg4[%add3A_70, %dma_start3A_71] : memref<1024x10000xf32, #tpu.memory_space<hbm>> -> memref<1x10000xf32, #tpu.memory_space<hbm>>
      %dma_start3A_73 = arith.constant 0 : i32
      %dma_start3A_74 = tpu.memref_slice %arg4[%add3A_70, %dma_start3A_73] : memref<1024x10000xf32, #tpu.memory_space<hbm>> -> memref<1x10000xf32, #tpu.memory_space<hbm>>
      tpu.enqueue_dma source(%arg6 : memref<1x10000xf32, #tpu.memory_space<vmem>>) target(%dma_start3A_74 : memref<1x10000xf32, #tpu.memory_space<hbm>>) target_semaphore(%arg22 : memref<!tpu.dma_semaphore, #tpu.memory_space<semaphore_mem>>)
      %dma_wait3A_75 = arith.constant 0 : i32
      %dma_wait3A_76 = arith.constant 0 : i32
      %dma_wait3A_77 = tpu.memref_slice %arg3[%dma_wait3A_75, %dma_wait3A_76] : memref<10000x10000xf32, #tpu.memory_space<hbm>> -> memref<1x10000xf32, #tpu.memory_space<hbm>>
      %dma_wait3A_78 = arith.constant 0 : i32
      %dma_wait3A_79 = arith.constant 0 : i32
      %dma_wait3A_80 = tpu.memref_slice %arg3[%dma_wait3A_78, %dma_wait3A_79] : memref<10000x10000xf32, #tpu.memory_space<hbm>> -> memref<1x10000xf32, #tpu.memory_space<hbm>>
      tpu.wait_dma2 semaphore(%arg15 : memref<!tpu.dma_semaphore, #tpu.memory_space<semaphore_mem>>) src(%dma_wait3A_80 : memref<1x10000xf32, #tpu.memory_space<hbm>>) dst(%arg7 : memref<1x10000xf32, #tpu.memory_space<vmem>>)
      %mul3A_81 = arith.constant 16 : i32
      %mul3A_82 = arith.muli %scan3A_55, %mul3A_81 : i32
      %add3A_83 = arith.addi %mul3A_2, %mul3A_82 : i32
      %add3A_84 = arith.constant 1 : i32
      %add3A_85 = arith.addi %add3A_83, %add3A_84 : i32
      %dma_start3A_86 = arith.constant 0 : i32
      %dma_start3A_87 = tpu.memref_slice %arg4[%add3A_85, %dma_start3A_86] : memref<1024x10000xf32, #tpu.memory_space<hbm>> -> memref<1x10000xf32, #tpu.memory_space<hbm>>
      %dma_start3A_88 = arith.constant 0 : i32
      %dma_start3A_89 = tpu.memref_slice %arg4[%add3A_85, %dma_start3A_88] : memref<1024x10000xf32, #tpu.memory_space<hbm>> -> memref<1x10000xf32, #tpu.memory_space<hbm>>
      tpu.enqueue_dma source(%arg7 : memref<1x10000xf32, #tpu.memory_space<vmem>>) target(%dma_start3A_89 : memref<1x10000xf32, #tpu.memory_space<hbm>>) target_semaphore(%arg23 : memref<!tpu.dma_semaphore, #tpu.memory_space<semaphore_mem>>)
      %dma_wait3A_90 = arith.constant 0 : i32
      %dma_wait3A_91 = arith.constant 0 : i32
      %dma_wait3A_92 = tpu.memref_slice %arg3[%dma_wait3A_90, %dma_wait3A_91] : memref<10000x10000xf32, #tpu.memory_space<hbm>> -> memref<1x10000xf32, #tpu.memory_space<hbm>>
      %dma_wait3A_93 = arith.constant 0 : i32
      %dma_wait3A_94 = arith.constant 0 : i32
      %dma_wait3A_95 = tpu.memref_slice %arg3[%dma_wait3A_93, %dma_wait3A_94] : memref<10000x10000xf32, #tpu.memory_space<hbm>> -> memref<1x10000xf32, #tpu.memory_space<hbm>>
      tpu.wait_dma2 semaphore(%arg16 : memref<!tpu.dma_semaphore, #tpu.memory_space<semaphore_mem>>) src(%dma_wait3A_95 : memref<1x10000xf32, #tpu.memory_space<hbm>>) dst(%arg8 : memref<1x10000xf32, #tpu.memory_space<vmem>>)
      %mul3A_96 = arith.constant 16 : i32
      %mul3A_97 = arith.muli %scan3A_55, %mul3A_96 : i32
      %add3A_98 = arith.addi %mul3A_2, %mul3A_97 : i32
      %add3A_99 = arith.constant 2 : i32
      %add3A_100 = arith.addi %add3A_98, %add3A_99 : i32
      %dma_start3A_101 = arith.constant 0 : i32
      %dma_start3A_102 = tpu.memref_slice %arg4[%add3A_100, %dma_start3A_101] : memref<1024x10000xf32, #tpu.memory_space<hbm>> -> memref<1x10000xf32, #tpu.memory_space<hbm>>
      %dma_start3A_103 = arith.constant 0 : i32
      %dma_start3A_104 = tpu.memref_slice %arg4[%add3A_100, %dma_start3A_103] : memref<1024x10000xf32, #tpu.memory_space<hbm>> -> memref<1x10000xf32, #tpu.memory_space<hbm>>
      tpu.enqueue_dma source(%arg8 : memref<1x10000xf32, #tpu.memory_space<vmem>>) target(%dma_start3A_104 : memref<1x10000xf32, #tpu.memory_space<hbm>>) target_semaphore(%arg24 : memref<!tpu.dma_semaphore, #tpu.memory_space<semaphore_mem>>)
      %dma_wait3A_105 = arith.constant 0 : i32
      %dma_wait3A_106 = arith.constant 0 : i32
      %dma_wait3A_107 = tpu.memref_slice %arg3[%dma_wait3A_105, %dma_wait3A_106] : memref<10000x10000xf32, #tpu.memory_space<hbm>> -> memref<1x10000xf32, #tpu.memory_space<hbm>>
      %dma_wait3A_108 = arith.constant 0 : i32
      %dma_wait3A_109 = arith.constant 0 : i32
      %dma_wait3A_110 = tpu.memref_slice %arg3[%dma_wait3A_108, %dma_wait3A_109] : memref<10000x10000xf32, #tpu.memory_space<hbm>> -> memref<1x10000xf32, #tpu.memory_space<hbm>>
      tpu.wait_dma2 semaphore(%arg17 : memref<!tpu.dma_semaphore, #tpu.memory_space<semaphore_mem>>) src(%dma_wait3A_110 : memref<1x10000xf32, #tpu.memory_space<hbm>>) dst(%arg9 : memref<1x10000xf32, #tpu.memory_space<vmem>>)
      %mul3A_111 = arith.constant 16 : i32
      %mul3A_112 = arith.muli %scan3A_55, %mul3A_111 : i32
      %add3A_113 = arith.addi %mul3A_2, %mul3A_112 : i32
      %add3A_114 = arith.constant 3 : i32
      %add3A_115 = arith.addi %add3A_113, %add3A_114 : i32
      %dma_start3A_116 = arith.constant 0 : i32
      %dma_start3A_117 = tpu.memref_slice %arg4[%add3A_115, %dma_start3A_116] : memref<1024x10000xf32, #tpu.memory_space<hbm>> -> memref<1x10000xf32, #tpu.memory_space<hbm>>
      %dma_start3A_118 = arith.constant 0 : i32
      %dma_start3A_119 = tpu.memref_slice %arg4[%add3A_115, %dma_start3A_118] : memref<1024x10000xf32, #tpu.memory_space<hbm>> -> memref<1x10000xf32, #tpu.memory_space<hbm>>
      tpu.enqueue_dma source(%arg9 : memref<1x10000xf32, #tpu.memory_space<vmem>>) target(%dma_start3A_119 : memref<1x10000xf32, #tpu.memory_space<hbm>>) target_semaphore(%arg25 : memref<!tpu.dma_semaphore, #tpu.memory_space<semaphore_mem>>)
      %dma_wait3A_120 = arith.constant 0 : i32
      %dma_wait3A_121 = arith.constant 0 : i32
      %dma_wait3A_122 = tpu.memref_slice %arg3[%dma_wait3A_120, %dma_wait3A_121] : memref<10000x10000xf32, #tpu.memory_space<hbm>> -> memref<1x10000xf32, #tpu.memory_space<hbm>>
      %dma_wait3A_123 = arith.constant 0 : i32
      %dma_wait3A_124 = arith.constant 0 : i32
      %dma_wait3A_125 = tpu.memref_slice %arg3[%dma_wait3A_123, %dma_wait3A_124] : memref<10000x10000xf32, #tpu.memory_space<hbm>> -> memref<1x10000xf32, #tpu.memory_space<hbm>>
      tpu.wait_dma2 semaphore(%arg18 : memref<!tpu.dma_semaphore, #tpu.memory_space<semaphore_mem>>) src(%dma_wait3A_125 : memref<1x10000xf32, #tpu.memory_space<hbm>>) dst(%arg10 : memref<1x10000xf32, #tpu.memory_space<vmem>>)
      %mul3A_126 = arith.constant 16 : i32
      %mul3A_127 = arith.muli %scan3A_55, %mul3A_126 : i32
      %add3A_128 = arith.addi %mul3A_2, %mul3A_127 : i32
      %add3A_129 = arith.constant 4 : i32
      %add3A_130 = arith.addi %add3A_128, %add3A_129 : i32
      %dma_start3A_131 = arith.constant 0 : i32
      %dma_start3A_132 = tpu.memref_slice %arg4[%add3A_130, %dma_start3A_131] : memref<1024x10000xf32, #tpu.memory_space<hbm>> -> memref<1x10000xf32, #tpu.memory_space<hbm>>
      %dma_start3A_133 = arith.constant 0 : i32
      %dma_start3A_134 = tpu.memref_slice %arg4[%add3A_130, %dma_start3A_133] : memref<1024x10000xf32, #tpu.memory_space<hbm>> -> memref<1x10000xf32, #tpu.memory_space<hbm>>
      tpu.enqueue_dma source(%arg10 : memref<1x10000xf32, #tpu.memory_space<vmem>>) target(%dma_start3A_134 : memref<1x10000xf32, #tpu.memory_space<hbm>>) target_semaphore(%arg26 : memref<!tpu.dma_semaphore, #tpu.memory_space<semaphore_mem>>)
      %dma_wait3A_135 = arith.constant 0 : i32
      %dma_wait3A_136 = arith.constant 0 : i32
      %dma_wait3A_137 = tpu.memref_slice %arg3[%dma_wait3A_135, %dma_wait3A_136] : memref<10000x10000xf32, #tpu.memory_space<hbm>> -> memref<1x10000xf32, #tpu.memory_space<hbm>>
      %dma_wait3A_138 = arith.constant 0 : i32
      %dma_wait3A_139 = arith.constant 0 : i32
      %dma_wait3A_140 = tpu.memref_slice %arg3[%dma_wait3A_138, %dma_wait3A_139] : memref<10000x10000xf32, #tpu.memory_space<hbm>> -> memref<1x10000xf32, #tpu.memory_space<hbm>>
      tpu.wait_dma2 semaphore(%arg19 : memref<!tpu.dma_semaphore, #tpu.memory_space<semaphore_mem>>) src(%dma_wait3A_140 : memref<1x10000xf32, #tpu.memory_space<hbm>>) dst(%arg11 : memref<1x10000xf32, #tpu.memory_space<vmem>>)
      %mul3A_141 = arith.constant 16 : i32
      %mul3A_142 = arith.muli %scan3A_55, %mul3A_141 : i32
      %add3A_143 = arith.addi %mul3A_2, %mul3A_142 : i32
      %add3A_144 = arith.constant 5 : i32
      %add3A_145 = arith.addi %add3A_143, %add3A_144 : i32
      %dma_start3A_146 = arith.constant 0 : i32
      %dma_start3A_147 = tpu.memref_slice %arg4[%add3A_145, %dma_start3A_146] : memref<1024x10000xf32, #tpu.memory_space<hbm>> -> memref<1x10000xf32, #tpu.memory_space<hbm>>
      %dma_start3A_148 = arith.constant 0 : i32
      %dma_start3A_149 = tpu.memref_slice %arg4[%add3A_145, %dma_start3A_148] : memref<1024x10000xf32, #tpu.memory_space<hbm>> -> memref<1x10000xf32, #tpu.memory_space<hbm>>
      tpu.enqueue_dma source(%arg11 : memref<1x10000xf32, #tpu.memory_space<vmem>>) target(%dma_start3A_149 : memref<1x10000xf32, #tpu.memory_space<hbm>>) target_semaphore(%arg27 : memref<!tpu.dma_semaphore, #tpu.memory_space<semaphore_mem>>)
      %dma_wait3A_150 = arith.constant 0 : i32
      %dma_wait3A_151 = arith.constant 0 : i32
      %dma_wait3A_152 = tpu.memref_slice %arg3[%dma_wait3A_150, %dma_wait3A_151] : memref<10000x10000xf32, #tpu.memory_space<hbm>> -> memref<1x10000xf32, #tpu.memory_space<hbm>>
      %dma_wait3A_153 = arith.constant 0 : i32
      %dma_wait3A_154 = arith.constant 0 : i32
      %dma_wait3A_155 = tpu.memref_slice %arg3[%dma_wait3A_153, %dma_wait3A_154] : memref<10000x10000xf32, #tpu.memory_space<hbm>> -> memref<1x10000xf32, #tpu.memory_space<hbm>>
      tpu.wait_dma2 semaphore(%arg20 : memref<!tpu.dma_semaphore, #tpu.memory_space<semaphore_mem>>) src(%dma_wait3A_155 : memref<1x10000xf32, #tpu.memory_space<hbm>>) dst(%arg12 : memref<1x10000xf32, #tpu.memory_space<vmem>>)
      %mul3A_156 = arith.constant 16 : i32
      %mul3A_157 = arith.muli %scan3A_55, %mul3A_156 : i32
      %add3A_158 = arith.addi %mul3A_2, %mul3A_157 : i32
      %add3A_159 = arith.constant 6 : i32
      %add3A_160 = arith.addi %add3A_158, %add3A_159 : i32
      %dma_start3A_161 = arith.constant 0 : i32
      %dma_start3A_162 = tpu.memref_slice %arg4[%add3A_160, %dma_start3A_161] : memref<1024x10000xf32, #tpu.memory_space<hbm>> -> memref<1x10000xf32, #tpu.memory_space<hbm>>
      %dma_start3A_163 = arith.constant 0 : i32
      %dma_start3A_164 = tpu.memref_slice %arg4[%add3A_160, %dma_start3A_163] : memref<1024x10000xf32, #tpu.memory_space<hbm>> -> memref<1x10000xf32, #tpu.memory_space<hbm>>
      tpu.enqueue_dma source(%arg12 : memref<1x10000xf32, #tpu.memory_space<vmem>>) target(%dma_start3A_164 : memref<1x10000xf32, #tpu.memory_space<hbm>>) target_semaphore(%arg28 : memref<!tpu.dma_semaphore, #tpu.memory_space<semaphore_mem>>)
      %dma_wait3A_165 = arith.constant 0 : i32
      %dma_wait3A_166 = arith.constant 0 : i32
      %dma_wait3A_167 = tpu.memref_slice %arg3[%dma_wait3A_165, %dma_wait3A_166] : memref<10000x10000xf32, #tpu.memory_space<hbm>> -> memref<1x10000xf32, #tpu.memory_space<hbm>>
      %dma_wait3A_168 = arith.constant 0 : i32
      %dma_wait3A_169 = arith.constant 0 : i32
      %dma_wait3A_170 = tpu.memref_slice %arg3[%dma_wait3A_168, %dma_wait3A_169] : memref<10000x10000xf32, #tpu.memory_space<hbm>> -> memref<1x10000xf32, #tpu.memory_space<hbm>>
      tpu.wait_dma2 semaphore(%arg21 : memref<!tpu.dma_semaphore, #tpu.memory_space<semaphore_mem>>) src(%dma_wait3A_170 : memref<1x10000xf32, #tpu.memory_space<hbm>>) dst(%arg13 : memref<1x10000xf32, #tpu.memory_space<vmem>>)
      %mul3A_171 = arith.constant 16 : i32
      %mul3A_172 = arith.muli %scan3A_55, %mul3A_171 : i32
      %add3A_173 = arith.addi %mul3A_2, %mul3A_172 : i32
      %add3A_174 = arith.constant 7 : i32
      %add3A_175 = arith.addi %add3A_173, %add3A_174 : i32
      %dma_start3A_176 = arith.constant 0 : i32
      %dma_start3A_177 = tpu.memref_slice %arg4[%add3A_175, %dma_start3A_176] : memref<1024x10000xf32, #tpu.memory_space<hbm>> -> memref<1x10000xf32, #tpu.memory_space<hbm>>
      %dma_start3A_178 = arith.constant 0 : i32
      %dma_start3A_179 = tpu.memref_slice %arg4[%add3A_175, %dma_start3A_178] : memref<1024x10000xf32, #tpu.memory_space<hbm>> -> memref<1x10000xf32, #tpu.memory_space<hbm>>
      tpu.enqueue_dma source(%arg13 : memref<1x10000xf32, #tpu.memory_space<vmem>>) target(%dma_start3A_179 : memref<1x10000xf32, #tpu.memory_space<hbm>>) target_semaphore(%arg29 : memref<!tpu.dma_semaphore, #tpu.memory_space<semaphore_mem>>)
      %dma_wait3A_180 = arith.constant 0 : i32
      %dma_wait3A_181 = tpu.memref_slice %arg4[%mul3A_2, %dma_wait3A_180] : memref<1024x10000xf32, #tpu.memory_space<hbm>> -> memref<1x10000xf32, #tpu.memory_space<hbm>>
      %dma_wait3A_182 = arith.constant 0 : i32
      %dma_wait3A_183 = tpu.memref_slice %arg4[%mul3A_2, %dma_wait3A_182] : memref<1024x10000xf32, #tpu.memory_space<hbm>> -> memref<1x10000xf32, #tpu.memory_space<hbm>>
      tpu.wait_dma2 semaphore(%arg22 : memref<!tpu.dma_semaphore, #tpu.memory_space<semaphore_mem>>) src(%arg6 : memref<1x10000xf32, #tpu.memory_space<vmem>>) dst(%dma_wait3A_183 : memref<1x10000xf32, #tpu.memory_space<hbm>>)
      %slice3A_184 = vector.extract_strided_slice %get3A_60 {offsets = [8], sizes = [1], strides = [1]} : vector<16xi32> to vector<1xi32>
      %squeeze3A_185 = vector.extract %slice3A_184[0] : i32 from vector<1xi32>
      %dma_start3A_186 = arith.constant 0 : i32
      %dma_start3A_187 = tpu.memref_slice %arg3[%squeeze3A_185, %dma_start3A_186] : memref<10000x10000xf32, #tpu.memory_space<hbm>> -> memref<1x10000xf32, #tpu.memory_space<hbm>>
      %dma_start3A_188 = arith.constant 0 : i32
      %dma_start3A_189 = tpu.memref_slice %arg3[%squeeze3A_185, %dma_start3A_188] : memref<10000x10000xf32, #tpu.memory_space<hbm>> -> memref<1x10000xf32, #tpu.memory_space<hbm>>
      tpu.enqueue_dma source(%dma_start3A_189 : memref<1x10000xf32, #tpu.memory_space<hbm>>) target(%arg6 : memref<1x10000xf32, #tpu.memory_space<vmem>>) target_semaphore(%arg14 : memref<!tpu.dma_semaphore, #tpu.memory_space<semaphore_mem>>)
      %dma_wait3A_190 = arith.constant 0 : i32
      %dma_wait3A_191 = tpu.memref_slice %arg4[%mul3A_2, %dma_wait3A_190] : memref<1024x10000xf32, #tpu.memory_space<hbm>> -> memref<1x10000xf32, #tpu.memory_space<hbm>>
      %dma_wait3A_192 = arith.constant 0 : i32
      %dma_wait3A_193 = tpu.memref_slice %arg4[%mul3A_2, %dma_wait3A_192] : memref<1024x10000xf32, #tpu.memory_space<hbm>> -> memref<1x10000xf32, #tpu.memory_space<hbm>>
      tpu.wait_dma2 semaphore(%arg23 : memref<!tpu.dma_semaphore, #tpu.memory_space<semaphore_mem>>) src(%arg7 : memref<1x10000xf32, #tpu.memory_space<vmem>>) dst(%dma_wait3A_193 : memref<1x10000xf32, #tpu.memory_space<hbm>>)
      %slice3A_194 = vector.extract_strided_slice %get3A_60 {offsets = [9], sizes = [1], strides = [1]} : vector<16xi32> to vector<1xi32>
      %squeeze3A_195 = vector.extract %slice3A_194[0] : i32 from vector<1xi32>
      %dma_start3A_196 = arith.constant 0 : i32
      %dma_start3A_197 = tpu.memref_slice %arg3[%squeeze3A_195, %dma_start3A_196] : memref<10000x10000xf32, #tpu.memory_space<hbm>> -> memref<1x10000xf32, #tpu.memory_space<hbm>>
      %dma_start3A_198 = arith.constant 0 : i32
      %dma_start3A_199 = tpu.memref_slice %arg3[%squeeze3A_195, %dma_start3A_198] : memref<10000x10000xf32, #tpu.memory_space<hbm>> -> memref<1x10000xf32, #tpu.memory_space<hbm>>
      tpu.enqueue_dma source(%dma_start3A_199 : memref<1x10000xf32, #tpu.memory_space<hbm>>) target(%arg7 : memref<1x10000xf32, #tpu.memory_space<vmem>>) target_semaphore(%arg15 : memref<!tpu.dma_semaphore, #tpu.memory_space<semaphore_mem>>)
      %dma_wait3A_200 = arith.constant 0 : i32
      %dma_wait3A_201 = tpu.memref_slice %arg4[%mul3A_2, %dma_wait3A_200] : memref<1024x10000xf32, #tpu.memory_space<hbm>> -> memref<1x10000xf32, #tpu.memory_space<hbm>>
      %dma_wait3A_202 = arith.constant 0 : i32
      %dma_wait3A_203 = tpu.memref_slice %arg4[%mul3A_2, %dma_wait3A_202] : memref<1024x10000xf32, #tpu.memory_space<hbm>> -> memref<1x10000xf32, #tpu.memory_space<hbm>>
      tpu.wait_dma2 semaphore(%arg24 : memref<!tpu.dma_semaphore, #tpu.memory_space<semaphore_mem>>) src(%arg8 : memref<1x10000xf32, #tpu.memory_space<vmem>>) dst(%dma_wait3A_203 : memref<1x10000xf32, #tpu.memory_space<hbm>>)
      %slice3A_204 = vector.extract_strided_slice %get3A_60 {offsets = [10], sizes = [1], strides = [1]} : vector<16xi32> to vector<1xi32>
      %squeeze3A_205 = vector.extract %slice3A_204[0] : i32 from vector<1xi32>
      %dma_start3A_206 = arith.constant 0 : i32
      %dma_start3A_207 = tpu.memref_slice %arg3[%squeeze3A_205, %dma_start3A_206] : memref<10000x10000xf32, #tpu.memory_space<hbm>> -> memref<1x10000xf32, #tpu.memory_space<hbm>>
      %dma_start3A_208 = arith.constant 0 : i32
      %dma_start3A_209 = tpu.memref_slice %arg3[%squeeze3A_205, %dma_start3A_208] : memref<10000x10000xf32, #tpu.memory_space<hbm>> -> memref<1x10000xf32, #tpu.memory_space<hbm>>
      tpu.enqueue_dma source(%dma_start3A_209 : memref<1x10000xf32, #tpu.memory_space<hbm>>) target(%arg8 : memref<1x10000xf32, #tpu.memory_space<vmem>>) target_semaphore(%arg16 : memref<!tpu.dma_semaphore, #tpu.memory_space<semaphore_mem>>)
      %dma_wait3A_210 = arith.constant 0 : i32
      %dma_wait3A_211 = tpu.memref_slice %arg4[%mul3A_2, %dma_wait3A_210] : memref<1024x10000xf32, #tpu.memory_space<hbm>> -> memref<1x10000xf32, #tpu.memory_space<hbm>>
      %dma_wait3A_212 = arith.constant 0 : i32
      %dma_wait3A_213 = tpu.memref_slice %arg4[%mul3A_2, %dma_wait3A_212] : memref<1024x10000xf32, #tpu.memory_space<hbm>> -> memref<1x10000xf32, #tpu.memory_space<hbm>>
      tpu.wait_dma2 semaphore(%arg25 : memref<!tpu.dma_semaphore, #tpu.memory_space<semaphore_mem>>) src(%arg9 : memref<1x10000xf32, #tpu.memory_space<vmem>>) dst(%dma_wait3A_213 : memref<1x10000xf32, #tpu.memory_space<hbm>>)
      %slice3A_214 = vector.extract_strided_slice %get3A_60 {offsets = [11], sizes = [1], strides = [1]} : vector<16xi32> to vector<1xi32>
      %squeeze3A_215 = vector.extract %slice3A_214[0] : i32 from vector<1xi32>
      %dma_start3A_216 = arith.constant 0 : i32
      %dma_start3A_217 = tpu.memref_slice %arg3[%squeeze3A_215, %dma_start3A_216] : memref<10000x10000xf32, #tpu.memory_space<hbm>> -> memref<1x10000xf32, #tpu.memory_space<hbm>>
      %dma_start3A_218 = arith.constant 0 : i32
      %dma_start3A_219 = tpu.memref_slice %arg3[%squeeze3A_215, %dma_start3A_218] : memref<10000x10000xf32, #tpu.memory_space<hbm>> -> memref<1x10000xf32, #tpu.memory_space<hbm>>
      tpu.enqueue_dma source(%dma_start3A_219 : memref<1x10000xf32, #tpu.memory_space<hbm>>) target(%arg9 : memref<1x10000xf32, #tpu.memory_space<vmem>>) target_semaphore(%arg17 : memref<!tpu.dma_semaphore, #tpu.memory_space<semaphore_mem>>)
      %dma_wait3A_220 = arith.constant 0 : i32
      %dma_wait3A_221 = tpu.memref_slice %arg4[%mul3A_2, %dma_wait3A_220] : memref<1024x10000xf32, #tpu.memory_space<hbm>> -> memref<1x10000xf32, #tpu.memory_space<hbm>>
      %dma_wait3A_222 = arith.constant 0 : i32
      %dma_wait3A_223 = tpu.memref_slice %arg4[%mul3A_2, %dma_wait3A_222] : memref<1024x10000xf32, #tpu.memory_space<hbm>> -> memref<1x10000xf32, #tpu.memory_space<hbm>>
      tpu.wait_dma2 semaphore(%arg26 : memref<!tpu.dma_semaphore, #tpu.memory_space<semaphore_mem>>) src(%arg10 : memref<1x10000xf32, #tpu.memory_space<vmem>>) dst(%dma_wait3A_223 : memref<1x10000xf32, #tpu.memory_space<hbm>>)
      %slice3A_224 = vector.extract_strided_slice %get3A_60 {offsets = [12], sizes = [1], strides = [1]} : vector<16xi32> to vector<1xi32>
      %squeeze3A_225 = vector.extract %slice3A_224[0] : i32 from vector<1xi32>
      %dma_start3A_226 = arith.constant 0 : i32
      %dma_start3A_227 = tpu.memref_slice %arg3[%squeeze3A_225, %dma_start3A_226] : memref<10000x10000xf32, #tpu.memory_space<hbm>> -> memref<1x10000xf32, #tpu.memory_space<hbm>>
      %dma_start3A_228 = arith.constant 0 : i32
      %dma_start3A_229 = tpu.memref_slice %arg3[%squeeze3A_225, %dma_start3A_228] : memref<10000x10000xf32, #tpu.memory_space<hbm>> -> memref<1x10000xf32, #tpu.memory_space<hbm>>
      tpu.enqueue_dma source(%dma_start3A_229 : memref<1x10000xf32, #tpu.memory_space<hbm>>) target(%arg10 : memref<1x10000xf32, #tpu.memory_space<vmem>>) target_semaphore(%arg18 : memref<!tpu.dma_semaphore, #tpu.memory_space<semaphore_mem>>)
      %dma_wait3A_230 = arith.constant 0 : i32
      %dma_wait3A_231 = tpu.memref_slice %arg4[%mul3A_2, %dma_wait3A_230] : memref<1024x10000xf32, #tpu.memory_space<hbm>> -> memref<1x10000xf32, #tpu.memory_space<hbm>>
      %dma_wait3A_232 = arith.constant 0 : i32
      %dma_wait3A_233 = tpu.memref_slice %arg4[%mul3A_2, %dma_wait3A_232] : memref<1024x10000xf32, #tpu.memory_space<hbm>> -> memref<1x10000xf32, #tpu.memory_space<hbm>>
      tpu.wait_dma2 semaphore(%arg27 : memref<!tpu.dma_semaphore, #tpu.memory_space<semaphore_mem>>) src(%arg11 : memref<1x10000xf32, #tpu.memory_space<vmem>>) dst(%dma_wait3A_233 : memref<1x10000xf32, #tpu.memory_space<hbm>>)
      %slice3A_234 = vector.extract_strided_slice %get3A_60 {offsets = [13], sizes = [1], strides = [1]} : vector<16xi32> to vector<1xi32>
      %squeeze3A_235 = vector.extract %slice3A_234[0] : i32 from vector<1xi32>
      %dma_start3A_236 = arith.constant 0 : i32
      %dma_start3A_237 = tpu.memref_slice %arg3[%squeeze3A_235, %dma_start3A_236] : memref<10000x10000xf32, #tpu.memory_space<hbm>> -> memref<1x10000xf32, #tpu.memory_space<hbm>>
      %dma_start3A_238 = arith.constant 0 : i32
      %dma_start3A_239 = tpu.memref_slice %arg3[%squeeze3A_235, %dma_start3A_238] : memref<10000x10000xf32, #tpu.memory_space<hbm>> -> memref<1x10000xf32, #tpu.memory_space<hbm>>
      tpu.enqueue_dma source(%dma_start3A_239 : memref<1x10000xf32, #tpu.memory_space<hbm>>) target(%arg11 : memref<1x10000xf32, #tpu.memory_space<vmem>>) target_semaphore(%arg19 : memref<!tpu.dma_semaphore, #tpu.memory_space<semaphore_mem>>)
      %dma_wait3A_240 = arith.constant 0 : i32
      %dma_wait3A_241 = tpu.memref_slice %arg4[%mul3A_2, %dma_wait3A_240] : memref<1024x10000xf32, #tpu.memory_space<hbm>> -> memref<1x10000xf32, #tpu.memory_space<hbm>>
      %dma_wait3A_242 = arith.constant 0 : i32
      %dma_wait3A_243 = tpu.memref_slice %arg4[%mul3A_2, %dma_wait3A_242] : memref<1024x10000xf32, #tpu.memory_space<hbm>> -> memref<1x10000xf32, #tpu.memory_space<hbm>>
      tpu.wait_dma2 semaphore(%arg28 : memref<!tpu.dma_semaphore, #tpu.memory_space<semaphore_mem>>) src(%arg12 : memref<1x10000xf32, #tpu.memory_space<vmem>>) dst(%dma_wait3A_243 : memref<1x10000xf32, #tpu.memory_space<hbm>>)
      %slice3A_244 = vector.extract_strided_slice %get3A_60 {offsets = [14], sizes = [1], strides = [1]} : vector<16xi32> to vector<1xi32>
      %squeeze3A_245 = vector.extract %slice3A_244[0] : i32 from vector<1xi32>
      %dma_start3A_246 = arith.constant 0 : i32
      %dma_start3A_247 = tpu.memref_slice %arg3[%squeeze3A_245, %dma_start3A_246] : memref<10000x10000xf32, #tpu.memory_space<hbm>> -> memref<1x10000xf32, #tpu.memory_space<hbm>>
      %dma_start3A_248 = arith.constant 0 : i32
      %dma_start3A_249 = tpu.memref_slice %arg3[%squeeze3A_245, %dma_start3A_248] : memref<10000x10000xf32, #tpu.memory_space<hbm>> -> memref<1x10000xf32, #tpu.memory_space<hbm>>
      tpu.enqueue_dma source(%dma_start3A_249 : memref<1x10000xf32, #tpu.memory_space<hbm>>) target(%arg12 : memref<1x10000xf32, #tpu.memory_space<vmem>>) target_semaphore(%arg20 : memref<!tpu.dma_semaphore, #tpu.memory_space<semaphore_mem>>)
      %dma_wait3A_250 = arith.constant 0 : i32
      %dma_wait3A_251 = tpu.memref_slice %arg4[%mul3A_2, %dma_wait3A_250] : memref<1024x10000xf32, #tpu.memory_space<hbm>> -> memref<1x10000xf32, #tpu.memory_space<hbm>>
      %dma_wait3A_252 = arith.constant 0 : i32
      %dma_wait3A_253 = tpu.memref_slice %arg4[%mul3A_2, %dma_wait3A_252] : memref<1024x10000xf32, #tpu.memory_space<hbm>> -> memref<1x10000xf32, #tpu.memory_space<hbm>>
      tpu.wait_dma2 semaphore(%arg29 : memref<!tpu.dma_semaphore, #tpu.memory_space<semaphore_mem>>) src(%arg13 : memref<1x10000xf32, #tpu.memory_space<vmem>>) dst(%dma_wait3A_253 : memref<1x10000xf32, #tpu.memory_space<hbm>>)
      %slice3A_254 = vector.extract_strided_slice %get3A_60 {offsets = [15], sizes = [1], strides = [1]} : vector<16xi32> to vector<1xi32>
      %squeeze3A_255 = vector.extract %slice3A_254[0] : i32 from vector<1xi32>
      %dma_start3A_256 = arith.constant 0 : i32
      %dma_start3A_257 = tpu.memref_slice %arg3[%squeeze3A_255, %dma_start3A_256] : memref<10000x10000xf32, #tpu.memory_space<hbm>> -> memref<1x10000xf32, #tpu.memory_space<hbm>>
      %dma_start3A_258 = arith.constant 0 : i32
      %dma_start3A_259 = tpu.memref_slice %arg3[%squeeze3A_255, %dma_start3A_258] : memref<10000x10000xf32, #tpu.memory_space<hbm>> -> memref<1x10000xf32, #tpu.memory_space<hbm>>
      tpu.enqueue_dma source(%dma_start3A_259 : memref<1x10000xf32, #tpu.memory_space<hbm>>) target(%arg13 : memref<1x10000xf32, #tpu.memory_space<vmem>>) target_semaphore(%arg21 : memref<!tpu.dma_semaphore, #tpu.memory_space<semaphore_mem>>)
      %dma_wait3A_260 = arith.constant 0 : i32
      %dma_wait3A_261 = arith.constant 0 : i32
      %dma_wait3A_262 = tpu.memref_slice %arg3[%dma_wait3A_260, %dma_wait3A_261] : memref<10000x10000xf32, #tpu.memory_space<hbm>> -> memref<1x10000xf32, #tpu.memory_space<hbm>>
      %dma_wait3A_263 = arith.constant 0 : i32
      %dma_wait3A_264 = arith.constant 0 : i32
      %dma_wait3A_265 = tpu.memref_slice %arg3[%dma_wait3A_263, %dma_wait3A_264] : memref<10000x10000xf32, #tpu.memory_space<hbm>> -> memref<1x10000xf32, #tpu.memory_space<hbm>>
      tpu.wait_dma2 semaphore(%arg14 : memref<!tpu.dma_semaphore, #tpu.memory_space<semaphore_mem>>) src(%dma_wait3A_265 : memref<1x10000xf32, #tpu.memory_space<hbm>>) dst(%arg6 : memref<1x10000xf32, #tpu.memory_space<vmem>>)
      %mul3A_266 = arith.constant 16 : i32
      %mul3A_267 = arith.muli %scan3A_55, %mul3A_266 : i32
      %add3A_268 = arith.addi %mul3A_2, %mul3A_267 : i32
      %add3A_269 = arith.constant 8 : i32
      %add3A_270 = arith.addi %add3A_268, %add3A_269 : i32
      %add3A_271 = arith.constant 0 : i32
      %add3A_272 = arith.addi %add3A_270, %add3A_271 : i32
      %dma_start3A_273 = arith.constant 0 : i32
      %dma_start3A_274 = tpu.memref_slice %arg4[%add3A_272, %dma_start3A_273] : memref<1024x10000xf32, #tpu.memory_space<hbm>> -> memref<1x10000xf32, #tpu.memory_space<hbm>>
      %dma_start3A_275 = arith.constant 0 : i32
      %dma_start3A_276 = tpu.memref_slice %arg4[%add3A_272, %dma_start3A_275] : memref<1024x10000xf32, #tpu.memory_space<hbm>> -> memref<1x10000xf32, #tpu.memory_space<hbm>>
      tpu.enqueue_dma source(%arg6 : memref<1x10000xf32, #tpu.memory_space<vmem>>) target(%dma_start3A_276 : memref<1x10000xf32, #tpu.memory_space<hbm>>) target_semaphore(%arg22 : memref<!tpu.dma_semaphore, #tpu.memory_space<semaphore_mem>>)
      %dma_wait3A_277 = arith.constant 0 : i32
      %dma_wait3A_278 = arith.constant 0 : i32
      %dma_wait3A_279 = tpu.memref_slice %arg3[%dma_wait3A_277, %dma_wait3A_278] : memref<10000x10000xf32, #tpu.memory_space<hbm>> -> memref<1x10000xf32, #tpu.memory_space<hbm>>
      %dma_wait3A_280 = arith.constant 0 : i32
      %dma_wait3A_281 = arith.constant 0 : i32
      %dma_wait3A_282 = tpu.memref_slice %arg3[%dma_wait3A_280, %dma_wait3A_281] : memref<10000x10000xf32, #tpu.memory_space<hbm>> -> memref<1x10000xf32, #tpu.memory_space<hbm>>
      tpu.wait_dma2 semaphore(%arg15 : memref<!tpu.dma_semaphore, #tpu.memory_space<semaphore_mem>>) src(%dma_wait3A_282 : memref<1x10000xf32, #tpu.memory_space<hbm>>) dst(%arg7 : memref<1x10000xf32, #tpu.memory_space<vmem>>)
      %mul3A_283 = arith.constant 16 : i32
      %mul3A_284 = arith.muli %scan3A_55, %mul3A_283 : i32
      %add3A_285 = arith.addi %mul3A_2, %mul3A_284 : i32
      %add3A_286 = arith.constant 8 : i32
      %add3A_287 = arith.addi %add3A_285, %add3A_286 : i32
      %add3A_288 = arith.constant 1 : i32
      %add3A_289 = arith.addi %add3A_287, %add3A_288 : i32
      %dma_start3A_290 = arith.constant 0 : i32
      %dma_start3A_291 = tpu.memref_slice %arg4[%add3A_289, %dma_start3A_290] : memref<1024x10000xf32, #tpu.memory_space<hbm>> -> memref<1x10000xf32, #tpu.memory_space<hbm>>
      %dma_start3A_292 = arith.constant 0 : i32
      %dma_start3A_293 = tpu.memref_slice %arg4[%add3A_289, %dma_start3A_292] : memref<1024x10000xf32, #tpu.memory_space<hbm>> -> memref<1x10000xf32, #tpu.memory_space<hbm>>
      tpu.enqueue_dma source(%arg7 : memref<1x10000xf32, #tpu.memory_space<vmem>>) target(%dma_start3A_293 : memref<1x10000xf32, #tpu.memory_space<hbm>>) target_semaphore(%arg23 : memref<!tpu.dma_semaphore, #tpu.memory_space<semaphore_mem>>)
      %dma_wait3A_294 = arith.constant 0 : i32
      %dma_wait3A_295 = arith.constant 0 : i32
      %dma_wait3A_296 = tpu.memref_slice %arg3[%dma_wait3A_294, %dma_wait3A_295] : memref<10000x10000xf32, #tpu.memory_space<hbm>> -> memref<1x10000xf32, #tpu.memory_space<hbm>>
      %dma_wait3A_297 = arith.constant 0 : i32
      %dma_wait3A_298 = arith.constant 0 : i32
      %dma_wait3A_299 = tpu.memref_slice %arg3[%dma_wait3A_297, %dma_wait3A_298] : memref<10000x10000xf32, #tpu.memory_space<hbm>> -> memref<1x10000xf32, #tpu.memory_space<hbm>>
      tpu.wait_dma2 semaphore(%arg16 : memref<!tpu.dma_semaphore, #tpu.memory_space<semaphore_mem>>) src(%dma_wait3A_299 : memref<1x10000xf32, #tpu.memory_space<hbm>>) dst(%arg8 : memref<1x10000xf32, #tpu.memory_space<vmem>>)
      %mul3A_300 = arith.constant 16 : i32
      %mul3A_301 = arith.muli %scan3A_55, %mul3A_300 : i32
      %add3A_302 = arith.addi %mul3A_2, %mul3A_301 : i32
      %add3A_303 = arith.constant 8 : i32
      %add3A_304 = arith.addi %add3A_302, %add3A_303 : i32
      %add3A_305 = arith.constant 2 : i32
      %add3A_306 = arith.addi %add3A_304, %add3A_305 : i32
      %dma_start3A_307 = arith.constant 0 : i32
      %dma_start3A_308 = tpu.memref_slice %arg4[%add3A_306, %dma_start3A_307] : memref<1024x10000xf32, #tpu.memory_space<hbm>> -> memref<1x10000xf32, #tpu.memory_space<hbm>>
      %dma_start3A_309 = arith.constant 0 : i32
      %dma_start3A_310 = tpu.memref_slice %arg4[%add3A_306, %dma_start3A_309] : memref<1024x10000xf32, #tpu.memory_space<hbm>> -> memref<1x10000xf32, #tpu.memory_space<hbm>>
      tpu.enqueue_dma source(%arg8 : memref<1x10000xf32, #tpu.memory_space<vmem>>) target(%dma_start3A_310 : memref<1x10000xf32, #tpu.memory_space<hbm>>) target_semaphore(%arg24 : memref<!tpu.dma_semaphore, #tpu.memory_space<semaphore_mem>>)
      %dma_wait3A_311 = arith.constant 0 : i32
      %dma_wait3A_312 = arith.constant 0 : i32
      %dma_wait3A_313 = tpu.memref_slice %arg3[%dma_wait3A_311, %dma_wait3A_312] : memref<10000x10000xf32, #tpu.memory_space<hbm>> -> memref<1x10000xf32, #tpu.memory_space<hbm>>
      %dma_wait3A_314 = arith.constant 0 : i32
      %dma_wait3A_315 = arith.constant 0 : i32
      %dma_wait3A_316 = tpu.memref_slice %arg3[%dma_wait3A_314, %dma_wait3A_315] : memref<10000x10000xf32, #tpu.memory_space<hbm>> -> memref<1x10000xf32, #tpu.memory_space<hbm>>
      tpu.wait_dma2 semaphore(%arg17 : memref<!tpu.dma_semaphore, #tpu.memory_space<semaphore_mem>>) src(%dma_wait3A_316 : memref<1x10000xf32, #tpu.memory_space<hbm>>) dst(%arg9 : memref<1x10000xf32, #tpu.memory_space<vmem>>)
      %mul3A_317 = arith.constant 16 : i32
      %mul3A_318 = arith.muli %scan3A_55, %mul3A_317 : i32
      %add3A_319 = arith.addi %mul3A_2, %mul3A_318 : i32
      %add3A_320 = arith.constant 8 : i32
      %add3A_321 = arith.addi %add3A_319, %add3A_320 : i32
      %add3A_322 = arith.constant 3 : i32
      %add3A_323 = arith.addi %add3A_321, %add3A_322 : i32
      %dma_start3A_324 = arith.constant 0 : i32
      %dma_start3A_325 = tpu.memref_slice %arg4[%add3A_323, %dma_start3A_324] : memref<1024x10000xf32, #tpu.memory_space<hbm>> -> memref<1x10000xf32, #tpu.memory_space<hbm>>
      %dma_start3A_326 = arith.constant 0 : i32
      %dma_start3A_327 = tpu.memref_slice %arg4[%add3A_323, %dma_start3A_326] : memref<1024x10000xf32, #tpu.memory_space<hbm>> -> memref<1x10000xf32, #tpu.memory_space<hbm>>
      tpu.enqueue_dma source(%arg9 : memref<1x10000xf32, #tpu.memory_space<vmem>>) target(%dma_start3A_327 : memref<1x10000xf32, #tpu.memory_space<hbm>>) target_semaphore(%arg25 : memref<!tpu.dma_semaphore, #tpu.memory_space<semaphore_mem>>)
      %dma_wait3A_328 = arith.constant 0 : i32
      %dma_wait3A_329 = arith.constant 0 : i32
      %dma_wait3A_330 = tpu.memref_slice %arg3[%dma_wait3A_328, %dma_wait3A_329] : memref<10000x10000xf32, #tpu.memory_space<hbm>> -> memref<1x10000xf32, #tpu.memory_space<hbm>>
      %dma_wait3A_331 = arith.constant 0 : i32
      %dma_wait3A_332 = arith.constant 0 : i32
      %dma_wait3A_333 = tpu.memref_slice %arg3[%dma_wait3A_331, %dma_wait3A_332] : memref<10000x10000xf32, #tpu.memory_space<hbm>> -> memref<1x10000xf32, #tpu.memory_space<hbm>>
      tpu.wait_dma2 semaphore(%arg18 : memref<!tpu.dma_semaphore, #tpu.memory_space<semaphore_mem>>) src(%dma_wait3A_333 : memref<1x10000xf32, #tpu.memory_space<hbm>>) dst(%arg10 : memref<1x10000xf32, #tpu.memory_space<vmem>>)
      %mul3A_334 = arith.constant 16 : i32
      %mul3A_335 = arith.muli %scan3A_55, %mul3A_334 : i32
      %add3A_336 = arith.addi %mul3A_2, %mul3A_335 : i32
      %add3A_337 = arith.constant 8 : i32
      %add3A_338 = arith.addi %add3A_336, %add3A_337 : i32
      %add3A_339 = arith.constant 4 : i32
      %add3A_340 = arith.addi %add3A_338, %add3A_339 : i32
      %dma_start3A_341 = arith.constant 0 : i32
      %dma_start3A_342 = tpu.memref_slice %arg4[%add3A_340, %dma_start3A_341] : memref<1024x10000xf32, #tpu.memory_space<hbm>> -> memref<1x10000xf32, #tpu.memory_space<hbm>>
      %dma_start3A_343 = arith.constant 0 : i32
      %dma_start3A_344 = tpu.memref_slice %arg4[%add3A_340, %dma_start3A_343] : memref<1024x10000xf32, #tpu.memory_space<hbm>> -> memref<1x10000xf32, #tpu.memory_space<hbm>>
      tpu.enqueue_dma source(%arg10 : memref<1x10000xf32, #tpu.memory_space<vmem>>) target(%dma_start3A_344 : memref<1x10000xf32, #tpu.memory_space<hbm>>) target_semaphore(%arg26 : memref<!tpu.dma_semaphore, #tpu.memory_space<semaphore_mem>>)
      %dma_wait3A_345 = arith.constant 0 : i32
      %dma_wait3A_346 = arith.constant 0 : i32
      %dma_wait3A_347 = tpu.memref_slice %arg3[%dma_wait3A_345, %dma_wait3A_346] : memref<10000x10000xf32, #tpu.memory_space<hbm>> -> memref<1x10000xf32, #tpu.memory_space<hbm>>
      %dma_wait3A_348 = arith.constant 0 : i32
      %dma_wait3A_349 = arith.constant 0 : i32
      %dma_wait3A_350 = tpu.memref_slice %arg3[%dma_wait3A_348, %dma_wait3A_349] : memref<10000x10000xf32, #tpu.memory_space<hbm>> -> memref<1x10000xf32, #tpu.memory_space<hbm>>
      tpu.wait_dma2 semaphore(%arg19 : memref<!tpu.dma_semaphore, #tpu.memory_space<semaphore_mem>>) src(%dma_wait3A_350 : memref<1x10000xf32, #tpu.memory_space<hbm>>) dst(%arg11 : memref<1x10000xf32, #tpu.memory_space<vmem>>)
      %mul3A_351 = arith.constant 16 : i32
      %mul3A_352 = arith.muli %scan3A_55, %mul3A_351 : i32
      %add3A_353 = arith.addi %mul3A_2, %mul3A_352 : i32
      %add3A_354 = arith.constant 8 : i32
      %add3A_355 = arith.addi %add3A_353, %add3A_354 : i32
      %add3A_356 = arith.constant 5 : i32
      %add3A_357 = arith.addi %add3A_355, %add3A_356 : i32
      %dma_start3A_358 = arith.constant 0 : i32
      %dma_start3A_359 = tpu.memref_slice %arg4[%add3A_357, %dma_start3A_358] : memref<1024x10000xf32, #tpu.memory_space<hbm>> -> memref<1x10000xf32, #tpu.memory_space<hbm>>
      %dma_start3A_360 = arith.constant 0 : i32
      %dma_start3A_361 = tpu.memref_slice %arg4[%add3A_357, %dma_start3A_360] : memref<1024x10000xf32, #tpu.memory_space<hbm>> -> memref<1x10000xf32, #tpu.memory_space<hbm>>
      tpu.enqueue_dma source(%arg11 : memref<1x10000xf32, #tpu.memory_space<vmem>>) target(%dma_start3A_361 : memref<1x10000xf32, #tpu.memory_space<hbm>>) target_semaphore(%arg27 : memref<!tpu.dma_semaphore, #tpu.memory_space<semaphore_mem>>)
      %dma_wait3A_362 = arith.constant 0 : i32
      %dma_wait3A_363 = arith.constant 0 : i32
      %dma_wait3A_364 = tpu.memref_slice %arg3[%dma_wait3A_362, %dma_wait3A_363] : memref<10000x10000xf32, #tpu.memory_space<hbm>> -> memref<1x10000xf32, #tpu.memory_space<hbm>>
      %dma_wait3A_365 = arith.constant 0 : i32
      %dma_wait3A_366 = arith.constant 0 : i32
      %dma_wait3A_367 = tpu.memref_slice %arg3[%dma_wait3A_365, %dma_wait3A_366] : memref<10000x10000xf32, #tpu.memory_space<hbm>> -> memref<1x10000xf32, #tpu.memory_space<hbm>>
      tpu.wait_dma2 semaphore(%arg20 : memref<!tpu.dma_semaphore, #tpu.memory_space<semaphore_mem>>) src(%dma_wait3A_367 : memref<1x10000xf32, #tpu.memory_space<hbm>>) dst(%arg12 : memref<1x10000xf32, #tpu.memory_space<vmem>>)
      %mul3A_368 = arith.constant 16 : i32
      %mul3A_369 = arith.muli %scan3A_55, %mul3A_368 : i32
      %add3A_370 = arith.addi %mul3A_2, %mul3A_369 : i32
      %add3A_371 = arith.constant 8 : i32
      %add3A_372 = arith.addi %add3A_370, %add3A_371 : i32
      %add3A_373 = arith.constant 6 : i32
      %add3A_374 = arith.addi %add3A_372, %add3A_373 : i32
      %dma_start3A_375 = arith.constant 0 : i32
      %dma_start3A_376 = tpu.memref_slice %arg4[%add3A_374, %dma_start3A_375] : memref<1024x10000xf32, #tpu.memory_space<hbm>> -> memref<1x10000xf32, #tpu.memory_space<hbm>>
      %dma_start3A_377 = arith.constant 0 : i32
      %dma_start3A_378 = tpu.memref_slice %arg4[%add3A_374, %dma_start3A_377] : memref<1024x10000xf32, #tpu.memory_space<hbm>> -> memref<1x10000xf32, #tpu.memory_space<hbm>>
      tpu.enqueue_dma source(%arg12 : memref<1x10000xf32, #tpu.memory_space<vmem>>) target(%dma_start3A_378 : memref<1x10000xf32, #tpu.memory_space<hbm>>) target_semaphore(%arg28 : memref<!tpu.dma_semaphore, #tpu.memory_space<semaphore_mem>>)
      %dma_wait3A_379 = arith.constant 0 : i32
      %dma_wait3A_380 = arith.constant 0 : i32
      %dma_wait3A_381 = tpu.memref_slice %arg3[%dma_wait3A_379, %dma_wait3A_380] : memref<10000x10000xf32, #tpu.memory_space<hbm>> -> memref<1x10000xf32, #tpu.memory_space<hbm>>
      %dma_wait3A_382 = arith.constant 0 : i32
      %dma_wait3A_383 = arith.constant 0 : i32
      %dma_wait3A_384 = tpu.memref_slice %arg3[%dma_wait3A_382, %dma_wait3A_383] : memref<10000x10000xf32, #tpu.memory_space<hbm>> -> memref<1x10000xf32, #tpu.memory_space<hbm>>
      tpu.wait_dma2 semaphore(%arg21 : memref<!tpu.dma_semaphore, #tpu.memory_space<semaphore_mem>>) src(%dma_wait3A_384 : memref<1x10000xf32, #tpu.memory_space<hbm>>) dst(%arg13 : memref<1x10000xf32, #tpu.memory_space<vmem>>)
      %mul3A_385 = arith.constant 16 : i32
      %mul3A_386 = arith.muli %scan3A_55, %mul3A_385 : i32
      %add3A_387 = arith.addi %mul3A_2, %mul3A_386 : i32
      %add3A_388 = arith.constant 8 : i32
      %add3A_389 = arith.addi %add3A_387, %add3A_388 : i32
      %add3A_390 = arith.constant 7 : i32
      %add3A_391 = arith.addi %add3A_389, %add3A_390 : i32
      %dma_start3A_392 = arith.constant 0 : i32
      %dma_start3A_393 = tpu.memref_slice %arg4[%add3A_391, %dma_start3A_392] : memref<1024x10000xf32, #tpu.memory_space<hbm>> -> memref<1x10000xf32, #tpu.memory_space<hbm>>
      %dma_start3A_394 = arith.constant 0 : i32
      %dma_start3A_395 = tpu.memref_slice %arg4[%add3A_391, %dma_start3A_394] : memref<1024x10000xf32, #tpu.memory_space<hbm>> -> memref<1x10000xf32, #tpu.memory_space<hbm>>
      tpu.enqueue_dma source(%arg13 : memref<1x10000xf32, #tpu.memory_space<vmem>>) target(%dma_start3A_395 : memref<1x10000xf32, #tpu.memory_space<hbm>>) target_semaphore(%arg29 : memref<!tpu.dma_semaphore, #tpu.memory_space<semaphore_mem>>)
      %mul3A_396 = arith.constant 16 : i32
      %mul3A_397 = arith.muli %scan3A_55, %mul3A_396 : i32
      %add3A_398 = arith.constant 16 : i32
      %add3A_399 = arith.addi %mul3A_397, %add3A_398 : i32
      %multiple_of3A_400 = tpu.assume_multiple %add3A_399, 8 : i32
      %get3A_401 = arith.index_cast %multiple_of3A_400 : i32 to index
      %get3A_402 = tpu.vector_load %arg5[%get3A_401] {strides = array<i32>} : memref<48xi32, #tpu.memory_space<vmem>>, vector<16xi32>,
      %get3A_403 = vector.shape_cast %get3A_402 : vector<16xi32> to vector<16xi32>
      %dma_wait3A_404 = arith.constant 0 : i32
      %dma_wait3A_405 = tpu.memref_slice %arg4[%mul3A_2, %dma_wait3A_404] : memref<1024x10000xf32, #tpu.memory_space<hbm>> -> memref<1x10000xf32, #tpu.memory_space<hbm>>
      %dma_wait3A_406 = arith.constant 0 : i32
      %dma_wait3A_407 = tpu.memref_slice %arg4[%mul3A_2, %dma_wait3A_406] : memref<1024x10000xf32, #tpu.memory_space<hbm>> -> memref<1x10000xf32, #tpu.memory_space<hbm>>
      tpu.wait_dma2 semaphore(%arg22 : memref<!tpu.dma_semaphore, #tpu.memory_space<semaphore_mem>>) src(%arg6 : memref<1x10000xf32, #tpu.memory_space<vmem>>) dst(%dma_wait3A_407 : memref<1x10000xf32, #tpu.memory_space<hbm>>)
      %mul3A_408 = arith.constant 16 : i32
      %mul3A_409 = arith.muli %scan3A_55, %mul3A_408 : i32
      %add3A_410 = arith.constant 16 : i32
      %add3A_411 = arith.addi %mul3A_409, %add3A_410 : i32
      %add3A_412 = arith.constant 0 : i32
      %add3A_413 = arith.addi %add3A_411, %add3A_412 : i32
      %lt3A = arith.constant 32 : i32
      %lt3A_414 = arith.cmpi slt, %add3A_413, %lt3A : i32
      %convert_element_type3A = arith.extui %lt3A_414 : i1 to i32
      %cond3A = arith.constant 0 : i32
      %cond3A_415 = arith.cmpi ne, %convert_element_type3A, %cond3A : i32
      scf.if %cond3A_415 {
        %slice3A_521 = vector.extract_strided_slice %get3A_403 {offsets = [0], sizes = [1], strides = [1]} : vector<16xi32> to vector<1xi32>
        %squeeze3A_522 = vector.extract %slice3A_521[0] : i32 from vector<1xi32>
        %dma_start3A_523 = arith.constant 0 : i32
        %dma_start3A_524 = tpu.memref_slice %arg3[%squeeze3A_522, %dma_start3A_523] : memref<10000x10000xf32, #tpu.memory_space<hbm>> -> memref<1x10000xf32, #tpu.memory_space<hbm>>
        %dma_start3A_525 = arith.constant 0 : i32
        %dma_start3A_526 = tpu.memref_slice %arg3[%squeeze3A_522, %dma_start3A_525] : memref<10000x10000xf32, #tpu.memory_space<hbm>> -> memref<1x10000xf32, #tpu.memory_space<hbm>>
        tpu.enqueue_dma source(%dma_start3A_526 : memref<1x10000xf32, #tpu.memory_space<hbm>>) target(%arg6 : memref<1x10000xf32, #tpu.memory_space<vmem>>) target_semaphore(%arg14 : memref<!tpu.dma_semaphore, #tpu.memory_space<semaphore_mem>>)
      } else {
      }
      %dma_wait3A_416 = arith.constant 0 : i32
      %dma_wait3A_417 = tpu.memref_slice %arg4[%mul3A_2, %dma_wait3A_416] : memref<1024x10000xf32, #tpu.memory_space<hbm>> -> memref<1x10000xf32, #tpu.memory_space<hbm>>
      %dma_wait3A_418 = arith.constant 0 : i32
      %dma_wait3A_419 = tpu.memref_slice %arg4[%mul3A_2, %dma_wait3A_418] : memref<1024x10000xf32, #tpu.memory_space<hbm>> -> memref<1x10000xf32, #tpu.memory_space<hbm>>
      tpu.wait_dma2 semaphore(%arg23 : memref<!tpu.dma_semaphore, #tpu.memory_space<semaphore_mem>>) src(%arg7 : memref<1x10000xf32, #tpu.memory_space<vmem>>) dst(%dma_wait3A_419 : memref<1x10000xf32, #tpu.memory_space<hbm>>)
      %mul3A_420 = arith.constant 16 : i32
      %mul3A_421 = arith.muli %scan3A_55, %mul3A_420 : i32
      %add3A_422 = arith.constant 16 : i32
      %add3A_423 = arith.addi %mul3A_421, %add3A_422 : i32
      %add3A_424 = arith.constant 1 : i32
      %add3A_425 = arith.addi %add3A_423, %add3A_424 : i32
      %lt3A_426 = arith.constant 32 : i32
      %lt3A_427 = arith.cmpi slt, %add3A_425, %lt3A_426 : i32
      %convert_element_type3A_428 = arith.extui %lt3A_427 : i1 to i32
      %cond3A_429 = arith.constant 0 : i32
      %cond3A_430 = arith.cmpi ne, %convert_element_type3A_428, %cond3A_429 : i32
      scf.if %cond3A_430 {
        %slice3A_521 = vector.extract_strided_slice %get3A_403 {offsets = [1], sizes = [1], strides = [1]} : vector<16xi32> to vector<1xi32>
        %squeeze3A_522 = vector.extract %slice3A_521[0] : i32 from vector<1xi32>
        %dma_start3A_523 = arith.constant 0 : i32
        %dma_start3A_524 = tpu.memref_slice %arg3[%squeeze3A_522, %dma_start3A_523] : memref<10000x10000xf32, #tpu.memory_space<hbm>> -> memref<1x10000xf32, #tpu.memory_space<hbm>>
        %dma_start3A_525 = arith.constant 0 : i32
        %dma_start3A_526 = tpu.memref_slice %arg3[%squeeze3A_522, %dma_start3A_525] : memref<10000x10000xf32, #tpu.memory_space<hbm>> -> memref<1x10000xf32, #tpu.memory_space<hbm>>
        tpu.enqueue_dma source(%dma_start3A_526 : memref<1x10000xf32, #tpu.memory_space<hbm>>) target(%arg7 : memref<1x10000xf32, #tpu.memory_space<vmem>>) target_semaphore(%arg15 : memref<!tpu.dma_semaphore, #tpu.memory_space<semaphore_mem>>)
      } else {
      }
      %dma_wait3A_431 = arith.constant 0 : i32
      %dma_wait3A_432 = tpu.memref_slice %arg4[%mul3A_2, %dma_wait3A_431] : memref<1024x10000xf32, #tpu.memory_space<hbm>> -> memref<1x10000xf32, #tpu.memory_space<hbm>>
      %dma_wait3A_433 = arith.constant 0 : i32
      %dma_wait3A_434 = tpu.memref_slice %arg4[%mul3A_2, %dma_wait3A_433] : memref<1024x10000xf32, #tpu.memory_space<hbm>> -> memref<1x10000xf32, #tpu.memory_space<hbm>>
      tpu.wait_dma2 semaphore(%arg24 : memref<!tpu.dma_semaphore, #tpu.memory_space<semaphore_mem>>) src(%arg8 : memref<1x10000xf32, #tpu.memory_space<vmem>>) dst(%dma_wait3A_434 : memref<1x10000xf32, #tpu.memory_space<hbm>>)
      %mul3A_435 = arith.constant 16 : i32
      %mul3A_436 = arith.muli %scan3A_55, %mul3A_435 : i32
      %add3A_437 = arith.constant 16 : i32
      %add3A_438 = arith.addi %mul3A_436, %add3A_437 : i32
      %add3A_439 = arith.constant 2 : i32
      %add3A_440 = arith.addi %add3A_438, %add3A_439 : i32
      %lt3A_441 = arith.constant 32 : i32
      %lt3A_442 = arith.cmpi slt, %add3A_440, %lt3A_441 : i32
      %convert_element_type3A_443 = arith.extui %lt3A_442 : i1 to i32
      %cond3A_444 = arith.constant 0 : i32
      %cond3A_445 = arith.cmpi ne, %convert_element_type3A_443, %cond3A_444 : i32
      scf.if %cond3A_445 {
        %slice3A_521 = vector.extract_strided_slice %get3A_403 {offsets = [2], sizes = [1], strides = [1]} : vector<16xi32> to vector<1xi32>
        %squeeze3A_522 = vector.extract %slice3A_521[0] : i32 from vector<1xi32>
        %dma_start3A_523 = arith.constant 0 : i32
        %dma_start3A_524 = tpu.memref_slice %arg3[%squeeze3A_522, %dma_start3A_523] : memref<10000x10000xf32, #tpu.memory_space<hbm>> -> memref<1x10000xf32, #tpu.memory_space<hbm>>
        %dma_start3A_525 = arith.constant 0 : i32
        %dma_start3A_526 = tpu.memref_slice %arg3[%squeeze3A_522, %dma_start3A_525] : memref<10000x10000xf32, #tpu.memory_space<hbm>> -> memref<1x10000xf32, #tpu.memory_space<hbm>>
        tpu.enqueue_dma source(%dma_start3A_526 : memref<1x10000xf32, #tpu.memory_space<hbm>>) target(%arg8 : memref<1x10000xf32, #tpu.memory_space<vmem>>) target_semaphore(%arg16 : memref<!tpu.dma_semaphore, #tpu.memory_space<semaphore_mem>>)
      } else {
      }
      %dma_wait3A_446 = arith.constant 0 : i32
      %dma_wait3A_447 = tpu.memref_slice %arg4[%mul3A_2, %dma_wait3A_446] : memref<1024x10000xf32, #tpu.memory_space<hbm>> -> memref<1x10000xf32, #tpu.memory_space<hbm>>
      %dma_wait3A_448 = arith.constant 0 : i32
      %dma_wait3A_449 = tpu.memref_slice %arg4[%mul3A_2, %dma_wait3A_448] : memref<1024x10000xf32, #tpu.memory_space<hbm>> -> memref<1x10000xf32, #tpu.memory_space<hbm>>
      tpu.wait_dma2 semaphore(%arg25 : memref<!tpu.dma_semaphore, #tpu.memory_space<semaphore_mem>>) src(%arg9 : memref<1x10000xf32, #tpu.memory_space<vmem>>) dst(%dma_wait3A_449 : memref<1x10000xf32, #tpu.memory_space<hbm>>)
      %mul3A_450 = arith.constant 16 : i32
      %mul3A_451 = arith.muli %scan3A_55, %mul3A_450 : i32
      %add3A_452 = arith.constant 16 : i32
      %add3A_453 = arith.addi %mul3A_451, %add3A_452 : i32
      %add3A_454 = arith.constant 3 : i32
      %add3A_455 = arith.addi %add3A_453, %add3A_454 : i32
      %lt3A_456 = arith.constant 32 : i32
      %lt3A_457 = arith.cmpi slt, %add3A_455, %lt3A_456 : i32
      %convert_element_type3A_458 = arith.extui %lt3A_457 : i1 to i32
      %cond3A_459 = arith.constant 0 : i32
      %cond3A_460 = arith.cmpi ne, %convert_element_type3A_458, %cond3A_459 : i32
      scf.if %cond3A_460 {
        %slice3A_521 = vector.extract_strided_slice %get3A_403 {offsets = [3], sizes = [1], strides = [1]} : vector<16xi32> to vector<1xi32>
        %squeeze3A_522 = vector.extract %slice3A_521[0] : i32 from vector<1xi32>
        %dma_start3A_523 = arith.constant 0 : i32
        %dma_start3A_524 = tpu.memref_slice %arg3[%squeeze3A_522, %dma_start3A_523] : memref<10000x10000xf32, #tpu.memory_space<hbm>> -> memref<1x10000xf32, #tpu.memory_space<hbm>>
        %dma_start3A_525 = arith.constant 0 : i32
        %dma_start3A_526 = tpu.memref_slice %arg3[%squeeze3A_522, %dma_start3A_525] : memref<10000x10000xf32, #tpu.memory_space<hbm>> -> memref<1x10000xf32, #tpu.memory_space<hbm>>
        tpu.enqueue_dma source(%dma_start3A_526 : memref<1x10000xf32, #tpu.memory_space<hbm>>) target(%arg9 : memref<1x10000xf32, #tpu.memory_space<vmem>>) target_semaphore(%arg17 : memref<!tpu.dma_semaphore, #tpu.memory_space<semaphore_mem>>)
      } else {
      }
      %dma_wait3A_461 = arith.constant 0 : i32
      %dma_wait3A_462 = tpu.memref_slice %arg4[%mul3A_2, %dma_wait3A_461] : memref<1024x10000xf32, #tpu.memory_space<hbm>> -> memref<1x10000xf32, #tpu.memory_space<hbm>>
      %dma_wait3A_463 = arith.constant 0 : i32
      %dma_wait3A_464 = tpu.memref_slice %arg4[%mul3A_2, %dma_wait3A_463] : memref<1024x10000xf32, #tpu.memory_space<hbm>> -> memref<1x10000xf32, #tpu.memory_space<hbm>>
      tpu.wait_dma2 semaphore(%arg26 : memref<!tpu.dma_semaphore, #tpu.memory_space<semaphore_mem>>) src(%arg10 : memref<1x10000xf32, #tpu.memory_space<vmem>>) dst(%dma_wait3A_464 : memref<1x10000xf32, #tpu.memory_space<hbm>>)
      %mul3A_465 = arith.constant 16 : i32
      %mul3A_466 = arith.muli %scan3A_55, %mul3A_465 : i32
      %add3A_467 = arith.constant 16 : i32
      %add3A_468 = arith.addi %mul3A_466, %add3A_467 : i32
      %add3A_469 = arith.constant 4 : i32
      %add3A_470 = arith.addi %add3A_468, %add3A_469 : i32
      %lt3A_471 = arith.constant 32 : i32
      %lt3A_472 = arith.cmpi slt, %add3A_470, %lt3A_471 : i32
      %convert_element_type3A_473 = arith.extui %lt3A_472 : i1 to i32
      %cond3A_474 = arith.constant 0 : i32
      %cond3A_475 = arith.cmpi ne, %convert_element_type3A_473, %cond3A_474 : i32
      scf.if %cond3A_475 {
        %slice3A_521 = vector.extract_strided_slice %get3A_403 {offsets = [4], sizes = [1], strides = [1]} : vector<16xi32> to vector<1xi32>
        %squeeze3A_522 = vector.extract %slice3A_521[0] : i32 from vector<1xi32>
        %dma_start3A_523 = arith.constant 0 : i32
        %dma_start3A_524 = tpu.memref_slice %arg3[%squeeze3A_522, %dma_start3A_523] : memref<10000x10000xf32, #tpu.memory_space<hbm>> -> memref<1x10000xf32, #tpu.memory_space<hbm>>
        %dma_start3A_525 = arith.constant 0 : i32
        %dma_start3A_526 = tpu.memref_slice %arg3[%squeeze3A_522, %dma_start3A_525] : memref<10000x10000xf32, #tpu.memory_space<hbm>> -> memref<1x10000xf32, #tpu.memory_space<hbm>>
        tpu.enqueue_dma source(%dma_start3A_526 : memref<1x10000xf32, #tpu.memory_space<hbm>>) target(%arg10 : memref<1x10000xf32, #tpu.memory_space<vmem>>) target_semaphore(%arg18 : memref<!tpu.dma_semaphore, #tpu.memory_space<semaphore_mem>>)
      } else {
      }
      %dma_wait3A_476 = arith.constant 0 : i32
      %dma_wait3A_477 = tpu.memref_slice %arg4[%mul3A_2, %dma_wait3A_476] : memref<1024x10000xf32, #tpu.memory_space<hbm>> -> memref<1x10000xf32, #tpu.memory_space<hbm>>
      %dma_wait3A_478 = arith.constant 0 : i32
      %dma_wait3A_479 = tpu.memref_slice %arg4[%mul3A_2, %dma_wait3A_478] : memref<1024x10000xf32, #tpu.memory_space<hbm>> -> memref<1x10000xf32, #tpu.memory_space<hbm>>
      tpu.wait_dma2 semaphore(%arg27 : memref<!tpu.dma_semaphore, #tpu.memory_space<semaphore_mem>>) src(%arg11 : memref<1x10000xf32, #tpu.memory_space<vmem>>) dst(%dma_wait3A_479 : memref<1x10000xf32, #tpu.memory_space<hbm>>)
      %mul3A_480 = arith.constant 16 : i32
      %mul3A_481 = arith.muli %scan3A_55, %mul3A_480 : i32
      %add3A_482 = arith.constant 16 : i32
      %add3A_483 = arith.addi %mul3A_481, %add3A_482 : i32
      %add3A_484 = arith.constant 5 : i32
      %add3A_485 = arith.addi %add3A_483, %add3A_484 : i32
      %lt3A_486 = arith.constant 32 : i32
      %lt3A_487 = arith.cmpi slt, %add3A_485, %lt3A_486 : i32
      %convert_element_type3A_488 = arith.extui %lt3A_487 : i1 to i32
      %cond3A_489 = arith.constant 0 : i32
      %cond3A_490 = arith.cmpi ne, %convert_element_type3A_488, %cond3A_489 : i32
      scf.if %cond3A_490 {
        %slice3A_521 = vector.extract_strided_slice %get3A_403 {offsets = [5], sizes = [1], strides = [1]} : vector<16xi32> to vector<1xi32>
        %squeeze3A_522 = vector.extract %slice3A_521[0] : i32 from vector<1xi32>
        %dma_start3A_523 = arith.constant 0 : i32
        %dma_start3A_524 = tpu.memref_slice %arg3[%squeeze3A_522, %dma_start3A_523] : memref<10000x10000xf32, #tpu.memory_space<hbm>> -> memref<1x10000xf32, #tpu.memory_space<hbm>>
        %dma_start3A_525 = arith.constant 0 : i32
        %dma_start3A_526 = tpu.memref_slice %arg3[%squeeze3A_522, %dma_start3A_525] : memref<10000x10000xf32, #tpu.memory_space<hbm>> -> memref<1x10000xf32, #tpu.memory_space<hbm>>
        tpu.enqueue_dma source(%dma_start3A_526 : memref<1x10000xf32, #tpu.memory_space<hbm>>) target(%arg11 : memref<1x10000xf32, #tpu.memory_space<vmem>>) target_semaphore(%arg19 : memref<!tpu.dma_semaphore, #tpu.memory_space<semaphore_mem>>)
      } else {
      }
      %dma_wait3A_491 = arith.constant 0 : i32
      %dma_wait3A_492 = tpu.memref_slice %arg4[%mul3A_2, %dma_wait3A_491] : memref<1024x10000xf32, #tpu.memory_space<hbm>> -> memref<1x10000xf32, #tpu.memory_space<hbm>>
      %dma_wait3A_493 = arith.constant 0 : i32
      %dma_wait3A_494 = tpu.memref_slice %arg4[%mul3A_2, %dma_wait3A_493] : memref<1024x10000xf32, #tpu.memory_space<hbm>> -> memref<1x10000xf32, #tpu.memory_space<hbm>>
      tpu.wait_dma2 semaphore(%arg28 : memref<!tpu.dma_semaphore, #tpu.memory_space<semaphore_mem>>) src(%arg12 : memref<1x10000xf32, #tpu.memory_space<vmem>>) dst(%dma_wait3A_494 : memref<1x10000xf32, #tpu.memory_space<hbm>>)
      %mul3A_495 = arith.constant 16 : i32
      %mul3A_496 = arith.muli %scan3A_55, %mul3A_495 : i32
      %add3A_497 = arith.constant 16 : i32
      %add3A_498 = arith.addi %mul3A_496, %add3A_497 : i32
      %add3A_499 = arith.constant 6 : i32
      %add3A_500 = arith.addi %add3A_498, %add3A_499 : i32
      %lt3A_501 = arith.constant 32 : i32
      %lt3A_502 = arith.cmpi slt, %add3A_500, %lt3A_501 : i32
      %convert_element_type3A_503 = arith.extui %lt3A_502 : i1 to i32
      %cond3A_504 = arith.constant 0 : i32
      %cond3A_505 = arith.cmpi ne, %convert_element_type3A_503, %cond3A_504 : i32
      scf.if %cond3A_505 {
        %slice3A_521 = vector.extract_strided_slice %get3A_403 {offsets = [6], sizes = [1], strides = [1]} : vector<16xi32> to vector<1xi32>
        %squeeze3A_522 = vector.extract %slice3A_521[0] : i32 from vector<1xi32>
        %dma_start3A_523 = arith.constant 0 : i32
        %dma_start3A_524 = tpu.memref_slice %arg3[%squeeze3A_522, %dma_start3A_523] : memref<10000x10000xf32, #tpu.memory_space<hbm>> -> memref<1x10000xf32, #tpu.memory_space<hbm>>
        %dma_start3A_525 = arith.constant 0 : i32
        %dma_start3A_526 = tpu.memref_slice %arg3[%squeeze3A_522, %dma_start3A_525] : memref<10000x10000xf32, #tpu.memory_space<hbm>> -> memref<1x10000xf32, #tpu.memory_space<hbm>>
        tpu.enqueue_dma source(%dma_start3A_526 : memref<1x10000xf32, #tpu.memory_space<hbm>>) target(%arg12 : memref<1x10000xf32, #tpu.memory_space<vmem>>) target_semaphore(%arg20 : memref<!tpu.dma_semaphore, #tpu.memory_space<semaphore_mem>>)
      } else {
      }
      %dma_wait3A_506 = arith.constant 0 : i32
      %dma_wait3A_507 = tpu.memref_slice %arg4[%mul3A_2, %dma_wait3A_506] : memref<1024x10000xf32, #tpu.memory_space<hbm>> -> memref<1x10000xf32, #tpu.memory_space<hbm>>
      %dma_wait3A_508 = arith.constant 0 : i32
      %dma_wait3A_509 = tpu.memref_slice %arg4[%mul3A_2, %dma_wait3A_508] : memref<1024x10000xf32, #tpu.memory_space<hbm>> -> memref<1x10000xf32, #tpu.memory_space<hbm>>
      tpu.wait_dma2 semaphore(%arg29 : memref<!tpu.dma_semaphore, #tpu.memory_space<semaphore_mem>>) src(%arg13 : memref<1x10000xf32, #tpu.memory_space<vmem>>) dst(%dma_wait3A_509 : memref<1x10000xf32, #tpu.memory_space<hbm>>)
      %mul3A_510 = arith.constant 16 : i32
      %mul3A_511 = arith.muli %scan3A_55, %mul3A_510 : i32
      %add3A_512 = arith.constant 16 : i32
      %add3A_513 = arith.addi %mul3A_511, %add3A_512 : i32
      %add3A_514 = arith.constant 7 : i32
      %add3A_515 = arith.addi %add3A_513, %add3A_514 : i32
      %lt3A_516 = arith.constant 32 : i32
      %lt3A_517 = arith.cmpi slt, %add3A_515, %lt3A_516 : i32
      %convert_element_type3A_518 = arith.extui %lt3A_517 : i1 to i32
      %cond3A_519 = arith.constant 0 : i32
      %cond3A_520 = arith.cmpi ne, %convert_element_type3A_518, %cond3A_519 : i32
      scf.if %cond3A_520 {
        %slice3A_521 = vector.extract_strided_slice %get3A_403 {offsets = [7], sizes = [1], strides = [1]} : vector<16xi32> to vector<1xi32>
        %squeeze3A_522 = vector.extract %slice3A_521[0] : i32 from vector<1xi32>
        %dma_start3A_523 = arith.constant 0 : i32
        %dma_start3A_524 = tpu.memref_slice %arg3[%squeeze3A_522, %dma_start3A_523] : memref<10000x10000xf32, #tpu.memory_space<hbm>> -> memref<1x10000xf32, #tpu.memory_space<hbm>>
        %dma_start3A_525 = arith.constant 0 : i32
        %dma_start3A_526 = tpu.memref_slice %arg3[%squeeze3A_522, %dma_start3A_525] : memref<10000x10000xf32, #tpu.memory_space<hbm>> -> memref<1x10000xf32, #tpu.memory_space<hbm>>
        tpu.enqueue_dma source(%dma_start3A_526 : memref<1x10000xf32, #tpu.memory_space<hbm>>) target(%arg13 : memref<1x10000xf32, #tpu.memory_space<vmem>>) target_semaphore(%arg21 : memref<!tpu.dma_semaphore, #tpu.memory_space<semaphore_mem>>)
      } else {
      }
    }
    %scan3A_54 = arith.constant 2 : i32
    return
  }
}

#map = affine_map<(d0, d1) -> (0)>
#map1 = affine_map<(d0, d1) -> (0, 0)>
module attributes {stable_mosaic.version = 14 : i64} {
  func.func @body(%arg0: i32, %arg1: i32, %arg2: memref<1024xi32, #tpu.memory_space<hbm>>, %arg3: memref<10000x10000xf32, #tpu.memory_space<hbm>>, %arg4: memref<1024x10000xf32, #tpu.memory_space<hbm>>, %arg5: memref<48xi32, #tpu.memory_space<vmem>>, %arg6: memref<1x10000xf32, #tpu.memory_space<vmem>>, %arg7: memref<1x10000xf32, #tpu.memory_space<vmem>>, %arg8: memref<1x10000xf32, #tpu.memory_space<vmem>>, %arg9: memref<1x10000xf32, #tpu.memory_space<vmem>>, %arg10: memref<1x10000xf32, #tpu.memory_space<vmem>>, %arg11: memref<1x10000xf32, #tpu.memory_space<vmem>>, %arg12: memref<1x10000xf32, #tpu.memory_space<vmem>>, %arg13: memref<1x10000xf32, #tpu.memory_space<vmem>>, %arg14: memref<!tpu.dma_semaphore, #tpu.memory_space<semaphore_mem>>, %arg15: memref<!tpu.dma_semaphore, #tpu.memory_space<semaphore_mem>>, %arg16: memref<!tpu.dma_semaphore, #tpu.memory_space<semaphore_mem>>, %arg17: memref<!tpu.dma_semaphore, #tpu.memory_space<semaphore_mem>>, %arg18: memref<!tpu.dma_semaphore, #tpu.memory_space<semaphore_mem>>, %arg19: memref<!tpu.dma_semaphore, #tpu.memory_space<semaphore_mem>>, %arg20: memref<!tpu.dma_semaphore, #tpu.memory_space<semaphore_mem>>, %arg21: memref<!tpu.dma_semaphore, #tpu.memory_space<semaphore_mem>>, %arg22: memref<!tpu.dma_semaphore, #tpu.memory_space<semaphore_mem>>, %arg23: memref<!tpu.dma_semaphore, #tpu.memory_space<semaphore_mem>>, %arg24: memref<!tpu.dma_semaphore, #tpu.memory_space<semaphore_mem>>, %arg25: memref<!tpu.dma_semaphore, #tpu.memory_space<semaphore_mem>>, %arg26: memref<!tpu.dma_semaphore, #tpu.memory_space<semaphore_mem>>, %arg27: memref<!tpu.dma_semaphore, #tpu.memory_space<semaphore_mem>>, %arg28: memref<!tpu.dma_semaphore, #tpu.memory_space<semaphore_mem>>, %arg29: memref<!tpu.dma_semaphore, #tpu.memory_space<semaphore_mem>>) attributes {dimension_semantics = [#tpu.dimension_semantics<core_parallel>, #tpu.dimension_semantics<subcore_parallel>], iteration_bounds = array<i64: 2, 16>, scalar_prefetch = 0 : i64, scratch_operands = 25 : i64, tpu.core_type = #tpu.core_type<sc_vector_subcore>, window_params = [{transform_indices = #map}, {transform_indices = #map1}, {transform_indices = #map1}]} {
    %mul3A = arith.constant 2 : i32
    %mul3A_0 = arith.muli %arg1, %mul3A : i32
    %add3A = arith.addi %mul3A_0, %arg0 : i32
    %mul3A_1 = arith.constant 32 : i32
    %mul3A_2 = arith.muli %add3A, %mul3A_1 : i32
    "tpu.region"() ({
      %run_scoped3A = tpu.sem_alloc : memref<!tpu.dma_semaphore, #tpu.memory_space<semaphore_mem>>
      %dma_start3A_55 = arith.constant 0 : i32
      %dma_start3A_56 = tpu.memref_slice %arg5[%dma_start3A_55] : memref<48xi32, #tpu.memory_space<vmem>> -> memref<32xi32, #tpu.memory_space<vmem>>
      %dma_start3A_57 = tpu.memref_slice %arg2[%mul3A_2] : memref<1024xi32, #tpu.memory_space<hbm>> -> memref<32xi32, #tpu.memory_space<hbm>>
      %dma_start3A_58 = arith.constant 0 : i32
      %dma_start3A_59 = tpu.memref_slice %arg5[%dma_start3A_58] : memref<48xi32, #tpu.memory_space<vmem>> -> memref<32xi32, #tpu.memory_space<vmem>>
      %dma_start3A_60 = tpu.memref_slice %arg2[%mul3A_2] : memref<1024xi32, #tpu.memory_space<hbm>> -> memref<32xi32, #tpu.memory_space<hbm>>
      tpu.enqueue_dma source(%dma_start3A_60 : memref<32xi32, #tpu.memory_space<hbm>>) target(%dma_start3A_59 : memref<32xi32, #tpu.memory_space<vmem>>) target_semaphore(%run_scoped3A : memref<!tpu.dma_semaphore, #tpu.memory_space<semaphore_mem>>)
      %dma_wait3A = arith.constant 0 : i32
      %dma_wait3A_61 = tpu.memref_slice %arg5[%dma_wait3A] : memref<48xi32, #tpu.memory_space<vmem>> -> memref<32xi32, #tpu.memory_space<vmem>>
      %dma_wait3A_62 = tpu.memref_slice %arg2[%mul3A_2] : memref<1024xi32, #tpu.memory_space<hbm>> -> memref<32xi32, #tpu.memory_space<hbm>>
      %dma_wait3A_63 = arith.constant 0 : i32
      %dma_wait3A_64 = tpu.memref_slice %arg5[%dma_wait3A_63] : memref<48xi32, #tpu.memory_space<vmem>> -> memref<32xi32, #tpu.memory_space<vmem>>
      %dma_wait3A_65 = tpu.memref_slice %arg2[%mul3A_2] : memref<1024xi32, #tpu.memory_space<hbm>> -> memref<32xi32, #tpu.memory_space<hbm>>
      tpu.wait_dma2 semaphore(%run_scoped3A : memref<!tpu.dma_semaphore, #tpu.memory_space<semaphore_mem>>) src(%dma_wait3A_65 : memref<32xi32, #tpu.memory_space<hbm>>) dst(%dma_wait3A_64 : memref<32xi32, #tpu.memory_space<vmem>>)
      tpu.yield
    }) : () -> ()
    %get3A = arith.constant 0 : index
    %get3A_3 = tpu.vector_load %arg5[%get3A] {strides = array<i32>} : memref<48xi32, #tpu.memory_space<vmem>>, vector<16xi32>,
    %get3A_4 = vector.shape_cast %get3A_3 : vector<16xi32> to vector<16xi32>
    %slice3A = vector.extract_strided_slice %get3A_4 {offsets = [0], sizes = [1], strides = [1]} : vector<16xi32> to vector<1xi32>
    %squeeze3A = vector.extract %slice3A[0] : i32 from vector<1xi32>
    %dma_start3A = arith.constant 0 : i32
    %dma_start3A_5 = tpu.memref_slice %arg3[%squeeze3A, %dma_start3A] : memref<10000x10000xf32, #tpu.memory_space<hbm>> -> memref<1x10000xf32, #tpu.memory_space<hbm>>
    %dma_start3A_6 = arith.constant 0 : i32
    %dma_start3A_7 = tpu.memref_slice %arg3[%squeeze3A, %dma_start3A_6] : memref<10000x10000xf32, #tpu.memory_space<hbm>> -> memref<1x10000xf32, #tpu.memory_space<hbm>>
    tpu.enqueue_dma source(%dma_start3A_7 : memref<1x10000xf32, #tpu.memory_space<hbm>>) target(%arg6 : memref<1x10000xf32, #tpu.memory_space<vmem>>) target_semaphore(%arg14 : memref<!tpu.dma_semaphore, #tpu.memory_space<semaphore_mem>>)
    %slice3A_8 = vector.extract_strided_slice %get3A_4 {offsets = [1], sizes = [1], strides = [1]} : vector<16xi32> to vector<1xi32>
    %squeeze3A_9 = vector.extract %slice3A_8[0] : i32 from vector<1xi32>
    %dma_start3A_10 = arith.constant 0 : i32
    %dma_start3A_11 = tpu.memref_slice %arg3[%squeeze3A_9, %dma_start3A_10] : memref<10000x10000xf32, #tpu.memory_space<hbm>> -> memref<1x10000xf32, #tpu.memory_space<hbm>>
    %dma_start3A_12 = arith.constant 0 : i32
    %dma_start3A_13 = tpu.memref_slice %arg3[%squeeze3A_9, %dma_start3A_12] : memref<10000x10000xf32, #tpu.memory_space<hbm>> -> memref<1x10000xf32, #tpu.memory_space<hbm>>
    tpu.enqueue_dma source(%dma_start3A_13 : memref<1x10000xf32, #tpu.memory_space<hbm>>) target(%arg7 : memref<1x10000xf32, #tpu.memory_space<vmem>>) target_semaphore(%arg15 : memref<!tpu.dma_semaphore, #tpu.memory_space<semaphore_mem>>)
    %slice3A_14 = vector.extract_strided_slice %get3A_4 {offsets = [2], sizes = [1], strides = [1]} : vector<16xi32> to vector<1xi32>
    %squeeze3A_15 = vector.extract %slice3A_14[0] : i32 from vector<1xi32>
    %dma_start3A_16 = arith.constant 0 : i32
    %dma_start3A_17 = tpu.memref_slice %arg3[%squeeze3A_15, %dma_start3A_16] : memref<10000x10000xf32, #tpu.memory_space<hbm>> -> memref<1x10000xf32, #tpu.memory_space<hbm>>
    %dma_start3A_18 = arith.constant 0 : i32
    %dma_start3A_19 = tpu.memref_slice %arg3[%squeeze3A_15, %dma_start3A_18] : memref<10000x10000xf32, #tpu.memory_space<hbm>> -> memref<1x10000xf32, #tpu.memory_space<hbm>>
    tpu.enqueue_dma source(%dma_start3A_19 : memref<1x10000xf32, #tpu.memory_space<hbm>>) target(%arg8 : memref<1x10000xf32, #tpu.memory_space<vmem>>) target_semaphore(%arg16 : memref<!tpu.dma_semaphore, #tpu.memory_space<semaphore_mem>>)
    %slice3A_20 = vector.extract_strided_slice %get3A_4 {offsets = [3], sizes = [1], strides = [1]} : vector<16xi32> to vector<1xi32>
    %squeeze3A_21 = vector.extract %slice3A_20[0] : i32 from vector<1xi32>
    %dma_start3A_22 = arith.constant 0 : i32
    %dma_start3A_23 = tpu.memref_slice %arg3[%squeeze3A_21, %dma_start3A_22] : memref<10000x10000xf32, #tpu.memory_space<hbm>> -> memref<1x10000xf32, #tpu.memory_space<hbm>>
    %dma_start3A_24 = arith.constant 0 : i32
    %dma_start3A_25 = tpu.memref_slice %arg3[%squeeze3A_21, %dma_start3A_24] : memref<10000x10000xf32, #tpu.memory_space<hbm>> -> memref<1x10000xf32, #tpu.memory_space<hbm>>
    tpu.enqueue_dma source(%dma_start3A_25 : memref<1x10000xf32, #tpu.memory_space<hbm>>) target(%arg9 : memref<1x10000xf32, #tpu.memory_space<vmem>>) target_semaphore(%arg17 : memref<!tpu.dma_semaphore, #tpu.memory_space<semaphore_mem>>)
    %slice3A_26 = vector.extract_strided_slice %get3A_4 {offsets = [4], sizes = [1], strides = [1]} : vector<16xi32> to vector<1xi32>
    %squeeze3A_27 = vector.extract %slice3A_26[0] : i32 from vector<1xi32>
    %dma_start3A_28 = arith.constant 0 : i32
    %dma_start3A_29 = tpu.memref_slice %arg3[%squeeze3A_27, %dma_start3A_28] : memref<10000x10000xf32, #tpu.memory_space<hbm>> -> memref<1x10000xf32, #tpu.memory_space<hbm>>
    %dma_start3A_30 = arith.constant 0 : i32
    %dma_start3A_31 = tpu.memref_slice %arg3[%squeeze3A_27, %dma_start3A_30] : memref<10000x10000xf32, #tpu.memory_space<hbm>> -> memref<1x10000xf32, #tpu.memory_space<hbm>>
    tpu.enqueue_dma source(%dma_start3A_31 : memref<1x10000xf32, #tpu.memory_space<hbm>>) target(%arg10 : memref<1x10000xf32, #tpu.memory_space<vmem>>) target_semaphore(%arg18 : memref<!tpu.dma_semaphore, #tpu.memory_space<semaphore_mem>>)
    %slice3A_32 = vector.extract_strided_slice %get3A_4 {offsets = [5], sizes = [1], strides = [1]} : vector<16xi32> to vector<1xi32>
    %squeeze3A_33 = vector.extract %slice3A_32[0] : i32 from vector<1xi32>
    %dma_start3A_34 = arith.constant 0 : i32
    %dma_start3A_35 = tpu.memref_slice %arg3[%squeeze3A_33, %dma_start3A_34] : memref<10000x10000xf32, #tpu.memory_space<hbm>> -> memref<1x10000xf32, #tpu.memory_space<hbm>>
    %dma_start3A_36 = arith.constant 0 : i32
    %dma_start3A_37 = tpu.memref_slice %arg3[%squeeze3A_33, %dma_start3A_36] : memref<10000x10000xf32, #tpu.memory_space<hbm>> -> memref<1x10000xf32, #tpu.memory_space<hbm>>
    tpu.enqueue_dma source(%dma_start3A_37 : memref<1x10000xf32, #tpu.memory_space<hbm>>) target(%arg11 : memref<1x10000xf32, #tpu.memory_space<vmem>>) target_semaphore(%arg19 : memref<!tpu.dma_semaphore, #tpu.memory_space<semaphore_mem>>)
    %slice3A_38 = vector.extract_strided_slice %get3A_4 {offsets = [6], sizes = [1], strides = [1]} : vector<16xi32> to vector<1xi32>
    %squeeze3A_39 = vector.extract %slice3A_38[0] : i32 from vector<1xi32>
    %dma_start3A_40 = arith.constant 0 : i32
    %dma_start3A_41 = tpu.memref_slice %arg3[%squeeze3A_39, %dma_start3A_40] : memref<10000x10000xf32, #tpu.memory_space<hbm>> -> memref<1x10000xf32, #tpu.memory_space<hbm>>
    %dma_start3A_42 = arith.constant 0 : i32
    %dma_start3A_43 = tpu.memref_slice %arg3[%squeeze3A_39, %dma_start3A_42] : memref<10000x10000xf32, #tpu.memory_space<hbm>> -> memref<1x10000xf32, #tpu.memory_space<hbm>>
    tpu.enqueue_dma source(%dma_start3A_43 : memref<1x10000xf32, #tpu.memory_space<hbm>>) target(%arg12 : memref<1x10000xf32, #tpu.memory_space<vmem>>) target_semaphore(%arg20 : memref<!tpu.dma_semaphore, #tpu.memory_space<semaphore_mem>>)
    %slice3A_44 = vector.extract_strided_slice %get3A_4 {offsets = [7], sizes = [1], strides = [1]} : vector<16xi32> to vector<1xi32>
    %squeeze3A_45 = vector.extract %slice3A_44[0] : i32 from vector<1xi32>
    %dma_start3A_46 = arith.constant 0 : i32
    %dma_start3A_47 = tpu.memref_slice %arg3[%squeeze3A_45, %dma_start3A_46] : memref<10000x10000xf32, #tpu.memory_space<hbm>> -> memref<1x10000xf32, #tpu.memory_space<hbm>>
    %dma_start3A_48 = arith.constant 0 : i32
    %dma_start3A_49 = tpu.memref_slice %arg3[%squeeze3A_45, %dma_start3A_48] : memref<10000x10000xf32, #tpu.memory_space<hbm>> -> memref<1x10000xf32, #tpu.memory_space<hbm>>
    tpu.enqueue_dma source(%dma_start3A_49 : memref<1x10000xf32, #tpu.memory_space<hbm>>) target(%arg13 : memref<1x10000xf32, #tpu.memory_space<vmem>>) target_semaphore(%arg21 : memref<!tpu.dma_semaphore, #tpu.memory_space<semaphore_mem>>)
    %scan3A = arith.constant 0 : i32
    %scan3A_50 = arith.constant 0 : i32
    %scan3A_51 = arith.constant 2 : i32
    %scan3A_52 = arith.addi %scan3A_50, %scan3A_51 : i32
    %scan3A_53 = arith.constant 1 : i32
    scf.for %scan3A_55 = %scan3A_50 to %scan3A_52 step %scan3A_53  : i32 {
      %mul3A_56 = arith.constant 16 : i32
      %mul3A_57 = arith.muli %scan3A_55, %mul3A_56 : i32
      %multiple_of3A = tpu.assume_multiple %mul3A_57, 8 : i32
      %get3A_58 = arith.index_cast %multiple_of3A : i32 to index
      %get3A_59 = tpu.vector_load %arg5[%get3A_58] {strides = array<i32>} : memref<48xi32, #tpu.memory_space<vmem>>, vector<16xi32>,
      %get3A_60 = vector.shape_cast %get3A_59 : vector<16xi32> to vector<16xi32>
      %dma_wait3A = arith.constant 0 : i32
      %dma_wait3A_61 = arith.constant 0 : i32
      %dma_wait3A_62 = tpu.memref_slice %arg3[%dma_wait3A, %dma_wait3A_61] : memref<10000x10000xf32, #tpu.memory_space<hbm>> -> memref<1x10000xf32, #tpu.memory_space<hbm>>
      %dma_wait3A_63 = arith.constant 0 : i32
      %dma_wait3A_64 = arith.constant 0 : i32
      %dma_wait3A_65 = tpu.memref_slice %arg3[%dma_wait3A_63, %dma_wait3A_64] : memref<10000x10000xf32, #tpu.memory_space<hbm>> -> memref<1x10000xf32, #tpu.memory_space<hbm>>
      tpu.wait_dma2 semaphore(%arg14 : memref<!tpu.dma_semaphore, #tpu.memory_space<semaphore_mem>>) src(%dma_wait3A_65 : memref<1x10000xf32, #tpu.memory_space<hbm>>) dst(%arg6 : memref<1x10000xf32, #tpu.memory_space<vmem>>)
      %mul3A_66 = arith.constant 16 : i32
      %mul3A_67 = arith.muli %scan3A_55, %mul3A_66 : i32
      %add3A_68 = arith.addi %mul3A_2, %mul3A_67 : i32
      %add3A_69 = arith.constant 0 : i32
      %add3A_70 = arith.addi %add3A_68, %add3A_69 : i32
      %dma_start3A_71 = arith.constant 0 : i32
      %dma_start3A_72 = tpu.memref_slice %arg4[%add3A_70, %dma_start3A_71] : memref<1024x10000xf32, #tpu.memory_space<hbm>> -> memref<1x10000xf32, #tpu.memory_space<hbm>>
      %dma_start3A_73 = arith.constant 0 : i32
      %dma_start3A_74 = tpu.memref_slice %arg4[%add3A_70, %dma_start3A_73] : memref<1024x10000xf32, #tpu.memory_space<hbm>> -> memref<1x10000xf32, #tpu.memory_space<hbm>>
      tpu.enqueue_dma source(%arg6 : memref<1x10000xf32, #tpu.memory_space<vmem>>) target(%dma_start3A_74 : memref<1x10000xf32, #tpu.memory_space<hbm>>) target_semaphore(%arg22 : memref<!tpu.dma_semaphore, #tpu.memory_space<semaphore_mem>>)
      %dma_wait3A_75 = arith.constant 0 : i32
      %dma_wait3A_76 = arith.constant 0 : i32
      %dma_wait3A_77 = tpu.memref_slice %arg3[%dma_wait3A_75, %dma_wait3A_76] : memref<10000x10000xf32, #tpu.memory_space<hbm>> -> memref<1x10000xf32, #tpu.memory_space<hbm>>
      %dma_wait3A_78 = arith.constant 0 : i32
      %dma_wait3A_79 = arith.constant 0 : i32
      %dma_wait3A_80 = tpu.memref_slice %arg3[%dma_wait3A_78, %dma_wait3A_79] : memref<10000x10000xf32, #tpu.memory_space<hbm>> -> memref<1x10000xf32, #tpu.memory_space<hbm>>
      tpu.wait_dma2 semaphore(%arg15 : memref<!tpu.dma_semaphore, #tpu.memory_space<semaphore_mem>>) src(%dma_wait3A_80 : memref<1x10000xf32, #tpu.memory_space<hbm>>) dst(%arg7 : memref<1x10000xf32, #tpu.memory_space<vmem>>)
      %mul3A_81 = arith.constant 16 : i32
      %mul3A_82 = arith.muli %scan3A_55, %mul3A_81 : i32
      %add3A_83 = arith.addi %mul3A_2, %mul3A_82 : i32
      %add3A_84 = arith.constant 1 : i32
      %add3A_85 = arith.addi %add3A_83, %add3A_84 : i32
      %dma_start3A_86 = arith.constant 0 : i32
      %dma_start3A_87 = tpu.memref_slice %arg4[%add3A_85, %dma_start3A_86] : memref<1024x10000xf32, #tpu.memory_space<hbm>> -> memref<1x10000xf32, #tpu.memory_space<hbm>>
      %dma_start3A_88 = arith.constant 0 : i32
      %dma_start3A_89 = tpu.memref_slice %arg4[%add3A_85, %dma_start3A_88] : memref<1024x10000xf32, #tpu.memory_space<hbm>> -> memref<1x10000xf32, #tpu.memory_space<hbm>>
      tpu.enqueue_dma source(%arg7 : memref<1x10000xf32, #tpu.memory_space<vmem>>) target(%dma_start3A_89 : memref<1x10000xf32, #tpu.memory_space<hbm>>) target_semaphore(%arg23 : memref<!tpu.dma_semaphore, #tpu.memory_space<semaphore_mem>>)
      %dma_wait3A_90 = arith.constant 0 : i32
      %dma_wait3A_91 = arith.constant 0 : i32
      %dma_wait3A_92 = tpu.memref_slice %arg3[%dma_wait3A_90, %dma_wait3A_91] : memref<10000x10000xf32, #tpu.memory_space<hbm>> -> memref<1x10000xf32, #tpu.memory_space<hbm>>
      %dma_wait3A_93 = arith.constant 0 : i32
      %dma_wait3A_94 = arith.constant 0 : i32
      %dma_wait3A_95 = tpu.memref_slice %arg3[%dma_wait3A_93, %dma_wait3A_94] : memref<10000x10000xf32, #tpu.memory_space<hbm>> -> memref<1x10000xf32, #tpu.memory_space<hbm>>
      tpu.wait_dma2 semaphore(%arg16 : memref<!tpu.dma_semaphore, #tpu.memory_space<semaphore_mem>>) src(%dma_wait3A_95 : memref<1x10000xf32, #tpu.memory_space<hbm>>) dst(%arg8 : memref<1x10000xf32, #tpu.memory_space<vmem>>)
      %mul3A_96 = arith.constant 16 : i32
      %mul3A_97 = arith.muli %scan3A_55, %mul3A_96 : i32
      %add3A_98 = arith.addi %mul3A_2, %mul3A_97 : i32
      %add3A_99 = arith.constant 2 : i32
      %add3A_100 = arith.addi %add3A_98, %add3A_99 : i32
      %dma_start3A_101 = arith.constant 0 : i32
      %dma_start3A_102 = tpu.memref_slice %arg4[%add3A_100, %dma_start3A_101] : memref<1024x10000xf32, #tpu.memory_space<hbm>> -> memref<1x10000xf32, #tpu.memory_space<hbm>>
      %dma_start3A_103 = arith.constant 0 : i32
      %dma_start3A_104 = tpu.memref_slice %arg4[%add3A_100, %dma_start3A_103] : memref<1024x10000xf32, #tpu.memory_space<hbm>> -> memref<1x10000xf32, #tpu.memory_space<hbm>>
      tpu.enqueue_dma source(%arg8 : memref<1x10000xf32, #tpu.memory_space<vmem>>) target(%dma_start3A_104 : memref<1x10000xf32, #tpu.memory_space<hbm>>) target_semaphore(%arg24 : memref<!tpu.dma_semaphore, #tpu.memory_space<semaphore_mem>>)
      %dma_wait3A_105 = arith.constant 0 : i32
      %dma_wait3A_106 = arith.constant 0 : i32
      %dma_wait3A_107 = tpu.memref_slice %arg3[%dma_wait3A_105, %dma_wait3A_106] : memref<10000x10000xf32, #tpu.memory_space<hbm>> -> memref<1x10000xf32, #tpu.memory_space<hbm>>
      %dma_wait3A_108 = arith.constant 0 : i32
      %dma_wait3A_109 = arith.constant 0 : i32
      %dma_wait3A_110 = tpu.memref_slice %arg3[%dma_wait3A_108, %dma_wait3A_109] : memref<10000x10000xf32, #tpu.memory_space<hbm>> -> memref<1x10000xf32, #tpu.memory_space<hbm>>
      tpu.wait_dma2 semaphore(%arg17 : memref<!tpu.dma_semaphore, #tpu.memory_space<semaphore_mem>>) src(%dma_wait3A_110 : memref<1x10000xf32, #tpu.memory_space<hbm>>) dst(%arg9 : memref<1x10000xf32, #tpu.memory_space<vmem>>)
      %mul3A_111 = arith.constant 16 : i32
      %mul3A_112 = arith.muli %scan3A_55, %mul3A_111 : i32
      %add3A_113 = arith.addi %mul3A_2, %mul3A_112 : i32
      %add3A_114 = arith.constant 3 : i32
      %add3A_115 = arith.addi %add3A_113, %add3A_114 : i32
      %dma_start3A_116 = arith.constant 0 : i32
      %dma_start3A_117 = tpu.memref_slice %arg4[%add3A_115, %dma_start3A_116] : memref<1024x10000xf32, #tpu.memory_space<hbm>> -> memref<1x10000xf32, #tpu.memory_space<hbm>>
      %dma_start3A_118 = arith.constant 0 : i32
      %dma_start3A_119 = tpu.memref_slice %arg4[%add3A_115, %dma_start3A_118] : memref<1024x10000xf32, #tpu.memory_space<hbm>> -> memref<1x10000xf32, #tpu.memory_space<hbm>>
      tpu.enqueue_dma source(%arg9 : memref<1x10000xf32, #tpu.memory_space<vmem>>) target(%dma_start3A_119 : memref<1x10000xf32, #tpu.memory_space<hbm>>) target_semaphore(%arg25 : memref<!tpu.dma_semaphore, #tpu.memory_space<semaphore_mem>>)
      %dma_wait3A_120 = arith.constant 0 : i32
      %dma_wait3A_121 = arith.constant 0 : i32
      %dma_wait3A_122 = tpu.memref_slice %arg3[%dma_wait3A_120, %dma_wait3A_121] : memref<10000x10000xf32, #tpu.memory_space<hbm>> -> memref<1x10000xf32, #tpu.memory_space<hbm>>
      %dma_wait3A_123 = arith.constant 0 : i32
      %dma_wait3A_124 = arith.constant 0 : i32
      %dma_wait3A_125 = tpu.memref_slice %arg3[%dma_wait3A_123, %dma_wait3A_124] : memref<10000x10000xf32, #tpu.memory_space<hbm>> -> memref<1x10000xf32, #tpu.memory_space<hbm>>
      tpu.wait_dma2 semaphore(%arg18 : memref<!tpu.dma_semaphore, #tpu.memory_space<semaphore_mem>>) src(%dma_wait3A_125 : memref<1x10000xf32, #tpu.memory_space<hbm>>) dst(%arg10 : memref<1x10000xf32, #tpu.memory_space<vmem>>)
      %mul3A_126 = arith.constant 16 : i32
      %mul3A_127 = arith.muli %scan3A_55, %mul3A_126 : i32
      %add3A_128 = arith.addi %mul3A_2, %mul3A_127 : i32
      %add3A_129 = arith.constant 4 : i32
      %add3A_130 = arith.addi %add3A_128, %add3A_129 : i32
      %dma_start3A_131 = arith.constant 0 : i32
      %dma_start3A_132 = tpu.memref_slice %arg4[%add3A_130, %dma_start3A_131] : memref<1024x10000xf32, #tpu.memory_space<hbm>> -> memref<1x10000xf32, #tpu.memory_space<hbm>>
      %dma_start3A_133 = arith.constant 0 : i32
      %dma_start3A_134 = tpu.memref_slice %arg4[%add3A_130, %dma_start3A_133] : memref<1024x10000xf32, #tpu.memory_space<hbm>> -> memref<1x10000xf32, #tpu.memory_space<hbm>>
      tpu.enqueue_dma source(%arg10 : memref<1x10000xf32, #tpu.memory_space<vmem>>) target(%dma_start3A_134 : memref<1x10000xf32, #tpu.memory_space<hbm>>) target_semaphore(%arg26 : memref<!tpu.dma_semaphore, #tpu.memory_space<semaphore_mem>>)
      %dma_wait3A_135 = arith.constant 0 : i32
      %dma_wait3A_136 = arith.constant 0 : i32
      %dma_wait3A_137 = tpu.memref_slice %arg3[%dma_wait3A_135, %dma_wait3A_136] : memref<10000x10000xf32, #tpu.memory_space<hbm>> -> memref<1x10000xf32, #tpu.memory_space<hbm>>
      %dma_wait3A_138 = arith.constant 0 : i32
      %dma_wait3A_139 = arith.constant 0 : i32
      %dma_wait3A_140 = tpu.memref_slice %arg3[%dma_wait3A_138, %dma_wait3A_139] : memref<10000x10000xf32, #tpu.memory_space<hbm>> -> memref<1x10000xf32, #tpu.memory_space<hbm>>
      tpu.wait_dma2 semaphore(%arg19 : memref<!tpu.dma_semaphore, #tpu.memory_space<semaphore_mem>>) src(%dma_wait3A_140 : memref<1x10000xf32, #tpu.memory_space<hbm>>) dst(%arg11 : memref<1x10000xf32, #tpu.memory_space<vmem>>)
      %mul3A_141 = arith.constant 16 : i32
      %mul3A_142 = arith.muli %scan3A_55, %mul3A_141 : i32
      %add3A_143 = arith.addi %mul3A_2, %mul3A_142 : i32
      %add3A_144 = arith.constant 5 : i32
      %add3A_145 = arith.addi %add3A_143, %add3A_144 : i32
      %dma_start3A_146 = arith.constant 0 : i32
      %dma_start3A_147 = tpu.memref_slice %arg4[%add3A_145, %dma_start3A_146] : memref<1024x10000xf32, #tpu.memory_space<hbm>> -> memref<1x10000xf32, #tpu.memory_space<hbm>>
      %dma_start3A_148 = arith.constant 0 : i32
      %dma_start3A_149 = tpu.memref_slice %arg4[%add3A_145, %dma_start3A_148] : memref<1024x10000xf32, #tpu.memory_space<hbm>> -> memref<1x10000xf32, #tpu.memory_space<hbm>>
      tpu.enqueue_dma source(%arg11 : memref<1x10000xf32, #tpu.memory_space<vmem>>) target(%dma_start3A_149 : memref<1x10000xf32, #tpu.memory_space<hbm>>) target_semaphore(%arg27 : memref<!tpu.dma_semaphore, #tpu.memory_space<semaphore_mem>>)
      %dma_wait3A_150 = arith.constant 0 : i32
      %dma_wait3A_151 = arith.constant 0 : i32
      %dma_wait3A_152 = tpu.memref_slice %arg3[%dma_wait3A_150, %dma_wait3A_151] : memref<10000x10000xf32, #tpu.memory_space<hbm>> -> memref<1x10000xf32, #tpu.memory_space<hbm>>
      %dma_wait3A_153 = arith.constant 0 : i32
      %dma_wait3A_154 = arith.constant 0 : i32
      %dma_wait3A_155 = tpu.memref_slice %arg3[%dma_wait3A_153, %dma_wait3A_154] : memref<10000x10000xf32, #tpu.memory_space<hbm>> -> memref<1x10000xf32, #tpu.memory_space<hbm>>
      tpu.wait_dma2 semaphore(%arg20 : memref<!tpu.dma_semaphore, #tpu.memory_space<semaphore_mem>>) src(%dma_wait3A_155 : memref<1x10000xf32, #tpu.memory_space<hbm>>) dst(%arg12 : memref<1x10000xf32, #tpu.memory_space<vmem>>)
      %mul3A_156 = arith.constant 16 : i32
      %mul3A_157 = arith.muli %scan3A_55, %mul3A_156 : i32
      %add3A_158 = arith.addi %mul3A_2, %mul3A_157 : i32
      %add3A_159 = arith.constant 6 : i32
      %add3A_160 = arith.addi %add3A_158, %add3A_159 : i32
      %dma_start3A_161 = arith.constant 0 : i32
      %dma_start3A_162 = tpu.memref_slice %arg4[%add3A_160, %dma_start3A_161] : memref<1024x10000xf32, #tpu.memory_space<hbm>> -> memref<1x10000xf32, #tpu.memory_space<hbm>>
      %dma_start3A_163 = arith.constant 0 : i32
      %dma_start3A_164 = tpu.memref_slice %arg4[%add3A_160, %dma_start3A_163] : memref<1024x10000xf32, #tpu.memory_space<hbm>> -> memref<1x10000xf32, #tpu.memory_space<hbm>>
      tpu.enqueue_dma source(%arg12 : memref<1x10000xf32, #tpu.memory_space<vmem>>) target(%dma_start3A_164 : memref<1x10000xf32, #tpu.memory_space<hbm>>) target_semaphore(%arg28 : memref<!tpu.dma_semaphore, #tpu.memory_space<semaphore_mem>>)
      %dma_wait3A_165 = arith.constant 0 : i32
      %dma_wait3A_166 = arith.constant 0 : i32
      %dma_wait3A_167 = tpu.memref_slice %arg3[%dma_wait3A_165, %dma_wait3A_166] : memref<10000x10000xf32, #tpu.memory_space<hbm>> -> memref<1x10000xf32, #tpu.memory_space<hbm>>
      %dma_wait3A_168 = arith.constant 0 : i32
      %dma_wait3A_169 = arith.constant 0 : i32
      %dma_wait3A_170 = tpu.memref_slice %arg3[%dma_wait3A_168, %dma_wait3A_169] : memref<10000x10000xf32, #tpu.memory_space<hbm>> -> memref<1x10000xf32, #tpu.memory_space<hbm>>
      tpu.wait_dma2 semaphore(%arg21 : memref<!tpu.dma_semaphore, #tpu.memory_space<semaphore_mem>>) src(%dma_wait3A_170 : memref<1x10000xf32, #tpu.memory_space<hbm>>) dst(%arg13 : memref<1x10000xf32, #tpu.memory_space<vmem>>)
      %mul3A_171 = arith.constant 16 : i32
      %mul3A_172 = arith.muli %scan3A_55, %mul3A_171 : i32
      %add3A_173 = arith.addi %mul3A_2, %mul3A_172 : i32
      %add3A_174 = arith.constant 7 : i32
      %add3A_175 = arith.addi %add3A_173, %add3A_174 : i32
      %dma_start3A_176 = arith.constant 0 : i32
      %dma_start3A_177 = tpu.memref_slice %arg4[%add3A_175, %dma_start3A_176] : memref<1024x10000xf32, #tpu.memory_space<hbm>> -> memref<1x10000xf32, #tpu.memory_space<hbm>>
      %dma_start3A_178 = arith.constant 0 : i32
      %dma_start3A_179 = tpu.memref_slice %arg4[%add3A_175, %dma_start3A_178] : memref<1024x10000xf32, #tpu.memory_space<hbm>> -> memref<1x10000xf32, #tpu.memory_space<hbm>>
      tpu.enqueue_dma source(%arg13 : memref<1x10000xf32, #tpu.memory_space<vmem>>) target(%dma_start3A_179 : memref<1x10000xf32, #tpu.memory_space<hbm>>) target_semaphore(%arg29 : memref<!tpu.dma_semaphore, #tpu.memory_space<semaphore_mem>>)
      %dma_wait3A_180 = arith.constant 0 : i32
      %dma_wait3A_181 = tpu.memref_slice %arg4[%mul3A_2, %dma_wait3A_180] : memref<1024x10000xf32, #tpu.memory_space<hbm>> -> memref<1x10000xf32, #tpu.memory_space<hbm>>
      %dma_wait3A_182 = arith.constant 0 : i32
      %dma_wait3A_183 = tpu.memref_slice %arg4[%mul3A_2, %dma_wait3A_182] : memref<1024x10000xf32, #tpu.memory_space<hbm>> -> memref<1x10000xf32, #tpu.memory_space<hbm>>
      tpu.wait_dma2 semaphore(%arg22 : memref<!tpu.dma_semaphore, #tpu.memory_space<semaphore_mem>>) src(%arg6 : memref<1x10000xf32, #tpu.memory_space<vmem>>) dst(%dma_wait3A_183 : memref<1x10000xf32, #tpu.memory_space<hbm>>)
      %slice3A_184 = vector.extract_strided_slice %get3A_60 {offsets = [8], sizes = [1], strides = [1]} : vector<16xi32> to vector<1xi32>
      %squeeze3A_185 = vector.extract %slice3A_184[0] : i32 from vector<1xi32>
      %dma_start3A_186 = arith.constant 0 : i32
      %dma_start3A_187 = tpu.memref_slice %arg3[%squeeze3A_185, %dma_start3A_186] : memref<10000x10000xf32, #tpu.memory_space<hbm>> -> memref<1x10000xf32, #tpu.memory_space<hbm>>
      %dma_start3A_188 = arith.constant 0 : i32
      %dma_start3A_189 = tpu.memref_slice %arg3[%squeeze3A_185, %dma_start3A_188] : memref<10000x10000xf32, #tpu.memory_space<hbm>> -> memref<1x10000xf32, #tpu.memory_space<hbm>>
      tpu.enqueue_dma source(%dma_start3A_189 : memref<1x10000xf32, #tpu.memory_space<hbm>>) target(%arg6 : memref<1x10000xf32, #tpu.memory_space<vmem>>) target_semaphore(%arg14 : memref<!tpu.dma_semaphore, #tpu.memory_space<semaphore_mem>>)
      %dma_wait3A_190 = arith.constant 0 : i32
      %dma_wait3A_191 = tpu.memref_slice %arg4[%mul3A_2, %dma_wait3A_190] : memref<1024x10000xf32, #tpu.memory_space<hbm>> -> memref<1x10000xf32, #tpu.memory_space<hbm>>
      %dma_wait3A_192 = arith.constant 0 : i32
      %dma_wait3A_193 = tpu.memref_slice %arg4[%mul3A_2, %dma_wait3A_192] : memref<1024x10000xf32, #tpu.memory_space<hbm>> -> memref<1x10000xf32, #tpu.memory_space<hbm>>
      tpu.wait_dma2 semaphore(%arg23 : memref<!tpu.dma_semaphore, #tpu.memory_space<semaphore_mem>>) src(%arg7 : memref<1x10000xf32, #tpu.memory_space<vmem>>) dst(%dma_wait3A_193 : memref<1x10000xf32, #tpu.memory_space<hbm>>)
      %slice3A_194 = vector.extract_strided_slice %get3A_60 {offsets = [9], sizes = [1], strides = [1]} : vector<16xi32> to vector<1xi32>
      %squeeze3A_195 = vector.extract %slice3A_194[0] : i32 from vector<1xi32>
      %dma_start3A_196 = arith.constant 0 : i32
      %dma_start3A_197 = tpu.memref_slice %arg3[%squeeze3A_195, %dma_start3A_196] : memref<10000x10000xf32, #tpu.memory_space<hbm>> -> memref<1x10000xf32, #tpu.memory_space<hbm>>
      %dma_start3A_198 = arith.constant 0 : i32
      %dma_start3A_199 = tpu.memref_slice %arg3[%squeeze3A_195, %dma_start3A_198] : memref<10000x10000xf32, #tpu.memory_space<hbm>> -> memref<1x10000xf32, #tpu.memory_space<hbm>>
      tpu.enqueue_dma source(%dma_start3A_199 : memref<1x10000xf32, #tpu.memory_space<hbm>>) target(%arg7 : memref<1x10000xf32, #tpu.memory_space<vmem>>) target_semaphore(%arg15 : memref<!tpu.dma_semaphore, #tpu.memory_space<semaphore_mem>>)
      %dma_wait3A_200 = arith.constant 0 : i32
      %dma_wait3A_201 = tpu.memref_slice %arg4[%mul3A_2, %dma_wait3A_200] : memref<1024x10000xf32, #tpu.memory_space<hbm>> -> memref<1x10000xf32, #tpu.memory_space<hbm>>
      %dma_wait3A_202 = arith.constant 0 : i32
      %dma_wait3A_203 = tpu.memref_slice %arg4[%mul3A_2, %dma_wait3A_202] : memref<1024x10000xf32, #tpu.memory_space<hbm>> -> memref<1x10000xf32, #tpu.memory_space<hbm>>
      tpu.wait_dma2 semaphore(%arg24 : memref<!tpu.dma_semaphore, #tpu.memory_space<semaphore_mem>>) src(%arg8 : memref<1x10000xf32, #tpu.memory_space<vmem>>) dst(%dma_wait3A_203 : memref<1x10000xf32, #tpu.memory_space<hbm>>)
      %slice3A_204 = vector.extract_strided_slice %get3A_60 {offsets = [10], sizes = [1], strides = [1]} : vector<16xi32> to vector<1xi32>
      %squeeze3A_205 = vector.extract %slice3A_204[0] : i32 from vector<1xi32>
      %dma_start3A_206 = arith.constant 0 : i32
      %dma_start3A_207 = tpu.memref_slice %arg3[%squeeze3A_205, %dma_start3A_206] : memref<10000x10000xf32, #tpu.memory_space<hbm>> -> memref<1x10000xf32, #tpu.memory_space<hbm>>
      %dma_start3A_208 = arith.constant 0 : i32
      %dma_start3A_209 = tpu.memref_slice %arg3[%squeeze3A_205, %dma_start3A_208] : memref<10000x10000xf32, #tpu.memory_space<hbm>> -> memref<1x10000xf32, #tpu.memory_space<hbm>>
      tpu.enqueue_dma source(%dma_start3A_209 : memref<1x10000xf32, #tpu.memory_space<hbm>>) target(%arg8 : memref<1x10000xf32, #tpu.memory_space<vmem>>) target_semaphore(%arg16 : memref<!tpu.dma_semaphore, #tpu.memory_space<semaphore_mem>>)
      %dma_wait3A_210 = arith.constant 0 : i32
      %dma_wait3A_211 = tpu.memref_slice %arg4[%mul3A_2, %dma_wait3A_210] : memref<1024x10000xf32, #tpu.memory_space<hbm>> -> memref<1x10000xf32, #tpu.memory_space<hbm>>
      %dma_wait3A_212 = arith.constant 0 : i32
      %dma_wait3A_213 = tpu.memref_slice %arg4[%mul3A_2, %dma_wait3A_212] : memref<1024x10000xf32, #tpu.memory_space<hbm>> -> memref<1x10000xf32, #tpu.memory_space<hbm>>
      tpu.wait_dma2 semaphore(%arg25 : memref<!tpu.dma_semaphore, #tpu.memory_space<semaphore_mem>>) src(%arg9 : memref<1x10000xf32, #tpu.memory_space<vmem>>) dst(%dma_wait3A_213 : memref<1x10000xf32, #tpu.memory_space<hbm>>)
      %slice3A_214 = vector.extract_strided_slice %get3A_60 {offsets = [11], sizes = [1], strides = [1]} : vector<16xi32> to vector<1xi32>
      %squeeze3A_215 = vector.extract %slice3A_214[0] : i32 from vector<1xi32>
      %dma_start3A_216 = arith.constant 0 : i32
      %dma_start3A_217 = tpu.memref_slice %arg3[%squeeze3A_215, %dma_start3A_216] : memref<10000x10000xf32, #tpu.memory_space<hbm>> -> memref<1x10000xf32, #tpu.memory_space<hbm>>
      %dma_start3A_218 = arith.constant 0 : i32
      %dma_start3A_219 = tpu.memref_slice %arg3[%squeeze3A_215, %dma_start3A_218] : memref<10000x10000xf32, #tpu.memory_space<hbm>> -> memref<1x10000xf32, #tpu.memory_space<hbm>>
      tpu.enqueue_dma source(%dma_start3A_219 : memref<1x10000xf32, #tpu.memory_space<hbm>>) target(%arg9 : memref<1x10000xf32, #tpu.memory_space<vmem>>) target_semaphore(%arg17 : memref<!tpu.dma_semaphore, #tpu.memory_space<semaphore_mem>>)
      %dma_wait3A_220 = arith.constant 0 : i32
      %dma_wait3A_221 = tpu.memref_slice %arg4[%mul3A_2, %dma_wait3A_220] : memref<1024x10000xf32, #tpu.memory_space<hbm>> -> memref<1x10000xf32, #tpu.memory_space<hbm>>
      %dma_wait3A_222 = arith.constant 0 : i32
      %dma_wait3A_223 = tpu.memref_slice %arg4[%mul3A_2, %dma_wait3A_222] : memref<1024x10000xf32, #tpu.memory_space<hbm>> -> memref<1x10000xf32, #tpu.memory_space<hbm>>
      tpu.wait_dma2 semaphore(%arg26 : memref<!tpu.dma_semaphore, #tpu.memory_space<semaphore_mem>>) src(%arg10 : memref<1x10000xf32, #tpu.memory_space<vmem>>) dst(%dma_wait3A_223 : memref<1x10000xf32, #tpu.memory_space<hbm>>)
      %slice3A_224 = vector.extract_strided_slice %get3A_60 {offsets = [12], sizes = [1], strides = [1]} : vector<16xi32> to vector<1xi32>
      %squeeze3A_225 = vector.extract %slice3A_224[0] : i32 from vector<1xi32>
      %dma_start3A_226 = arith.constant 0 : i32
      %dma_start3A_227 = tpu.memref_slice %arg3[%squeeze3A_225, %dma_start3A_226] : memref<10000x10000xf32, #tpu.memory_space<hbm>> -> memref<1x10000xf32, #tpu.memory_space<hbm>>
      %dma_start3A_228 = arith.constant 0 : i32
      %dma_start3A_229 = tpu.memref_slice %arg3[%squeeze3A_225, %dma_start3A_228] : memref<10000x10000xf32, #tpu.memory_space<hbm>> -> memref<1x10000xf32, #tpu.memory_space<hbm>>
      tpu.enqueue_dma source(%dma_start3A_229 : memref<1x10000xf32, #tpu.memory_space<hbm>>) target(%arg10 : memref<1x10000xf32, #tpu.memory_space<vmem>>) target_semaphore(%arg18 : memref<!tpu.dma_semaphore, #tpu.memory_space<semaphore_mem>>)
      %dma_wait3A_230 = arith.constant 0 : i32
      %dma_wait3A_231 = tpu.memref_slice %arg4[%mul3A_2, %dma_wait3A_230] : memref<1024x10000xf32, #tpu.memory_space<hbm>> -> memref<1x10000xf32, #tpu.memory_space<hbm>>
      %dma_wait3A_232 = arith.constant 0 : i32
      %dma_wait3A_233 = tpu.memref_slice %arg4[%mul3A_2, %dma_wait3A_232] : memref<1024x10000xf32, #tpu.memory_space<hbm>> -> memref<1x10000xf32, #tpu.memory_space<hbm>>
      tpu.wait_dma2 semaphore(%arg27 : memref<!tpu.dma_semaphore, #tpu.memory_space<semaphore_mem>>) src(%arg11 : memref<1x10000xf32, #tpu.memory_space<vmem>>) dst(%dma_wait3A_233 : memref<1x10000xf32, #tpu.memory_space<hbm>>)
      %slice3A_234 = vector.extract_strided_slice %get3A_60 {offsets = [13], sizes = [1], strides = [1]} : vector<16xi32> to vector<1xi32>
      %squeeze3A_235 = vector.extract %slice3A_234[0] : i32 from vector<1xi32>
      %dma_start3A_236 = arith.constant 0 : i32
      %dma_start3A_237 = tpu.memref_slice %arg3[%squeeze3A_235, %dma_start3A_236] : memref<10000x10000xf32, #tpu.memory_space<hbm>> -> memref<1x10000xf32, #tpu.memory_space<hbm>>
      %dma_start3A_238 = arith.constant 0 : i32
      %dma_start3A_239 = tpu.memref_slice %arg3[%squeeze3A_235, %dma_start3A_238] : memref<10000x10000xf32, #tpu.memory_space<hbm>> -> memref<1x10000xf32, #tpu.memory_space<hbm>>
      tpu.enqueue_dma source(%dma_start3A_239 : memref<1x10000xf32, #tpu.memory_space<hbm>>) target(%arg11 : memref<1x10000xf32, #tpu.memory_space<vmem>>) target_semaphore(%arg19 : memref<!tpu.dma_semaphore, #tpu.memory_space<semaphore_mem>>)
      %dma_wait3A_240 = arith.constant 0 : i32
      %dma_wait3A_241 = tpu.memref_slice %arg4[%mul3A_2, %dma_wait3A_240] : memref<1024x10000xf32, #tpu.memory_space<hbm>> -> memref<1x10000xf32, #tpu.memory_space<hbm>>
      %dma_wait3A_242 = arith.constant 0 : i32
      %dma_wait3A_243 = tpu.memref_slice %arg4[%mul3A_2, %dma_wait3A_242] : memref<1024x10000xf32, #tpu.memory_space<hbm>> -> memref<1x10000xf32, #tpu.memory_space<hbm>>
      tpu.wait_dma2 semaphore(%arg28 : memref<!tpu.dma_semaphore, #tpu.memory_space<semaphore_mem>>) src(%arg12 : memref<1x10000xf32, #tpu.memory_space<vmem>>) dst(%dma_wait3A_243 : memref<1x10000xf32, #tpu.memory_space<hbm>>)
      %slice3A_244 = vector.extract_strided_slice %get3A_60 {offsets = [14], sizes = [1], strides = [1]} : vector<16xi32> to vector<1xi32>
      %squeeze3A_245 = vector.extract %slice3A_244[0] : i32 from vector<1xi32>
      %dma_start3A_246 = arith.constant 0 : i32
      %dma_start3A_247 = tpu.memref_slice %arg3[%squeeze3A_245, %dma_start3A_246] : memref<10000x10000xf32, #tpu.memory_space<hbm>> -> memref<1x10000xf32, #tpu.memory_space<hbm>>
      %dma_start3A_248 = arith.constant 0 : i32
      %dma_start3A_249 = tpu.memref_slice %arg3[%squeeze3A_245, %dma_start3A_248] : memref<10000x10000xf32, #tpu.memory_space<hbm>> -> memref<1x10000xf32, #tpu.memory_space<hbm>>
      tpu.enqueue_dma source(%dma_start3A_249 : memref<1x10000xf32, #tpu.memory_space<hbm>>) target(%arg12 : memref<1x10000xf32, #tpu.memory_space<vmem>>) target_semaphore(%arg20 : memref<!tpu.dma_semaphore, #tpu.memory_space<semaphore_mem>>)
      %dma_wait3A_250 = arith.constant 0 : i32
      %dma_wait3A_251 = tpu.memref_slice %arg4[%mul3A_2, %dma_wait3A_250] : memref<1024x10000xf32, #tpu.memory_space<hbm>> -> memref<1x10000xf32, #tpu.memory_space<hbm>>
      %dma_wait3A_252 = arith.constant 0 : i32
      %dma_wait3A_253 = tpu.memref_slice %arg4[%mul3A_2, %dma_wait3A_252] : memref<1024x10000xf32, #tpu.memory_space<hbm>> -> memref<1x10000xf32, #tpu.memory_space<hbm>>
      tpu.wait_dma2 semaphore(%arg29 : memref<!tpu.dma_semaphore, #tpu.memory_space<semaphore_mem>>) src(%arg13 : memref<1x10000xf32, #tpu.memory_space<vmem>>) dst(%dma_wait3A_253 : memref<1x10000xf32, #tpu.memory_space<hbm>>)
      %slice3A_254 = vector.extract_strided_slice %get3A_60 {offsets = [15], sizes = [1], strides = [1]} : vector<16xi32> to vector<1xi32>
      %squeeze3A_255 = vector.extract %slice3A_254[0] : i32 from vector<1xi32>
      %dma_start3A_256 = arith.constant 0 : i32
      %dma_start3A_257 = tpu.memref_slice %arg3[%squeeze3A_255, %dma_start3A_256] : memref<10000x10000xf32, #tpu.memory_space<hbm>> -> memref<1x10000xf32, #tpu.memory_space<hbm>>
      %dma_start3A_258 = arith.constant 0 : i32
      %dma_start3A_259 = tpu.memref_slice %arg3[%squeeze3A_255, %dma_start3A_258] : memref<10000x10000xf32, #tpu.memory_space<hbm>> -> memref<1x10000xf32, #tpu.memory_space<hbm>>
      tpu.enqueue_dma source(%dma_start3A_259 : memref<1x10000xf32, #tpu.memory_space<hbm>>) target(%arg13 : memref<1x10000xf32, #tpu.memory_space<vmem>>) target_semaphore(%arg21 : memref<!tpu.dma_semaphore, #tpu.memory_space<semaphore_mem>>)
      %dma_wait3A_260 = arith.constant 0 : i32
      %dma_wait3A_261 = arith.constant 0 : i32
      %dma_wait3A_262 = tpu.memref_slice %arg3[%dma_wait3A_260, %dma_wait3A_261] : memref<10000x10000xf32, #tpu.memory_space<hbm>> -> memref<1x10000xf32, #tpu.memory_space<hbm>>
      %dma_wait3A_263 = arith.constant 0 : i32
      %dma_wait3A_264 = arith.constant 0 : i32
      %dma_wait3A_265 = tpu.memref_slice %arg3[%dma_wait3A_263, %dma_wait3A_264] : memref<10000x10000xf32, #tpu.memory_space<hbm>> -> memref<1x10000xf32, #tpu.memory_space<hbm>>
      tpu.wait_dma2 semaphore(%arg14 : memref<!tpu.dma_semaphore, #tpu.memory_space<semaphore_mem>>) src(%dma_wait3A_265 : memref<1x10000xf32, #tpu.memory_space<hbm>>) dst(%arg6 : memref<1x10000xf32, #tpu.memory_space<vmem>>)
      %mul3A_266 = arith.constant 16 : i32
      %mul3A_267 = arith.muli %scan3A_55, %mul3A_266 : i32
      %add3A_268 = arith.addi %mul3A_2, %mul3A_267 : i32
      %add3A_269 = arith.constant 8 : i32
      %add3A_270 = arith.addi %add3A_268, %add3A_269 : i32
      %add3A_271 = arith.constant 0 : i32
      %add3A_272 = arith.addi %add3A_270, %add3A_271 : i32
      %dma_start3A_273 = arith.constant 0 : i32
      %dma_start3A_274 = tpu.memref_slice %arg4[%add3A_272, %dma_start3A_273] : memref<1024x10000xf32, #tpu.memory_space<hbm>> -> memref<1x10000xf32, #tpu.memory_space<hbm>>
      %dma_start3A_275 = arith.constant 0 : i32
      %dma_start3A_276 = tpu.memref_slice %arg4[%add3A_272, %dma_start3A_275] : memref<1024x10000xf32, #tpu.memory_space<hbm>> -> memref<1x10000xf32, #tpu.memory_space<hbm>>
      tpu.enqueue_dma source(%arg6 : memref<1x10000xf32, #tpu.memory_space<vmem>>) target(%dma_start3A_276 : memref<1x10000xf32, #tpu.memory_space<hbm>>) target_semaphore(%arg22 : memref<!tpu.dma_semaphore, #tpu.memory_space<semaphore_mem>>)
      %dma_wait3A_277 = arith.constant 0 : i32
      %dma_wait3A_278 = arith.constant 0 : i32
      %dma_wait3A_279 = tpu.memref_slice %arg3[%dma_wait3A_277, %dma_wait3A_278] : memref<10000x10000xf32, #tpu.memory_space<hbm>> -> memref<1x10000xf32, #tpu.memory_space<hbm>>
      %dma_wait3A_280 = arith.constant 0 : i32
      %dma_wait3A_281 = arith.constant 0 : i32
      %dma_wait3A_282 = tpu.memref_slice %arg3[%dma_wait3A_280, %dma_wait3A_281] : memref<10000x10000xf32, #tpu.memory_space<hbm>> -> memref<1x10000xf32, #tpu.memory_space<hbm>>
      tpu.wait_dma2 semaphore(%arg15 : memref<!tpu.dma_semaphore, #tpu.memory_space<semaphore_mem>>) src(%dma_wait3A_282 : memref<1x10000xf32, #tpu.memory_space<hbm>>) dst(%arg7 : memref<1x10000xf32, #tpu.memory_space<vmem>>)
      %mul3A_283 = arith.constant 16 : i32
      %mul3A_284 = arith.muli %scan3A_55, %mul3A_283 : i32
      %add3A_285 = arith.addi %mul3A_2, %mul3A_284 : i32
      %add3A_286 = arith.constant 8 : i32
      %add3A_287 = arith.addi %add3A_285, %add3A_286 : i32
      %add3A_288 = arith.constant 1 : i32
      %add3A_289 = arith.addi %add3A_287, %add3A_288 : i32
      %dma_start3A_290 = arith.constant 0 : i32
      %dma_start3A_291 = tpu.memref_slice %arg4[%add3A_289, %dma_start3A_290] : memref<1024x10000xf32, #tpu.memory_space<hbm>> -> memref<1x10000xf32, #tpu.memory_space<hbm>>
      %dma_start3A_292 = arith.constant 0 : i32
      %dma_start3A_293 = tpu.memref_slice %arg4[%add3A_289, %dma_start3A_292] : memref<1024x10000xf32, #tpu.memory_space<hbm>> -> memref<1x10000xf32, #tpu.memory_space<hbm>>
      tpu.enqueue_dma source(%arg7 : memref<1x10000xf32, #tpu.memory_space<vmem>>) target(%dma_start3A_293 : memref<1x10000xf32, #tpu.memory_space<hbm>>) target_semaphore(%arg23 : memref<!tpu.dma_semaphore, #tpu.memory_space<semaphore_mem>>)
      %dma_wait3A_294 = arith.constant 0 : i32
      %dma_wait3A_295 = arith.constant 0 : i32
      %dma_wait3A_296 = tpu.memref_slice %arg3[%dma_wait3A_294, %dma_wait3A_295] : memref<10000x10000xf32, #tpu.memory_space<hbm>> -> memref<1x10000xf32, #tpu.memory_space<hbm>>
      %dma_wait3A_297 = arith.constant 0 : i32
      %dma_wait3A_298 = arith.constant 0 : i32
      %dma_wait3A_299 = tpu.memref_slice %arg3[%dma_wait3A_297, %dma_wait3A_298] : memref<10000x10000xf32, #tpu.memory_space<hbm>> -> memref<1x10000xf32, #tpu.memory_space<hbm>>
      tpu.wait_dma2 semaphore(%arg16 : memref<!tpu.dma_semaphore, #tpu.memory_space<semaphore_mem>>) src(%dma_wait3A_299 : memref<1x10000xf32, #tpu.memory_space<hbm>>) dst(%arg8 : memref<1x10000xf32, #tpu.memory_space<vmem>>)
      %mul3A_300 = arith.constant 16 : i32
      %mul3A_301 = arith.muli %scan3A_55, %mul3A_300 : i32
      %add3A_302 = arith.addi %mul3A_2, %mul3A_301 : i32
      %add3A_303 = arith.constant 8 : i32
      %add3A_304 = arith.addi %add3A_302, %add3A_303 : i32
      %add3A_305 = arith.constant 2 : i32
      %add3A_306 = arith.addi %add3A_304, %add3A_305 : i32
      %dma_start3A_307 = arith.constant 0 : i32
      %dma_start3A_308 = tpu.memref_slice %arg4[%add3A_306, %dma_start3A_307] : memref<1024x10000xf32, #tpu.memory_space<hbm>> -> memref<1x10000xf32, #tpu.memory_space<hbm>>
      %dma_start3A_309 = arith.constant 0 : i32
      %dma_start3A_310 = tpu.memref_slice %arg4[%add3A_306, %dma_start3A_309] : memref<1024x10000xf32, #tpu.memory_space<hbm>> -> memref<1x10000xf32, #tpu.memory_space<hbm>>
      tpu.enqueue_dma source(%arg8 : memref<1x10000xf32, #tpu.memory_space<vmem>>) target(%dma_start3A_310 : memref<1x10000xf32, #tpu.memory_space<hbm>>) target_semaphore(%arg24 : memref<!tpu.dma_semaphore, #tpu.memory_space<semaphore_mem>>)
      %dma_wait3A_311 = arith.constant 0 : i32
      %dma_wait3A_312 = arith.constant 0 : i32
      %dma_wait3A_313 = tpu.memref_slice %arg3[%dma_wait3A_311, %dma_wait3A_312] : memref<10000x10000xf32, #tpu.memory_space<hbm>> -> memref<1x10000xf32, #tpu.memory_space<hbm>>
      %dma_wait3A_314 = arith.constant 0 : i32
      %dma_wait3A_315 = arith.constant 0 : i32
      %dma_wait3A_316 = tpu.memref_slice %arg3[%dma_wait3A_314, %dma_wait3A_315] : memref<10000x10000xf32, #tpu.memory_space<hbm>> -> memref<1x10000xf32, #tpu.memory_space<hbm>>
      tpu.wait_dma2 semaphore(%arg17 : memref<!tpu.dma_semaphore, #tpu.memory_space<semaphore_mem>>) src(%dma_wait3A_316 : memref<1x10000xf32, #tpu.memory_space<hbm>>) dst(%arg9 : memref<1x10000xf32, #tpu.memory_space<vmem>>)
      %mul3A_317 = arith.constant 16 : i32
      %mul3A_318 = arith.muli %scan3A_55, %mul3A_317 : i32
      %add3A_319 = arith.addi %mul3A_2, %mul3A_318 : i32
      %add3A_320 = arith.constant 8 : i32
      %add3A_321 = arith.addi %add3A_319, %add3A_320 : i32
      %add3A_322 = arith.constant 3 : i32
      %add3A_323 = arith.addi %add3A_321, %add3A_322 : i32
      %dma_start3A_324 = arith.constant 0 : i32
      %dma_start3A_325 = tpu.memref_slice %arg4[%add3A_323, %dma_start3A_324] : memref<1024x10000xf32, #tpu.memory_space<hbm>> -> memref<1x10000xf32, #tpu.memory_space<hbm>>
      %dma_start3A_326 = arith.constant 0 : i32
      %dma_start3A_327 = tpu.memref_slice %arg4[%add3A_323, %dma_start3A_326] : memref<1024x10000xf32, #tpu.memory_space<hbm>> -> memref<1x10000xf32, #tpu.memory_space<hbm>>
      tpu.enqueue_dma source(%arg9 : memref<1x10000xf32, #tpu.memory_space<vmem>>) target(%dma_start3A_327 : memref<1x10000xf32, #tpu.memory_space<hbm>>) target_semaphore(%arg25 : memref<!tpu.dma_semaphore, #tpu.memory_space<semaphore_mem>>)
      %dma_wait3A_328 = arith.constant 0 : i32
      %dma_wait3A_329 = arith.constant 0 : i32
      %dma_wait3A_330 = tpu.memref_slice %arg3[%dma_wait3A_328, %dma_wait3A_329] : memref<10000x10000xf32, #tpu.memory_space<hbm>> -> memref<1x10000xf32, #tpu.memory_space<hbm>>
      %dma_wait3A_331 = arith.constant 0 : i32
      %dma_wait3A_332 = arith.constant 0 : i32
      %dma_wait3A_333 = tpu.memref_slice %arg3[%dma_wait3A_331, %dma_wait3A_332] : memref<10000x10000xf32, #tpu.memory_space<hbm>> -> memref<1x10000xf32, #tpu.memory_space<hbm>>
      tpu.wait_dma2 semaphore(%arg18 : memref<!tpu.dma_semaphore, #tpu.memory_space<semaphore_mem>>) src(%dma_wait3A_333 : memref<1x10000xf32, #tpu.memory_space<hbm>>) dst(%arg10 : memref<1x10000xf32, #tpu.memory_space<vmem>>)
      %mul3A_334 = arith.constant 16 : i32
      %mul3A_335 = arith.muli %scan3A_55, %mul3A_334 : i32
      %add3A_336 = arith.addi %mul3A_2, %mul3A_335 : i32
      %add3A_337 = arith.constant 8 : i32
      %add3A_338 = arith.addi %add3A_336, %add3A_337 : i32
      %add3A_339 = arith.constant 4 : i32
      %add3A_340 = arith.addi %add3A_338, %add3A_339 : i32
      %dma_start3A_341 = arith.constant 0 : i32
      %dma_start3A_342 = tpu.memref_slice %arg4[%add3A_340, %dma_start3A_341] : memref<1024x10000xf32, #tpu.memory_space<hbm>> -> memref<1x10000xf32, #tpu.memory_space<hbm>>
      %dma_start3A_343 = arith.constant 0 : i32
      %dma_start3A_344 = tpu.memref_slice %arg4[%add3A_340, %dma_start3A_343] : memref<1024x10000xf32, #tpu.memory_space<hbm>> -> memref<1x10000xf32, #tpu.memory_space<hbm>>
      tpu.enqueue_dma source(%arg10 : memref<1x10000xf32, #tpu.memory_space<vmem>>) target(%dma_start3A_344 : memref<1x10000xf32, #tpu.memory_space<hbm>>) target_semaphore(%arg26 : memref<!tpu.dma_semaphore, #tpu.memory_space<semaphore_mem>>)
      %dma_wait3A_345 = arith.constant 0 : i32
      %dma_wait3A_346 = arith.constant 0 : i32
      %dma_wait3A_347 = tpu.memref_slice %arg3[%dma_wait3A_345, %dma_wait3A_346] : memref<10000x10000xf32, #tpu.memory_space<hbm>> -> memref<1x10000xf32, #tpu.memory_space<hbm>>
      %dma_wait3A_348 = arith.constant 0 : i32
      %dma_wait3A_349 = arith.constant 0 : i32
      %dma_wait3A_350 = tpu.memref_slice %arg3[%dma_wait3A_348, %dma_wait3A_349] : memref<10000x10000xf32, #tpu.memory_space<hbm>> -> memref<1x10000xf32, #tpu.memory_space<hbm>>
      tpu.wait_dma2 semaphore(%arg19 : memref<!tpu.dma_semaphore, #tpu.memory_space<semaphore_mem>>) src(%dma_wait3A_350 : memref<1x10000xf32, #tpu.memory_space<hbm>>) dst(%arg11 : memref<1x10000xf32, #tpu.memory_space<vmem>>)
      %mul3A_351 = arith.constant 16 : i32
      %mul3A_352 = arith.muli %scan3A_55, %mul3A_351 : i32
      %add3A_353 = arith.addi %mul3A_2, %mul3A_352 : i32
      %add3A_354 = arith.constant 8 : i32
      %add3A_355 = arith.addi %add3A_353, %add3A_354 : i32
      %add3A_356 = arith.constant 5 : i32
      %add3A_357 = arith.addi %add3A_355, %add3A_356 : i32
      %dma_start3A_358 = arith.constant 0 : i32
      %dma_start3A_359 = tpu.memref_slice %arg4[%add3A_357, %dma_start3A_358] : memref<1024x10000xf32, #tpu.memory_space<hbm>> -> memref<1x10000xf32, #tpu.memory_space<hbm>>
      %dma_start3A_360 = arith.constant 0 : i32
      %dma_start3A_361 = tpu.memref_slice %arg4[%add3A_357, %dma_start3A_360] : memref<1024x10000xf32, #tpu.memory_space<hbm>> -> memref<1x10000xf32, #tpu.memory_space<hbm>>
      tpu.enqueue_dma source(%arg11 : memref<1x10000xf32, #tpu.memory_space<vmem>>) target(%dma_start3A_361 : memref<1x10000xf32, #tpu.memory_space<hbm>>) target_semaphore(%arg27 : memref<!tpu.dma_semaphore, #tpu.memory_space<semaphore_mem>>)
      %dma_wait3A_362 = arith.constant 0 : i32
      %dma_wait3A_363 = arith.constant 0 : i32
      %dma_wait3A_364 = tpu.memref_slice %arg3[%dma_wait3A_362, %dma_wait3A_363] : memref<10000x10000xf32, #tpu.memory_space<hbm>> -> memref<1x10000xf32, #tpu.memory_space<hbm>>
      %dma_wait3A_365 = arith.constant 0 : i32
      %dma_wait3A_366 = arith.constant 0 : i32
      %dma_wait3A_367 = tpu.memref_slice %arg3[%dma_wait3A_365, %dma_wait3A_366] : memref<10000x10000xf32, #tpu.memory_space<hbm>> -> memref<1x10000xf32, #tpu.memory_space<hbm>>
      tpu.wait_dma2 semaphore(%arg20 : memref<!tpu.dma_semaphore, #tpu.memory_space<semaphore_mem>>) src(%dma_wait3A_367 : memref<1x10000xf32, #tpu.memory_space<hbm>>) dst(%arg12 : memref<1x10000xf32, #tpu.memory_space<vmem>>)
      %mul3A_368 = arith.constant 16 : i32
      %mul3A_369 = arith.muli %scan3A_55, %mul3A_368 : i32
      %add3A_370 = arith.addi %mul3A_2, %mul3A_369 : i32
      %add3A_371 = arith.constant 8 : i32
      %add3A_372 = arith.addi %add3A_370, %add3A_371 : i32
      %add3A_373 = arith.constant 6 : i32
      %add3A_374 = arith.addi %add3A_372, %add3A_373 : i32
      %dma_start3A_375 = arith.constant 0 : i32
      %dma_start3A_376 = tpu.memref_slice %arg4[%add3A_374, %dma_start3A_375] : memref<1024x10000xf32, #tpu.memory_space<hbm>> -> memref<1x10000xf32, #tpu.memory_space<hbm>>
      %dma_start3A_377 = arith.constant 0 : i32
      %dma_start3A_378 = tpu.memref_slice %arg4[%add3A_374, %dma_start3A_377] : memref<1024x10000xf32, #tpu.memory_space<hbm>> -> memref<1x10000xf32, #tpu.memory_space<hbm>>
      tpu.enqueue_dma source(%arg12 : memref<1x10000xf32, #tpu.memory_space<vmem>>) target(%dma_start3A_378 : memref<1x10000xf32, #tpu.memory_space<hbm>>) target_semaphore(%arg28 : memref<!tpu.dma_semaphore, #tpu.memory_space<semaphore_mem>>)
      %dma_wait3A_379 = arith.constant 0 : i32
      %dma_wait3A_380 = arith.constant 0 : i32
      %dma_wait3A_381 = tpu.memref_slice %arg3[%dma_wait3A_379, %dma_wait3A_380] : memref<10000x10000xf32, #tpu.memory_space<hbm>> -> memref<1x10000xf32, #tpu.memory_space<hbm>>
      %dma_wait3A_382 = arith.constant 0 : i32
      %dma_wait3A_383 = arith.constant 0 : i32
      %dma_wait3A_384 = tpu.memref_slice %arg3[%dma_wait3A_382, %dma_wait3A_383] : memref<10000x10000xf32, #tpu.memory_space<hbm>> -> memref<1x10000xf32, #tpu.memory_space<hbm>>
      tpu.wait_dma2 semaphore(%arg21 : memref<!tpu.dma_semaphore, #tpu.memory_space<semaphore_mem>>) src(%dma_wait3A_384 : memref<1x10000xf32, #tpu.memory_space<hbm>>) dst(%arg13 : memref<1x10000xf32, #tpu.memory_space<vmem>>)
      %mul3A_385 = arith.constant 16 : i32
      %mul3A_386 = arith.muli %scan3A_55, %mul3A_385 : i32
      %add3A_387 = arith.addi %mul3A_2, %mul3A_386 : i32
      %add3A_388 = arith.constant 8 : i32
      %add3A_389 = arith.addi %add3A_387, %add3A_388 : i32
      %add3A_390 = arith.constant 7 : i32
      %add3A_391 = arith.addi %add3A_389, %add3A_390 : i32
      %dma_start3A_392 = arith.constant 0 : i32
      %dma_start3A_393 = tpu.memref_slice %arg4[%add3A_391, %dma_start3A_392] : memref<1024x10000xf32, #tpu.memory_space<hbm>> -> memref<1x10000xf32, #tpu.memory_space<hbm>>
      %dma_start3A_394 = arith.constant 0 : i32
      %dma_start3A_395 = tpu.memref_slice %arg4[%add3A_391, %dma_start3A_394] : memref<1024x10000xf32, #tpu.memory_space<hbm>> -> memref<1x10000xf32, #tpu.memory_space<hbm>>
      tpu.enqueue_dma source(%arg13 : memref<1x10000xf32, #tpu.memory_space<vmem>>) target(%dma_start3A_395 : memref<1x10000xf32, #tpu.memory_space<hbm>>) target_semaphore(%arg29 : memref<!tpu.dma_semaphore, #tpu.memory_space<semaphore_mem>>)
      %mul3A_396 = arith.constant 16 : i32
      %mul3A_397 = arith.muli %scan3A_55, %mul3A_396 : i32
      %add3A_398 = arith.constant 16 : i32
      %add3A_399 = arith.addi %mul3A_397, %add3A_398 : i32
      %multiple_of3A_400 = tpu.assume_multiple %add3A_399, 8 : i32
      %get3A_401 = arith.index_cast %multiple_of3A_400 : i32 to index
      %get3A_402 = tpu.vector_load %arg5[%get3A_401] {strides = array<i32>} : memref<48xi32, #tpu.memory_space<vmem>>, vector<16xi32>,
      %get3A_403 = vector.shape_cast %get3A_402 : vector<16xi32> to vector<16xi32>
      %dma_wait3A_404 = arith.constant 0 : i32
      %dma_wait3A_405 = tpu.memref_slice %arg4[%mul3A_2, %dma_wait3A_404] : memref<1024x10000xf32, #tpu.memory_space<hbm>> -> memref<1x10000xf32, #tpu.memory_space<hbm>>
      %dma_wait3A_406 = arith.constant 0 : i32
      %dma_wait3A_407 = tpu.memref_slice %arg4[%mul3A_2, %dma_wait3A_406] : memref<1024x10000xf32, #tpu.memory_space<hbm>> -> memref<1x10000xf32, #tpu.memory_space<hbm>>
      tpu.wait_dma2 semaphore(%arg22 : memref<!tpu.dma_semaphore, #tpu.memory_space<semaphore_mem>>) src(%arg6 : memref<1x10000xf32, #tpu.memory_space<vmem>>) dst(%dma_wait3A_407 : memref<1x10000xf32, #tpu.memory_space<hbm>>)
      %mul3A_408 = arith.constant 16 : i32
      %mul3A_409 = arith.muli %scan3A_55, %mul3A_408 : i32
      %add3A_410 = arith.constant 16 : i32
      %add3A_411 = arith.addi %mul3A_409, %add3A_410 : i32
      %add3A_412 = arith.constant 0 : i32
      %add3A_413 = arith.addi %add3A_411, %add3A_412 : i32
      %lt3A = arith.constant 32 : i32
      %lt3A_414 = arith.cmpi slt, %add3A_413, %lt3A : i32
      %convert_element_type3A = arith.extui %lt3A_414 : i1 to i32
      %cond3A = arith.constant 0 : i32
      %cond3A_415 = arith.cmpi ne, %convert_element_type3A, %cond3A : i32
      scf.if %cond3A_415 {
        %slice3A_521 = vector.extract_strided_slice %get3A_403 {offsets = [0], sizes = [1], strides = [1]} : vector<16xi32> to vector<1xi32>
        %squeeze3A_522 = vector.extract %slice3A_521[0] : i32 from vector<1xi32>
        %dma_start3A_523 = arith.constant 0 : i32
        %dma_start3A_524 = tpu.memref_slice %arg3[%squeeze3A_522, %dma_start3A_523] : memref<10000x10000xf32, #tpu.memory_space<hbm>> -> memref<1x10000xf32, #tpu.memory_space<hbm>>
        %dma_start3A_525 = arith.constant 0 : i32
        %dma_start3A_526 = tpu.memref_slice %arg3[%squeeze3A_522, %dma_start3A_525] : memref<10000x10000xf32, #tpu.memory_space<hbm>> -> memref<1x10000xf32, #tpu.memory_space<hbm>>
        tpu.enqueue_dma source(%dma_start3A_526 : memref<1x10000xf32, #tpu.memory_space<hbm>>) target(%arg6 : memref<1x10000xf32, #tpu.memory_space<vmem>>) target_semaphore(%arg14 : memref<!tpu.dma_semaphore, #tpu.memory_space<semaphore_mem>>)
      } else {
      }
      %dma_wait3A_416 = arith.constant 0 : i32
      %dma_wait3A_417 = tpu.memref_slice %arg4[%mul3A_2, %dma_wait3A_416] : memref<1024x10000xf32, #tpu.memory_space<hbm>> -> memref<1x10000xf32, #tpu.memory_space<hbm>>
      %dma_wait3A_418 = arith.constant 0 : i32
      %dma_wait3A_419 = tpu.memref_slice %arg4[%mul3A_2, %dma_wait3A_418] : memref<1024x10000xf32, #tpu.memory_space<hbm>> -> memref<1x10000xf32, #tpu.memory_space<hbm>>
      tpu.wait_dma2 semaphore(%arg23 : memref<!tpu.dma_semaphore, #tpu.memory_space<semaphore_mem>>) src(%arg7 : memref<1x10000xf32, #tpu.memory_space<vmem>>) dst(%dma_wait3A_419 : memref<1x10000xf32, #tpu.memory_space<hbm>>)
      %mul3A_420 = arith.constant 16 : i32
      %mul3A_421 = arith.muli %scan3A_55, %mul3A_420 : i32
      %add3A_422 = arith.constant 16 : i32
      %add3A_423 = arith.addi %mul3A_421, %add3A_422 : i32
      %add3A_424 = arith.constant 1 : i32
      %add3A_425 = arith.addi %add3A_423, %add3A_424 : i32
      %lt3A_426 = arith.constant 32 : i32
      %lt3A_427 = arith.cmpi slt, %add3A_425, %lt3A_426 : i32
      %convert_element_type3A_428 = arith.extui %lt3A_427 : i1 to i32
      %cond3A_429 = arith.constant 0 : i32
      %cond3A_430 = arith.cmpi ne, %convert_element_type3A_428, %cond3A_429 : i32
      scf.if %cond3A_430 {
        %slice3A_521 = vector.extract_strided_slice %get3A_403 {offsets = [1], sizes = [1], strides = [1]} : vector<16xi32> to vector<1xi32>
        %squeeze3A_522 = vector.extract %slice3A_521[0] : i32 from vector<1xi32>
        %dma_start3A_523 = arith.constant 0 : i32
        %dma_start3A_524 = tpu.memref_slice %arg3[%squeeze3A_522, %dma_start3A_523] : memref<10000x10000xf32, #tpu.memory_space<hbm>> -> memref<1x10000xf32, #tpu.memory_space<hbm>>
        %dma_start3A_525 = arith.constant 0 : i32
        %dma_start3A_526 = tpu.memref_slice %arg3[%squeeze3A_522, %dma_start3A_525] : memref<10000x10000xf32, #tpu.memory_space<hbm>> -> memref<1x10000xf32, #tpu.memory_space<hbm>>
        tpu.enqueue_dma source(%dma_start3A_526 : memref<1x10000xf32, #tpu.memory_space<hbm>>) target(%arg7 : memref<1x10000xf32, #tpu.memory_space<vmem>>) target_semaphore(%arg15 : memref<!tpu.dma_semaphore, #tpu.memory_space<semaphore_mem>>)
      } else {
      }
      %dma_wait3A_431 = arith.constant 0 : i32
      %dma_wait3A_432 = tpu.memref_slice %arg4[%mul3A_2, %dma_wait3A_431] : memref<1024x10000xf32, #tpu.memory_space<hbm>> -> memref<1x10000xf32, #tpu.memory_space<hbm>>
      %dma_wait3A_433 = arith.constant 0 : i32
      %dma_wait3A_434 = tpu.memref_slice %arg4[%mul3A_2, %dma_wait3A_433] : memref<1024x10000xf32, #tpu.memory_space<hbm>> -> memref<1x10000xf32, #tpu.memory_space<hbm>>
      tpu.wait_dma2 semaphore(%arg24 : memref<!tpu.dma_semaphore, #tpu.memory_space<semaphore_mem>>) src(%arg8 : memref<1x10000xf32, #tpu.memory_space<vmem>>) dst(%dma_wait3A_434 : memref<1x10000xf32, #tpu.memory_space<hbm>>)
      %mul3A_435 = arith.constant 16 : i32
      %mul3A_436 = arith.muli %scan3A_55, %mul3A_435 : i32
      %add3A_437 = arith.constant 16 : i32
      %add3A_438 = arith.addi %mul3A_436, %add3A_437 : i32
      %add3A_439 = arith.constant 2 : i32
      %add3A_440 = arith.addi %add3A_438, %add3A_439 : i32
      %lt3A_441 = arith.constant 32 : i32
      %lt3A_442 = arith.cmpi slt, %add3A_440, %lt3A_441 : i32
      %convert_element_type3A_443 = arith.extui %lt3A_442 : i1 to i32
      %cond3A_444 = arith.constant 0 : i32
      %cond3A_445 = arith.cmpi ne, %convert_element_type3A_443, %cond3A_444 : i32
      scf.if %cond3A_445 {
        %slice3A_521 = vector.extract_strided_slice %get3A_403 {offsets = [2], sizes = [1], strides = [1]} : vector<16xi32> to vector<1xi32>
        %squeeze3A_522 = vector.extract %slice3A_521[0] : i32 from vector<1xi32>
        %dma_start3A_523 = arith.constant 0 : i32
        %dma_start3A_524 = tpu.memref_slice %arg3[%squeeze3A_522, %dma_start3A_523] : memref<10000x10000xf32, #tpu.memory_space<hbm>> -> memref<1x10000xf32, #tpu.memory_space<hbm>>
        %dma_start3A_525 = arith.constant 0 : i32
        %dma_start3A_526 = tpu.memref_slice %arg3[%squeeze3A_522, %dma_start3A_525] : memref<10000x10000xf32, #tpu.memory_space<hbm>> -> memref<1x10000xf32, #tpu.memory_space<hbm>>
        tpu.enqueue_dma source(%dma_start3A_526 : memref<1x10000xf32, #tpu.memory_space<hbm>>) target(%arg8 : memref<1x10000xf32, #tpu.memory_space<vmem>>) target_semaphore(%arg16 : memref<!tpu.dma_semaphore, #tpu.memory_space<semaphore_mem>>)
      } else {
      }
      %dma_wait3A_446 = arith.constant 0 : i32
      %dma_wait3A_447 = tpu.memref_slice %arg4[%mul3A_2, %dma_wait3A_446] : memref<1024x10000xf32, #tpu.memory_space<hbm>> -> memref<1x10000xf32, #tpu.memory_space<hbm>>
      %dma_wait3A_448 = arith.constant 0 : i32
      %dma_wait3A_449 = tpu.memref_slice %arg4[%mul3A_2, %dma_wait3A_448] : memref<1024x10000xf32, #tpu.memory_space<hbm>> -> memref<1x10000xf32, #tpu.memory_space<hbm>>
      tpu.wait_dma2 semaphore(%arg25 : memref<!tpu.dma_semaphore, #tpu.memory_space<semaphore_mem>>) src(%arg9 : memref<1x10000xf32, #tpu.memory_space<vmem>>) dst(%dma_wait3A_449 : memref<1x10000xf32, #tpu.memory_space<hbm>>)
      %mul3A_450 = arith.constant 16 : i32
      %mul3A_451 = arith.muli %scan3A_55, %mul3A_450 : i32
      %add3A_452 = arith.constant 16 : i32
      %add3A_453 = arith.addi %mul3A_451, %add3A_452 : i32
      %add3A_454 = arith.constant 3 : i32
      %add3A_455 = arith.addi %add3A_453, %add3A_454 : i32
      %lt3A_456 = arith.constant 32 : i32
      %lt3A_457 = arith.cmpi slt, %add3A_455, %lt3A_456 : i32
      %convert_element_type3A_458 = arith.extui %lt3A_457 : i1 to i32
      %cond3A_459 = arith.constant 0 : i32
      %cond3A_460 = arith.cmpi ne, %convert_element_type3A_458, %cond3A_459 : i32
      scf.if %cond3A_460 {
        %slice3A_521 = vector.extract_strided_slice %get3A_403 {offsets = [3], sizes = [1], strides = [1]} : vector<16xi32> to vector<1xi32>
        %squeeze3A_522 = vector.extract %slice3A_521[0] : i32 from vector<1xi32>
        %dma_start3A_523 = arith.constant 0 : i32
        %dma_start3A_524 = tpu.memref_slice %arg3[%squeeze3A_522, %dma_start3A_523] : memref<10000x10000xf32, #tpu.memory_space<hbm>> -> memref<1x10000xf32, #tpu.memory_space<hbm>>
        %dma_start3A_525 = arith.constant 0 : i32
        %dma_start3A_526 = tpu.memref_slice %arg3[%squeeze3A_522, %dma_start3A_525] : memref<10000x10000xf32, #tpu.memory_space<hbm>> -> memref<1x10000xf32, #tpu.memory_space<hbm>>
        tpu.enqueue_dma source(%dma_start3A_526 : memref<1x10000xf32, #tpu.memory_space<hbm>>) target(%arg9 : memref<1x10000xf32, #tpu.memory_space<vmem>>) target_semaphore(%arg17 : memref<!tpu.dma_semaphore, #tpu.memory_space<semaphore_mem>>)
      } else {
      }
      %dma_wait3A_461 = arith.constant 0 : i32
      %dma_wait3A_462 = tpu.memref_slice %arg4[%mul3A_2, %dma_wait3A_461] : memref<1024x10000xf32, #tpu.memory_space<hbm>> -> memref<1x10000xf32, #tpu.memory_space<hbm>>
      %dma_wait3A_463 = arith.constant 0 : i32
      %dma_wait3A_464 = tpu.memref_slice %arg4[%mul3A_2, %dma_wait3A_463] : memref<1024x10000xf32, #tpu.memory_space<hbm>> -> memref<1x10000xf32, #tpu.memory_space<hbm>>
      tpu.wait_dma2 semaphore(%arg26 : memref<!tpu.dma_semaphore, #tpu.memory_space<semaphore_mem>>) src(%arg10 : memref<1x10000xf32, #tpu.memory_space<vmem>>) dst(%dma_wait3A_464 : memref<1x10000xf32, #tpu.memory_space<hbm>>)
      %mul3A_465 = arith.constant 16 : i32
      %mul3A_466 = arith.muli %scan3A_55, %mul3A_465 : i32
      %add3A_467 = arith.constant 16 : i32
      %add3A_468 = arith.addi %mul3A_466, %add3A_467 : i32
      %add3A_469 = arith.constant 4 : i32
      %add3A_470 = arith.addi %add3A_468, %add3A_469 : i32
      %lt3A_471 = arith.constant 32 : i32
      %lt3A_472 = arith.cmpi slt, %add3A_470, %lt3A_471 : i32
      %convert_element_type3A_473 = arith.extui %lt3A_472 : i1 to i32
      %cond3A_474 = arith.constant 0 : i32
      %cond3A_475 = arith.cmpi ne, %convert_element_type3A_473, %cond3A_474 : i32
      scf.if %cond3A_475 {
        %slice3A_521 = vector.extract_strided_slice %get3A_403 {offsets = [4], sizes = [1], strides = [1]} : vector<16xi32> to vector<1xi32>
        %squeeze3A_522 = vector.extract %slice3A_521[0] : i32 from vector<1xi32>
        %dma_start3A_523 = arith.constant 0 : i32
        %dma_start3A_524 = tpu.memref_slice %arg3[%squeeze3A_522, %dma_start3A_523] : memref<10000x10000xf32, #tpu.memory_space<hbm>> -> memref<1x10000xf32, #tpu.memory_space<hbm>>
        %dma_start3A_525 = arith.constant 0 : i32
        %dma_start3A_526 = tpu.memref_slice %arg3[%squeeze3A_522, %dma_start3A_525] : memref<10000x10000xf32, #tpu.memory_space<hbm>> -> memref<1x10000xf32, #tpu.memory_space<hbm>>
        tpu.enqueue_dma source(%dma_start3A_526 : memref<1x10000xf32, #tpu.memory_space<hbm>>) target(%arg10 : memref<1x10000xf32, #tpu.memory_space<vmem>>) target_semaphore(%arg18 : memref<!tpu.dma_semaphore, #tpu.memory_space<semaphore_mem>>)
      } else {
      }
      %dma_wait3A_476 = arith.constant 0 : i32
      %dma_wait3A_477 = tpu.memref_slice %arg4[%mul3A_2, %dma_wait3A_476] : memref<1024x10000xf32, #tpu.memory_space<hbm>> -> memref<1x10000xf32, #tpu.memory_space<hbm>>
      %dma_wait3A_478 = arith.constant 0 : i32
      %dma_wait3A_479 = tpu.memref_slice %arg4[%mul3A_2, %dma_wait3A_478] : memref<1024x10000xf32, #tpu.memory_space<hbm>> -> memref<1x10000xf32, #tpu.memory_space<hbm>>
      tpu.wait_dma2 semaphore(%arg27 : memref<!tpu.dma_semaphore, #tpu.memory_space<semaphore_mem>>) src(%arg11 : memref<1x10000xf32, #tpu.memory_space<vmem>>) dst(%dma_wait3A_479 : memref<1x10000xf32, #tpu.memory_space<hbm>>)
      %mul3A_480 = arith.constant 16 : i32
      %mul3A_481 = arith.muli %scan3A_55, %mul3A_480 : i32
      %add3A_482 = arith.constant 16 : i32
      %add3A_483 = arith.addi %mul3A_481, %add3A_482 : i32
      %add3A_484 = arith.constant 5 : i32
      %add3A_485 = arith.addi %add3A_483, %add3A_484 : i32
      %lt3A_486 = arith.constant 32 : i32
      %lt3A_487 = arith.cmpi slt, %add3A_485, %lt3A_486 : i32
      %convert_element_type3A_488 = arith.extui %lt3A_487 : i1 to i32
      %cond3A_489 = arith.constant 0 : i32
      %cond3A_490 = arith.cmpi ne, %convert_element_type3A_488, %cond3A_489 : i32
      scf.if %cond3A_490 {
        %slice3A_521 = vector.extract_strided_slice %get3A_403 {offsets = [5], sizes = [1], strides = [1]} : vector<16xi32> to vector<1xi32>
        %squeeze3A_522 = vector.extract %slice3A_521[0] : i32 from vector<1xi32>
        %dma_start3A_523 = arith.constant 0 : i32
        %dma_start3A_524 = tpu.memref_slice %arg3[%squeeze3A_522, %dma_start3A_523] : memref<10000x10000xf32, #tpu.memory_space<hbm>> -> memref<1x10000xf32, #tpu.memory_space<hbm>>
        %dma_start3A_525 = arith.constant 0 : i32
        %dma_start3A_526 = tpu.memref_slice %arg3[%squeeze3A_522, %dma_start3A_525] : memref<10000x10000xf32, #tpu.memory_space<hbm>> -> memref<1x10000xf32, #tpu.memory_space<hbm>>
        tpu.enqueue_dma source(%dma_start3A_526 : memref<1x10000xf32, #tpu.memory_space<hbm>>) target(%arg11 : memref<1x10000xf32, #tpu.memory_space<vmem>>) target_semaphore(%arg19 : memref<!tpu.dma_semaphore, #tpu.memory_space<semaphore_mem>>)
      } else {
      }
      %dma_wait3A_491 = arith.constant 0 : i32
      %dma_wait3A_492 = tpu.memref_slice %arg4[%mul3A_2, %dma_wait3A_491] : memref<1024x10000xf32, #tpu.memory_space<hbm>> -> memref<1x10000xf32, #tpu.memory_space<hbm>>
      %dma_wait3A_493 = arith.constant 0 : i32
      %dma_wait3A_494 = tpu.memref_slice %arg4[%mul3A_2, %dma_wait3A_493] : memref<1024x10000xf32, #tpu.memory_space<hbm>> -> memref<1x10000xf32, #tpu.memory_space<hbm>>
      tpu.wait_dma2 semaphore(%arg28 : memref<!tpu.dma_semaphore, #tpu.memory_space<semaphore_mem>>) src(%arg12 : memref<1x10000xf32, #tpu.memory_space<vmem>>) dst(%dma_wait3A_494 : memref<1x10000xf32, #tpu.memory_space<hbm>>)
      %mul3A_495 = arith.constant 16 : i32
      %mul3A_496 = arith.muli %scan3A_55, %mul3A_495 : i32
      %add3A_497 = arith.constant 16 : i32
      %add3A_498 = arith.addi %mul3A_496, %add3A_497 : i32
      %add3A_499 = arith.constant 6 : i32
      %add3A_500 = arith.addi %add3A_498, %add3A_499 : i32
      %lt3A_501 = arith.constant 32 : i32
      %lt3A_502 = arith.cmpi slt, %add3A_500, %lt3A_501 : i32
      %convert_element_type3A_503 = arith.extui %lt3A_502 : i1 to i32
      %cond3A_504 = arith.constant 0 : i32
      %cond3A_505 = arith.cmpi ne, %convert_element_type3A_503, %cond3A_504 : i32
      scf.if %cond3A_505 {
        %slice3A_521 = vector.extract_strided_slice %get3A_403 {offsets = [6], sizes = [1], strides = [1]} : vector<16xi32> to vector<1xi32>
        %squeeze3A_522 = vector.extract %slice3A_521[0] : i32 from vector<1xi32>
        %dma_start3A_523 = arith.constant 0 : i32
        %dma_start3A_524 = tpu.memref_slice %arg3[%squeeze3A_522, %dma_start3A_523] : memref<10000x10000xf32, #tpu.memory_space<hbm>> -> memref<1x10000xf32, #tpu.memory_space<hbm>>
        %dma_start3A_525 = arith.constant 0 : i32
        %dma_start3A_526 = tpu.memref_slice %arg3[%squeeze3A_522, %dma_start3A_525] : memref<10000x10000xf32, #tpu.memory_space<hbm>> -> memref<1x10000xf32, #tpu.memory_space<hbm>>
        tpu.enqueue_dma source(%dma_start3A_526 : memref<1x10000xf32, #tpu.memory_space<hbm>>) target(%arg12 : memref<1x10000xf32, #tpu.memory_space<vmem>>) target_semaphore(%arg20 : memref<!tpu.dma_semaphore, #tpu.memory_space<semaphore_mem>>)
      } else {
      }
      %dma_wait3A_506 = arith.constant 0 : i32
      %dma_wait3A_507 = tpu.memref_slice %arg4[%mul3A_2, %dma_wait3A_506] : memref<1024x10000xf32, #tpu.memory_space<hbm>> -> memref<1x10000xf32, #tpu.memory_space<hbm>>
      %dma_wait3A_508 = arith.constant 0 : i32
      %dma_wait3A_509 = tpu.memref_slice %arg4[%mul3A_2, %dma_wait3A_508] : memref<1024x10000xf32, #tpu.memory_space<hbm>> -> memref<1x10000xf32, #tpu.memory_space<hbm>>
      tpu.wait_dma2 semaphore(%arg29 : memref<!tpu.dma_semaphore, #tpu.memory_space<semaphore_mem>>) src(%arg13 : memref<1x10000xf32, #tpu.memory_space<vmem>>) dst(%dma_wait3A_509 : memref<1x10000xf32, #tpu.memory_space<hbm>>)
      %mul3A_510 = arith.constant 16 : i32
      %mul3A_511 = arith.muli %scan3A_55, %mul3A_510 : i32
      %add3A_512 = arith.constant 16 : i32
      %add3A_513 = arith.addi %mul3A_511, %add3A_512 : i32
      %add3A_514 = arith.constant 7 : i32
      %add3A_515 = arith.addi %add3A_513, %add3A_514 : i32
      %lt3A_516 = arith.constant 32 : i32
      %lt3A_517 = arith.cmpi slt, %add3A_515, %lt3A_516 : i32
      %convert_element_type3A_518 = arith.extui %lt3A_517 : i1 to i32
      %cond3A_519 = arith.constant 0 : i32
      %cond3A_520 = arith.cmpi ne, %convert_element_type3A_518, %cond3A_519 : i32
      scf.if %cond3A_520 {
        %slice3A_521 = vector.extract_strided_slice %get3A_403 {offsets = [7], sizes = [1], strides = [1]} : vector<16xi32> to vector<1xi32>
        %squeeze3A_522 = vector.extract %slice3A_521[0] : i32 from vector<1xi32>
        %dma_start3A_523 = arith.constant 0 : i32
        %dma_start3A_524 = tpu.memref_slice %arg3[%squeeze3A_522, %dma_start3A_523] : memref<10000x10000xf32, #tpu.memory_space<hbm>> -> memref<1x10000xf32, #tpu.memory_space<hbm>>
        %dma_start3A_525 = arith.constant 0 : i32
        %dma_start3A_526 = tpu.memref_slice %arg3[%squeeze3A_522, %dma_start3A_525] : memref<10000x10000xf32, #tpu.memory_space<hbm>> -> memref<1x10000xf32, #tpu.memory_space<hbm>>
        tpu.enqueue_dma source(%dma_start3A_526 : memref<1x10000xf32, #tpu.memory_space<hbm>>) target(%arg13 : memref<1x10000xf32, #tpu.memory_space<vmem>>) target_semaphore(%arg21 : memref<!tpu.dma_semaphore, #tpu.memory_space<semaphore_mem>>)
      } else {
      }
    }
    %scan3A_54 = arith.constant 2 : i32
    return
  }
}

module attributes {stable_mosaic.version = 14 : i64} {
  func.func @body(%arg0: i32, %arg1: i32, %arg2: memref<256x2560xf32, #tpu.memory_space<vmem>>, %arg3: memref<2560x256xf32, #tpu.memory_space<vmem>>) attributes {dimension_semantics = [#tpu.dimension_semantics<arbitrary>, #tpu.dimension_semantics<arbitrary>], iteration_bounds = array<i64: 4, 4>, scalar_prefetch = 0 : i64, scratch_operands = 0 : i64, tpu.core_type = #tpu.core_type<tc>, window_params = [{transform_indices = @transform_0, window_bounds = array<i64: 256, 2560>}, {transform_indices = @transform_1, window_bounds = array<i64: 2560, 256>}]} {
    %get3A = arith.constant 0 : index
    %get3A_0 = arith.constant 0 : index
    %get3A_1 = vector.load %arg2[%get3A, %get3A_0] : memref<256x2560xf32, #tpu.memory_space<vmem>>, vector<256x2560xf32>
    %transpose3A = tpu.transpose %get3A_1, [1, 0] : vector<256x2560xf32> -> vector<2560x256xf32>
    %swap3A = arith.constant 0 : index
    %swap3A_2 = arith.constant 0 : index
    %swap3A_3 = vector.load %arg3[%swap3A, %swap3A_2] : memref<2560x256xf32, #tpu.memory_space<vmem>>, vector<2560x256xf32>
    tpu.vector_store %arg3[%swap3A, %swap3A_2], %transpose3A {strides = array<i32>} : memref<2560x256xf32, #tpu.memory_space<vmem>>, vector<2560x256xf32>,
    return
  }
  func.func @transform_0(%arg0: i32, %arg1: i32) -> (i32, i32) {
    %c0_i32 = arith.constant 0 : i32
    return %arg1, %arg0 : i32, i32
  }
  func.func @transform_1(%arg0: i32, %arg1: i32) -> (i32, i32) {
    %c0_i32 = arith.constant 0 : i32
    return %arg0, %arg1 : i32, i32
  }
}

module attributes {stable_mosaic.version = 14 : i64} {
  func.func @body(%arg0: i32, %arg1: i32, %arg2: memref<10000x4096xf32, #tpu.memory_space<any>>, %arg3: memref<256x2560xf32, #tpu.memory_space<vmem>>, %arg4: memref<2560x256xf32, #tpu.memory_space<vmem>>) attributes {dimension_semantics = [#tpu.dimension_semantics<arbitrary>, #tpu.dimension_semantics<arbitrary>], iteration_bounds = array<i64: 4, 4>, scalar_prefetch = 0 : i64, scratch_operands = 0 : i64, tpu.core_type = #tpu.core_type<tc>, window_params = [{}, {transform_indices = @transform_1, window_bounds = array<i64: 256, 2560>}, {transform_indices = @transform_2, window_bounds = array<i64: 2560, 256>}]} {
    %get3A = arith.constant 0 : index
    %get3A_0 = arith.constant 0 : index
    %get3A_1 = vector.load %arg3[%get3A, %get3A_0] : memref<256x2560xf32, #tpu.memory_space<vmem>>, vector<256x2560xf32>
    %transpose3A = tpu.transpose %get3A_1, [1, 0] : vector<256x2560xf32> -> vector<2560x256xf32>
    %swap3A = arith.constant 0 : index
    %swap3A_2 = arith.constant 0 : index
    %swap3A_3 = vector.load %arg4[%swap3A, %swap3A_2] : memref<2560x256xf32, #tpu.memory_space<vmem>>, vector<2560x256xf32>
    tpu.vector_store %arg4[%swap3A, %swap3A_2], %transpose3A {strides = array<i32>} : memref<2560x256xf32, #tpu.memory_space<vmem>>, vector<2560x256xf32>,
    return
  }
  func.func @transform_1(%arg0: i32, %arg1: i32) -> (i32, i32) {
    %c0_i32 = arith.constant 0 : i32
    return %arg1, %arg0 : i32, i32
  }
  func.func @transform_2(%arg0: i32, %arg1: i32) -> (i32, i32) {
    %add3A = arith.constant 8 : i32
    %add3A_0 = arith.addi %add3A, %arg1 : i32
    %c0_i32 = arith.constant 0 : i32
    return %arg0, %add3A_0 : i32, i32
  }
}

module attributes {stable_mosaic.version = 14 : i64} {
  func.func @body(%arg0: i32, %arg1: i32, %arg2: memref<10000x4096xf32, #tpu.memory_space<any>>, %arg3: memref<256x2560xf32, #tpu.memory_space<vmem>>, %arg4: memref<2560x256xf32, #tpu.memory_space<vmem>>) attributes {dimension_semantics = [#tpu.dimension_semantics<arbitrary>, #tpu.dimension_semantics<arbitrary>], iteration_bounds = array<i64: 4, 4>, scalar_prefetch = 0 : i64, scratch_operands = 0 : i64, tpu.core_type = #tpu.core_type<tc>, window_params = [{}, {transform_indices = @transform_1, window_bounds = array<i64: 256, 2560>}, {transform_indices = @transform_2, window_bounds = array<i64: 2560, 256>}]} {
    %get3A = arith.constant 0 : index
    %get3A_0 = arith.constant 0 : index
    %get3A_1 = vector.load %arg3[%get3A, %get3A_0] : memref<256x2560xf32, #tpu.memory_space<vmem>>, vector<256x2560xf32>
    %transpose3A = tpu.transpose %get3A_1, [1, 0] : vector<256x2560xf32> -> vector<2560x256xf32>
    %swap3A = arith.constant 0 : index
    %swap3A_2 = arith.constant 0 : index
    %swap3A_3 = vector.load %arg4[%swap3A, %swap3A_2] : memref<2560x256xf32, #tpu.memory_space<vmem>>, vector<2560x256xf32>
    tpu.vector_store %arg4[%swap3A, %swap3A_2], %transpose3A {strides = array<i32>} : memref<2560x256xf32, #tpu.memory_space<vmem>>, vector<2560x256xf32>,
    return
  }
  func.func @transform_1(%arg0: i32, %arg1: i32) -> (i32, i32) {
    %c0_i32 = arith.constant 0 : i32
    return %arg1, %arg0 : i32, i32
  }
  func.func @transform_2(%arg0: i32, %arg1: i32) -> (i32, i32) {
    %add3A = arith.constant 4 : i32
    %add3A_0 = arith.addi %add3A, %arg1 : i32
    %c0_i32 = arith.constant 0 : i32
    return %arg0, %add3A_0 : i32, i32
  }
}

module attributes {stable_mosaic.version = 14 : i64} {
  func.func @body(%arg0: i32, %arg1: i32, %arg2: memref<10000x4096xf32, #tpu.memory_space<any>>, %arg3: memref<256x2560xf32, #tpu.memory_space<vmem>>, %arg4: memref<2560x256xf32, #tpu.memory_space<vmem>>) attributes {dimension_semantics = [#tpu.dimension_semantics<arbitrary>, #tpu.dimension_semantics<arbitrary>], iteration_bounds = array<i64: 4, 4>, scalar_prefetch = 0 : i64, scratch_operands = 0 : i64, tpu.core_type = #tpu.core_type<tc>, window_params = [{}, {transform_indices = @transform_1, window_bounds = array<i64: 256, 2560>}, {transform_indices = @transform_2, window_bounds = array<i64: 2560, 256>}]} {
    %get3A = arith.constant 0 : index
    %get3A_0 = arith.constant 0 : index
    %get3A_1 = vector.load %arg3[%get3A, %get3A_0] : memref<256x2560xf32, #tpu.memory_space<vmem>>, vector<256x2560xf32>
    %transpose3A = tpu.transpose %get3A_1, [1, 0] : vector<256x2560xf32> -> vector<2560x256xf32>
    %swap3A = arith.constant 0 : index
    %swap3A_2 = arith.constant 0 : index
    %swap3A_3 = vector.load %arg4[%swap3A, %swap3A_2] : memref<2560x256xf32, #tpu.memory_space<vmem>>, vector<2560x256xf32>
    tpu.vector_store %arg4[%swap3A, %swap3A_2], %transpose3A {strides = array<i32>} : memref<2560x256xf32, #tpu.memory_space<vmem>>, vector<2560x256xf32>,
    return
  }
  func.func @transform_1(%arg0: i32, %arg1: i32) -> (i32, i32) {
    %c0_i32 = arith.constant 0 : i32
    return %arg1, %arg0 : i32, i32
  }
  func.func @transform_2(%arg0: i32, %arg1: i32) -> (i32, i32) {
    %add3A = arith.constant 12 : i32
    %add3A_0 = arith.addi %add3A, %arg1 : i32
    %c0_i32 = arith.constant 0 : i32
    return %arg0, %add3A_0 : i32, i32
  }
}

</mosaic_0001>

<sc_bundles>
// kernel: kernel.10.cloned.1.call-start
scs
__scs_entry_jumppad:
0x0: {  	(pc) =	sbr.rel $0x88, $3  }
0x1: {  	(tag) =	ssettag $0x0;
	lr =	simm.s32 $0x1  }
0x2: {  	[smem:$0x3F9F] =	sst lr;
	_ =	strace $0xD0000000  }
0x3: {  	_ = 	snop  }
0x4: {  	_ = 	snop  }
0x5: {  	_ = 	snop  }
0x6: {  	_ = 	snop  }
0x7: {  	_ = 	snop  }
__scs_overlays_trampoline_lowered:
0x8: {  	[smem:$0x3FAE] =	sst s0  }
0x9: {  	[smem:$0x3FAF] =	sst s1  }
0xa: {  	[smem:$0x3FB0] =	sst s2  }
0xb: {  	[smem:$0x3FB1] =	sst s3  }
0xc: {  	[smem:$0x3FB2] =	sst s4  }
0xd: {  	[smem:$0x3FB3] =	sst s5  }
0xe: {  	[smem:$0x3FB4] =	sst s6  }
0xf: {  	[smem:$0x3FB5] =	sst s7  }
0x10: {  	[smem:$0x3FB6] =	sst s8  }
0x11: {  	[smem:$0x3FB7] =	sst s9;
	s0 =	simm.s32 @!p0 $0x0  }
0x12: {  	s1 =	sld [smem:$0x3F9D];
	s0 =	simm.s32 @p0 $0x1  }
0x13: {  	[smem:$0x3FB8] =	sst s0;
	s0 =	simm.s32 @!p1 $0x0  }
0x14: {  	s2 =	sld [smem:$0x3F9C];
	s0 =	simm.s32 @p1 $0x1  }
0x15: {  	[smem:$0x3FB9] =	sst s0;
	s0 =	simm.s32 @!p2 $0x0  }
0x16: {  	s3 =	sld [smem:$0x3FDB];
	s0 =	simm.s32 @p2 $0x1  }
0x17: {  	s4 =	simm.s32 $0x1BF5;
	[smem:$0x3FBB] =	sst s0  }
0x18: {  	s0 =	sld [smem:$0x3F9E];
	_ =	swait.ge [sflag:s4], $0x0  }
0x19: {  	s7 =	sld [smem:$0x3F9F]  }
0x1a: {  	s8 =	sadd.s32 $0xFFFFE003, lr  }
0x1b: {  	s9 =	sadd.s32 $0xFFFFFEF7, lr;
	s5 =	simm.s32 $0xFFFFFFFF;
	p2 =	slt.u32 s8, $0xFFFFF086  }
0x1c: {  	p1 =	slt.u32 s9, $0xF7A;
	s5 =	simm.s32 @!p2 $0x0  }
0x1d: {  	s5 =	simm.s32 @p1 $0x1;
	p0 =	seq.s32 s7, s2  }
0x1e: {  	s7 =	smul.u32 @!p0 $0xF7A, s2;
	p2 =	seq.s32 @!p0 s5, $0x0  }
0x1f: {  	s9 =	smul.u32 $0xF7A, s1;
	s8 =	simm.s32 @!p0 $0x1BF5;
	p2 =	por !p2, p0  }
0x20: {  	[sflag:s8] =	ssyncset.s32 @!p0 $0xFFFFF086;
	s6 =	sadd.s32 @!p0 s3, s7;
	s7 =	simm.s32 @!p0 $0x108  }
0x21: {  	s3 =	sadd.s32 s3, s9;
	s6 =	sadd.s32 @!p0 $0x88, s6;
	s7 =	simm.s32 @p2 $0x1082  }
0x22: {  	[simem:s7], [sflag:s8] =	dma.local @!p0 [hbm:s6], $0xF7A  }
0x23: {  	s9 =	sor.u32 $0xD0000000, s2;
	s6 =	simm.s32 $0x108;
	_ =	swait.ge @!p0 [sflag:s8], $0x0  }
0x24: {  	s3 =	sadd.s32 $0x88, s3;
	s6 =	simm.s32 @!p1 $0x1082;
	[sflag:s4] =	ssyncset.s32 $0xFFFFF086  }
0x25: {  	[simem:s6], [sflag:s4] =	dma.local [hbm:s3], $0xF7A  }
0x26: {  	[smem:$0x3F9F] =	sst s1;
	(tag) =	ssettag s2;
	_ =	strace s9  }
0x27: {  	s1 =	sld [smem:$0x3FAF]  }
0x28: {  	s2 =	sld [smem:$0x3FB0]  }
0x29: {  	s4 =	sld [smem:$0x3FB2]  }
0x2a: {  	p0 =	seq.s32 s5, $0x0;
	s5 =	sld [smem:$0x3FB3]  }
0x2b: {  	s6 =	sld [smem:$0x3FB4]  }
0x2c: {  	s7 =	sld [smem:$0x3FB5]  }
0x2d: {  	s3 =	simm.s32 $0x108;
	s8 =	sld [smem:$0x3FB6]  }
0x2e: {  	s3 =	simm.s32 @!p0 $0x1082;
	s9 =	sld [smem:$0x3FB7]  }
0x2f: {  	lr =	sadd.s32 s0, s3;
	s0 =	sld [smem:$0x3FAE]  }
0x30: {  	s3 =	sld [smem:$0x3FB1]  }
0x31: {  	[smem:$0x3FBA] =	sst s10  }
0x32: {  	s10 =	sld [smem:$0x3FB8];
	_ =	sdelay $0x3  }
0x33: {  	p0 =	seq.s32 s10, $0x1;
	s10 =	sld [smem:$0x3FBA];
	_ =	sdelay $0x3  }
0x34: {  	[smem:$0x3FBA] =	sst s10  }
0x35: {  	s10 =	sld [smem:$0x3FB9];
	_ =	sdelay $0x3  }
0x36: {  	p1 =	seq.s32 s10, $0x1;
	s10 =	sld [smem:$0x3FBA];
	_ =	sdelay $0x3  }
0x37: {  	[smem:$0x3FBA] =	sst s10  }
0x38: {  	s10 =	sld [smem:$0x3FBB]  }
0x39: {  	_ = 	snop;
	(pc) =	sbr.ind lr, $3  }
0x3a: {  	_ = 	snop  }
0x3b: {  	_ = 	snop  }
0x3c: {  	p2 =	seq.s32 s10, $0x1;
	s10 =	sld [smem:$0x3FBA]  }
0x3d: {  	_ =	shalt  }
0x3e: {  	_ =	shalt  }
0x3f: {  	_ =	shalt  }
0x40: {  	_ =	shalt  }
0x41: {  	_ =	shalt  }
0x42: {  	_ =	shalt  }
0x43: {  	_ =	shalt  }
0x44: {  	_ =	shalt  }
0x45: {  	_ =	shalt  }
0x46: {  	_ =	shalt  }
0x47: {  	_ =	shalt  }
0x48: {  	_ =	shalt  }
0x49: {  	_ =	shalt  }
0x4a: {  	_ =	shalt  }
0x4b: {  	_ =	shalt  }
0x4c: {  	_ =	shalt  }
0x4d: {  	_ =	shalt  }
0x4e: {  	_ =	shalt  }
0x4f: {  	_ =	shalt  }
0x50: {  	_ =	shalt  }
0x51: {  	_ =	shalt  }
0x52: {  	_ =	shalt  }
0x53: {  	_ =	shalt  }
0x54: {  	_ =	shalt  }
0x55: {  	_ =	shalt  }
0x56: {  	_ =	shalt  }
0x57: {  	_ =	shalt  }
0x58: {  	_ =	shalt  }
0x59: {  	_ =	shalt  }
0x5a: {  	_ =	shalt  }
0x5b: {  	_ =	shalt  }
0x5c: {  	_ =	shalt  }
0x5d: {  	_ =	shalt  }
0x5e: {  	_ =	shalt  }
0x5f: {  	_ =	shalt  }
0x60: {  	_ =	shalt  }
0x61: {  	_ =	shalt  }
0x62: {  	_ =	shalt  }
0x63: {  	_ =	shalt  }
0x64: {  	_ =	shalt  }
0x65: {  	_ =	shalt  }
0x66: {  	_ =	shalt  }
0x67: {  	_ =	shalt  }
0x68: {  	_ =	shalt  }
0x69: {  	_ =	shalt  }
0x6a: {  	_ =	shalt  }
0x6b: {  	_ =	shalt  }
0x6c: {  	_ =	shalt  }
0x6d: {  	_ =	shalt  }
0x6e: {  	_ =	shalt  }
0x6f: {  	_ =	shalt  }
0x70: {  	_ =	shalt  }
0x71: {  	_ =	shalt  }
0x72: {  	_ =	shalt  }
0x73: {  	_ =	shalt  }
0x74: {  	_ =	shalt  }
0x75: {  	_ =	shalt  }
0x76: {  	_ =	shalt  }
0x77: {  	_ =	shalt  }
0x78: {  	_ =	shalt  }
0x79: {  	_ =	shalt  }
0x7a: {  	_ =	shalt  }
0x7b: {  	_ =	shalt  }
0x7c: {  	_ =	shalt  }
0x7d: {  	_ =	shalt  }
0x7e: {  	_ =	shalt  }
0x7f: {  	_ =	shalt  }
0x80: {  	_ =	shalt  }
0x81: {  	_ =	shalt  }
0x82: {  	_ =	shalt  }
0x83: {  	_ =	shalt  }
0x84: {  	_ =	shalt  }
0x85: {  	_ =	shalt  }
0x86: {  	_ =	shalt  }
0x87: {  	_ =	shalt  }
.Lfunc_end0:
.L_simem_size_0:
called_computation_lowered:
.L_overlay_start_0:
0x88: {  	s2 =	sld [smem:$0x3FD9]  }
0x89: {  	s3 =	sld [smem:$0x3FFE];
	_ =	sdelay $0x1  }
0x8a: {  	s1 =	srdreg.scid  }
0x8b: {  	s0 =	sand.u32 $0x1, s1  }
0x8c: {  	s17 =	sshll.u32 s0, $0xA;
	s2 =	sadd.s32 s3, s2  }
0x8d: {  	s2 =	sadd.s32 s2, s17  }
0x8e: {  	[smem:$0x3FC6] =	sst s2  }
0x8f: {  	_ = 	snop  }
0x90: {  	s2 =	sld [smem:$0x3FC8]  }
0x91: {  	s18 =	sld [smem:$0x3FD0];
	(tm) =	ssettm $0x1  }
0x92: {  	s4 =	sld [smem:$0x3FFB];
	_ =	sdelay $0x3  }
0x93: {  	_ =	strace s4  }
0x94: {  	s4 =	sld [smem:$0x3FFC];
	_ =	sdelay $0x3  }
0x95: {  	_ =	strace s4  }
0x96: {  	s4 =	sld [smem:$0x3FFD];
	_ =	sdelay $0x3  }
0x97: {  	_ =	strace s4  }
0x98: {  	_ =	strace $0x8FFFFFFF  }
0x99: {  	s19 =	sld [smem:$0x3FDB];
	_ =	sdelay $0x1  }
0x9a: {  	s5 =	simm.s32 $_scs_section_size  }
0x9b: {  	s6 =	simm.s32 $_size__tile_overlayer_lowered;
	s7 =	simm.s32 $_tile_overlayer_lowered  }
0x9c: {  	s22 =	simm.s32 $0x1BFF;
	s21 =	sshll.u32 s7, $0x1;
	s4 =	sadd.s32 s5, s19  }
0x9d: {  	s8 =	simm.s32 $0x0;
	s20 =	sshll.u32 s6, $0x1;
	s6 =	sadd.s32 s21, s4  }
0x9e: {  	[timem:s8], [sflag:s22] =	dma.local [hbm:s6], s20  }
0x9f: {  	_ =	swait.ge [sflag:s22], s20  }
0xa0: {  	s5 =	ssub.s32 $0x0, s20;
	[sflag:s22] =	ssyncset.done $0x0  }
0xa1: {  	[sflag:s22] =	ssyncadd.s32 s5;
	_ =	sdelay $0x1  }
0xa2: {  	s23 =	simm.s32 $0x1B8B  }
0xa3: {  	_ =	swait.ge [sflag:s23], $0x1  }
0xa4: {  	[sflag:s23] =	ssyncset.done $0x0  }
0xa5: {  	s25 =	simm.s32 $0x1B8E;
	s24 =	sld [smem:$0x3FFE];
	[sflag:s23] =	ssyncadd.s32 $0xFFFFFFFF  }
0xa6: {  	s26 =	simm.s32 $execute0_lowered;
	[smem:$0x3FD2] =	sst s25  }
0xa7: {  	s6 =	sshll.u32 s26, $0x1;
	_ =	strace $0x80000046;
	[dreg:$0x1] =	wrdreg $0xFFFFFFFF  }
0xa8: {  	s28 =	simm.s32 $_size_execute0_lowered;
	s4 =	sadd.s32 s4, s6;
	[dreg:$0x0] =	wrdreg $0x0  }
0xa9: {  	s6 =	sshll.u32 s28, $0x1;
	[dreg:$0x2] =	wrdreg s4  }
0xaa: {  	[dreg:$0x3] =	wrdreg s6  }
0xab: {  	[dreg:$0x4] =	wrdreg $0xC0  }
0xac: {  	_ =	task [dreg:s8], $0x5FFFF  }
0xad: {  	[dreg:$0x1] =	wrdreg $0xFFFFFFFF  }
0xae: {  	[dreg:$0x0] =	wrdreg $0x60  }
0xaf: {  	[dreg:$0x2] =	wrdreg s18  }
0xb0: {  	[dreg:$0x3] =	wrdreg s2  }
0xb1: {  	[dreg:$0x4] =	wrdreg s24  }
0xb2: {  	[dreg:$0x5] =	wrdreg $0x9  }
0xb3: {  	_ =	task.clear_ibuf [dreg:s8], $0x6FFFF;
	_ =	strace $0x90000046  }
0xb4: {  	s29 =	simm.s32 $0x9;
	_ =	strace $0x80000048  }
0xb5: {  	_ =	swait.ge [sflag:s29], $0x1  }
0xb6: {  	[sflag:s29] =	ssyncadd.s32 $0xFFFFFFFF  }
0xb7: {  	_ =	strace $0x90000048  }
0xb8: {  	_ =	sfence  }
0xb9: {  	s30 =	sld [smem:$0x0];
	_ =	sdelay $0x2  }
0xba: {  	s31 =	sshll.u32 s1, $0xD;
	s1 =	sshrl.u32 s1, $0x2  }
0xbb: {  	s3 =	sand.u32 $0x4000, s31;
	s1 =	sadd.s32 s1, s30  }
0xbc: {  	s0 =	sor.u32 s3, s0;
	s1 =	sshll.u32 s1, $0x11  }
0xbd: {  	s0 =	sor.u32 s1, s0  }
0xbe: {  	s0 =	sadd.s32 $0x8F2B, s0  }
0xbf: {  	[sflag:s0] =	ssyncadd.remote.s32 $0x1  }
0xc0: {  	_ =	sfence.sel $0xFFFF  }
0xc1: {  	[dreg:$0x0] =	wrdreg $0xFFFFFFFF;
	(pc) =	sbr.abs _section_cstart, $3  }
0xc2: {  	[dreg:$0x1] =	wrdreg $0xFFFFFFFF  }
0xc3: {  	_ =	task.clear_ibuf [dreg:s8], $0x2FFFF;
	_ =	strace $0x9FFFFFFF  }
0xc4: {  	(tm) =	ssettm $0x7FFFFFFF  }
0xc5: {  	_ =	shalt  }
tec
execute0_lowered:
.L_overlay_start_1:
0x0: {  	(tag) =	ssettag $0x1  }
0x1: {  	s0 =	rddreg [dreg:$0x0]  }
0x2: {  	s1 =	rddreg [dreg:$0x1]  }
0x3: {  	s2 =	rddreg [dreg:$0x2]  }
0x4: {  	s4 =	simm.s32 $0x0;
	s3 =	srdreg.scid;
	s5 =	stileid.u32  }
0x5: {  	s28 =	simm.s32 $0x3;
	s29 =	simm.s32 $0x4;
	s30 =	simm.s32 $0x5  }
0x6: {  	s31 =	simm.s32 $0x6;
	s14 =	simm.s32 $0xB;
	s15 =	simm.s32 $0xC  }
0x7: {  	s8 =	simm.s32 $0xF;
	[smem:$0x7FF] =	sst s4;
	s19 =	sadd.s32 $0x1210, s2  }
0x8: {  	s20 =	sadd.s32 $0x1220, s2;
	_ =	strace $0x80000047;
	[dreg:$0x6] =	wrdreg s19  }
0x9: {  	s9 =	simm.s32 $0x10;
	s21 =	sadd.s32 $0x1230, s2;
	[dreg:$0x7] =	wrdreg s20  }
0xa: {  	s11 =	simm.s32 $0x0;
	s22 =	sadd.s32 $0x1240, s2;
	[dreg:$0x8] =	wrdreg s21  }
0xb: {  	s3 =	sand.u32 $0x1, s3;
	s23 =	sadd.s32 $0x1250, s2;
	[dreg:$0x9] =	wrdreg s22  }
0xc: {  	s5 =	sshll.u32 s5, $0x6;
	s24 =	sadd.s32 $0x1260, s2;
	[dreg:$0xa] =	wrdreg s23  }
0xd: {  	s25 =	sadd.s32 $0x1270, s2;
	s4 =	simm.s32 $0xD;
	[dreg:$0xb] =	wrdreg s24  }
0xe: {  	s16 =	ssub.s32 $0x2, s3;
	s3 =	sshll.u32 s3, $0x5;
	[dreg:$0xc] =	wrdreg s25  }
0xf: {  	s19 =	simm.s32 $0x4F80;
	s20 =	simm.s32 $0x7700;
	s21 =	simm.s32 $0x9E80  }
0x10: {  	s22 =	simm.s32 $0xC600;
	s23 =	simm.s32 $0xED80;
	s24 =	simm.s32 $0x11500  }
0x11: {  	s25 =	simm.s32 $0x1;
	s6 =	sshrl.u32 s16, $0x1;
	s7 =	sor.u32 s3, s5  }
0x12: {  	s5 =	sadd.s32 $0x1200, s2;
	s2 =	simm.s32 $0x8;
	s3 =	simm.s32 $0x9  }
.Ltmp0:
0x13: {  	s17 =	ssub.s32 s16, s6;
	[dreg:$0x4] =	wrdreg s7;
	(pc) =	sbr.rel .LBB2_1-.Ltmp0, $4  }
0x14: {  	s18 =	sshrl.u32 s7, $0x3;
	s16 =	simm.s32 $0x400;
	s6 =	simm.s32 $0xA  }
0x15: {  	s7 =	simm.s32 $0xE;
	s0 =	sadd.s32 s0, s18;
	s26 =	smax.u32 s17, $0x1  }
0x16: {  	s17 =	simm.s32 $0x80;
	s18 =	simm.s32 $0x2800;
	[dreg:$0x5] =	wrdreg s0  }
0x17: {  	[dreg:$0xd] =	wrdreg s26;
	s26 =	simm.s32 $0x2;
	s0 =	simm.s32 $0x7  }
.LBB2_4:
0x18: {  	_ =	swait.ge [sflag:s6], $0x2780  }
0x19: {  	[sflag:s6] =	ssyncset.done $0x0  }
0x1a: {  	[sflag:s6] =	ssyncadd.s32 $0xFFFFD880  }
0x1b: {  	_ =	swait.ge [sflag:s14], $0x2780  }
0x1c: {  	[sflag:s14] =	ssyncset.done $0x0  }
0x1d: {  	[sflag:s14] =	ssyncadd.s32 $0xFFFFD880  }
0x1e: {  	_ =	swait.ge [sflag:s15], $0x2780  }
0x1f: {  	[sflag:s15] =	ssyncset.done $0x0  }
0x20: {  	[sflag:s15] =	ssyncadd.s32 $0xFFFFD880  }
0x21: {  	_ =	swait.ge [sflag:s4], $0x2780  }
0x22: {  	[sflag:s4] =	ssyncset.done $0x0  }
0x23: {  	[sflag:s4] =	ssyncadd.s32 $0xFFFFD880  }
0x24: {  	_ =	swait.ge [sflag:s7], $0x2780  }
0x25: {  	[sflag:s7] =	ssyncset.done $0x0  }
0x26: {  	[sflag:s7] =	ssyncadd.s32 $0xFFFFD880  }
0x27: {  	_ =	swait.ge [sflag:s8], $0x2780  }
0x28: {  	[sflag:s8] =	ssyncset.done $0x0  }
0x29: {  	[sflag:s8] =	ssyncadd.s32 $0xFFFFD880  }
0x2a: {  	_ =	swait.ge [sflag:s9], $0x2780  }
0x2b: {  	s11 =	rddreg [dreg:$0xe]  }
0x2c: {  	s10 =	rddreg [dreg:$0xd];
	s11 =	sadd.s32 $0x1, s11  }
0x2d: {  	p0 =	sne.s32 s11, s10  }
.Ltmp1:
0x2e: {  	_ = 	snop;
	(pc) =	sbr.rel @!p0 .LBB2_5-.Ltmp1, $3  }
0x2f: {  	_ =	sdelay $0x1  }
0x30: {  	[sflag:s9] =	ssyncset.done $0x0  }
0x31: {  	[sflag:s9] =	ssyncadd.s32 $0xFFFFD880  }
.LBB2_1:
0x32: {  	[dreg:$0xe] =	wrdreg s11  }
0x33: {  	s10 =	simm.s32 $0x0;
	s13 =	rddreg [dreg:$0x5];
	s11 =	simm.s32 $0x11  }
0x34: {  	[tilespmem:s10], [sflag:$0x11] =	stream.linear.gather [hbm4b:s13+s10], $0x20, $0x38;
	[tilespmem:$0x13C80] =	vst v63  }
0x35: {  	_ =	swait.ge [sflag:s11], $0x20  }
0x36: {  	[sflag:s11] =	ssyncset.done $0x0  }
0x37: {  	[sflag:s11] =	ssyncadd.s32 $0xFFFFFFE0  }
0x38: {  	v0 =	vld [tilespmem:$0x0];
	_ =	sdelay $0x4  }
0x39: {  	(v2sf) =	vpush v0, $0x0;
	_ =	sdelay $0x5  }
0x3a: {  	(v2sf) =	vpush v0, $0x1;
	_ =	sdelay $0x8  }
0x3b: {  	s12 =	spop (v2sf);
	(v2sf) =	vpush v0, $0x2;
	_ =	sdelay $0x5  }
0x3c: {  	s13 =	sshrl.u32 s12, $0x3;
	s10 =	sshll.u32 s12, $0x7;
	s12 =	spop (v2sf);
	(v2sf) =	vpush v0, $0x3  }
0x3d: {  	s11 =	smul.u32 $0x13C00, s13  }
0x3e: {  	s10 =	sand.u32 $0x380, s10  }
0x3f: {  	s10 =	sor.u32 s10, s11  }
0x40: {  	s10 =	sshrl.u32 s10, $0x3  }
0x41: {  	s13 =	sshrl.u32 s12, $0x3;
	s10 =	sadd.s32 s1, s10  }
0x42: {  	[tilespmem:s17], [sflag:$0x1] =	stream.strided.gather [hbm4b:s10+s17], $0x2780, s16, s17, $0x38;
	[tilespmem:$0x13C80] =	vst v63  }
0x43: {  	s11 =	sshll.u32 s12, $0x7;
	s10 =	smul.u32 $0x13C00, s13  }
0x44: {  	s11 =	sand.u32 $0x380, s11  }
0x45: {  	s10 =	sor.u32 s11, s10;
	s12 =	spop (v2sf);
	(v2sf) =	vpush v0, $0x4  }
0x46: {  	s10 =	sshrl.u32 s10, $0x3  }
0x47: {  	s10 =	sadd.s32 s1, s10  }
0x48: {  	[tilespmem:s18], [sflag:$0x2] =	stream.strided.gather [hbm4b:s10+s17], $0x2780, s16, s17, $0x38;
	[tilespmem:$0x13C80] =	vst v63  }
0x49: {  	s13 =	sshrl.u32 s12, $0x3  }
0x4a: {  	s10 =	sshll.u32 s12, $0x7;
	s11 =	smul.u32 $0x13C00, s13  }
0x4b: {  	s12 =	spop (v2sf);
	(v2sf) =	vpush v0, $0x5;
	s10 =	sand.u32 $0x380, s10  }
0x4c: {  	s10 =	sor.u32 s10, s11  }
0x4d: {  	s10 =	sshrl.u32 s10, $0x3  }
0x4e: {  	s13 =	sshrl.u32 s12, $0x3;
	s10 =	sadd.s32 s1, s10  }
0x4f: {  	[tilespmem:s19], [sflag:$0x3] =	stream.strided.gather [hbm4b:s10+s17], $0x2780, s16, s17, $0x38;
	[tilespmem:$0x13C80] =	vst v63  }
0x50: {  	s11 =	sshll.u32 s12, $0x7;
	s10 =	smul.u32 $0x13C00, s13  }
0x51: {  	s11 =	sand.u32 $0x380, s11  }
0x52: {  	s10 =	sor.u32 s11, s10  }
0x53: {  	s10 =	sshrl.u32 s10, $0x3  }
0x54: {  	s10 =	sadd.s32 s1, s10;
	s12 =	spop (v2sf);
	(v2sf) =	vpush v0, $0x6  }
0x55: {  	[tilespmem:s20], [sflag:$0x4] =	stream.strided.gather [hbm4b:s10+s17], $0x2780, s16, s17, $0x38;
	[tilespmem:$0x13C80] =	vst v63  }
0x56: {  	s13 =	sshrl.u32 s12, $0x3  }
0x57: {  	s10 =	sshll.u32 s12, $0x7;
	s11 =	smul.u32 $0x13C00, s13  }
0x58: {  	s10 =	sand.u32 $0x380, s10  }
0x59: {  	s10 =	sor.u32 s10, s11  }
0x5a: {  	s12 =	spop (v2sf);
	s10 =	sshrl.u32 s10, $0x3  }
0x5b: {  	s13 =	sshrl.u32 s12, $0x3;
	s10 =	sadd.s32 s1, s10  }
0x5c: {  	[tilespmem:s21], [sflag:$0x5] =	stream.strided.gather [hbm4b:s10+s17], $0x2780, s16, s17, $0x38;
	[tilespmem:$0x13C80] =	vst v63  }
0x5d: {  	s11 =	sshll.u32 s12, $0x7;
	s10 =	smul.u32 $0x13C00, s13  }
0x5e: {  	s11 =	sand.u32 $0x380, s11  }
0x5f: {  	s10 =	sor.u32 s11, s10  }
0x60: {  	s10 =	sshrl.u32 s10, $0x3  }
0x61: {  	s10 =	sadd.s32 s1, s10  }
0x62: {  	[tilespmem:s22], [sflag:$0x6] =	stream.strided.gather [hbm4b:s10+s17], $0x2780, s16, s17, $0x38;
	[tilespmem:$0x13C80] =	vst v63  }
0x63: {  	s12 =	spop (v2sf)  }
0x64: {  	s13 =	sshrl.u32 s12, $0x3  }
0x65: {  	s10 =	sshll.u32 s12, $0x7;
	s11 =	smul.u32 $0x13C00, s13  }
0x66: {  	s10 =	sand.u32 $0x380, s10  }
0x67: {  	s10 =	sor.u32 s10, s11  }
0x68: {  	s10 =	sshrl.u32 s10, $0x3  }
0x69: {  	s10 =	sadd.s32 s1, s10  }
0x6a: {  	[tilespmem:s23], [sflag:$0x7] =	stream.strided.gather [hbm4b:s10+s17], $0x2780, s16, s17, $0x38;
	[tilespmem:$0x13C80] =	vst v63  }
0x6b: {  	p0 =	por $0x1, $0x1;
	s10 =	simm.s32 $0x0  }
.LBB2_2:
0x6c: {  	_ =	sdelay $0x1  }
0x6d: {  	(v2sf) =	vpush v0, $0x7;
	_ =	sdelay $0xe  }
0x6e: {  	s11 =	spop (v2sf)  }
0x6f: {  	s12 =	sshrl.u32 s11, $0x3  }
0x70: {  	s11 =	sshll.u32 s11, $0x7;
	s12 =	smul.u32 $0x13C00, s12  }
0x71: {  	s11 =	sand.u32 $0x380, s11  }
0x72: {  	s11 =	sor.u32 s11, s12  }
0x73: {  	s11 =	sshrl.u32 s11, $0x3  }
0x74: {  	s12 =	rddreg [dreg:$0x4];
	s11 =	sadd.s32 s1, s11  }
0x75: {  	[tilespmem:s24], [sflag:$0x8] =	stream.strided.gather [hbm4b:s11+s17], $0x2780, s16, s17, $0x38;
	[tilespmem:$0x13C80] =	vst v63  }
0x76: {  	s11 =	sor.u32 s12, s10  }
0x77: {  	s11 =	sshrl.u32 s11, $0x3  }
0x78: {  	v0 =	vld [tilespmem:s10+$0x0];
	_ =	swait.ge [sflag:s25], $0x2780;
	s12 =	smul.u32 $0x2780, s11  }
0x79: {  	[sflag:s25] =	ssyncset.done $0x0  }
0x7a: {  	[sflag:s25] =	ssyncadd.s32 $0xFFFFD880;
	s13 =	sadd.s32 s5, s12  }
0x7b: {  	[hbm4b:s13+s17] =	stream.strided.scatter [tilespmem:s17], [sflag:$0x9], $0x2780, s16, s17, $0x38;
	[tilespmem:$0x13C80] =	vst v63  }
0x7c: {  	_ =	swait.ge [sflag:s26], $0x2780  }
0x7d: {  	[sflag:s26] =	ssyncset.done $0x0;
	s13 =	rddreg [dreg:$0x6]  }
0x7e: {  	[sflag:s26] =	ssyncadd.s32 $0xFFFFD880;
	s13 =	sadd.s32 s12, s13  }
0x7f: {  	[hbm4b:s13+s17] =	stream.strided.scatter [tilespmem:s18], [sflag:$0xA], $0x2780, s16, s17, $0x38;
	[tilespmem:$0x13C80] =	vst v63  }
0x80: {  	_ =	swait.ge [sflag:s28], $0x2780  }
0x81: {  	[sflag:s28] =	ssyncset.done $0x0;
	s13 =	rddreg [dreg:$0x7]  }
0x82: {  	[sflag:s28] =	ssyncadd.s32 $0xFFFFD880;
	s13 =	sadd.s32 s12, s13  }
0x83: {  	[hbm4b:s13+s17] =	stream.strided.scatter [tilespmem:s19], [sflag:$0xB], $0x2780, s16, s17, $0x38;
	[tilespmem:$0x13C80] =	vst v63  }
0x84: {  	_ =	swait.ge [sflag:s29], $0x2780  }
0x85: {  	[sflag:s29] =	ssyncset.done $0x0;
	s13 =	rddreg [dreg:$0x8]  }
0x86: {  	[sflag:s29] =	ssyncadd.s32 $0xFFFFD880;
	s13 =	sadd.s32 s12, s13  }
0x87: {  	[hbm4b:s13+s17] =	stream.strided.scatter [tilespmem:s20], [sflag:$0xC], $0x2780, s16, s17, $0x38;
	[tilespmem:$0x13C80] =	vst v63  }
0x88: {  	_ =	swait.ge [sflag:s30], $0x2780  }
0x89: {  	[sflag:s30] =	ssyncset.done $0x0;
	s13 =	rddreg [dreg:$0x9]  }
0x8a: {  	[sflag:s30] =	ssyncadd.s32 $0xFFFFD880;
	s13 =	sadd.s32 s12, s13  }
0x8b: {  	[hbm4b:s13+s17] =	stream.strided.scatter [tilespmem:s21], [sflag:$0xD], $0x2780, s16, s17, $0x38;
	[tilespmem:$0x13C80] =	vst v63  }
0x8c: {  	_ =	swait.ge [sflag:s31], $0x2780  }
0x8d: {  	[sflag:s31] =	ssyncset.done $0x0;
	s13 =	rddreg [dreg:$0xa]  }
0x8e: {  	[sflag:s31] =	ssyncadd.s32 $0xFFFFD880;
	s13 =	sadd.s32 s12, s13  }
0x8f: {  	[hbm4b:s13+s17] =	stream.strided.scatter [tilespmem:s22], [sflag:$0xE], $0x2780, s16, s17, $0x38;
	[tilespmem:$0x13C80] =	vst v63  }
0x90: {  	_ =	swait.ge [sflag:s0], $0x2780  }
0x91: {  	[sflag:s0] =	ssyncset.done $0x0;
	s13 =	rddreg [dreg:$0xb]  }
0x92: {  	[sflag:s0] =	ssyncadd.s32 $0xFFFFD880;
	s13 =	sadd.s32 s12, s13  }
0x93: {  	[hbm4b:s13+s17] =	stream.strided.scatter [tilespmem:s23], [sflag:$0xF], $0x2780, s16, s17, $0x38;
	[tilespmem:$0x13C80] =	vst v63  }
0x94: {  	_ =	swait.ge [sflag:s2], $0x2780  }
0x95: {  	[sflag:s2] =	ssyncset.done $0x0;
	s13 =	rddreg [dreg:$0xc]  }
0x96: {  	[sflag:s2] =	ssyncadd.s32 $0xFFFFD880;
	s12 =	sadd.s32 s12, s13  }
0x97: {  	[hbm4b:s12+s17] =	stream.strided.scatter [tilespmem:s24], [sflag:$0x10], $0x2780, s16, s17, $0x38;
	[tilespmem:$0x13C80] =	vst v63  }
0x98: {  	_ =	swait.ge [sflag:s3], $0x2780  }
0x99: {  	(v2sf) =	vpush v0, $0x8;
	_ =	sdelay $0xe  }
0x9a: {  	s12 =	spop (v2sf)  }
0x9b: {  	s13 =	sshrl.u32 s12, $0x3  }
0x9c: {  	s12 =	sshll.u32 s12, $0x7;
	s13 =	smul.u32 $0x13C00, s13  }
0x9d: {  	s12 =	sand.u32 $0x380, s12  }
0x9e: {  	s12 =	sor.u32 s12, s13  }
0x9f: {  	[sflag:s3] =	ssyncset.done $0x0;
	s12 =	sshrl.u32 s12, $0x3  }
0xa0: {  	[sflag:s3] =	ssyncadd.s32 $0xFFFFD880;
	s12 =	sadd.s32 s1, s12  }
0xa1: {  	[tilespmem:s17], [sflag:$0x1] =	stream.strided.gather [hbm4b:s12+s17], $0x2780, s16, s17, $0x38;
	[tilespmem:$0x13C80] =	vst v63  }
0xa2: {  	_ =	swait.ge [sflag:s6], $0x2780  }
0xa3: {  	(v2sf) =	vpush v0, $0x9;
	_ =	sdelay $0xe  }
0xa4: {  	s12 =	spop (v2sf)  }
0xa5: {  	s13 =	sshrl.u32 s12, $0x3  }
0xa6: {  	s12 =	sshll.u32 s12, $0x7;
	s13 =	smul.u32 $0x13C00, s13  }
0xa7: {  	s12 =	sand.u32 $0x380, s12  }
0xa8: {  	s12 =	sor.u32 s12, s13  }
0xa9: {  	[sflag:s6] =	ssyncset.done $0x0;
	s12 =	sshrl.u32 s12, $0x3  }
0xaa: {  	[sflag:s6] =	ssyncadd.s32 $0xFFFFD880;
	s12 =	sadd.s32 s1, s12  }
0xab: {  	[tilespmem:s18], [sflag:$0x2] =	stream.strided.gather [hbm4b:s12+s17], $0x2780, s16, s17, $0x38;
	[tilespmem:$0x13C80] =	vst v63  }
0xac: {  	_ =	swait.ge [sflag:s14], $0x2780  }
0xad: {  	(v2sf) =	vpush v0, $0xA;
	_ =	sdelay $0xe  }
0xae: {  	s12 =	spop (v2sf)  }
0xaf: {  	s13 =	sshrl.u32 s12, $0x3  }
0xb0: {  	s12 =	sshll.u32 s12, $0x7;
	s13 =	smul.u32 $0x13C00, s13  }
0xb1: {  	s12 =	sand.u32 $0x380, s12  }
0xb2: {  	s12 =	sor.u32 s12, s13  }
0xb3: {  	[sflag:s14] =	ssyncset.done $0x0;
	s12 =	sshrl.u32 s12, $0x3  }
0xb4: {  	[sflag:s14] =	ssyncadd.s32 $0xFFFFD880;
	s12 =	sadd.s32 s1, s12  }
0xb5: {  	[tilespmem:s19], [sflag:$0x3] =	stream.strided.gather [hbm4b:s12+s17], $0x2780, s16, s17, $0x38;
	[tilespmem:$0x13C80] =	vst v63  }
0xb6: {  	_ =	swait.ge [sflag:s15], $0x2780  }
0xb7: {  	(v2sf) =	vpush v0, $0xB;
	_ =	sdelay $0xe  }
0xb8: {  	s12 =	spop (v2sf)  }
0xb9: {  	s13 =	sshrl.u32 s12, $0x3  }
0xba: {  	s12 =	sshll.u32 s12, $0x7;
	s13 =	smul.u32 $0x13C00, s13  }
0xbb: {  	s12 =	sand.u32 $0x380, s12  }
0xbc: {  	s12 =	sor.u32 s12, s13  }
0xbd: {  	[sflag:s15] =	ssyncset.done $0x0;
	s12 =	sshrl.u32 s12, $0x3  }
0xbe: {  	[sflag:s15] =	ssyncadd.s32 $0xFFFFD880;
	s12 =	sadd.s32 s1, s12  }
0xbf: {  	[tilespmem:s20], [sflag:$0x4] =	stream.strided.gather [hbm4b:s12+s17], $0x2780, s16, s17, $0x38;
	[tilespmem:$0x13C80] =	vst v63  }
0xc0: {  	_ =	swait.ge [sflag:s4], $0x2780  }
0xc1: {  	(v2sf) =	vpush v0, $0xC;
	_ =	sdelay $0xe  }
0xc2: {  	s12 =	spop (v2sf)  }
0xc3: {  	s13 =	sshrl.u32 s12, $0x3  }
0xc4: {  	s12 =	sshll.u32 s12, $0x7;
	s13 =	smul.u32 $0x13C00, s13  }
0xc5: {  	s12 =	sand.u32 $0x380, s12  }
0xc6: {  	s12 =	sor.u32 s12, s13  }
0xc7: {  	[sflag:s4] =	ssyncset.done $0x0;
	s12 =	sshrl.u32 s12, $0x3  }
0xc8: {  	[sflag:s4] =	ssyncadd.s32 $0xFFFFD880;
	s12 =	sadd.s32 s1, s12  }
0xc9: {  	[tilespmem:s21], [sflag:$0x5] =	stream.strided.gather [hbm4b:s12+s17], $0x2780, s16, s17, $0x38;
	[tilespmem:$0x13C80] =	vst v63  }
0xca: {  	_ =	swait.ge [sflag:s7], $0x2780  }
0xcb: {  	(v2sf) =	vpush v0, $0xD;
	_ =	sdelay $0xe  }
0xcc: {  	s12 =	spop (v2sf)  }
0xcd: {  	s13 =	sshrl.u32 s12, $0x3  }
0xce: {  	s12 =	sshll.u32 s12, $0x7;
	s13 =	smul.u32 $0x13C00, s13  }
0xcf: {  	s12 =	sand.u32 $0x380, s12  }
0xd0: {  	s12 =	sor.u32 s12, s13  }
0xd1: {  	[sflag:s7] =	ssyncset.done $0x0;
	s12 =	sshrl.u32 s12, $0x3  }
0xd2: {  	[sflag:s7] =	ssyncadd.s32 $0xFFFFD880;
	s12 =	sadd.s32 s1, s12  }
0xd3: {  	[tilespmem:s22], [sflag:$0x6] =	stream.strided.gather [hbm4b:s12+s17], $0x2780, s16, s17, $0x38;
	[tilespmem:$0x13C80] =	vst v63  }
0xd4: {  	_ =	swait.ge [sflag:s8], $0x2780  }
0xd5: {  	(v2sf) =	vpush v0, $0xE;
	_ =	sdelay $0xe  }
0xd6: {  	s12 =	spop (v2sf)  }
0xd7: {  	s13 =	sshrl.u32 s12, $0x3  }
0xd8: {  	s12 =	sshll.u32 s12, $0x7;
	s13 =	smul.u32 $0x13C00, s13  }
0xd9: {  	s12 =	sand.u32 $0x380, s12  }
0xda: {  	s12 =	sor.u32 s12, s13  }
0xdb: {  	[sflag:s8] =	ssyncset.done $0x0;
	s12 =	sshrl.u32 s12, $0x3  }
0xdc: {  	[sflag:s8] =	ssyncadd.s32 $0xFFFFD880;
	s12 =	sadd.s32 s1, s12  }
0xdd: {  	[tilespmem:s23], [sflag:$0x7] =	stream.strided.gather [hbm4b:s12+s17], $0x2780, s16, s17, $0x38;
	[tilespmem:$0x13C80] =	vst v63  }
0xde: {  	_ =	swait.ge [sflag:s9], $0x2780  }
0xdf: {  	(v2sf) =	vpush v0, $0xF;
	_ =	sdelay $0xe  }
0xe0: {  	s12 =	spop (v2sf)  }
0xe1: {  	s13 =	sshrl.u32 s12, $0x3  }
0xe2: {  	s12 =	sshll.u32 s12, $0x7;
	s13 =	smul.u32 $0x13C00, s13  }
0xe3: {  	s12 =	sand.u32 $0x380, s12  }
0xe4: {  	s12 =	sor.u32 s12, s13  }
0xe5: {  	[sflag:s9] =	ssyncset.done $0x0;
	s12 =	sshrl.u32 s12, $0x3  }
0xe6: {  	s11 =	smul.u32 $0x13C00, s11;
	[sflag:s9] =	ssyncadd.s32 $0xFFFFD880;
	s12 =	sadd.s32 s1, s12  }
0xe7: {  	[tilespmem:s24], [sflag:$0x8] =	stream.strided.gather [hbm4b:s12+s17], $0x2780, s16, s17, $0x38;
	[tilespmem:$0x13C80] =	vst v63  }
0xe8: {  	s11 =	sshrl.u32 s11, $0x3;
	_ =	swait.ge [sflag:s25], $0x2780  }
0xe9: {  	s11 =	sadd.s32 s5, s11;
	[sflag:s25] =	ssyncset.done $0x0  }
0xea: {  	s13 =	sadd.s32 $0x2780, s11;
	[sflag:s25] =	ssyncadd.s32 $0xFFFFD880  }
0xeb: {  	[hbm4b:s13+s17] =	stream.strided.scatter [tilespmem:s17], [sflag:$0x9], $0x2780, s16, s17, $0x38;
	[tilespmem:$0x13C80] =	vst v63  }
0xec: {  	_ =	swait.ge [sflag:s26], $0x2780  }
0xed: {  	[sflag:s26] =	ssyncset.done $0x0  }
0xee: {  	s13 =	sadd.s32 $0x2790, s11;
	[sflag:s26] =	ssyncadd.s32 $0xFFFFD880  }
0xef: {  	[hbm4b:s13+s17] =	stream.strided.scatter [tilespmem:s18], [sflag:$0xA], $0x2780, s16, s17, $0x38;
	[tilespmem:$0x13C80] =	vst v63  }
0xf0: {  	_ =	swait.ge [sflag:s28], $0x2780  }
0xf1: {  	[sflag:s28] =	ssyncset.done $0x0  }
0xf2: {  	s13 =	sadd.s32 $0x27A0, s11;
	[sflag:s28] =	ssyncadd.s32 $0xFFFFD880  }
0xf3: {  	[hbm4b:s13+s17] =	stream.strided.scatter [tilespmem:s19], [sflag:$0xB], $0x2780, s16, s17, $0x38;
	[tilespmem:$0x13C80] =	vst v63  }
0xf4: {  	_ =	swait.ge [sflag:s29], $0x2780  }
0xf5: {  	[sflag:s29] =	ssyncset.done $0x0  }
0xf6: {  	s13 =	sadd.s32 $0x27B0, s11;
	[sflag:s29] =	ssyncadd.s32 $0xFFFFD880  }
0xf7: {  	[hbm4b:s13+s17] =	stream.strided.scatter [tilespmem:s20], [sflag:$0xC], $0x2780, s16, s17, $0x38;
	[tilespmem:$0x13C80] =	vst v63  }
0xf8: {  	_ =	swait.ge [sflag:s30], $0x2780  }
0xf9: {  	[sflag:s30] =	ssyncset.done $0x0  }
0xfa: {  	s13 =	sadd.s32 $0x27C0, s11;
	[sflag:s30] =	ssyncadd.s32 $0xFFFFD880  }
0xfb: {  	[hbm4b:s13+s17] =	stream.strided.scatter [tilespmem:s21], [sflag:$0xD], $0x2780, s16, s17, $0x38;
	[tilespmem:$0x13C80] =	vst v63  }
0xfc: {  	_ =	swait.ge [sflag:s31], $0x2780  }
0xfd: {  	[sflag:s31] =	ssyncset.done $0x0  }
0xfe: {  	s13 =	sadd.s32 $0x27D0, s11;
	[sflag:s31] =	ssyncadd.s32 $0xFFFFD880  }
0xff: {  	[hbm4b:s13+s17] =	stream.strided.scatter [tilespmem:s22], [sflag:$0xE], $0x2780, s16, s17, $0x38;
	[tilespmem:$0x13C80] =	vst v63  }
0x100: {  	_ =	swait.ge [sflag:s0], $0x2780  }
0x101: {  	[sflag:s0] =	ssyncset.done $0x0  }
0x102: {  	s13 =	sadd.s32 $0x27E0, s11;
	[sflag:s0] =	ssyncadd.s32 $0xFFFFD880  }
0x103: {  	[hbm4b:s13+s17] =	stream.strided.scatter [tilespmem:s23], [sflag:$0xF], $0x2780, s16, s17, $0x38;
	[tilespmem:$0x13C80] =	vst v63  }
0x104: {  	_ =	swait.ge [sflag:s2], $0x2780  }
0x105: {  	[sflag:s2] =	ssyncset.done $0x0  }
.Ltmp2:
0x106: {  	s11 =	sadd.s32 $0x27F0, s11;
	[sflag:s2] =	ssyncadd.s32 $0xFFFFD880;
	(pc) =	sbr.rel @!p0 .LBB2_4-.Ltmp2, $4  }
0x107: {  	[hbm4b:s11+s17] =	stream.strided.scatter [tilespmem:s24], [sflag:$0x10], $0x2780, s16, s17, $0x38;
	[tilespmem:$0x13C80] =	vst v63  }
0x108: {  	v0 =	vld [tilespmem:s10+$0x10];
	_ =	swait.ge [sflag:s3], $0x2780  }
0x109: {  	[sflag:s3] =	ssyncset.done $0x0  }
0x10a: {  	[sflag:s3] =	ssyncadd.s32 $0xFFFFD880  }
0x10b: {  	_ =	sdelay $0x1  }
0x10c: {  	(v2sf) =	vpush v0, $0x0;
	_ =	sdelay $0xe  }
0x10d: {  	s10 =	spop (v2sf)  }
0x10e: {  	s11 =	sshrl.u32 s10, $0x3  }
0x10f: {  	s10 =	sshll.u32 s10, $0x7;
	s11 =	smul.u32 $0x13C00, s11  }
0x110: {  	s10 =	sand.u32 $0x380, s10  }
0x111: {  	s10 =	sor.u32 s10, s11  }
0x112: {  	s10 =	sshrl.u32 s10, $0x3  }
0x113: {  	s10 =	sadd.s32 s1, s10  }
0x114: {  	[tilespmem:s17], [sflag:$0x1] =	stream.strided.gather [hbm4b:s10+s17], $0x2780, s16, s17, $0x38;
	[tilespmem:$0x13C80] =	vst v63  }
0x115: {  	_ =	swait.ge [sflag:s6], $0x2780  }
0x116: {  	(v2sf) =	vpush v0, $0x1;
	_ =	sdelay $0xe  }
0x117: {  	s12 =	spop (v2sf)  }
0x118: {  	s13 =	sshrl.u32 s12, $0x3  }
0x119: {  	s10 =	sshll.u32 s12, $0x7;
	s11 =	smul.u32 $0x13C00, s13  }
0x11a: {  	s10 =	sand.u32 $0x380, s10  }
0x11b: {  	s10 =	sor.u32 s10, s11  }
0x11c: {  	[sflag:s6] =	ssyncset.done $0x0;
	s10 =	sshrl.u32 s10, $0x3  }
0x11d: {  	[sflag:s6] =	ssyncadd.s32 $0xFFFFD880;
	s10 =	sadd.s32 s1, s10  }
0x11e: {  	[tilespmem:s18], [sflag:$0x2] =	stream.strided.gather [hbm4b:s10+s17], $0x2780, s16, s17, $0x38;
	[tilespmem:$0x13C80] =	vst v63  }
0x11f: {  	_ =	swait.ge [sflag:s14], $0x2780  }
0x120: {  	(v2sf) =	vpush v0, $0x2;
	_ =	sdelay $0xe  }
0x121: {  	s12 =	spop (v2sf)  }
0x122: {  	s13 =	sshrl.u32 s12, $0x3  }
0x123: {  	s10 =	sshll.u32 s12, $0x7;
	s11 =	smul.u32 $0x13C00, s13  }
0x124: {  	s10 =	sand.u32 $0x380, s10  }
0x125: {  	s10 =	sor.u32 s10, s11  }
0x126: {  	[sflag:s14] =	ssyncset.done $0x0;
	s10 =	sshrl.u32 s10, $0x3  }
0x127: {  	[sflag:s14] =	ssyncadd.s32 $0xFFFFD880;
	s10 =	sadd.s32 s1, s10  }
0x128: {  	[tilespmem:s19], [sflag:$0x3] =	stream.strided.gather [hbm4b:s10+s17], $0x2780, s16, s17, $0x38;
	[tilespmem:$0x13C80] =	vst v63  }
0x129: {  	_ =	swait.ge [sflag:s15], $0x2780  }
0x12a: {  	(v2sf) =	vpush v0, $0x3;
	_ =	sdelay $0xe  }
0x12b: {  	s12 =	spop (v2sf)  }
0x12c: {  	s13 =	sshrl.u32 s12, $0x3  }
0x12d: {  	s10 =	sshll.u32 s12, $0x7;
	s11 =	smul.u32 $0x13C00, s13  }
0x12e: {  	s10 =	sand.u32 $0x380, s10  }
0x12f: {  	s10 =	sor.u32 s10, s11  }
0x130: {  	[sflag:s15] =	ssyncset.done $0x0;
	s10 =	sshrl.u32 s10, $0x3  }
0x131: {  	[sflag:s15] =	ssyncadd.s32 $0xFFFFD880;
	s10 =	sadd.s32 s1, s10  }
0x132: {  	[tilespmem:s20], [sflag:$0x4] =	stream.strided.gather [hbm4b:s10+s17], $0x2780, s16, s17, $0x38;
	[tilespmem:$0x13C80] =	vst v63  }
0x133: {  	_ =	swait.ge [sflag:s4], $0x2780  }
0x134: {  	(v2sf) =	vpush v0, $0x4;
	_ =	sdelay $0xe  }
0x135: {  	s12 =	spop (v2sf)  }
0x136: {  	s13 =	sshrl.u32 s12, $0x3  }
0x137: {  	s10 =	sshll.u32 s12, $0x7;
	s11 =	smul.u32 $0x13C00, s13  }
0x138: {  	s10 =	sand.u32 $0x380, s10  }
0x139: {  	s10 =	sor.u32 s10, s11  }
0x13a: {  	[sflag:s4] =	ssyncset.done $0x0;
	s10 =	sshrl.u32 s10, $0x3  }
0x13b: {  	[sflag:s4] =	ssyncadd.s32 $0xFFFFD880;
	s10 =	sadd.s32 s1, s10  }
0x13c: {  	[tilespmem:s21], [sflag:$0x5] =	stream.strided.gather [hbm4b:s10+s17], $0x2780, s16, s17, $0x38;
	[tilespmem:$0x13C80] =	vst v63  }
0x13d: {  	_ =	swait.ge [sflag:s7], $0x2780  }
0x13e: {  	(v2sf) =	vpush v0, $0x5;
	_ =	sdelay $0xe  }
0x13f: {  	s12 =	spop (v2sf)  }
0x140: {  	s13 =	sshrl.u32 s12, $0x3  }
0x141: {  	s10 =	sshll.u32 s12, $0x7;
	s11 =	smul.u32 $0x13C00, s13  }
0x142: {  	s10 =	sand.u32 $0x380, s10  }
0x143: {  	s10 =	sor.u32 s10, s11  }
0x144: {  	[sflag:s7] =	ssyncset.done $0x0;
	s10 =	sshrl.u32 s10, $0x3  }
0x145: {  	[sflag:s7] =	ssyncadd.s32 $0xFFFFD880;
	s10 =	sadd.s32 s1, s10  }
0x146: {  	[tilespmem:s22], [sflag:$0x6] =	stream.strided.gather [hbm4b:s10+s17], $0x2780, s16, s17, $0x38;
	[tilespmem:$0x13C80] =	vst v63  }
0x147: {  	_ =	swait.ge [sflag:s8], $0x2780  }
0x148: {  	(v2sf) =	vpush v0, $0x6;
	_ =	sdelay $0xe  }
0x149: {  	s12 =	spop (v2sf)  }
0x14a: {  	s13 =	sshrl.u32 s12, $0x3  }
0x14b: {  	s10 =	sshll.u32 s12, $0x7;
	s11 =	smul.u32 $0x13C00, s13  }
0x14c: {  	s10 =	sand.u32 $0x380, s10  }
0x14d: {  	s10 =	sor.u32 s10, s11  }
0x14e: {  	[sflag:s8] =	ssyncset.done $0x0;
	s10 =	sshrl.u32 s10, $0x3  }
0x14f: {  	[sflag:s8] =	ssyncadd.s32 $0xFFFFD880;
	s10 =	sadd.s32 s1, s10  }
0x150: {  	[tilespmem:s23], [sflag:$0x7] =	stream.strided.gather [hbm4b:s10+s17], $0x2780, s16, s17, $0x38;
	[tilespmem:$0x13C80] =	vst v63  }
.Ltmp3:
0x151: {  	_ = 	snop;
	(pc) =	sbr.rel .LBB2_2-.Ltmp3, $4  }
0x152: {  	s10 =	simm.s32 $0x10  }
0x153: {  	_ =	swait.ge [sflag:s10], $0x2780  }
0x154: {  	[sflag:s10] =	ssyncset.done $0x0  }
0x155: {  	p0 =	por $0x0, $0x0;
	[sflag:s10] =	ssyncadd.s32 $0xFFFFD880  }
.LBB2_5:
0x156: {  	_ =	sfence.sel $0x180000  }
0x157: {  	[bflag:$0x0] =	sbarrier.arrive $0xFFFF  }
0x158: {  	_ =	strace $0x90000047  }
0x159: {  	s0 =	stileid.u32;
	[bflag:$0x2] =	sbarrier.arrive $0xFFFF  }
0x15a: {  	p0 =	sne.s32 s0, $0x0;
	s0 =	rddreg [dreg:$0x3]  }
0x15b: {  	s0 =	sadd.s32 @!p0 $0x100000, s0  }
0x15c: {  	[sflag:s0] =	ssyncadd.tile.s32 @!p0 $0x1;
	_ =	shalt  }
.Lfunc_end2:
_tile_overlayer_lowered:
.L_overlay_start_2:
0x15d: {  	(tag) =	ssettag $0x2  }
0x15e: {  	s0 =	rddreg [dreg:$0x0];
	s2 =	stileid.u32  }
0x15f: {  	s1 =	rddreg [dreg:$0x1];
	p0 =	sne.s32 s2, $0x0  }
0x160: {  	s3 =	rddreg [dreg:$0x2];
	[bflag:$0x3] =	sbarrier.arrive $0xFFFF;
	s2 =	simm.s32 @!p0 $0x1C11  }
0x161: {  	[timem:s3], [sflag:s2] =	dma.local @!p0 [hbm:s0], s1  }
0x162: {  	s0 =	simm.s32 @!p0 $0x11  }
0x163: {  	_ =	swait.ge @!p0 [sflag:s0], s1  }
0x164: {  	s1 =	ssub.s32 @!p0 $0x0, s1;
	[sflag:s0] =	ssyncset.done @!p0 $0x0  }
0x165: {  	[sflag:s0] =	ssyncadd.s32 @!p0 s1  }
0x166: {  	[bflag:$0x3] =	sbarrier.arrive $0xFFFF  }
0x167: {  	_ =	shalt  }

// kernel: kernel.13.cloned.1.call-start
scs
__scs_entry_jumppad:
0x0: {  	(pc) =	sbr.rel $0x88, $3  }
0x1: {  	(tag) =	ssettag $0x0;
	lr =	simm.s32 $0x1  }
0x2: {  	[smem:$0x3F9F] =	sst lr;
	_ =	strace $0xD0000000  }
0x3: {  	_ = 	snop  }
0x4: {  	_ = 	snop  }
0x5: {  	_ = 	snop  }
0x6: {  	_ = 	snop  }
0x7: {  	_ = 	snop  }
__scs_overlays_trampoline_lowered:
0x8: {  	[smem:$0x3FAE] =	sst s0  }
0x9: {  	[smem:$0x3FAF] =	sst s1  }
0xa: {  	[smem:$0x3FB0] =	sst s2  }
0xb: {  	[smem:$0x3FB1] =	sst s3  }
0xc: {  	[smem:$0x3FB2] =	sst s4  }
0xd: {  	[smem:$0x3FB3] =	sst s5  }
0xe: {  	[smem:$0x3FB4] =	sst s6  }
0xf: {  	[smem:$0x3FB5] =	sst s7  }
0x10: {  	[smem:$0x3FB6] =	sst s8  }
0x11: {  	[smem:$0x3FB7] =	sst s9;
	s0 =	simm.s32 @!p0 $0x0  }
0x12: {  	s1 =	sld [smem:$0x3F9D];
	s0 =	simm.s32 @p0 $0x1  }
0x13: {  	[smem:$0x3FB8] =	sst s0;
	s0 =	simm.s32 @!p1 $0x0  }
0x14: {  	s2 =	sld [smem:$0x3F9C];
	s0 =	simm.s32 @p1 $0x1  }
0x15: {  	[smem:$0x3FB9] =	sst s0;
	s0 =	simm.s32 @!p2 $0x0  }
0x16: {  	s3 =	sld [smem:$0x3FDB];
	s0 =	simm.s32 @p2 $0x1  }
0x17: {  	s4 =	simm.s32 $0x1BF5;
	[smem:$0x3FBB] =	sst s0  }
0x18: {  	s0 =	sld [smem:$0x3F9E];
	_ =	swait.ge [sflag:s4], $0x0  }
0x19: {  	s7 =	sld [smem:$0x3F9F]  }
0x1a: {  	s8 =	sadd.s32 $0xFFFFE003, lr  }
0x1b: {  	s9 =	sadd.s32 $0xFFFFFEF7, lr;
	s5 =	simm.s32 $0xFFFFFFFF;
	p2 =	slt.u32 s8, $0xFFFFF086  }
0x1c: {  	p1 =	slt.u32 s9, $0xF7A;
	s5 =	simm.s32 @!p2 $0x0  }
0x1d: {  	s5 =	simm.s32 @p1 $0x1;
	p0 =	seq.s32 s7, s2  }
0x1e: {  	s7 =	smul.u32 @!p0 $0xF7A, s2;
	p2 =	seq.s32 @!p0 s5, $0x0  }
0x1f: {  	s9 =	smul.u32 $0xF7A, s1;
	s8 =	simm.s32 @!p0 $0x1BF5;
	p2 =	por !p2, p0  }
0x20: {  	[sflag:s8] =	ssyncset.s32 @!p0 $0xFFFFF086;
	s6 =	sadd.s32 @!p0 s3, s7;
	s7 =	simm.s32 @!p0 $0x108  }
0x21: {  	s3 =	sadd.s32 s3, s9;
	s6 =	sadd.s32 @!p0 $0x88, s6;
	s7 =	simm.s32 @p2 $0x1082  }
0x22: {  	[simem:s7], [sflag:s8] =	dma.local @!p0 [hbm:s6], $0xF7A  }
0x23: {  	s9 =	sor.u32 $0xD0000000, s2;
	s6 =	simm.s32 $0x108;
	_ =	swait.ge @!p0 [sflag:s8], $0x0  }
0x24: {  	s3 =	sadd.s32 $0x88, s3;
	s6 =	simm.s32 @!p1 $0x1082;
	[sflag:s4] =	ssyncset.s32 $0xFFFFF086  }
0x25: {  	[simem:s6], [sflag:s4] =	dma.local [hbm:s3], $0xF7A  }
0x26: {  	[smem:$0x3F9F] =	sst s1;
	(tag) =	ssettag s2;
	_ =	strace s9  }
0x27: {  	s1 =	sld [smem:$0x3FAF]  }
0x28: {  	s2 =	sld [smem:$0x3FB0]  }
0x29: {  	s4 =	sld [smem:$0x3FB2]  }
0x2a: {  	p0 =	seq.s32 s5, $0x0;
	s5 =	sld [smem:$0x3FB3]  }
0x2b: {  	s6 =	sld [smem:$0x3FB4]  }
0x2c: {  	s7 =	sld [smem:$0x3FB5]  }
0x2d: {  	s3 =	simm.s32 $0x108;
	s8 =	sld [smem:$0x3FB6]  }
0x2e: {  	s3 =	simm.s32 @!p0 $0x1082;
	s9 =	sld [smem:$0x3FB7]  }
0x2f: {  	lr =	sadd.s32 s0, s3;
	s0 =	sld [smem:$0x3FAE]  }
0x30: {  	s3 =	sld [smem:$0x3FB1]  }
0x31: {  	[smem:$0x3FBA] =	sst s10  }
0x32: {  	s10 =	sld [smem:$0x3FB8];
	_ =	sdelay $0x3  }
0x33: {  	p0 =	seq.s32 s10, $0x1;
	s10 =	sld [smem:$0x3FBA];
	_ =	sdelay $0x3  }
0x34: {  	[smem:$0x3FBA] =	sst s10  }
0x35: {  	s10 =	sld [smem:$0x3FB9];
	_ =	sdelay $0x3  }
0x36: {  	p1 =	seq.s32 s10, $0x1;
	s10 =	sld [smem:$0x3FBA];
	_ =	sdelay $0x3  }
0x37: {  	[smem:$0x3FBA] =	sst s10  }
0x38: {  	s10 =	sld [smem:$0x3FBB]  }
0x39: {  	_ = 	snop;
	(pc) =	sbr.ind lr, $3  }
0x3a: {  	_ = 	snop  }
0x3b: {  	_ = 	snop  }
0x3c: {  	p2 =	seq.s32 s10, $0x1;
	s10 =	sld [smem:$0x3FBA]  }
0x3d: {  	_ =	shalt  }
0x3e: {  	_ =	shalt  }
0x3f: {  	_ =	shalt  }
0x40: {  	_ =	shalt  }
0x41: {  	_ =	shalt  }
0x42: {  	_ =	shalt  }
0x43: {  	_ =	shalt  }
0x44: {  	_ =	shalt  }
0x45: {  	_ =	shalt  }
0x46: {  	_ =	shalt  }
0x47: {  	_ =	shalt  }
0x48: {  	_ =	shalt  }
0x49: {  	_ =	shalt  }
0x4a: {  	_ =	shalt  }
0x4b: {  	_ =	shalt  }
0x4c: {  	_ =	shalt  }
0x4d: {  	_ =	shalt  }
0x4e: {  	_ =	shalt  }
0x4f: {  	_ =	shalt  }
0x50: {  	_ =	shalt  }
0x51: {  	_ =	shalt  }
0x52: {  	_ =	shalt  }
0x53: {  	_ =	shalt  }
0x54: {  	_ =	shalt  }
0x55: {  	_ =	shalt  }
0x56: {  	_ =	shalt  }
0x57: {  	_ =	shalt  }
0x58: {  	_ =	shalt  }
0x59: {  	_ =	shalt  }
0x5a: {  	_ =	shalt  }
0x5b: {  	_ =	shalt  }
0x5c: {  	_ =	shalt  }
0x5d: {  	_ =	shalt  }
0x5e: {  	_ =	shalt  }
0x5f: {  	_ =	shalt  }
0x60: {  	_ =	shalt  }
0x61: {  	_ =	shalt  }
0x62: {  	_ =	shalt  }
0x63: {  	_ =	shalt  }
0x64: {  	_ =	shalt  }
0x65: {  	_ =	shalt  }
0x66: {  	_ =	shalt  }
0x67: {  	_ =	shalt  }
0x68: {  	_ =	shalt  }
0x69: {  	_ =	shalt  }
0x6a: {  	_ =	shalt  }
0x6b: {  	_ =	shalt  }
0x6c: {  	_ =	shalt  }
0x6d: {  	_ =	shalt  }
0x6e: {  	_ =	shalt  }
0x6f: {  	_ =	shalt  }
0x70: {  	_ =	shalt  }
0x71: {  	_ =	shalt  }
0x72: {  	_ =	shalt  }
0x73: {  	_ =	shalt  }
0x74: {  	_ =	shalt  }
0x75: {  	_ =	shalt  }
0x76: {  	_ =	shalt  }
0x77: {  	_ =	shalt  }
0x78: {  	_ =	shalt  }
0x79: {  	_ =	shalt  }
0x7a: {  	_ =	shalt  }
0x7b: {  	_ =	shalt  }
0x7c: {  	_ =	shalt  }
0x7d: {  	_ =	shalt  }
0x7e: {  	_ =	shalt  }
0x7f: {  	_ =	shalt  }
0x80: {  	_ =	shalt  }
0x81: {  	_ =	shalt  }
0x82: {  	_ =	shalt  }
0x83: {  	_ =	shalt  }
0x84: {  	_ =	shalt  }
0x85: {  	_ =	shalt  }
0x86: {  	_ =	shalt  }
0x87: {  	_ =	shalt  }
.Lfunc_end0:
.L_simem_size_0:
called_computation.1_lowered:
.L_overlay_start_0:
0x88: {  	s2 =	sld [smem:$0x3FD9]  }
0x89: {  	s3 =	sld [smem:$0x3FFE];
	_ =	sdelay $0x1  }
0x8a: {  	s1 =	srdreg.scid  }
0x8b: {  	s0 =	sand.u32 $0x1, s1  }
0x8c: {  	s17 =	sshll.u32 s0, $0xA;
	s2 =	sadd.s32 s3, s2  }
0x8d: {  	s2 =	sadd.s32 s2, s17  }
0x8e: {  	[smem:$0x3FC6] =	sst s2  }
0x8f: {  	_ = 	snop  }
0x90: {  	s18 =	sld [smem:$0x3FC8];
	(tm) =	ssettm $0x1  }
0x91: {  	s19 =	sld [smem:$0x3FFB];
	_ =	sdelay $0x3  }
0x92: {  	_ =	strace s19  }
0x93: {  	s2 =	sld [smem:$0x3FFC];
	_ =	sdelay $0x3  }
0x94: {  	_ =	strace s2  }
0x95: {  	s2 =	sld [smem:$0x3FFD];
	_ =	sdelay $0x3  }
0x96: {  	_ =	strace s2  }
0x97: {  	_ =	strace $0x8FFFFFFF  }
0x98: {  	s20 =	sld [smem:$0x3FDB];
	_ =	sdelay $0x1  }
0x99: {  	s4 =	simm.s32 $_scs_section_size  }
0x9a: {  	s5 =	simm.s32 $_size__tile_overlayer_lowered;
	s6 =	simm.s32 $_tile_overlayer_lowered  }
0x9b: {  	s7 =	simm.s32 $0x1BFF;
	s21 =	sshll.u32 s6, $0x1;
	s4 =	sadd.s32 s4, s20  }
0x9c: {  	s22 =	simm.s32 $0x0;
	s5 =	sshll.u32 s5, $0x1;
	s6 =	sadd.s32 s21, s4  }
0x9d: {  	[timem:s22], [sflag:s7] =	dma.local [hbm:s6], s5  }
0x9e: {  	_ =	swait.ge [sflag:s7], s5  }
0x9f: {  	s5 =	ssub.s32 $0x0, s5;
	[sflag:s7] =	ssyncset.done $0x0  }
0xa0: {  	[sflag:s7] =	ssyncadd.s32 s5;
	_ =	sdelay $0x1  }
0xa1: {  	s23 =	simm.s32 $0x1B8B  }
0xa2: {  	_ =	swait.ge [sflag:s23], $0x1  }
0xa3: {  	[sflag:s23] =	ssyncset.done $0x0  }
0xa4: {  	[sflag:s23] =	ssyncadd.s32 $0xFFFFFFFF  }
0xa5: {  	s5 =	sld [smem:$0x0]  }
0xa6: {  	s6 =	sand.u32 $0xFFFFFFFE, s1  }
0xa7: {  	p0 =	sne.s32 s1, s6  }
0xa8: {  	s6 =	sshll.u32 @p0 s6, $0xE  }
0xa9: {  	s6 =	sadd.s32 @p0 $0x11B8D, s6;
	s7 =	sshll.u32 @p0 s5, $0x11  }
0xaa: {  	s6 =	sor.u32 @p0 s7, s6  }
0xab: {  	[sflag:s6] =	ssyncadd.remote.s32 @p0 $0x1;
	_ =	sdelay $0x1  }
0xac: {  	s6 =	simm.s32 @p0 $0x1B8D  }
0xad: {  	_ =	swait.eq @p0 [sflag:s6], $0x1  }
0xae: {  	[sflag:s6] =	ssyncadd.s32 @p0 $0xFFFFFFFF  }
0xaf: {  	s7 =	sshll.u32 @!p0 s1, $0xE  }
0xb0: {  	s7 =	sor.u32 @!p0 $0x4000, s7;
	s6 =	simm.s32 @!p0 $0x1B8D  }
0xb1: {  	s5 =	sshll.u32 @!p0 s5, $0x11;
	s7 =	sadd.s32 @!p0 $0x11B8D, s7;
	_ =	swait.eq @!p0 [sflag:s6], $0x1  }
0xb2: {  	s5 =	sor.u32 @!p0 s5, s7;
	[sflag:s6] =	ssyncadd.s32 @!p0 $0xFFFFFFFF  }
0xb3: {  	s25 =	simm.s32 $0x1B8E;
	s24 =	sld [smem:$0x3FFE];
	[sflag:s5] =	ssyncadd.remote.s32 @!p0 $0x1  }
0xb4: {  	s26 =	simm.s32 $execute0_lowered;
	[smem:$0x3FD2] =	sst s25  }
0xb5: {  	s6 =	sshll.u32 s26, $0x1;
	_ =	strace $0x80000049;
	[dreg:$0x1] =	wrdreg $0xFFFFFFFF  }
0xb6: {  	s28 =	simm.s32 $_size_execute0_lowered;
	s4 =	sadd.s32 s4, s6;
	[dreg:$0x0] =	wrdreg $0x0  }
0xb7: {  	s6 =	sshll.u32 s28, $0x1;
	[dreg:$0x2] =	wrdreg s4  }
0xb8: {  	[dreg:$0x3] =	wrdreg s6  }
0xb9: {  	[dreg:$0x4] =	wrdreg $0xC0  }
0xba: {  	_ =	task [dreg:s22], $0x5FFFF  }
0xbb: {  	[dreg:$0x1] =	wrdreg $0xFFFFFFFF  }
0xbc: {  	[dreg:$0x0] =	wrdreg $0x60  }
0xbd: {  	[dreg:$0x2] =	wrdreg s24  }
0xbe: {  	[dreg:$0x3] =	wrdreg s18  }
0xbf: {  	[dreg:$0x4] =	wrdreg $0xA  }
0xc0: {  	_ =	task.clear_ibuf [dreg:s22], $0x5FFFF;
	_ =	strace $0x90000049  }
0xc1: {  	s29 =	simm.s32 $0xA;
	_ =	strace $0x8000004B  }
0xc2: {  	_ =	swait.ge [sflag:s29], $0x1  }
0xc3: {  	[sflag:s29] =	ssyncadd.s32 $0xFFFFFFFF  }
0xc4: {  	_ =	strace $0x9000004B  }
0xc5: {  	_ =	sfence  }
0xc6: {  	s30 =	sld [smem:$0x0];
	_ =	sdelay $0x2  }
0xc7: {  	s31 =	sshll.u32 s1, $0xD;
	s1 =	sshrl.u32 s1, $0x2  }
0xc8: {  	s4 =	sand.u32 $0x4000, s31;
	s1 =	sadd.s32 s1, s30  }
0xc9: {  	s0 =	sor.u32 s4, s0;
	s1 =	sshll.u32 s1, $0x11  }
0xca: {  	s0 =	sor.u32 s1, s0  }
0xcb: {  	s0 =	sadd.s32 $0x8F2B, s0  }
0xcc: {  	[sflag:s0] =	ssyncadd.remote.s32 $0x1  }
0xcd: {  	_ =	sfence.sel $0xFFFF  }
0xce: {  	[dreg:$0x0] =	wrdreg $0xFFFFFFFF;
	(pc) =	sbr.abs _section_cstart, $3  }
0xcf: {  	[dreg:$0x1] =	wrdreg $0xFFFFFFFF  }
0xd0: {  	_ =	task.clear_ibuf [dreg:s22], $0x2FFFF;
	_ =	strace $0x9FFFFFFF  }
0xd1: {  	(tm) =	ssettm $0x7FFFFFFF  }
tec
execute0_lowered:
.L_overlay_start_1:
0x0: {  	(tag) =	ssettag $0x1  }
0x1: {  	s0 =	srdreg.scid  }
0x2: {  	s1 =	rddreg [dreg:$0x0];
	s3 =	stileid.u32  }
0x3: {  	s2 =	rddreg [dreg:$0x1];
	s5 =	simm.s32 $0x0;
	s16 =	simm.s32 $0x400  }
0x4: {  	s17 =	simm.s32 $0x80;
	s18 =	simm.s32 $0x2800;
	s19 =	simm.s32 $0x4F80  }
0x5: {  	s28 =	simm.s32 $0x3;
	s29 =	simm.s32 $0x4;
	s30 =	simm.s32 $0x5  }
0x6: {  	s31 =	simm.s32 $0x6;
	s6 =	simm.s32 $0xA;
	s14 =	simm.s32 $0xB  }
0x7: {  	s15 =	simm.s32 $0xC;
	s7 =	simm.s32 $0xE;
	s8 =	simm.s32 $0xF  }
0x8: {  	s9 =	simm.s32 $0x10;
	s11 =	simm.s32 $0x0;
	s0 =	sand.u32 $0x1, s0  }
0x9: {  	s3 =	sshll.u32 s3, $0x6;
	[smem:$0x7FF] =	sst s5;
	s4 =	sshll.u32 s0, $0x5  }
0xa: {  	s5 =	sadd.s32 $0x13D800, s1;
	s20 =	sadd.s32 $0x13D810, s1;
	s3 =	sor.u32 s4, s3  }
0xb: {  	s22 =	sadd.s32 $0x13D820, s1;
	s23 =	sadd.s32 $0x13D830, s1;
	[dreg:$0x3] =	wrdreg s3  }
0xc: {  	s24 =	sadd.s32 $0x13D840, s1;
	_ =	strace $0x8000004A;
	[dreg:$0x5] =	wrdreg s20  }
0xd: {  	s25 =	sadd.s32 $0x13D850, s1;
	s0 =	ssub.s32 $0x2, s0;
	[dreg:$0x6] =	wrdreg s22  }
0xe: {  	s26 =	sadd.s32 $0x13D860, s1;
	s21 =	sshrl.u32 s0, $0x1;
	[dreg:$0x7] =	wrdreg s23  }
0xf: {  	s4 =	simm.s32 $0xD;
	s3 =	sshrl.u32 s3, $0x3;
	[dreg:$0x8] =	wrdreg s24  }
0x10: {  	s0 =	ssub.s32 s0, s21;
	s21 =	simm.s32 $0x9E80;
	[dreg:$0x9] =	wrdreg s25  }
0x11: {  	s3 =	sadd.s32 s3, s1;
	[dreg:$0xa] =	wrdreg s26;
	s1 =	sadd.s32 $0x13D870, s1  }
.Ltmp0:
0x12: {  	s0 =	smax.u32 s0, $0x1;
	s20 =	simm.s32 $0x7700;
	(pc) =	sbr.rel .LBB2_1-.Ltmp0, $4  }
0x13: {  	s22 =	simm.s32 $0xC600;
	s23 =	simm.s32 $0xED80;
	s24 =	simm.s32 $0x11500  }
0x14: {  	s25 =	simm.s32 $0x1;
	s26 =	simm.s32 $0x2;
	[dreg:$0xb] =	wrdreg s1  }
0x15: {  	s3 =	sadd.s32 $0x13D200, s3;
	[dreg:$0xc] =	wrdreg s0;
	s1 =	simm.s32 $0x7  }
0x16: {  	s0 =	simm.s32 $0x8;
	[dreg:$0x4] =	wrdreg s3;
	s3 =	simm.s32 $0x9  }
.LBB2_4:
0x17: {  	_ =	swait.ge [sflag:s6], $0x2780  }
0x18: {  	[sflag:s6] =	ssyncset.done $0x0  }
0x19: {  	[sflag:s6] =	ssyncadd.s32 $0xFFFFD880  }
0x1a: {  	_ =	swait.ge [sflag:s14], $0x2780  }
0x1b: {  	[sflag:s14] =	ssyncset.done $0x0  }
0x1c: {  	[sflag:s14] =	ssyncadd.s32 $0xFFFFD880  }
0x1d: {  	_ =	swait.ge [sflag:s15], $0x2780  }
0x1e: {  	[sflag:s15] =	ssyncset.done $0x0  }
0x1f: {  	[sflag:s15] =	ssyncadd.s32 $0xFFFFD880  }
0x20: {  	_ =	swait.ge [sflag:s4], $0x2780  }
0x21: {  	[sflag:s4] =	ssyncset.done $0x0  }
0x22: {  	[sflag:s4] =	ssyncadd.s32 $0xFFFFD880  }
0x23: {  	_ =	swait.ge [sflag:s7], $0x2780  }
0x24: {  	[sflag:s7] =	ssyncset.done $0x0  }
0x25: {  	[sflag:s7] =	ssyncadd.s32 $0xFFFFD880  }
0x26: {  	_ =	swait.ge [sflag:s8], $0x2780  }
0x27: {  	[sflag:s8] =	ssyncset.done $0x0  }
0x28: {  	[sflag:s8] =	ssyncadd.s32 $0xFFFFD880  }
0x29: {  	_ =	swait.ge [sflag:s9], $0x2780  }
0x2a: {  	s11 =	rddreg [dreg:$0xd]  }
0x2b: {  	s10 =	rddreg [dreg:$0xc];
	s11 =	sadd.s32 $0x1, s11  }
0x2c: {  	p0 =	sne.s32 s11, s10  }
.Ltmp1:
0x2d: {  	_ = 	snop;
	(pc) =	sbr.rel @!p0 .LBB2_5-.Ltmp1, $3  }
0x2e: {  	_ =	sdelay $0x1  }
0x2f: {  	[sflag:s9] =	ssyncset.done $0x0  }
0x30: {  	[sflag:s9] =	ssyncadd.s32 $0xFFFFD880  }
.LBB2_1:
0x31: {  	[dreg:$0xd] =	wrdreg s11  }
0x32: {  	s10 =	simm.s32 $0x0;
	s13 =	rddreg [dreg:$0x4];
	s11 =	simm.s32 $0x11  }
0x33: {  	[tilespmem:s10], [sflag:$0x11] =	stream.linear.gather [hbm4b:s13+s10], $0x20, $0x38;
	[tilespmem:$0x13C80] =	vst v63  }
0x34: {  	_ =	swait.ge [sflag:s11], $0x20  }
0x35: {  	[sflag:s11] =	ssyncset.done $0x0  }
0x36: {  	[sflag:s11] =	ssyncadd.s32 $0xFFFFFFE0  }
0x37: {  	v0 =	vld [tilespmem:$0x0];
	_ =	sdelay $0x4  }
0x38: {  	(v2sf) =	vpush v0, $0x0;
	_ =	sdelay $0x5  }
0x39: {  	(v2sf) =	vpush v0, $0x1;
	_ =	sdelay $0x8  }
0x3a: {  	s12 =	spop (v2sf);
	(v2sf) =	vpush v0, $0x2;
	_ =	sdelay $0x5  }
0x3b: {  	s13 =	sshrl.u32 s12, $0x3;
	s10 =	sshll.u32 s12, $0x7;
	s12 =	spop (v2sf);
	(v2sf) =	vpush v0, $0x3  }
0x3c: {  	s11 =	smul.u32 $0x13C00, s13  }
0x3d: {  	s10 =	sand.u32 $0x380, s10  }
0x3e: {  	s10 =	sor.u32 s10, s11  }
0x3f: {  	s10 =	sshrl.u32 s10, $0x3  }
0x40: {  	s13 =	sshrl.u32 s12, $0x3;
	s10 =	sadd.s32 s2, s10  }
0x41: {  	[tilespmem:s17], [sflag:$0x1] =	stream.strided.gather [hbm4b:s10+s17], $0x2780, s16, s17, $0x38;
	[tilespmem:$0x13C80] =	vst v63  }
0x42: {  	s11 =	sshll.u32 s12, $0x7;
	s10 =	smul.u32 $0x13C00, s13  }
0x43: {  	s11 =	sand.u32 $0x380, s11  }
0x44: {  	s10 =	sor.u32 s11, s10;
	s12 =	spop (v2sf);
	(v2sf) =	vpush v0, $0x4  }
0x45: {  	s10 =	sshrl.u32 s10, $0x3  }
0x46: {  	s10 =	sadd.s32 s2, s10  }
0x47: {  	[tilespmem:s18], [sflag:$0x2] =	stream.strided.gather [hbm4b:s10+s17], $0x2780, s16, s17, $0x38;
	[tilespmem:$0x13C80] =	vst v63  }
0x48: {  	s13 =	sshrl.u32 s12, $0x3  }
0x49: {  	s10 =	sshll.u32 s12, $0x7;
	s11 =	smul.u32 $0x13C00, s13  }
0x4a: {  	s12 =	spop (v2sf);
	(v2sf) =	vpush v0, $0x5;
	s10 =	sand.u32 $0x380, s10  }
0x4b: {  	s10 =	sor.u32 s10, s11  }
0x4c: {  	s10 =	sshrl.u32 s10, $0x3  }
0x4d: {  	s13 =	sshrl.u32 s12, $0x3;
	s10 =	sadd.s32 s2, s10  }
0x4e: {  	[tilespmem:s19], [sflag:$0x3] =	stream.strided.gather [hbm4b:s10+s17], $0x2780, s16, s17, $0x38;
	[tilespmem:$0x13C80] =	vst v63  }
0x4f: {  	s11 =	sshll.u32 s12, $0x7;
	s10 =	smul.u32 $0x13C00, s13  }
0x50: {  	s11 =	sand.u32 $0x380, s11  }
0x51: {  	s10 =	sor.u32 s11, s10  }
0x52: {  	s10 =	sshrl.u32 s10, $0x3  }
0x53: {  	s10 =	sadd.s32 s2, s10;
	s12 =	spop (v2sf);
	(v2sf) =	vpush v0, $0x6  }
0x54: {  	[tilespmem:s20], [sflag:$0x4] =	stream.strided.gather [hbm4b:s10+s17], $0x2780, s16, s17, $0x38;
	[tilespmem:$0x13C80] =	vst v63  }
0x55: {  	s13 =	sshrl.u32 s12, $0x3  }
0x56: {  	s10 =	sshll.u32 s12, $0x7;
	s11 =	smul.u32 $0x13C00, s13  }
0x57: {  	s10 =	sand.u32 $0x380, s10  }
0x58: {  	s10 =	sor.u32 s10, s11  }
0x59: {  	s12 =	spop (v2sf);
	s10 =	sshrl.u32 s10, $0x3  }
0x5a: {  	s13 =	sshrl.u32 s12, $0x3;
	s10 =	sadd.s32 s2, s10  }
0x5b: {  	[tilespmem:s21], [sflag:$0x5] =	stream.strided.gather [hbm4b:s10+s17], $0x2780, s16, s17, $0x38;
	[tilespmem:$0x13C80] =	vst v63  }
0x5c: {  	s11 =	sshll.u32 s12, $0x7;
	s10 =	smul.u32 $0x13C00, s13  }
0x5d: {  	s11 =	sand.u32 $0x380, s11  }
0x5e: {  	s10 =	sor.u32 s11, s10  }
0x5f: {  	s10 =	sshrl.u32 s10, $0x3  }
0x60: {  	s10 =	sadd.s32 s2, s10  }
0x61: {  	[tilespmem:s22], [sflag:$0x6] =	stream.strided.gather [hbm4b:s10+s17], $0x2780, s16, s17, $0x38;
	[tilespmem:$0x13C80] =	vst v63  }
0x62: {  	s12 =	spop (v2sf)  }
0x63: {  	s13 =	sshrl.u32 s12, $0x3  }
0x64: {  	s10 =	sshll.u32 s12, $0x7;
	s11 =	smul.u32 $0x13C00, s13  }
0x65: {  	s10 =	sand.u32 $0x380, s10  }
0x66: {  	s10 =	sor.u32 s10, s11  }
0x67: {  	s10 =	sshrl.u32 s10, $0x3  }
0x68: {  	s10 =	sadd.s32 s2, s10  }
0x69: {  	[tilespmem:s23], [sflag:$0x7] =	stream.strided.gather [hbm4b:s10+s17], $0x2780, s16, s17, $0x38;
	[tilespmem:$0x13C80] =	vst v63  }
0x6a: {  	p0 =	por $0x1, $0x1;
	s10 =	simm.s32 $0x0  }
.LBB2_2:
0x6b: {  	_ =	sdelay $0x1  }
0x6c: {  	(v2sf) =	vpush v0, $0x7;
	_ =	sdelay $0xe  }
0x6d: {  	s11 =	spop (v2sf)  }
0x6e: {  	s12 =	sshrl.u32 s11, $0x3  }
0x6f: {  	s11 =	sshll.u32 s11, $0x7;
	s12 =	smul.u32 $0x13C00, s12  }
0x70: {  	s11 =	sand.u32 $0x380, s11  }
0x71: {  	s11 =	sor.u32 s11, s12  }
0x72: {  	s11 =	sshrl.u32 s11, $0x3  }
0x73: {  	s12 =	rddreg [dreg:$0x3];
	s11 =	sadd.s32 s2, s11  }
0x74: {  	[tilespmem:s24], [sflag:$0x8] =	stream.strided.gather [hbm4b:s11+s17], $0x2780, s16, s17, $0x38;
	[tilespmem:$0x13C80] =	vst v63  }
0x75: {  	s11 =	sor.u32 s12, s10  }
0x76: {  	s11 =	sshrl.u32 s11, $0x3  }
0x77: {  	v0 =	vld [tilespmem:s10+$0x0];
	_ =	swait.ge [sflag:s25], $0x2780;
	s12 =	smul.u32 $0x2780, s11  }
0x78: {  	[sflag:s25] =	ssyncset.done $0x0  }
0x79: {  	[sflag:s25] =	ssyncadd.s32 $0xFFFFD880;
	s13 =	sadd.s32 s5, s12  }
0x7a: {  	[hbm4b:s13+s17] =	stream.strided.scatter [tilespmem:s17], [sflag:$0x9], $0x2780, s16, s17, $0x38;
	[tilespmem:$0x13C80] =	vst v63  }
0x7b: {  	_ =	swait.ge [sflag:s26], $0x2780  }
0x7c: {  	[sflag:s26] =	ssyncset.done $0x0;
	s13 =	rddreg [dreg:$0x5]  }
0x7d: {  	[sflag:s26] =	ssyncadd.s32 $0xFFFFD880;
	s13 =	sadd.s32 s12, s13  }
0x7e: {  	[hbm4b:s13+s17] =	stream.strided.scatter [tilespmem:s18], [sflag:$0xA], $0x2780, s16, s17, $0x38;
	[tilespmem:$0x13C80] =	vst v63  }
0x7f: {  	_ =	swait.ge [sflag:s28], $0x2780  }
0x80: {  	[sflag:s28] =	ssyncset.done $0x0;
	s13 =	rddreg [dreg:$0x6]  }
0x81: {  	[sflag:s28] =	ssyncadd.s32 $0xFFFFD880;
	s13 =	sadd.s32 s12, s13  }
0x82: {  	[hbm4b:s13+s17] =	stream.strided.scatter [tilespmem:s19], [sflag:$0xB], $0x2780, s16, s17, $0x38;
	[tilespmem:$0x13C80] =	vst v63  }
0x83: {  	_ =	swait.ge [sflag:s29], $0x2780  }
0x84: {  	[sflag:s29] =	ssyncset.done $0x0;
	s13 =	rddreg [dreg:$0x7]  }
0x85: {  	[sflag:s29] =	ssyncadd.s32 $0xFFFFD880;
	s13 =	sadd.s32 s12, s13  }
0x86: {  	[hbm4b:s13+s17] =	stream.strided.scatter [tilespmem:s20], [sflag:$0xC], $0x2780, s16, s17, $0x38;
	[tilespmem:$0x13C80] =	vst v63  }
0x87: {  	_ =	swait.ge [sflag:s30], $0x2780  }
0x88: {  	[sflag:s30] =	ssyncset.done $0x0;
	s13 =	rddreg [dreg:$0x8]  }
0x89: {  	[sflag:s30] =	ssyncadd.s32 $0xFFFFD880;
	s13 =	sadd.s32 s12, s13  }
0x8a: {  	[hbm4b:s13+s17] =	stream.strided.scatter [tilespmem:s21], [sflag:$0xD], $0x2780, s16, s17, $0x38;
	[tilespmem:$0x13C80] =	vst v63  }
0x8b: {  	_ =	swait.ge [sflag:s31], $0x2780  }
0x8c: {  	[sflag:s31] =	ssyncset.done $0x0;
	s13 =	rddreg [dreg:$0x9]  }
0x8d: {  	[sflag:s31] =	ssyncadd.s32 $0xFFFFD880;
	s13 =	sadd.s32 s12, s13  }
0x8e: {  	[hbm4b:s13+s17] =	stream.strided.scatter [tilespmem:s22], [sflag:$0xE], $0x2780, s16, s17, $0x38;
	[tilespmem:$0x13C80] =	vst v63  }
0x8f: {  	_ =	swait.ge [sflag:s1], $0x2780  }
0x90: {  	[sflag:s1] =	ssyncset.done $0x0;
	s13 =	rddreg [dreg:$0xa]  }
0x91: {  	[sflag:s1] =	ssyncadd.s32 $0xFFFFD880;
	s13 =	sadd.s32 s12, s13  }
0x92: {  	[hbm4b:s13+s17] =	stream.strided.scatter [tilespmem:s23], [sflag:$0xF], $0x2780, s16, s17, $0x38;
	[tilespmem:$0x13C80] =	vst v63  }
0x93: {  	_ =	swait.ge [sflag:s0], $0x2780  }
0x94: {  	[sflag:s0] =	ssyncset.done $0x0;
	s13 =	rddreg [dreg:$0xb]  }
0x95: {  	[sflag:s0] =	ssyncadd.s32 $0xFFFFD880;
	s12 =	sadd.s32 s12, s13  }
0x96: {  	[hbm4b:s12+s17] =	stream.strided.scatter [tilespmem:s24], [sflag:$0x10], $0x2780, s16, s17, $0x38;
	[tilespmem:$0x13C80] =	vst v63  }
0x97: {  	_ =	swait.ge [sflag:s3], $0x2780  }
0x98: {  	(v2sf) =	vpush v0, $0x8;
	_ =	sdelay $0xe  }
0x99: {  	s12 =	spop (v2sf)  }
0x9a: {  	s13 =	sshrl.u32 s12, $0x3  }
0x9b: {  	s12 =	sshll.u32 s12, $0x7;
	s13 =	smul.u32 $0x13C00, s13  }
0x9c: {  	s12 =	sand.u32 $0x380, s12  }
0x9d: {  	s12 =	sor.u32 s12, s13  }
0x9e: {  	[sflag:s3] =	ssyncset.done $0x0;
	s12 =	sshrl.u32 s12, $0x3  }
0x9f: {  	[sflag:s3] =	ssyncadd.s32 $0xFFFFD880;
	s12 =	sadd.s32 s2, s12  }
0xa0: {  	[tilespmem:s17], [sflag:$0x1] =	stream.strided.gather [hbm4b:s12+s17], $0x2780, s16, s17, $0x38;
	[tilespmem:$0x13C80] =	vst v63  }
0xa1: {  	_ =	swait.ge [sflag:s6], $0x2780  }
0xa2: {  	(v2sf) =	vpush v0, $0x9;
	_ =	sdelay $0xe  }
0xa3: {  	s12 =	spop (v2sf)  }
0xa4: {  	s13 =	sshrl.u32 s12, $0x3  }
0xa5: {  	s12 =	sshll.u32 s12, $0x7;
	s13 =	smul.u32 $0x13C00, s13  }
0xa6: {  	s12 =	sand.u32 $0x380, s12  }
0xa7: {  	s12 =	sor.u32 s12, s13  }
0xa8: {  	[sflag:s6] =	ssyncset.done $0x0;
	s12 =	sshrl.u32 s12, $0x3  }
0xa9: {  	[sflag:s6] =	ssyncadd.s32 $0xFFFFD880;
	s12 =	sadd.s32 s2, s12  }
0xaa: {  	[tilespmem:s18], [sflag:$0x2] =	stream.strided.gather [hbm4b:s12+s17], $0x2780, s16, s17, $0x38;
	[tilespmem:$0x13C80] =	vst v63  }
0xab: {  	_ =	swait.ge [sflag:s14], $0x2780  }
0xac: {  	(v2sf) =	vpush v0, $0xA;
	_ =	sdelay $0xe  }
0xad: {  	s12 =	spop (v2sf)  }
0xae: {  	s13 =	sshrl.u32 s12, $0x3  }
0xaf: {  	s12 =	sshll.u32 s12, $0x7;
	s13 =	smul.u32 $0x13C00, s13  }
0xb0: {  	s12 =	sand.u32 $0x380, s12  }
0xb1: {  	s12 =	sor.u32 s12, s13  }
0xb2: {  	[sflag:s14] =	ssyncset.done $0x0;
	s12 =	sshrl.u32 s12, $0x3  }
0xb3: {  	[sflag:s14] =	ssyncadd.s32 $0xFFFFD880;
	s12 =	sadd.s32 s2, s12  }
0xb4: {  	[tilespmem:s19], [sflag:$0x3] =	stream.strided.gather [hbm4b:s12+s17], $0x2780, s16, s17, $0x38;
	[tilespmem:$0x13C80] =	vst v63  }
0xb5: {  	_ =	swait.ge [sflag:s15], $0x2780  }
0xb6: {  	(v2sf) =	vpush v0, $0xB;
	_ =	sdelay $0xe  }
0xb7: {  	s12 =	spop (v2sf)  }
0xb8: {  	s13 =	sshrl.u32 s12, $0x3  }
0xb9: {  	s12 =	sshll.u32 s12, $0x7;
	s13 =	smul.u32 $0x13C00, s13  }
0xba: {  	s12 =	sand.u32 $0x380, s12  }
0xbb: {  	s12 =	sor.u32 s12, s13  }
0xbc: {  	[sflag:s15] =	ssyncset.done $0x0;
	s12 =	sshrl.u32 s12, $0x3  }
0xbd: {  	[sflag:s15] =	ssyncadd.s32 $0xFFFFD880;
	s12 =	sadd.s32 s2, s12  }
0xbe: {  	[tilespmem:s20], [sflag:$0x4] =	stream.strided.gather [hbm4b:s12+s17], $0x2780, s16, s17, $0x38;
	[tilespmem:$0x13C80] =	vst v63  }
0xbf: {  	_ =	swait.ge [sflag:s4], $0x2780  }
0xc0: {  	(v2sf) =	vpush v0, $0xC;
	_ =	sdelay $0xe  }
0xc1: {  	s12 =	spop (v2sf)  }
0xc2: {  	s13 =	sshrl.u32 s12, $0x3  }
0xc3: {  	s12 =	sshll.u32 s12, $0x7;
	s13 =	smul.u32 $0x13C00, s13  }
0xc4: {  	s12 =	sand.u32 $0x380, s12  }
0xc5: {  	s12 =	sor.u32 s12, s13  }
0xc6: {  	[sflag:s4] =	ssyncset.done $0x0;
	s12 =	sshrl.u32 s12, $0x3  }
0xc7: {  	[sflag:s4] =	ssyncadd.s32 $0xFFFFD880;
	s12 =	sadd.s32 s2, s12  }
0xc8: {  	[tilespmem:s21], [sflag:$0x5] =	stream.strided.gather [hbm4b:s12+s17], $0x2780, s16, s17, $0x38;
	[tilespmem:$0x13C80] =	vst v63  }
0xc9: {  	_ =	swait.ge [sflag:s7], $0x2780  }
0xca: {  	(v2sf) =	vpush v0, $0xD;
	_ =	sdelay $0xe  }
0xcb: {  	s12 =	spop (v2sf)  }
0xcc: {  	s13 =	sshrl.u32 s12, $0x3  }
0xcd: {  	s12 =	sshll.u32 s12, $0x7;
	s13 =	smul.u32 $0x13C00, s13  }
0xce: {  	s12 =	sand.u32 $0x380, s12  }
0xcf: {  	s12 =	sor.u32 s12, s13  }
0xd0: {  	[sflag:s7] =	ssyncset.done $0x0;
	s12 =	sshrl.u32 s12, $0x3  }
0xd1: {  	[sflag:s7] =	ssyncadd.s32 $0xFFFFD880;
	s12 =	sadd.s32 s2, s12  }
0xd2: {  	[tilespmem:s22], [sflag:$0x6] =	stream.strided.gather [hbm4b:s12+s17], $0x2780, s16, s17, $0x38;
	[tilespmem:$0x13C80] =	vst v63  }
0xd3: {  	_ =	swait.ge [sflag:s8], $0x2780  }
0xd4: {  	(v2sf) =	vpush v0, $0xE;
	_ =	sdelay $0xe  }
0xd5: {  	s12 =	spop (v2sf)  }
0xd6: {  	s13 =	sshrl.u32 s12, $0x3  }
0xd7: {  	s12 =	sshll.u32 s12, $0x7;
	s13 =	smul.u32 $0x13C00, s13  }
0xd8: {  	s12 =	sand.u32 $0x380, s12  }
0xd9: {  	s12 =	sor.u32 s12, s13  }
0xda: {  	[sflag:s8] =	ssyncset.done $0x0;
	s12 =	sshrl.u32 s12, $0x3  }
0xdb: {  	[sflag:s8] =	ssyncadd.s32 $0xFFFFD880;
	s12 =	sadd.s32 s2, s12  }
0xdc: {  	[tilespmem:s23], [sflag:$0x7] =	stream.strided.gather [hbm4b:s12+s17], $0x2780, s16, s17, $0x38;
	[tilespmem:$0x13C80] =	vst v63  }
0xdd: {  	_ =	swait.ge [sflag:s9], $0x2780  }
0xde: {  	(v2sf) =	vpush v0, $0xF;
	_ =	sdelay $0xe  }
0xdf: {  	s12 =	spop (v2sf)  }
0xe0: {  	s13 =	sshrl.u32 s12, $0x3  }
0xe1: {  	s12 =	sshll.u32 s12, $0x7;
	s13 =	smul.u32 $0x13C00, s13  }
0xe2: {  	s12 =	sand.u32 $0x380, s12  }
0xe3: {  	s12 =	sor.u32 s12, s13  }
0xe4: {  	[sflag:s9] =	ssyncset.done $0x0;
	s12 =	sshrl.u32 s12, $0x3  }
0xe5: {  	s11 =	smul.u32 $0x13C00, s11;
	[sflag:s9] =	ssyncadd.s32 $0xFFFFD880;
	s12 =	sadd.s32 s2, s12  }
0xe6: {  	[tilespmem:s24], [sflag:$0x8] =	stream.strided.gather [hbm4b:s12+s17], $0x2780, s16, s17, $0x38;
	[tilespmem:$0x13C80] =	vst v63  }
0xe7: {  	s11 =	sshrl.u32 s11, $0x3;
	_ =	swait.ge [sflag:s25], $0x2780  }
0xe8: {  	s11 =	sadd.s32 s5, s11;
	[sflag:s25] =	ssyncset.done $0x0  }
0xe9: {  	s13 =	sadd.s32 $0x2780, s11;
	[sflag:s25] =	ssyncadd.s32 $0xFFFFD880  }
0xea: {  	[hbm4b:s13+s17] =	stream.strided.scatter [tilespmem:s17], [sflag:$0x9], $0x2780, s16, s17, $0x38;
	[tilespmem:$0x13C80] =	vst v63  }
0xeb: {  	_ =	swait.ge [sflag:s26], $0x2780  }
0xec: {  	[sflag:s26] =	ssyncset.done $0x0  }
0xed: {  	s13 =	sadd.s32 $0x2790, s11;
	[sflag:s26] =	ssyncadd.s32 $0xFFFFD880  }
0xee: {  	[hbm4b:s13+s17] =	stream.strided.scatter [tilespmem:s18], [sflag:$0xA], $0x2780, s16, s17, $0x38;
	[tilespmem:$0x13C80] =	vst v63  }
0xef: {  	_ =	swait.ge [sflag:s28], $0x2780  }
0xf0: {  	[sflag:s28] =	ssyncset.done $0x0  }
0xf1: {  	s13 =	sadd.s32 $0x27A0, s11;
	[sflag:s28] =	ssyncadd.s32 $0xFFFFD880  }
0xf2: {  	[hbm4b:s13+s17] =	stream.strided.scatter [tilespmem:s19], [sflag:$0xB], $0x2780, s16, s17, $0x38;
	[tilespmem:$0x13C80] =	vst v63  }
0xf3: {  	_ =	swait.ge [sflag:s29], $0x2780  }
0xf4: {  	[sflag:s29] =	ssyncset.done $0x0  }
0xf5: {  	s13 =	sadd.s32 $0x27B0, s11;
	[sflag:s29] =	ssyncadd.s32 $0xFFFFD880  }
0xf6: {  	[hbm4b:s13+s17] =	stream.strided.scatter [tilespmem:s20], [sflag:$0xC], $0x2780, s16, s17, $0x38;
	[tilespmem:$0x13C80] =	vst v63  }
0xf7: {  	_ =	swait.ge [sflag:s30], $0x2780  }
0xf8: {  	[sflag:s30] =	ssyncset.done $0x0  }
0xf9: {  	s13 =	sadd.s32 $0x27C0, s11;
	[sflag:s30] =	ssyncadd.s32 $0xFFFFD880  }
0xfa: {  	[hbm4b:s13+s17] =	stream.strided.scatter [tilespmem:s21], [sflag:$0xD], $0x2780, s16, s17, $0x38;
	[tilespmem:$0x13C80] =	vst v63  }
0xfb: {  	_ =	swait.ge [sflag:s31], $0x2780  }
0xfc: {  	[sflag:s31] =	ssyncset.done $0x0  }
0xfd: {  	s13 =	sadd.s32 $0x27D0, s11;
	[sflag:s31] =	ssyncadd.s32 $0xFFFFD880  }
0xfe: {  	[hbm4b:s13+s17] =	stream.strided.scatter [tilespmem:s22], [sflag:$0xE], $0x2780, s16, s17, $0x38;
	[tilespmem:$0x13C80] =	vst v63  }
0xff: {  	_ =	swait.ge [sflag:s1], $0x2780  }
0x100: {  	[sflag:s1] =	ssyncset.done $0x0  }
0x101: {  	s13 =	sadd.s32 $0x27E0, s11;
	[sflag:s1] =	ssyncadd.s32 $0xFFFFD880  }
0x102: {  	[hbm4b:s13+s17] =	stream.strided.scatter [tilespmem:s23], [sflag:$0xF], $0x2780, s16, s17, $0x38;
	[tilespmem:$0x13C80] =	vst v63  }
0x103: {  	_ =	swait.ge [sflag:s0], $0x2780  }
0x104: {  	[sflag:s0] =	ssyncset.done $0x0  }
.Ltmp2:
0x105: {  	s11 =	sadd.s32 $0x27F0, s11;
	[sflag:s0] =	ssyncadd.s32 $0xFFFFD880;
	(pc) =	sbr.rel @!p0 .LBB2_4-.Ltmp2, $4  }
0x106: {  	[hbm4b:s11+s17] =	stream.strided.scatter [tilespmem:s24], [sflag:$0x10], $0x2780, s16, s17, $0x38;
	[tilespmem:$0x13C80] =	vst v63  }
0x107: {  	v0 =	vld [tilespmem:s10+$0x10];
	_ =	swait.ge [sflag:s3], $0x2780  }
0x108: {  	[sflag:s3] =	ssyncset.done $0x0  }
0x109: {  	[sflag:s3] =	ssyncadd.s32 $0xFFFFD880  }
0x10a: {  	_ =	sdelay $0x1  }
0x10b: {  	(v2sf) =	vpush v0, $0x0;
	_ =	sdelay $0xe  }
0x10c: {  	s10 =	spop (v2sf)  }
0x10d: {  	s11 =	sshrl.u32 s10, $0x3  }
0x10e: {  	s10 =	sshll.u32 s10, $0x7;
	s11 =	smul.u32 $0x13C00, s11  }
0x10f: {  	s10 =	sand.u32 $0x380, s10  }
0x110: {  	s10 =	sor.u32 s10, s11  }
0x111: {  	s10 =	sshrl.u32 s10, $0x3  }
0x112: {  	s10 =	sadd.s32 s2, s10  }
0x113: {  	[tilespmem:s17], [sflag:$0x1] =	stream.strided.gather [hbm4b:s10+s17], $0x2780, s16, s17, $0x38;
	[tilespmem:$0x13C80] =	vst v63  }
0x114: {  	_ =	swait.ge [sflag:s6], $0x2780  }
0x115: {  	(v2sf) =	vpush v0, $0x1;
	_ =	sdelay $0xe  }
0x116: {  	s12 =	spop (v2sf)  }
0x117: {  	s13 =	sshrl.u32 s12, $0x3  }
0x118: {  	s10 =	sshll.u32 s12, $0x7;
	s11 =	smul.u32 $0x13C00, s13  }
0x119: {  	s10 =	sand.u32 $0x380, s10  }
0x11a: {  	s10 =	sor.u32 s10, s11  }
0x11b: {  	[sflag:s6] =	ssyncset.done $0x0;
	s10 =	sshrl.u32 s10, $0x3  }
0x11c: {  	[sflag:s6] =	ssyncadd.s32 $0xFFFFD880;
	s10 =	sadd.s32 s2, s10  }
0x11d: {  	[tilespmem:s18], [sflag:$0x2] =	stream.strided.gather [hbm4b:s10+s17], $0x2780, s16, s17, $0x38;
	[tilespmem:$0x13C80] =	vst v63  }
0x11e: {  	_ =	swait.ge [sflag:s14], $0x2780  }
0x11f: {  	(v2sf) =	vpush v0, $0x2;
	_ =	sdelay $0xe  }
0x120: {  	s12 =	spop (v2sf)  }
0x121: {  	s13 =	sshrl.u32 s12, $0x3  }
0x122: {  	s10 =	sshll.u32 s12, $0x7;
	s11 =	smul.u32 $0x13C00, s13  }
0x123: {  	s10 =	sand.u32 $0x380, s10  }
0x124: {  	s10 =	sor.u32 s10, s11  }
0x125: {  	[sflag:s14] =	ssyncset.done $0x0;
	s10 =	sshrl.u32 s10, $0x3  }
0x126: {  	[sflag:s14] =	ssyncadd.s32 $0xFFFFD880;
	s10 =	sadd.s32 s2, s10  }
0x127: {  	[tilespmem:s19], [sflag:$0x3] =	stream.strided.gather [hbm4b:s10+s17], $0x2780, s16, s17, $0x38;
	[tilespmem:$0x13C80] =	vst v63  }
0x128: {  	_ =	swait.ge [sflag:s15], $0x2780  }
0x129: {  	(v2sf) =	vpush v0, $0x3;
	_ =	sdelay $0xe  }
0x12a: {  	s12 =	spop (v2sf)  }
0x12b: {  	s13 =	sshrl.u32 s12, $0x3  }
0x12c: {  	s10 =	sshll.u32 s12, $0x7;
	s11 =	smul.u32 $0x13C00, s13  }
0x12d: {  	s10 =	sand.u32 $0x380, s10  }
0x12e: {  	s10 =	sor.u32 s10, s11  }
0x12f: {  	[sflag:s15] =	ssyncset.done $0x0;
	s10 =	sshrl.u32 s10, $0x3  }
0x130: {  	[sflag:s15] =	ssyncadd.s32 $0xFFFFD880;
	s10 =	sadd.s32 s2, s10  }
0x131: {  	[tilespmem:s20], [sflag:$0x4] =	stream.strided.gather [hbm4b:s10+s17], $0x2780, s16, s17, $0x38;
	[tilespmem:$0x13C80] =	vst v63  }
0x132: {  	_ =	swait.ge [sflag:s4], $0x2780  }
0x133: {  	(v2sf) =	vpush v0, $0x4;
	_ =	sdelay $0xe  }
0x134: {  	s12 =	spop (v2sf)  }
0x135: {  	s13 =	sshrl.u32 s12, $0x3  }
0x136: {  	s10 =	sshll.u32 s12, $0x7;
	s11 =	smul.u32 $0x13C00, s13  }
0x137: {  	s10 =	sand.u32 $0x380, s10  }
0x138: {  	s10 =	sor.u32 s10, s11  }
0x139: {  	[sflag:s4] =	ssyncset.done $0x0;
	s10 =	sshrl.u32 s10, $0x3  }
0x13a: {  	[sflag:s4] =	ssyncadd.s32 $0xFFFFD880;
	s10 =	sadd.s32 s2, s10  }
0x13b: {  	[tilespmem:s21], [sflag:$0x5] =	stream.strided.gather [hbm4b:s10+s17], $0x2780, s16, s17, $0x38;
	[tilespmem:$0x13C80] =	vst v63  }
0x13c: {  	_ =	swait.ge [sflag:s7], $0x2780  }
0x13d: {  	(v2sf) =	vpush v0, $0x5;
	_ =	sdelay $0xe  }
0x13e: {  	s12 =	spop (v2sf)  }
0x13f: {  	s13 =	sshrl.u32 s12, $0x3  }
0x140: {  	s10 =	sshll.u32 s12, $0x7;
	s11 =	smul.u32 $0x13C00, s13  }
0x141: {  	s10 =	sand.u32 $0x380, s10  }
0x142: {  	s10 =	sor.u32 s10, s11  }
0x143: {  	[sflag:s7] =	ssyncset.done $0x0;
	s10 =	sshrl.u32 s10, $0x3  }
0x144: {  	[sflag:s7] =	ssyncadd.s32 $0xFFFFD880;
	s10 =	sadd.s32 s2, s10  }
0x145: {  	[tilespmem:s22], [sflag:$0x6] =	stream.strided.gather [hbm4b:s10+s17], $0x2780, s16, s17, $0x38;
	[tilespmem:$0x13C80] =	vst v63  }
0x146: {  	_ =	swait.ge [sflag:s8], $0x2780  }
0x147: {  	(v2sf) =	vpush v0, $0x6;
	_ =	sdelay $0xe  }
0x148: {  	s12 =	spop (v2sf)  }
0x149: {  	s13 =	sshrl.u32 s12, $0x3  }
0x14a: {  	s10 =	sshll.u32 s12, $0x7;
	s11 =	smul.u32 $0x13C00, s13  }
0x14b: {  	s10 =	sand.u32 $0x380, s10  }
0x14c: {  	s10 =	sor.u32 s10, s11  }
0x14d: {  	[sflag:s8] =	ssyncset.done $0x0;
	s10 =	sshrl.u32 s10, $0x3  }
0x14e: {  	[sflag:s8] =	ssyncadd.s32 $0xFFFFD880;
	s10 =	sadd.s32 s2, s10  }
0x14f: {  	[tilespmem:s23], [sflag:$0x7] =	stream.strided.gather [hbm4b:s10+s17], $0x2780, s16, s17, $0x38;
	[tilespmem:$0x13C80] =	vst v63  }
.Ltmp3:
0x150: {  	_ = 	snop;
	(pc) =	sbr.rel .LBB2_2-.Ltmp3, $4  }
0x151: {  	s10 =	simm.s32 $0x10  }
0x152: {  	_ =	swait.ge [sflag:s10], $0x2780  }
0x153: {  	[sflag:s10] =	ssyncset.done $0x0  }
0x154: {  	p0 =	por $0x0, $0x0;
	[sflag:s10] =	ssyncadd.s32 $0xFFFFD880  }
.LBB2_5:
0x155: {  	_ =	sfence.sel $0x180000  }
0x156: {  	[bflag:$0x0] =	sbarrier.arrive $0xFFFF  }
0x157: {  	_ =	strace $0x9000004A  }
0x158: {  	s0 =	stileid.u32;
	[bflag:$0x2] =	sbarrier.arrive $0xFFFF  }
0x159: {  	p0 =	sne.s32 s0, $0x0;
	s0 =	rddreg [dreg:$0x2]  }
0x15a: {  	s0 =	sadd.s32 @!p0 $0x100000, s0  }
0x15b: {  	[sflag:s0] =	ssyncadd.tile.s32 @!p0 $0x1;
	_ =	shalt  }
.Lfunc_end2:
_tile_overlayer_lowered:
.L_overlay_start_2:
0x15c: {  	(tag) =	ssettag $0x2  }
0x15d: {  	s0 =	rddreg [dreg:$0x0];
	s2 =	stileid.u32  }
0x15e: {  	s1 =	rddreg [dreg:$0x1];
	p0 =	sne.s32 s2, $0x0  }
0x15f: {  	s3 =	rddreg [dreg:$0x2];
	[bflag:$0x3] =	sbarrier.arrive $0xFFFF;
	s2 =	simm.s32 @!p0 $0x1C11  }
0x160: {  	[timem:s3], [sflag:s2] =	dma.local @!p0 [hbm:s0], s1  }
0x161: {  	s0 =	simm.s32 @!p0 $0x11  }
0x162: {  	_ =	swait.ge @!p0 [sflag:s0], s1  }
0x163: {  	s1 =	ssub.s32 @!p0 $0x0, s1;
	[sflag:s0] =	ssyncset.done @!p0 $0x0  }
0x164: {  	[sflag:s0] =	ssyncadd.s32 @!p0 s1  }
0x165: {  	[bflag:$0x3] =	sbarrier.arrive $0xFFFF  }
0x166: {  	_ =	shalt  }

// kernel: kernel.16.cloned.1.call-start
scs
__scs_entry_jumppad:
0x0: {  	(pc) =	sbr.rel $0x88, $3  }
0x1: {  	(tag) =	ssettag $0x0;
	lr =	simm.s32 $0x1  }
0x2: {  	[smem:$0x3F9F] =	sst lr;
	_ =	strace $0xD0000000  }
0x3: {  	_ = 	snop  }
0x4: {  	_ = 	snop  }
0x5: {  	_ = 	snop  }
0x6: {  	_ = 	snop  }
0x7: {  	_ = 	snop  }
__scs_overlays_trampoline_lowered:
0x8: {  	[smem:$0x3FAE] =	sst s0  }
0x9: {  	[smem:$0x3FAF] =	sst s1  }
0xa: {  	[smem:$0x3FB0] =	sst s2  }
0xb: {  	[smem:$0x3FB1] =	sst s3  }
0xc: {  	[smem:$0x3FB2] =	sst s4  }
0xd: {  	[smem:$0x3FB3] =	sst s5  }
0xe: {  	[smem:$0x3FB4] =	sst s6  }
0xf: {  	[smem:$0x3FB5] =	sst s7  }
0x10: {  	[smem:$0x3FB6] =	sst s8  }
0x11: {  	[smem:$0x3FB7] =	sst s9;
	s0 =	simm.s32 @!p0 $0x0  }
0x12: {  	s1 =	sld [smem:$0x3F9D];
	s0 =	simm.s32 @p0 $0x1  }
0x13: {  	[smem:$0x3FB8] =	sst s0;
	s0 =	simm.s32 @!p1 $0x0  }
0x14: {  	s2 =	sld [smem:$0x3F9C];
	s0 =	simm.s32 @p1 $0x1  }
0x15: {  	[smem:$0x3FB9] =	sst s0;
	s0 =	simm.s32 @!p2 $0x0  }
0x16: {  	s3 =	sld [smem:$0x3FDB];
	s0 =	simm.s32 @p2 $0x1  }
0x17: {  	s4 =	simm.s32 $0x1BF5;
	[smem:$0x3FBB] =	sst s0  }
0x18: {  	s0 =	sld [smem:$0x3F9E];
	_ =	swait.ge [sflag:s4], $0x0  }
0x19: {  	s7 =	sld [smem:$0x3F9F]  }
0x1a: {  	s8 =	sadd.s32 $0xFFFFE003, lr  }
0x1b: {  	s9 =	sadd.s32 $0xFFFFFEF7, lr;
	s5 =	simm.s32 $0xFFFFFFFF;
	p2 =	slt.u32 s8, $0xFFFFF086  }
0x1c: {  	p1 =	slt.u32 s9, $0xF7A;
	s5 =	simm.s32 @!p2 $0x0  }
0x1d: {  	s5 =	simm.s32 @p1 $0x1;
	p0 =	seq.s32 s7, s2  }
0x1e: {  	s7 =	smul.u32 @!p0 $0xF7A, s2;
	p2 =	seq.s32 @!p0 s5, $0x0  }
0x1f: {  	s9 =	smul.u32 $0xF7A, s1;
	s8 =	simm.s32 @!p0 $0x1BF5;
	p2 =	por !p2, p0  }
0x20: {  	[sflag:s8] =	ssyncset.s32 @!p0 $0xFFFFF086;
	s6 =	sadd.s32 @!p0 s3, s7;
	s7 =	simm.s32 @!p0 $0x108  }
0x21: {  	s3 =	sadd.s32 s3, s9;
	s6 =	sadd.s32 @!p0 $0x88, s6;
	s7 =	simm.s32 @p2 $0x1082  }
0x22: {  	[simem:s7], [sflag:s8] =	dma.local @!p0 [hbm:s6], $0xF7A  }
0x23: {  	s9 =	sor.u32 $0xD0000000, s2;
	s6 =	simm.s32 $0x108;
	_ =	swait.ge @!p0 [sflag:s8], $0x0  }
0x24: {  	s3 =	sadd.s32 $0x88, s3;
	s6 =	simm.s32 @!p1 $0x1082;
	[sflag:s4] =	ssyncset.s32 $0xFFFFF086  }
0x25: {  	[simem:s6], [sflag:s4] =	dma.local [hbm:s3], $0xF7A  }
0x26: {  	[smem:$0x3F9F] =	sst s1;
	(tag) =	ssettag s2;
	_ =	strace s9  }
0x27: {  	s1 =	sld [smem:$0x3FAF]  }
0x28: {  	s2 =	sld [smem:$0x3FB0]  }
0x29: {  	s4 =	sld [smem:$0x3FB2]  }
0x2a: {  	p0 =	seq.s32 s5, $0x0;
	s5 =	sld [smem:$0x3FB3]  }
0x2b: {  	s6 =	sld [smem:$0x3FB4]  }
0x2c: {  	s7 =	sld [smem:$0x3FB5]  }
0x2d: {  	s3 =	simm.s32 $0x108;
	s8 =	sld [smem:$0x3FB6]  }
0x2e: {  	s3 =	simm.s32 @!p0 $0x1082;
	s9 =	sld [smem:$0x3FB7]  }
0x2f: {  	lr =	sadd.s32 s0, s3;
	s0 =	sld [smem:$0x3FAE]  }
0x30: {  	s3 =	sld [smem:$0x3FB1]  }
0x31: {  	[smem:$0x3FBA] =	sst s10  }
0x32: {  	s10 =	sld [smem:$0x3FB8];
	_ =	sdelay $0x3  }
0x33: {  	p0 =	seq.s32 s10, $0x1;
	s10 =	sld [smem:$0x3FBA];
	_ =	sdelay $0x3  }
0x34: {  	[smem:$0x3FBA] =	sst s10  }
0x35: {  	s10 =	sld [smem:$0x3FB9];
	_ =	sdelay $0x3  }
0x36: {  	p1 =	seq.s32 s10, $0x1;
	s10 =	sld [smem:$0x3FBA];
	_ =	sdelay $0x3  }
0x37: {  	[smem:$0x3FBA] =	sst s10  }
0x38: {  	s10 =	sld [smem:$0x3FBB]  }
0x39: {  	_ = 	snop;
	(pc) =	sbr.ind lr, $3  }
0x3a: {  	_ = 	snop  }
0x3b: {  	_ = 	snop  }
0x3c: {  	p2 =	seq.s32 s10, $0x1;
	s10 =	sld [smem:$0x3FBA]  }
0x3d: {  	_ =	shalt  }
0x3e: {  	_ =	shalt  }
0x3f: {  	_ =	shalt  }
0x40: {  	_ =	shalt  }
0x41: {  	_ =	shalt  }
0x42: {  	_ =	shalt  }
0x43: {  	_ =	shalt  }
0x44: {  	_ =	shalt  }
0x45: {  	_ =	shalt  }
0x46: {  	_ =	shalt  }
0x47: {  	_ =	shalt  }
0x48: {  	_ =	shalt  }
0x49: {  	_ =	shalt  }
0x4a: {  	_ =	shalt  }
0x4b: {  	_ =	shalt  }
0x4c: {  	_ =	shalt  }
0x4d: {  	_ =	shalt  }
0x4e: {  	_ =	shalt  }
0x4f: {  	_ =	shalt  }
0x50: {  	_ =	shalt  }
0x51: {  	_ =	shalt  }
0x52: {  	_ =	shalt  }
0x53: {  	_ =	shalt  }
0x54: {  	_ =	shalt  }
0x55: {  	_ =	shalt  }
0x56: {  	_ =	shalt  }
0x57: {  	_ =	shalt  }
0x58: {  	_ =	shalt  }
0x59: {  	_ =	shalt  }
0x5a: {  	_ =	shalt  }
0x5b: {  	_ =	shalt  }
0x5c: {  	_ =	shalt  }
0x5d: {  	_ =	shalt  }
0x5e: {  	_ =	shalt  }
0x5f: {  	_ =	shalt  }
0x60: {  	_ =	shalt  }
0x61: {  	_ =	shalt  }
0x62: {  	_ =	shalt  }
0x63: {  	_ =	shalt  }
0x64: {  	_ =	shalt  }
0x65: {  	_ =	shalt  }
0x66: {  	_ =	shalt  }
0x67: {  	_ =	shalt  }
0x68: {  	_ =	shalt  }
0x69: {  	_ =	shalt  }
0x6a: {  	_ =	shalt  }
0x6b: {  	_ =	shalt  }
0x6c: {  	_ =	shalt  }
0x6d: {  	_ =	shalt  }
0x6e: {  	_ =	shalt  }
0x6f: {  	_ =	shalt  }
0x70: {  	_ =	shalt  }
0x71: {  	_ =	shalt  }
0x72: {  	_ =	shalt  }
0x73: {  	_ =	shalt  }
0x74: {  	_ =	shalt  }
0x75: {  	_ =	shalt  }
0x76: {  	_ =	shalt  }
0x77: {  	_ =	shalt  }
0x78: {  	_ =	shalt  }
0x79: {  	_ =	shalt  }
0x7a: {  	_ =	shalt  }
0x7b: {  	_ =	shalt  }
0x7c: {  	_ =	shalt  }
0x7d: {  	_ =	shalt  }
0x7e: {  	_ =	shalt  }
0x7f: {  	_ =	shalt  }
0x80: {  	_ =	shalt  }
0x81: {  	_ =	shalt  }
0x82: {  	_ =	shalt  }
0x83: {  	_ =	shalt  }
0x84: {  	_ =	shalt  }
0x85: {  	_ =	shalt  }
0x86: {  	_ =	shalt  }
0x87: {  	_ =	shalt  }
.Lfunc_end0:
.L_simem_size_0:
called_computation.2_lowered:
.L_overlay_start_0:
0x88: {  	s2 =	sld [smem:$0x3FD9]  }
0x89: {  	s3 =	sld [smem:$0x3FFE];
	_ =	sdelay $0x1  }
0x8a: {  	s1 =	srdreg.scid  }
0x8b: {  	s0 =	sand.u32 $0x1, s1  }
0x8c: {  	s17 =	sshll.u32 s0, $0xA;
	s2 =	sadd.s32 s3, s2  }
0x8d: {  	s2 =	sadd.s32 s2, s17  }
0x8e: {  	[smem:$0x3FC6] =	sst s2  }
0x8f: {  	_ = 	snop  }
0x90: {  	s18 =	sld [smem:$0x3FC8];
	(tm) =	ssettm $0x1  }
0x91: {  	s19 =	sld [smem:$0x3FFB];
	_ =	sdelay $0x3  }
0x92: {  	_ =	strace s19  }
0x93: {  	s2 =	sld [smem:$0x3FFC];
	_ =	sdelay $0x3  }
0x94: {  	_ =	strace s2  }
0x95: {  	s2 =	sld [smem:$0x3FFD];
	_ =	sdelay $0x3  }
0x96: {  	_ =	strace s2  }
0x97: {  	_ =	strace $0x8FFFFFFF  }
0x98: {  	s20 =	sld [smem:$0x3FDB];
	_ =	sdelay $0x1  }
0x99: {  	s4 =	simm.s32 $_scs_section_size  }
0x9a: {  	s5 =	simm.s32 $_size__tile_overlayer_lowered;
	s6 =	simm.s32 $_tile_overlayer_lowered  }
0x9b: {  	s7 =	simm.s32 $0x1BFF;
	s21 =	sshll.u32 s6, $0x1;
	s4 =	sadd.s32 s4, s20  }
0x9c: {  	s22 =	simm.s32 $0x0;
	s5 =	sshll.u32 s5, $0x1;
	s6 =	sadd.s32 s21, s4  }
0x9d: {  	[timem:s22], [sflag:s7] =	dma.local [hbm:s6], s5  }
0x9e: {  	_ =	swait.ge [sflag:s7], s5  }
0x9f: {  	s5 =	ssub.s32 $0x0, s5;
	[sflag:s7] =	ssyncset.done $0x0  }
0xa0: {  	[sflag:s7] =	ssyncadd.s32 s5;
	_ =	sdelay $0x1  }
0xa1: {  	s23 =	simm.s32 $0x1B8B  }
0xa2: {  	_ =	swait.ge [sflag:s23], $0x1  }
0xa3: {  	[sflag:s23] =	ssyncset.done $0x0  }
0xa4: {  	[sflag:s23] =	ssyncadd.s32 $0xFFFFFFFF  }
0xa5: {  	s5 =	sld [smem:$0x0]  }
0xa6: {  	s6 =	sand.u32 $0xFFFFFFFE, s1  }
0xa7: {  	p0 =	sne.s32 s1, s6  }
0xa8: {  	s6 =	sshll.u32 @p0 s6, $0xE  }
0xa9: {  	s6 =	sadd.s32 @p0 $0x11B8D, s6;
	s7 =	sshll.u32 @p0 s5, $0x11  }
0xaa: {  	s6 =	sor.u32 @p0 s7, s6  }
0xab: {  	[sflag:s6] =	ssyncadd.remote.s32 @p0 $0x1;
	_ =	sdelay $0x1  }
0xac: {  	s6 =	simm.s32 @p0 $0x1B8D  }
0xad: {  	_ =	swait.eq @p0 [sflag:s6], $0x1  }
0xae: {  	[sflag:s6] =	ssyncadd.s32 @p0 $0xFFFFFFFF  }
0xaf: {  	s7 =	sshll.u32 @!p0 s1, $0xE  }
0xb0: {  	s7 =	sor.u32 @!p0 $0x4000, s7;
	s6 =	simm.s32 @!p0 $0x1B8D  }
0xb1: {  	s5 =	sshll.u32 @!p0 s5, $0x11;
	s7 =	sadd.s32 @!p0 $0x11B8D, s7;
	_ =	swait.eq @!p0 [sflag:s6], $0x1  }
0xb2: {  	s5 =	sor.u32 @!p0 s5, s7;
	[sflag:s6] =	ssyncadd.s32 @!p0 $0xFFFFFFFF  }
0xb3: {  	s25 =	simm.s32 $0x1B8E;
	s24 =	sld [smem:$0x3FFE];
	[sflag:s5] =	ssyncadd.remote.s32 @!p0 $0x1  }
0xb4: {  	s26 =	simm.s32 $execute0_lowered;
	[smem:$0x3FD2] =	sst s25  }
0xb5: {  	s6 =	sshll.u32 s26, $0x1;
	_ =	strace $0x8000004C;
	[dreg:$0x1] =	wrdreg $0xFFFFFFFF  }
0xb6: {  	s28 =	simm.s32 $_size_execute0_lowered;
	s4 =	sadd.s32 s4, s6;
	[dreg:$0x0] =	wrdreg $0x0  }
0xb7: {  	s6 =	sshll.u32 s28, $0x1;
	[dreg:$0x2] =	wrdreg s4  }
0xb8: {  	[dreg:$0x3] =	wrdreg s6  }
0xb9: {  	[dreg:$0x4] =	wrdreg $0xC0  }
0xba: {  	_ =	task [dreg:s22], $0x5FFFF  }
0xbb: {  	[dreg:$0x1] =	wrdreg $0xFFFFFFFF  }
0xbc: {  	[dreg:$0x0] =	wrdreg $0x60  }
0xbd: {  	[dreg:$0x2] =	wrdreg s24  }
0xbe: {  	[dreg:$0x3] =	wrdreg s18  }
0xbf: {  	[dreg:$0x4] =	wrdreg $0xB  }
0xc0: {  	_ =	task.clear_ibuf [dreg:s22], $0x5FFFF;
	_ =	strace $0x9000004C  }
0xc1: {  	s29 =	simm.s32 $0xB;
	_ =	strace $0x8000004E  }
0xc2: {  	_ =	swait.ge [sflag:s29], $0x1  }
0xc3: {  	[sflag:s29] =	ssyncadd.s32 $0xFFFFFFFF  }
0xc4: {  	_ =	strace $0x9000004E  }
0xc5: {  	_ =	sfence  }
0xc6: {  	s30 =	sld [smem:$0x0];
	_ =	sdelay $0x2  }
0xc7: {  	s31 =	sshll.u32 s1, $0xD;
	s1 =	sshrl.u32 s1, $0x2  }
0xc8: {  	s4 =	sand.u32 $0x4000, s31;
	s1 =	sadd.s32 s1, s30  }
0xc9: {  	s0 =	sor.u32 s4, s0;
	s1 =	sshll.u32 s1, $0x11  }
0xca: {  	s0 =	sor.u32 s1, s0  }
0xcb: {  	s0 =	sadd.s32 $0x8F2B, s0  }
0xcc: {  	[sflag:s0] =	ssyncadd.remote.s32 $0x1  }
0xcd: {  	_ =	sfence.sel $0xFFFF  }
0xce: {  	[dreg:$0x0] =	wrdreg $0xFFFFFFFF;
	(pc) =	sbr.abs _section_cstart, $3  }
0xcf: {  	[dreg:$0x1] =	wrdreg $0xFFFFFFFF  }
0xd0: {  	_ =	task.clear_ibuf [dreg:s22], $0x2FFFF;
	_ =	strace $0x9FFFFFFF  }
0xd1: {  	(tm) =	ssettm $0x7FFFFFFF  }
tec
execute0_lowered:
.L_overlay_start_1:
0x0: {  	(tag) =	ssettag $0x1  }
0x1: {  	s0 =	srdreg.scid  }
0x2: {  	s1 =	rddreg [dreg:$0x0];
	s3 =	stileid.u32  }
0x3: {  	s2 =	rddreg [dreg:$0x1];
	s5 =	simm.s32 $0x0;
	s16 =	simm.s32 $0x400  }
0x4: {  	s17 =	simm.s32 $0x80;
	s18 =	simm.s32 $0x2800;
	s19 =	simm.s32 $0x4F80  }
0x5: {  	s28 =	simm.s32 $0x3;
	s29 =	simm.s32 $0x4;
	s30 =	simm.s32 $0x5  }
0x6: {  	s31 =	simm.s32 $0x6;
	s6 =	simm.s32 $0xA;
	s14 =	simm.s32 $0xB  }
0x7: {  	s15 =	simm.s32 $0xC;
	s7 =	simm.s32 $0xE;
	s8 =	simm.s32 $0xF  }
0x8: {  	s9 =	simm.s32 $0x10;
	s11 =	simm.s32 $0x0;
	s0 =	sand.u32 $0x1, s0  }
0x9: {  	s3 =	sshll.u32 s3, $0x6;
	[smem:$0x7FF] =	sst s5;
	s4 =	sshll.u32 s0, $0x5  }
0xa: {  	s5 =	sadd.s32 $0x279800, s1;
	s20 =	sadd.s32 $0x279810, s1;
	s3 =	sor.u32 s4, s3  }
0xb: {  	s22 =	sadd.s32 $0x279820, s1;
	s23 =	sadd.s32 $0x279830, s1;
	[dreg:$0x3] =	wrdreg s3  }
0xc: {  	s24 =	sadd.s32 $0x279840, s1;
	_ =	strace $0x8000004D;
	[dreg:$0x5] =	wrdreg s20  }
0xd: {  	s25 =	sadd.s32 $0x279850, s1;
	s0 =	ssub.s32 $0x2, s0;
	[dreg:$0x6] =	wrdreg s22  }
0xe: {  	s26 =	sadd.s32 $0x279860, s1;
	s21 =	sshrl.u32 s0, $0x1;
	[dreg:$0x7] =	wrdreg s23  }
0xf: {  	s4 =	simm.s32 $0xD;
	s3 =	sshrl.u32 s3, $0x3;
	[dreg:$0x8] =	wrdreg s24  }
0x10: {  	s0 =	ssub.s32 s0, s21;
	s21 =	simm.s32 $0x9E80;
	[dreg:$0x9] =	wrdreg s25  }
0x11: {  	s3 =	sadd.s32 s3, s1;
	[dreg:$0xa] =	wrdreg s26;
	s1 =	sadd.s32 $0x279870, s1  }
.Ltmp0:
0x12: {  	s0 =	smax.u32 s0, $0x1;
	s20 =	simm.s32 $0x7700;
	(pc) =	sbr.rel .LBB2_1-.Ltmp0, $4  }
0x13: {  	s22 =	simm.s32 $0xC600;
	s23 =	simm.s32 $0xED80;
	s24 =	simm.s32 $0x11500  }
0x14: {  	s25 =	simm.s32 $0x1;
	s26 =	simm.s32 $0x2;
	[dreg:$0xb] =	wrdreg s1  }
0x15: {  	s3 =	sadd.s32 $0x13D400, s3;
	[dreg:$0xc] =	wrdreg s0;
	s1 =	simm.s32 $0x7  }
0x16: {  	s0 =	simm.s32 $0x8;
	[dreg:$0x4] =	wrdreg s3;
	s3 =	simm.s32 $0x9  }
.LBB2_4:
0x17: {  	_ =	swait.ge [sflag:s6], $0x2780  }
0x18: {  	[sflag:s6] =	ssyncset.done $0x0  }
0x19: {  	[sflag:s6] =	ssyncadd.s32 $0xFFFFD880  }
0x1a: {  	_ =	swait.ge [sflag:s14], $0x2780  }
0x1b: {  	[sflag:s14] =	ssyncset.done $0x0  }
0x1c: {  	[sflag:s14] =	ssyncadd.s32 $0xFFFFD880  }
0x1d: {  	_ =	swait.ge [sflag:s15], $0x2780  }
0x1e: {  	[sflag:s15] =	ssyncset.done $0x0  }
0x1f: {  	[sflag:s15] =	ssyncadd.s32 $0xFFFFD880  }
0x20: {  	_ =	swait.ge [sflag:s4], $0x2780  }
0x21: {  	[sflag:s4] =	ssyncset.done $0x0  }
0x22: {  	[sflag:s4] =	ssyncadd.s32 $0xFFFFD880  }
0x23: {  	_ =	swait.ge [sflag:s7], $0x2780  }
0x24: {  	[sflag:s7] =	ssyncset.done $0x0  }
0x25: {  	[sflag:s7] =	ssyncadd.s32 $0xFFFFD880  }
0x26: {  	_ =	swait.ge [sflag:s8], $0x2780  }
0x27: {  	[sflag:s8] =	ssyncset.done $0x0  }
0x28: {  	[sflag:s8] =	ssyncadd.s32 $0xFFFFD880  }
0x29: {  	_ =	swait.ge [sflag:s9], $0x2780  }
0x2a: {  	s11 =	rddreg [dreg:$0xd]  }
0x2b: {  	s10 =	rddreg [dreg:$0xc];
	s11 =	sadd.s32 $0x1, s11  }
0x2c: {  	p0 =	sne.s32 s11, s10  }
.Ltmp1:
0x2d: {  	_ = 	snop;
	(pc) =	sbr.rel @!p0 .LBB2_5-.Ltmp1, $3  }
0x2e: {  	_ =	sdelay $0x1  }
0x2f: {  	[sflag:s9] =	ssyncset.done $0x0  }
0x30: {  	[sflag:s9] =	ssyncadd.s32 $0xFFFFD880  }
.LBB2_1:
0x31: {  	[dreg:$0xd] =	wrdreg s11  }
0x32: {  	s10 =	simm.s32 $0x0;
	s13 =	rddreg [dreg:$0x4];
	s11 =	simm.s32 $0x11  }
0x33: {  	[tilespmem:s10], [sflag:$0x11] =	stream.linear.gather [hbm4b:s13+s10], $0x20, $0x38;
	[tilespmem:$0x13C80] =	vst v63  }
0x34: {  	_ =	swait.ge [sflag:s11], $0x20  }
0x35: {  	[sflag:s11] =	ssyncset.done $0x0  }
0x36: {  	[sflag:s11] =	ssyncadd.s32 $0xFFFFFFE0  }
0x37: {  	v0 =	vld [tilespmem:$0x0];
	_ =	sdelay $0x4  }
0x38: {  	(v2sf) =	vpush v0, $0x0;
	_ =	sdelay $0x5  }
0x39: {  	(v2sf) =	vpush v0, $0x1;
	_ =	sdelay $0x8  }
0x3a: {  	s12 =	spop (v2sf);
	(v2sf) =	vpush v0, $0x2;
	_ =	sdelay $0x5  }
0x3b: {  	s13 =	sshrl.u32 s12, $0x3;
	s10 =	sshll.u32 s12, $0x7;
	s12 =	spop (v2sf);
	(v2sf) =	vpush v0, $0x3  }
0x3c: {  	s11 =	smul.u32 $0x13C00, s13  }
0x3d: {  	s10 =	sand.u32 $0x380, s10  }
0x3e: {  	s10 =	sor.u32 s10, s11  }
0x3f: {  	s10 =	sshrl.u32 s10, $0x3  }
0x40: {  	s13 =	sshrl.u32 s12, $0x3;
	s10 =	sadd.s32 s2, s10  }
0x41: {  	[tilespmem:s17], [sflag:$0x1] =	stream.strided.gather [hbm4b:s10+s17], $0x2780, s16, s17, $0x38;
	[tilespmem:$0x13C80] =	vst v63  }
0x42: {  	s11 =	sshll.u32 s12, $0x7;
	s10 =	smul.u32 $0x13C00, s13  }
0x43: {  	s11 =	sand.u32 $0x380, s11  }
0x44: {  	s10 =	sor.u32 s11, s10;
	s12 =	spop (v2sf);
	(v2sf) =	vpush v0, $0x4  }
0x45: {  	s10 =	sshrl.u32 s10, $0x3  }
0x46: {  	s10 =	sadd.s32 s2, s10  }
0x47: {  	[tilespmem:s18], [sflag:$0x2] =	stream.strided.gather [hbm4b:s10+s17], $0x2780, s16, s17, $0x38;
	[tilespmem:$0x13C80] =	vst v63  }
0x48: {  	s13 =	sshrl.u32 s12, $0x3  }
0x49: {  	s10 =	sshll.u32 s12, $0x7;
	s11 =	smul.u32 $0x13C00, s13  }
0x4a: {  	s12 =	spop (v2sf);
	(v2sf) =	vpush v0, $0x5;
	s10 =	sand.u32 $0x380, s10  }
0x4b: {  	s10 =	sor.u32 s10, s11  }
0x4c: {  	s10 =	sshrl.u32 s10, $0x3  }
0x4d: {  	s13 =	sshrl.u32 s12, $0x3;
	s10 =	sadd.s32 s2, s10  }
0x4e: {  	[tilespmem:s19], [sflag:$0x3] =	stream.strided.gather [hbm4b:s10+s17], $0x2780, s16, s17, $0x38;
	[tilespmem:$0x13C80] =	vst v63  }
0x4f: {  	s11 =	sshll.u32 s12, $0x7;
	s10 =	smul.u32 $0x13C00, s13  }
0x50: {  	s11 =	sand.u32 $0x380, s11  }
0x51: {  	s10 =	sor.u32 s11, s10  }
0x52: {  	s10 =	sshrl.u32 s10, $0x3  }
0x53: {  	s10 =	sadd.s32 s2, s10;
	s12 =	spop (v2sf);
	(v2sf) =	vpush v0, $0x6  }
0x54: {  	[tilespmem:s20], [sflag:$0x4] =	stream.strided.gather [hbm4b:s10+s17], $0x2780, s16, s17, $0x38;
	[tilespmem:$0x13C80] =	vst v63  }
0x55: {  	s13 =	sshrl.u32 s12, $0x3  }
0x56: {  	s10 =	sshll.u32 s12, $0x7;
	s11 =	smul.u32 $0x13C00, s13  }
0x57: {  	s10 =	sand.u32 $0x380, s10  }
0x58: {  	s10 =	sor.u32 s10, s11  }
0x59: {  	s12 =	spop (v2sf);
	s10 =	sshrl.u32 s10, $0x3  }
0x5a: {  	s13 =	sshrl.u32 s12, $0x3;
	s10 =	sadd.s32 s2, s10  }
0x5b: {  	[tilespmem:s21], [sflag:$0x5] =	stream.strided.gather [hbm4b:s10+s17], $0x2780, s16, s17, $0x38;
	[tilespmem:$0x13C80] =	vst v63  }
0x5c: {  	s11 =	sshll.u32 s12, $0x7;
	s10 =	smul.u32 $0x13C00, s13  }
0x5d: {  	s11 =	sand.u32 $0x380, s11  }
0x5e: {  	s10 =	sor.u32 s11, s10  }
0x5f: {  	s10 =	sshrl.u32 s10, $0x3  }
0x60: {  	s10 =	sadd.s32 s2, s10  }
0x61: {  	[tilespmem:s22], [sflag:$0x6] =	stream.strided.gather [hbm4b:s10+s17], $0x2780, s16, s17, $0x38;
	[tilespmem:$0x13C80] =	vst v63  }
0x62: {  	s12 =	spop (v2sf)  }
0x63: {  	s13 =	sshrl.u32 s12, $0x3  }
0x64: {  	s10 =	sshll.u32 s12, $0x7;
	s11 =	smul.u32 $0x13C00, s13  }
0x65: {  	s10 =	sand.u32 $0x380, s10  }
0x66: {  	s10 =	sor.u32 s10, s11  }
0x67: {  	s10 =	sshrl.u32 s10, $0x3  }
0x68: {  	s10 =	sadd.s32 s2, s10  }
0x69: {  	[tilespmem:s23], [sflag:$0x7] =	stream.strided.gather [hbm4b:s10+s17], $0x2780, s16, s17, $0x38;
	[tilespmem:$0x13C80] =	vst v63  }
0x6a: {  	p0 =	por $0x1, $0x1;
	s10 =	simm.s32 $0x0  }
.LBB2_2:
0x6b: {  	_ =	sdelay $0x1  }
0x6c: {  	(v2sf) =	vpush v0, $0x7;
	_ =	sdelay $0xe  }
0x6d: {  	s11 =	spop (v2sf)  }
0x6e: {  	s12 =	sshrl.u32 s11, $0x3  }
0x6f: {  	s11 =	sshll.u32 s11, $0x7;
	s12 =	smul.u32 $0x13C00, s12  }
0x70: {  	s11 =	sand.u32 $0x380, s11  }
0x71: {  	s11 =	sor.u32 s11, s12  }
0x72: {  	s11 =	sshrl.u32 s11, $0x3  }
0x73: {  	s12 =	rddreg [dreg:$0x3];
	s11 =	sadd.s32 s2, s11  }
0x74: {  	[tilespmem:s24], [sflag:$0x8] =	stream.strided.gather [hbm4b:s11+s17], $0x2780, s16, s17, $0x38;
	[tilespmem:$0x13C80] =	vst v63  }
0x75: {  	s11 =	sor.u32 s12, s10  }
0x76: {  	s11 =	sshrl.u32 s11, $0x3  }
0x77: {  	v0 =	vld [tilespmem:s10+$0x0];
	_ =	swait.ge [sflag:s25], $0x2780;
	s12 =	smul.u32 $0x2780, s11  }
0x78: {  	[sflag:s25] =	ssyncset.done $0x0  }
0x79: {  	[sflag:s25] =	ssyncadd.s32 $0xFFFFD880;
	s13 =	sadd.s32 s5, s12  }
0x7a: {  	[hbm4b:s13+s17] =	stream.strided.scatter [tilespmem:s17], [sflag:$0x9], $0x2780, s16, s17, $0x38;
	[tilespmem:$0x13C80] =	vst v63  }
0x7b: {  	_ =	swait.ge [sflag:s26], $0x2780  }
0x7c: {  	[sflag:s26] =	ssyncset.done $0x0;
	s13 =	rddreg [dreg:$0x5]  }
0x7d: {  	[sflag:s26] =	ssyncadd.s32 $0xFFFFD880;
	s13 =	sadd.s32 s12, s13  }
0x7e: {  	[hbm4b:s13+s17] =	stream.strided.scatter [tilespmem:s18], [sflag:$0xA], $0x2780, s16, s17, $0x38;
	[tilespmem:$0x13C80] =	vst v63  }
0x7f: {  	_ =	swait.ge [sflag:s28], $0x2780  }
0x80: {  	[sflag:s28] =	ssyncset.done $0x0;
	s13 =	rddreg [dreg:$0x6]  }
0x81: {  	[sflag:s28] =	ssyncadd.s32 $0xFFFFD880;
	s13 =	sadd.s32 s12, s13  }
0x82: {  	[hbm4b:s13+s17] =	stream.strided.scatter [tilespmem:s19], [sflag:$0xB], $0x2780, s16, s17, $0x38;
	[tilespmem:$0x13C80] =	vst v63  }
0x83: {  	_ =	swait.ge [sflag:s29], $0x2780  }
0x84: {  	[sflag:s29] =	ssyncset.done $0x0;
	s13 =	rddreg [dreg:$0x7]  }
0x85: {  	[sflag:s29] =	ssyncadd.s32 $0xFFFFD880;
	s13 =	sadd.s32 s12, s13  }
0x86: {  	[hbm4b:s13+s17] =	stream.strided.scatter [tilespmem:s20], [sflag:$0xC], $0x2780, s16, s17, $0x38;
	[tilespmem:$0x13C80] =	vst v63  }
0x87: {  	_ =	swait.ge [sflag:s30], $0x2780  }
0x88: {  	[sflag:s30] =	ssyncset.done $0x0;
	s13 =	rddreg [dreg:$0x8]  }
0x89: {  	[sflag:s30] =	ssyncadd.s32 $0xFFFFD880;
	s13 =	sadd.s32 s12, s13  }
0x8a: {  	[hbm4b:s13+s17] =	stream.strided.scatter [tilespmem:s21], [sflag:$0xD], $0x2780, s16, s17, $0x38;
	[tilespmem:$0x13C80] =	vst v63  }
0x8b: {  	_ =	swait.ge [sflag:s31], $0x2780  }
0x8c: {  	[sflag:s31] =	ssyncset.done $0x0;
	s13 =	rddreg [dreg:$0x9]  }
0x8d: {  	[sflag:s31] =	ssyncadd.s32 $0xFFFFD880;
	s13 =	sadd.s32 s12, s13  }
0x8e: {  	[hbm4b:s13+s17] =	stream.strided.scatter [tilespmem:s22], [sflag:$0xE], $0x2780, s16, s17, $0x38;
	[tilespmem:$0x13C80] =	vst v63  }
0x8f: {  	_ =	swait.ge [sflag:s1], $0x2780  }
0x90: {  	[sflag:s1] =	ssyncset.done $0x0;
	s13 =	rddreg [dreg:$0xa]  }
0x91: {  	[sflag:s1] =	ssyncadd.s32 $0xFFFFD880;
	s13 =	sadd.s32 s12, s13  }
0x92: {  	[hbm4b:s13+s17] =	stream.strided.scatter [tilespmem:s23], [sflag:$0xF], $0x2780, s16, s17, $0x38;
	[tilespmem:$0x13C80] =	vst v63  }
0x93: {  	_ =	swait.ge [sflag:s0], $0x2780  }
0x94: {  	[sflag:s0] =	ssyncset.done $0x0;
	s13 =	rddreg [dreg:$0xb]  }
0x95: {  	[sflag:s0] =	ssyncadd.s32 $0xFFFFD880;
	s12 =	sadd.s32 s12, s13  }
0x96: {  	[hbm4b:s12+s17] =	stream.strided.scatter [tilespmem:s24], [sflag:$0x10], $0x2780, s16, s17, $0x38;
	[tilespmem:$0x13C80] =	vst v63  }
0x97: {  	_ =	swait.ge [sflag:s3], $0x2780  }
0x98: {  	(v2sf) =	vpush v0, $0x8;
	_ =	sdelay $0xe  }
0x99: {  	s12 =	spop (v2sf)  }
0x9a: {  	s13 =	sshrl.u32 s12, $0x3  }
0x9b: {  	s12 =	sshll.u32 s12, $0x7;
	s13 =	smul.u32 $0x13C00, s13  }
0x9c: {  	s12 =	sand.u32 $0x380, s12  }
0x9d: {  	s12 =	sor.u32 s12, s13  }
0x9e: {  	[sflag:s3] =	ssyncset.done $0x0;
	s12 =	sshrl.u32 s12, $0x3  }
0x9f: {  	[sflag:s3] =	ssyncadd.s32 $0xFFFFD880;
	s12 =	sadd.s32 s2, s12  }
0xa0: {  	[tilespmem:s17], [sflag:$0x1] =	stream.strided.gather [hbm4b:s12+s17], $0x2780, s16, s17, $0x38;
	[tilespmem:$0x13C80] =	vst v63  }
0xa1: {  	_ =	swait.ge [sflag:s6], $0x2780  }
0xa2: {  	(v2sf) =	vpush v0, $0x9;
	_ =	sdelay $0xe  }
0xa3: {  	s12 =	spop (v2sf)  }
0xa4: {  	s13 =	sshrl.u32 s12, $0x3  }
0xa5: {  	s12 =	sshll.u32 s12, $0x7;
	s13 =	smul.u32 $0x13C00, s13  }
0xa6: {  	s12 =	sand.u32 $0x380, s12  }
0xa7: {  	s12 =	sor.u32 s12, s13  }
0xa8: {  	[sflag:s6] =	ssyncset.done $0x0;
	s12 =	sshrl.u32 s12, $0x3  }
0xa9: {  	[sflag:s6] =	ssyncadd.s32 $0xFFFFD880;
	s12 =	sadd.s32 s2, s12  }
0xaa: {  	[tilespmem:s18], [sflag:$0x2] =	stream.strided.gather [hbm4b:s12+s17], $0x2780, s16, s17, $0x38;
	[tilespmem:$0x13C80] =	vst v63  }
0xab: {  	_ =	swait.ge [sflag:s14], $0x2780  }
0xac: {  	(v2sf) =	vpush v0, $0xA;
	_ =	sdelay $0xe  }
0xad: {  	s12 =	spop (v2sf)  }
0xae: {  	s13 =	sshrl.u32 s12, $0x3  }
0xaf: {  	s12 =	sshll.u32 s12, $0x7;
	s13 =	smul.u32 $0x13C00, s13  }
0xb0: {  	s12 =	sand.u32 $0x380, s12  }
0xb1: {  	s12 =	sor.u32 s12, s13  }
0xb2: {  	[sflag:s14] =	ssyncset.done $0x0;
	s12 =	sshrl.u32 s12, $0x3  }
0xb3: {  	[sflag:s14] =	ssyncadd.s32 $0xFFFFD880;
	s12 =	sadd.s32 s2, s12  }
0xb4: {  	[tilespmem:s19], [sflag:$0x3] =	stream.strided.gather [hbm4b:s12+s17], $0x2780, s16, s17, $0x38;
	[tilespmem:$0x13C80] =	vst v63  }
0xb5: {  	_ =	swait.ge [sflag:s15], $0x2780  }
0xb6: {  	(v2sf) =	vpush v0, $0xB;
	_ =	sdelay $0xe  }
0xb7: {  	s12 =	spop (v2sf)  }
0xb8: {  	s13 =	sshrl.u32 s12, $0x3  }
0xb9: {  	s12 =	sshll.u32 s12, $0x7;
	s13 =	smul.u32 $0x13C00, s13  }
0xba: {  	s12 =	sand.u32 $0x380, s12  }
0xbb: {  	s12 =	sor.u32 s12, s13  }
0xbc: {  	[sflag:s15] =	ssyncset.done $0x0;
	s12 =	sshrl.u32 s12, $0x3  }
0xbd: {  	[sflag:s15] =	ssyncadd.s32 $0xFFFFD880;
	s12 =	sadd.s32 s2, s12  }
0xbe: {  	[tilespmem:s20], [sflag:$0x4] =	stream.strided.gather [hbm4b:s12+s17], $0x2780, s16, s17, $0x38;
	[tilespmem:$0x13C80] =	vst v63  }
0xbf: {  	_ =	swait.ge [sflag:s4], $0x2780  }
0xc0: {  	(v2sf) =	vpush v0, $0xC;
	_ =	sdelay $0xe  }
0xc1: {  	s12 =	spop (v2sf)  }
0xc2: {  	s13 =	sshrl.u32 s12, $0x3  }
0xc3: {  	s12 =	sshll.u32 s12, $0x7;
	s13 =	smul.u32 $0x13C00, s13  }
0xc4: {  	s12 =	sand.u32 $0x380, s12  }
0xc5: {  	s12 =	sor.u32 s12, s13  }
0xc6: {  	[sflag:s4] =	ssyncset.done $0x0;
	s12 =	sshrl.u32 s12, $0x3  }
0xc7: {  	[sflag:s4] =	ssyncadd.s32 $0xFFFFD880;
	s12 =	sadd.s32 s2, s12  }
0xc8: {  	[tilespmem:s21], [sflag:$0x5] =	stream.strided.gather [hbm4b:s12+s17], $0x2780, s16, s17, $0x38;
	[tilespmem:$0x13C80] =	vst v63  }
0xc9: {  	_ =	swait.ge [sflag:s7], $0x2780  }
0xca: {  	(v2sf) =	vpush v0, $0xD;
	_ =	sdelay $0xe  }
0xcb: {  	s12 =	spop (v2sf)  }
0xcc: {  	s13 =	sshrl.u32 s12, $0x3  }
0xcd: {  	s12 =	sshll.u32 s12, $0x7;
	s13 =	smul.u32 $0x13C00, s13  }
0xce: {  	s12 =	sand.u32 $0x380, s12  }
0xcf: {  	s12 =	sor.u32 s12, s13  }
0xd0: {  	[sflag:s7] =	ssyncset.done $0x0;
	s12 =	sshrl.u32 s12, $0x3  }
0xd1: {  	[sflag:s7] =	ssyncadd.s32 $0xFFFFD880;
	s12 =	sadd.s32 s2, s12  }
0xd2: {  	[tilespmem:s22], [sflag:$0x6] =	stream.strided.gather [hbm4b:s12+s17], $0x2780, s16, s17, $0x38;
	[tilespmem:$0x13C80] =	vst v63  }
0xd3: {  	_ =	swait.ge [sflag:s8], $0x2780  }
0xd4: {  	(v2sf) =	vpush v0, $0xE;
	_ =	sdelay $0xe  }
0xd5: {  	s12 =	spop (v2sf)  }
0xd6: {  	s13 =	sshrl.u32 s12, $0x3  }
0xd7: {  	s12 =	sshll.u32 s12, $0x7;
	s13 =	smul.u32 $0x13C00, s13  }
0xd8: {  	s12 =	sand.u32 $0x380, s12  }
0xd9: {  	s12 =	sor.u32 s12, s13  }
0xda: {  	[sflag:s8] =	ssyncset.done $0x0;
	s12 =	sshrl.u32 s12, $0x3  }
0xdb: {  	[sflag:s8] =	ssyncadd.s32 $0xFFFFD880;
	s12 =	sadd.s32 s2, s12  }
0xdc: {  	[tilespmem:s23], [sflag:$0x7] =	stream.strided.gather [hbm4b:s12+s17], $0x2780, s16, s17, $0x38;
	[tilespmem:$0x13C80] =	vst v63  }
0xdd: {  	_ =	swait.ge [sflag:s9], $0x2780  }
0xde: {  	(v2sf) =	vpush v0, $0xF;
	_ =	sdelay $0xe  }
0xdf: {  	s12 =	spop (v2sf)  }
0xe0: {  	s13 =	sshrl.u32 s12, $0x3  }
0xe1: {  	s12 =	sshll.u32 s12, $0x7;
	s13 =	smul.u32 $0x13C00, s13  }
0xe2: {  	s12 =	sand.u32 $0x380, s12  }
0xe3: {  	s12 =	sor.u32 s12, s13  }
0xe4: {  	[sflag:s9] =	ssyncset.done $0x0;
	s12 =	sshrl.u32 s12, $0x3  }
0xe5: {  	s11 =	smul.u32 $0x13C00, s11;
	[sflag:s9] =	ssyncadd.s32 $0xFFFFD880;
	s12 =	sadd.s32 s2, s12  }
0xe6: {  	[tilespmem:s24], [sflag:$0x8] =	stream.strided.gather [hbm4b:s12+s17], $0x2780, s16, s17, $0x38;
	[tilespmem:$0x13C80] =	vst v63  }
0xe7: {  	s11 =	sshrl.u32 s11, $0x3;
	_ =	swait.ge [sflag:s25], $0x2780  }
0xe8: {  	s11 =	sadd.s32 s5, s11;
	[sflag:s25] =	ssyncset.done $0x0  }
0xe9: {  	s13 =	sadd.s32 $0x2780, s11;
	[sflag:s25] =	ssyncadd.s32 $0xFFFFD880  }
0xea: {  	[hbm4b:s13+s17] =	stream.strided.scatter [tilespmem:s17], [sflag:$0x9], $0x2780, s16, s17, $0x38;
	[tilespmem:$0x13C80] =	vst v63  }
0xeb: {  	_ =	swait.ge [sflag:s26], $0x2780  }
0xec: {  	[sflag:s26] =	ssyncset.done $0x0  }
0xed: {  	s13 =	sadd.s32 $0x2790, s11;
	[sflag:s26] =	ssyncadd.s32 $0xFFFFD880  }
0xee: {  	[hbm4b:s13+s17] =	stream.strided.scatter [tilespmem:s18], [sflag:$0xA], $0x2780, s16, s17, $0x38;
	[tilespmem:$0x13C80] =	vst v63  }
0xef: {  	_ =	swait.ge [sflag:s28], $0x2780  }
0xf0: {  	[sflag:s28] =	ssyncset.done $0x0  }
0xf1: {  	s13 =	sadd.s32 $0x27A0, s11;
	[sflag:s28] =	ssyncadd.s32 $0xFFFFD880  }
0xf2: {  	[hbm4b:s13+s17] =	stream.strided.scatter [tilespmem:s19], [sflag:$0xB], $0x2780, s16, s17, $0x38;
	[tilespmem:$0x13C80] =	vst v63  }
0xf3: {  	_ =	swait.ge [sflag:s29], $0x2780  }
0xf4: {  	[sflag:s29] =	ssyncset.done $0x0  }
0xf5: {  	s13 =	sadd.s32 $0x27B0, s11;
	[sflag:s29] =	ssyncadd.s32 $0xFFFFD880  }
0xf6: {  	[hbm4b:s13+s17] =	stream.strided.scatter [tilespmem:s20], [sflag:$0xC], $0x2780, s16, s17, $0x38;
	[tilespmem:$0x13C80] =	vst v63  }
0xf7: {  	_ =	swait.ge [sflag:s30], $0x2780  }
0xf8: {  	[sflag:s30] =	ssyncset.done $0x0  }
0xf9: {  	s13 =	sadd.s32 $0x27C0, s11;
	[sflag:s30] =	ssyncadd.s32 $0xFFFFD880  }
0xfa: {  	[hbm4b:s13+s17] =	stream.strided.scatter [tilespmem:s21], [sflag:$0xD], $0x2780, s16, s17, $0x38;
	[tilespmem:$0x13C80] =	vst v63  }
0xfb: {  	_ =	swait.ge [sflag:s31], $0x2780  }
0xfc: {  	[sflag:s31] =	ssyncset.done $0x0  }
0xfd: {  	s13 =	sadd.s32 $0x27D0, s11;
	[sflag:s31] =	ssyncadd.s32 $0xFFFFD880  }
0xfe: {  	[hbm4b:s13+s17] =	stream.strided.scatter [tilespmem:s22], [sflag:$0xE], $0x2780, s16, s17, $0x38;
	[tilespmem:$0x13C80] =	vst v63  }
0xff: {  	_ =	swait.ge [sflag:s1], $0x2780  }
0x100: {  	[sflag:s1] =	ssyncset.done $0x0  }
0x101: {  	s13 =	sadd.s32 $0x27E0, s11;
	[sflag:s1] =	ssyncadd.s32 $0xFFFFD880  }
0x102: {  	[hbm4b:s13+s17] =	stream.strided.scatter [tilespmem:s23], [sflag:$0xF], $0x2780, s16, s17, $0x38;
	[tilespmem:$0x13C80] =	vst v63  }
0x103: {  	_ =	swait.ge [sflag:s0], $0x2780  }
0x104: {  	[sflag:s0] =	ssyncset.done $0x0  }
.Ltmp2:
0x105: {  	s11 =	sadd.s32 $0x27F0, s11;
	[sflag:s0] =	ssyncadd.s32 $0xFFFFD880;
	(pc) =	sbr.rel @!p0 .LBB2_4-.Ltmp2, $4  }
0x106: {  	[hbm4b:s11+s17] =	stream.strided.scatter [tilespmem:s24], [sflag:$0x10], $0x2780, s16, s17, $0x38;
	[tilespmem:$0x13C80] =	vst v63  }
0x107: {  	v0 =	vld [tilespmem:s10+$0x10];
	_ =	swait.ge [sflag:s3], $0x2780  }
0x108: {  	[sflag:s3] =	ssyncset.done $0x0  }
0x109: {  	[sflag:s3] =	ssyncadd.s32 $0xFFFFD880  }
0x10a: {  	_ =	sdelay $0x1  }
0x10b: {  	(v2sf) =	vpush v0, $0x0;
	_ =	sdelay $0xe  }
0x10c: {  	s10 =	spop (v2sf)  }
0x10d: {  	s11 =	sshrl.u32 s10, $0x3  }
0x10e: {  	s10 =	sshll.u32 s10, $0x7;
	s11 =	smul.u32 $0x13C00, s11  }
0x10f: {  	s10 =	sand.u32 $0x380, s10  }
0x110: {  	s10 =	sor.u32 s10, s11  }
0x111: {  	s10 =	sshrl.u32 s10, $0x3  }
0x112: {  	s10 =	sadd.s32 s2, s10  }
0x113: {  	[tilespmem:s17], [sflag:$0x1] =	stream.strided.gather [hbm4b:s10+s17], $0x2780, s16, s17, $0x38;
	[tilespmem:$0x13C80] =	vst v63  }
0x114: {  	_ =	swait.ge [sflag:s6], $0x2780  }
0x115: {  	(v2sf) =	vpush v0, $0x1;
	_ =	sdelay $0xe  }
0x116: {  	s12 =	spop (v2sf)  }
0x117: {  	s13 =	sshrl.u32 s12, $0x3  }
0x118: {  	s10 =	sshll.u32 s12, $0x7;
	s11 =	smul.u32 $0x13C00, s13  }
0x119: {  	s10 =	sand.u32 $0x380, s10  }
0x11a: {  	s10 =	sor.u32 s10, s11  }
0x11b: {  	[sflag:s6] =	ssyncset.done $0x0;
	s10 =	sshrl.u32 s10, $0x3  }
0x11c: {  	[sflag:s6] =	ssyncadd.s32 $0xFFFFD880;
	s10 =	sadd.s32 s2, s10  }
0x11d: {  	[tilespmem:s18], [sflag:$0x2] =	stream.strided.gather [hbm4b:s10+s17], $0x2780, s16, s17, $0x38;
	[tilespmem:$0x13C80] =	vst v63  }
0x11e: {  	_ =	swait.ge [sflag:s14], $0x2780  }
0x11f: {  	(v2sf) =	vpush v0, $0x2;
	_ =	sdelay $0xe  }
0x120: {  	s12 =	spop (v2sf)  }
0x121: {  	s13 =	sshrl.u32 s12, $0x3  }
0x122: {  	s10 =	sshll.u32 s12, $0x7;
	s11 =	smul.u32 $0x13C00, s13  }
0x123: {  	s10 =	sand.u32 $0x380, s10  }
0x124: {  	s10 =	sor.u32 s10, s11  }
0x125: {  	[sflag:s14] =	ssyncset.done $0x0;
	s10 =	sshrl.u32 s10, $0x3  }
0x126: {  	[sflag:s14] =	ssyncadd.s32 $0xFFFFD880;
	s10 =	sadd.s32 s2, s10  }
0x127: {  	[tilespmem:s19], [sflag:$0x3] =	stream.strided.gather [hbm4b:s10+s17], $0x2780, s16, s17, $0x38;
	[tilespmem:$0x13C80] =	vst v63  }
0x128: {  	_ =	swait.ge [sflag:s15], $0x2780  }
0x129: {  	(v2sf) =	vpush v0, $0x3;
	_ =	sdelay $0xe  }
0x12a: {  	s12 =	spop (v2sf)  }
0x12b: {  	s13 =	sshrl.u32 s12, $0x3  }
0x12c: {  	s10 =	sshll.u32 s12, $0x7;
	s11 =	smul.u32 $0x13C00, s13  }
0x12d: {  	s10 =	sand.u32 $0x380, s10  }
0x12e: {  	s10 =	sor.u32 s10, s11  }
0x12f: {  	[sflag:s15] =	ssyncset.done $0x0;
	s10 =	sshrl.u32 s10, $0x3  }
0x130: {  	[sflag:s15] =	ssyncadd.s32 $0xFFFFD880;
	s10 =	sadd.s32 s2, s10  }
0x131: {  	[tilespmem:s20], [sflag:$0x4] =	stream.strided.gather [hbm4b:s10+s17], $0x2780, s16, s17, $0x38;
	[tilespmem:$0x13C80] =	vst v63  }
0x132: {  	_ =	swait.ge [sflag:s4], $0x2780  }
0x133: {  	(v2sf) =	vpush v0, $0x4;
	_ =	sdelay $0xe  }
0x134: {  	s12 =	spop (v2sf)  }
0x135: {  	s13 =	sshrl.u32 s12, $0x3  }
0x136: {  	s10 =	sshll.u32 s12, $0x7;
	s11 =	smul.u32 $0x13C00, s13  }
0x137: {  	s10 =	sand.u32 $0x380, s10  }
0x138: {  	s10 =	sor.u32 s10, s11  }
0x139: {  	[sflag:s4] =	ssyncset.done $0x0;
	s10 =	sshrl.u32 s10, $0x3  }
0x13a: {  	[sflag:s4] =	ssyncadd.s32 $0xFFFFD880;
	s10 =	sadd.s32 s2, s10  }
0x13b: {  	[tilespmem:s21], [sflag:$0x5] =	stream.strided.gather [hbm4b:s10+s17], $0x2780, s16, s17, $0x38;
	[tilespmem:$0x13C80] =	vst v63  }
0x13c: {  	_ =	swait.ge [sflag:s7], $0x2780  }
0x13d: {  	(v2sf) =	vpush v0, $0x5;
	_ =	sdelay $0xe  }
0x13e: {  	s12 =	spop (v2sf)  }
0x13f: {  	s13 =	sshrl.u32 s12, $0x3  }
0x140: {  	s10 =	sshll.u32 s12, $0x7;
	s11 =	smul.u32 $0x13C00, s13  }
0x141: {  	s10 =	sand.u32 $0x380, s10  }
0x142: {  	s10 =	sor.u32 s10, s11  }
0x143: {  	[sflag:s7] =	ssyncset.done $0x0;
	s10 =	sshrl.u32 s10, $0x3  }
0x144: {  	[sflag:s7] =	ssyncadd.s32 $0xFFFFD880;
	s10 =	sadd.s32 s2, s10  }
0x145: {  	[tilespmem:s22], [sflag:$0x6] =	stream.strided.gather [hbm4b:s10+s17], $0x2780, s16, s17, $0x38;
	[tilespmem:$0x13C80] =	vst v63  }
0x146: {  	_ =	swait.ge [sflag:s8], $0x2780  }
0x147: {  	(v2sf) =	vpush v0, $0x6;
	_ =	sdelay $0xe  }
0x148: {  	s12 =	spop (v2sf)  }
0x149: {  	s13 =	sshrl.u32 s12, $0x3  }
0x14a: {  	s10 =	sshll.u32 s12, $0x7;
	s11 =	smul.u32 $0x13C00, s13  }
0x14b: {  	s10 =	sand.u32 $0x380, s10  }
0x14c: {  	s10 =	sor.u32 s10, s11  }
0x14d: {  	[sflag:s8] =	ssyncset.done $0x0;
	s10 =	sshrl.u32 s10, $0x3  }
0x14e: {  	[sflag:s8] =	ssyncadd.s32 $0xFFFFD880;
	s10 =	sadd.s32 s2, s10  }
0x14f: {  	[tilespmem:s23], [sflag:$0x7] =	stream.strided.gather [hbm4b:s10+s17], $0x2780, s16, s17, $0x38;
	[tilespmem:$0x13C80] =	vst v63  }
.Ltmp3:
0x150: {  	_ = 	snop;
	(pc) =	sbr.rel .LBB2_2-.Ltmp3, $4  }
0x151: {  	s10 =	simm.s32 $0x10  }
0x152: {  	_ =	swait.ge [sflag:s10], $0x2780  }
0x153: {  	[sflag:s10] =	ssyncset.done $0x0  }
0x154: {  	p0 =	por $0x0, $0x0;
	[sflag:s10] =	ssyncadd.s32 $0xFFFFD880  }
.LBB2_5:
0x155: {  	_ =	sfence.sel $0x180000  }
0x156: {  	[bflag:$0x0] =	sbarrier.arrive $0xFFFF  }
0x157: {  	_ =	strace $0x9000004D  }
0x158: {  	s0 =	stileid.u32;
	[bflag:$0x2] =	sbarrier.arrive $0xFFFF  }
0x159: {  	p0 =	sne.s32 s0, $0x0;
	s0 =	rddreg [dreg:$0x2]  }
0x15a: {  	s0 =	sadd.s32 @!p0 $0x100000, s0  }
0x15b: {  	[sflag:s0] =	ssyncadd.tile.s32 @!p0 $0x1;
	_ =	shalt  }
.Lfunc_end2:
_tile_overlayer_lowered:
.L_overlay_start_2:
0x15c: {  	(tag) =	ssettag $0x2  }
0x15d: {  	s0 =	rddreg [dreg:$0x0];
	s2 =	stileid.u32  }
0x15e: {  	s1 =	rddreg [dreg:$0x1];
	p0 =	sne.s32 s2, $0x0  }
0x15f: {  	s3 =	rddreg [dreg:$0x2];
	[bflag:$0x3] =	sbarrier.arrive $0xFFFF;
	s2 =	simm.s32 @!p0 $0x1C11  }
0x160: {  	[timem:s3], [sflag:s2] =	dma.local @!p0 [hbm:s0], s1  }
0x161: {  	s0 =	simm.s32 @!p0 $0x11  }
0x162: {  	_ =	swait.ge @!p0 [sflag:s0], s1  }
0x163: {  	s1 =	ssub.s32 @!p0 $0x0, s1;
	[sflag:s0] =	ssyncset.done @!p0 $0x0  }
0x164: {  	[sflag:s0] =	ssyncadd.s32 @!p0 s1  }
0x165: {  	[bflag:$0x3] =	sbarrier.arrive $0xFFFF  }
0x166: {  	_ =	shalt  }

// kernel: kernel.19.cloned.1.call-start
scs
__scs_entry_jumppad:
0x0: {  	(pc) =	sbr.rel $0x88, $3  }
0x1: {  	(tag) =	ssettag $0x0;
	lr =	simm.s32 $0x1  }
0x2: {  	[smem:$0x3F9F] =	sst lr;
	_ =	strace $0xD0000000  }
0x3: {  	_ = 	snop  }
0x4: {  	_ = 	snop  }
0x5: {  	_ = 	snop  }
0x6: {  	_ = 	snop  }
0x7: {  	_ = 	snop  }
__scs_overlays_trampoline_lowered:
0x8: {  	[smem:$0x3FAE] =	sst s0  }
0x9: {  	[smem:$0x3FAF] =	sst s1  }
0xa: {  	[smem:$0x3FB0] =	sst s2  }
0xb: {  	[smem:$0x3FB1] =	sst s3  }
0xc: {  	[smem:$0x3FB2] =	sst s4  }
0xd: {  	[smem:$0x3FB3] =	sst s5  }
0xe: {  	[smem:$0x3FB4] =	sst s6  }
0xf: {  	[smem:$0x3FB5] =	sst s7  }
0x10: {  	[smem:$0x3FB6] =	sst s8  }
0x11: {  	[smem:$0x3FB7] =	sst s9;
	s0 =	simm.s32 @!p0 $0x0  }
0x12: {  	s1 =	sld [smem:$0x3F9D];
	s0 =	simm.s32 @p0 $0x1  }
0x13: {  	[smem:$0x3FB8] =	sst s0;
	s0 =	simm.s32 @!p1 $0x0  }
0x14: {  	s2 =	sld [smem:$0x3F9C];
	s0 =	simm.s32 @p1 $0x1  }
0x15: {  	[smem:$0x3FB9] =	sst s0;
	s0 =	simm.s32 @!p2 $0x0  }
0x16: {  	s3 =	sld [smem:$0x3FDB];
	s0 =	simm.s32 @p2 $0x1  }
0x17: {  	s4 =	simm.s32 $0x1BF5;
	[smem:$0x3FBB] =	sst s0  }
0x18: {  	s0 =	sld [smem:$0x3F9E];
	_ =	swait.ge [sflag:s4], $0x0  }
0x19: {  	s7 =	sld [smem:$0x3F9F]  }
0x1a: {  	s8 =	sadd.s32 $0xFFFFE003, lr  }
0x1b: {  	s9 =	sadd.s32 $0xFFFFFEF7, lr;
	s5 =	simm.s32 $0xFFFFFFFF;
	p2 =	slt.u32 s8, $0xFFFFF086  }
0x1c: {  	p1 =	slt.u32 s9, $0xF7A;
	s5 =	simm.s32 @!p2 $0x0  }
0x1d: {  	s5 =	simm.s32 @p1 $0x1;
	p0 =	seq.s32 s7, s2  }
0x1e: {  	s7 =	smul.u32 @!p0 $0xF7A, s2;
	p2 =	seq.s32 @!p0 s5, $0x0  }
0x1f: {  	s9 =	smul.u32 $0xF7A, s1;
	s8 =	simm.s32 @!p0 $0x1BF5;
	p2 =	por !p2, p0  }
0x20: {  	[sflag:s8] =	ssyncset.s32 @!p0 $0xFFFFF086;
	s6 =	sadd.s32 @!p0 s3, s7;
	s7 =	simm.s32 @!p0 $0x108  }
0x21: {  	s3 =	sadd.s32 s3, s9;
	s6 =	sadd.s32 @!p0 $0x88, s6;
	s7 =	simm.s32 @p2 $0x1082  }
0x22: {  	[simem:s7], [sflag:s8] =	dma.local @!p0 [hbm:s6], $0xF7A  }
0x23: {  	s9 =	sor.u32 $0xD0000000, s2;
	s6 =	simm.s32 $0x108;
	_ =	swait.ge @!p0 [sflag:s8], $0x0  }
0x24: {  	s3 =	sadd.s32 $0x88, s3;
	s6 =	simm.s32 @!p1 $0x1082;
	[sflag:s4] =	ssyncset.s32 $0xFFFFF086  }
0x25: {  	[simem:s6], [sflag:s4] =	dma.local [hbm:s3], $0xF7A  }
0x26: {  	[smem:$0x3F9F] =	sst s1;
	(tag) =	ssettag s2;
	_ =	strace s9  }
0x27: {  	s1 =	sld [smem:$0x3FAF]  }
0x28: {  	s2 =	sld [smem:$0x3FB0]  }
0x29: {  	s4 =	sld [smem:$0x3FB2]  }
0x2a: {  	p0 =	seq.s32 s5, $0x0;
	s5 =	sld [smem:$0x3FB3]  }
0x2b: {  	s6 =	sld [smem:$0x3FB4]  }
0x2c: {  	s7 =	sld [smem:$0x3FB5]  }
0x2d: {  	s3 =	simm.s32 $0x108;
	s8 =	sld [smem:$0x3FB6]  }
0x2e: {  	s3 =	simm.s32 @!p0 $0x1082;
	s9 =	sld [smem:$0x3FB7]  }
0x2f: {  	lr =	sadd.s32 s0, s3;
	s0 =	sld [smem:$0x3FAE]  }
0x30: {  	s3 =	sld [smem:$0x3FB1]  }
0x31: {  	[smem:$0x3FBA] =	sst s10  }
0x32: {  	s10 =	sld [smem:$0x3FB8];
	_ =	sdelay $0x3  }
0x33: {  	p0 =	seq.s32 s10, $0x1;
	s10 =	sld [smem:$0x3FBA];
	_ =	sdelay $0x3  }
0x34: {  	[smem:$0x3FBA] =	sst s10  }
0x35: {  	s10 =	sld [smem:$0x3FB9];
	_ =	sdelay $0x3  }
0x36: {  	p1 =	seq.s32 s10, $0x1;
	s10 =	sld [smem:$0x3FBA];
	_ =	sdelay $0x3  }
0x37: {  	[smem:$0x3FBA] =	sst s10  }
0x38: {  	s10 =	sld [smem:$0x3FBB]  }
0x39: {  	_ = 	snop;
	(pc) =	sbr.ind lr, $3  }
0x3a: {  	_ = 	snop  }
0x3b: {  	_ = 	snop  }
0x3c: {  	p2 =	seq.s32 s10, $0x1;
	s10 =	sld [smem:$0x3FBA]  }
0x3d: {  	_ =	shalt  }
0x3e: {  	_ =	shalt  }
0x3f: {  	_ =	shalt  }
0x40: {  	_ =	shalt  }
0x41: {  	_ =	shalt  }
0x42: {  	_ =	shalt  }
0x43: {  	_ =	shalt  }
0x44: {  	_ =	shalt  }
0x45: {  	_ =	shalt  }
0x46: {  	_ =	shalt  }
0x47: {  	_ =	shalt  }
0x48: {  	_ =	shalt  }
0x49: {  	_ =	shalt  }
0x4a: {  	_ =	shalt  }
0x4b: {  	_ =	shalt  }
0x4c: {  	_ =	shalt  }
0x4d: {  	_ =	shalt  }
0x4e: {  	_ =	shalt  }
0x4f: {  	_ =	shalt  }
0x50: {  	_ =	shalt  }
0x51: {  	_ =	shalt  }
0x52: {  	_ =	shalt  }
0x53: {  	_ =	shalt  }
0x54: {  	_ =	shalt  }
0x55: {  	_ =	shalt  }
0x56: {  	_ =	shalt  }
0x57: {  	_ =	shalt  }
0x58: {  	_ =	shalt  }
0x59: {  	_ =	shalt  }
0x5a: {  	_ =	shalt  }
0x5b: {  	_ =	shalt  }
0x5c: {  	_ =	shalt  }
0x5d: {  	_ =	shalt  }
0x5e: {  	_ =	shalt  }
0x5f: {  	_ =	shalt  }
0x60: {  	_ =	shalt  }
0x61: {  	_ =	shalt  }
0x62: {  	_ =	shalt  }
0x63: {  	_ =	shalt  }
0x64: {  	_ =	shalt  }
0x65: {  	_ =	shalt  }
0x66: {  	_ =	shalt  }
0x67: {  	_ =	shalt  }
0x68: {  	_ =	shalt  }
0x69: {  	_ =	shalt  }
0x6a: {  	_ =	shalt  }
0x6b: {  	_ =	shalt  }
0x6c: {  	_ =	shalt  }
0x6d: {  	_ =	shalt  }
0x6e: {  	_ =	shalt  }
0x6f: {  	_ =	shalt  }
0x70: {  	_ =	shalt  }
0x71: {  	_ =	shalt  }
0x72: {  	_ =	shalt  }
0x73: {  	_ =	shalt  }
0x74: {  	_ =	shalt  }
0x75: {  	_ =	shalt  }
0x76: {  	_ =	shalt  }
0x77: {  	_ =	shalt  }
0x78: {  	_ =	shalt  }
0x79: {  	_ =	shalt  }
0x7a: {  	_ =	shalt  }
0x7b: {  	_ =	shalt  }
0x7c: {  	_ =	shalt  }
0x7d: {  	_ =	shalt  }
0x7e: {  	_ =	shalt  }
0x7f: {  	_ =	shalt  }
0x80: {  	_ =	shalt  }
0x81: {  	_ =	shalt  }
0x82: {  	_ =	shalt  }
0x83: {  	_ =	shalt  }
0x84: {  	_ =	shalt  }
0x85: {  	_ =	shalt  }
0x86: {  	_ =	shalt  }
0x87: {  	_ =	shalt  }
.Lfunc_end0:
.L_simem_size_0:
called_computation.3_lowered:
.L_overlay_start_0:
0x88: {  	s2 =	sld [smem:$0x3FD9]  }
0x89: {  	s3 =	sld [smem:$0x3FFE];
	_ =	sdelay $0x1  }
0x8a: {  	s1 =	srdreg.scid  }
0x8b: {  	s0 =	sand.u32 $0x1, s1  }
0x8c: {  	s17 =	sshll.u32 s0, $0xA;
	s2 =	sadd.s32 s3, s2  }
0x8d: {  	s2 =	sadd.s32 s2, s17  }
0x8e: {  	[smem:$0x3FC6] =	sst s2  }
0x8f: {  	_ = 	snop  }
0x90: {  	s18 =	sld [smem:$0x3FC8];
	(tm) =	ssettm $0x1  }
0x91: {  	s19 =	sld [smem:$0x3FFB];
	_ =	sdelay $0x3  }
0x92: {  	_ =	strace s19  }
0x93: {  	s2 =	sld [smem:$0x3FFC];
	_ =	sdelay $0x3  }
0x94: {  	_ =	strace s2  }
0x95: {  	s2 =	sld [smem:$0x3FFD];
	_ =	sdelay $0x3  }
0x96: {  	_ =	strace s2  }
0x97: {  	_ =	strace $0x8FFFFFFF  }
0x98: {  	s20 =	sld [smem:$0x3FDB];
	_ =	sdelay $0x1  }
0x99: {  	s4 =	simm.s32 $_scs_section_size  }
0x9a: {  	s5 =	simm.s32 $_size__tile_overlayer_lowered;
	s6 =	simm.s32 $_tile_overlayer_lowered  }
0x9b: {  	s7 =	simm.s32 $0x1BFF;
	s21 =	sshll.u32 s6, $0x1;
	s4 =	sadd.s32 s4, s20  }
0x9c: {  	s22 =	simm.s32 $0x0;
	s5 =	sshll.u32 s5, $0x1;
	s6 =	sadd.s32 s21, s4  }
0x9d: {  	[timem:s22], [sflag:s7] =	dma.local [hbm:s6], s5  }
0x9e: {  	_ =	swait.ge [sflag:s7], s5  }
0x9f: {  	s5 =	ssub.s32 $0x0, s5;
	[sflag:s7] =	ssyncset.done $0x0  }
0xa0: {  	[sflag:s7] =	ssyncadd.s32 s5;
	_ =	sdelay $0x1  }
0xa1: {  	s23 =	simm.s32 $0x1B8B  }
0xa2: {  	_ =	swait.ge [sflag:s23], $0x1  }
0xa3: {  	[sflag:s23] =	ssyncset.done $0x0  }
0xa4: {  	[sflag:s23] =	ssyncadd.s32 $0xFFFFFFFF  }
0xa5: {  	s5 =	sld [smem:$0x0]  }
0xa6: {  	s6 =	sand.u32 $0xFFFFFFFE, s1  }
0xa7: {  	p0 =	sne.s32 s1, s6  }
0xa8: {  	s6 =	sshll.u32 @p0 s6, $0xE  }
0xa9: {  	s6 =	sadd.s32 @p0 $0x11B8D, s6;
	s7 =	sshll.u32 @p0 s5, $0x11  }
0xaa: {  	s6 =	sor.u32 @p0 s7, s6  }
0xab: {  	[sflag:s6] =	ssyncadd.remote.s32 @p0 $0x1;
	_ =	sdelay $0x1  }
0xac: {  	s6 =	simm.s32 @p0 $0x1B8D  }
0xad: {  	_ =	swait.eq @p0 [sflag:s6], $0x1  }
0xae: {  	[sflag:s6] =	ssyncadd.s32 @p0 $0xFFFFFFFF  }
0xaf: {  	s7 =	sshll.u32 @!p0 s1, $0xE  }
0xb0: {  	s7 =	sor.u32 @!p0 $0x4000, s7;
	s6 =	simm.s32 @!p0 $0x1B8D  }
0xb1: {  	s5 =	sshll.u32 @!p0 s5, $0x11;
	s7 =	sadd.s32 @!p0 $0x11B8D, s7;
	_ =	swait.eq @!p0 [sflag:s6], $0x1  }
0xb2: {  	s5 =	sor.u32 @!p0 s5, s7;
	[sflag:s6] =	ssyncadd.s32 @!p0 $0xFFFFFFFF  }
0xb3: {  	s25 =	simm.s32 $0x1B8E;
	s24 =	sld [smem:$0x3FFE];
	[sflag:s5] =	ssyncadd.remote.s32 @!p0 $0x1  }
0xb4: {  	s26 =	simm.s32 $execute0_lowered;
	[smem:$0x3FD2] =	sst s25  }
0xb5: {  	s6 =	sshll.u32 s26, $0x1;
	_ =	strace $0x8000004F;
	[dreg:$0x1] =	wrdreg $0xFFFFFFFF  }
0xb6: {  	s28 =	simm.s32 $_size_execute0_lowered;
	s4 =	sadd.s32 s4, s6;
	[dreg:$0x0] =	wrdreg $0x0  }
0xb7: {  	s6 =	sshll.u32 s28, $0x1;
	[dreg:$0x2] =	wrdreg s4  }
0xb8: {  	[dreg:$0x3] =	wrdreg s6  }
0xb9: {  	[dreg:$0x4] =	wrdreg $0xC0  }
0xba: {  	_ =	task [dreg:s22], $0x5FFFF  }
0xbb: {  	[dreg:$0x1] =	wrdreg $0xFFFFFFFF  }
0xbc: {  	[dreg:$0x0] =	wrdreg $0x60  }
0xbd: {  	[dreg:$0x2] =	wrdreg s24  }
0xbe: {  	[dreg:$0x3] =	wrdreg s18  }
0xbf: {  	[dreg:$0x4] =	wrdreg $0xC  }
0xc0: {  	_ =	task.clear_ibuf [dreg:s22], $0x5FFFF;
	_ =	strace $0x9000004F  }
0xc1: {  	s29 =	simm.s32 $0xC;
	_ =	strace $0x80000051  }
0xc2: {  	_ =	swait.ge [sflag:s29], $0x1  }
0xc3: {  	[sflag:s29] =	ssyncadd.s32 $0xFFFFFFFF  }
0xc4: {  	_ =	strace $0x90000051  }
0xc5: {  	_ =	sfence  }
0xc6: {  	s30 =	sld [smem:$0x0];
	_ =	sdelay $0x2  }
0xc7: {  	s31 =	sshll.u32 s1, $0xD;
	s1 =	sshrl.u32 s1, $0x2  }
0xc8: {  	s4 =	sand.u32 $0x4000, s31;
	s1 =	sadd.s32 s1, s30  }
0xc9: {  	s0 =	sor.u32 s4, s0;
	s1 =	sshll.u32 s1, $0x11  }
0xca: {  	s0 =	sor.u32 s1, s0  }
0xcb: {  	s0 =	sadd.s32 $0x8F2B, s0  }
0xcc: {  	[sflag:s0] =	ssyncadd.remote.s32 $0x1  }
0xcd: {  	_ =	sfence.sel $0xFFFF  }
0xce: {  	[dreg:$0x0] =	wrdreg $0xFFFFFFFF;
	(pc) =	sbr.abs _section_cstart, $3  }
0xcf: {  	[dreg:$0x1] =	wrdreg $0xFFFFFFFF  }
0xd0: {  	_ =	task.clear_ibuf [dreg:s22], $0x2FFFF;
	_ =	strace $0x9FFFFFFF  }
0xd1: {  	(tm) =	ssettm $0x7FFFFFFF  }
tec
execute0_lowered:
.L_overlay_start_1:
0x0: {  	(tag) =	ssettag $0x1  }
0x1: {  	s0 =	srdreg.scid  }
0x2: {  	s1 =	rddreg [dreg:$0x0];
	s3 =	stileid.u32  }
0x3: {  	s2 =	rddreg [dreg:$0x1];
	s5 =	simm.s32 $0x0;
	s16 =	simm.s32 $0x400  }
0x4: {  	s17 =	simm.s32 $0x80;
	s18 =	simm.s32 $0x2800;
	s19 =	simm.s32 $0x4F80  }
0x5: {  	s28 =	simm.s32 $0x3;
	s29 =	simm.s32 $0x4;
	s30 =	simm.s32 $0x5  }
0x6: {  	s31 =	simm.s32 $0x6;
	s6 =	simm.s32 $0xA;
	s14 =	simm.s32 $0xB  }
0x7: {  	s15 =	simm.s32 $0xC;
	s7 =	simm.s32 $0xE;
	s8 =	simm.s32 $0xF  }
0x8: {  	s9 =	simm.s32 $0x10;
	s11 =	simm.s32 $0x0;
	s0 =	sand.u32 $0x1, s0  }
0x9: {  	s3 =	sshll.u32 s3, $0x6;
	[smem:$0x7FF] =	sst s5;
	s4 =	sshll.u32 s0, $0x5  }
0xa: {  	s5 =	sadd.s32 $0x3B5800, s1;
	s20 =	sadd.s32 $0x3B5810, s1;
	s3 =	sor.u32 s4, s3  }
0xb: {  	s22 =	sadd.s32 $0x3B5820, s1;
	s23 =	sadd.s32 $0x3B5830, s1;
	[dreg:$0x3] =	wrdreg s3  }
0xc: {  	s24 =	sadd.s32 $0x3B5840, s1;
	_ =	strace $0x80000050;
	[dreg:$0x5] =	wrdreg s20  }
0xd: {  	s25 =	sadd.s32 $0x3B5850, s1;
	s0 =	ssub.s32 $0x2, s0;
	[dreg:$0x6] =	wrdreg s22  }
0xe: {  	s26 =	sadd.s32 $0x3B5860, s1;
	s21 =	sshrl.u32 s0, $0x1;
	[dreg:$0x7] =	wrdreg s23  }
0xf: {  	s4 =	simm.s32 $0xD;
	s3 =	sshrl.u32 s3, $0x3;
	[dreg:$0x8] =	wrdreg s24  }
0x10: {  	s0 =	ssub.s32 s0, s21;
	s21 =	simm.s32 $0x9E80;
	[dreg:$0x9] =	wrdreg s25  }
0x11: {  	s3 =	sadd.s32 s3, s1;
	[dreg:$0xa] =	wrdreg s26;
	s1 =	sadd.s32 $0x3B5870, s1  }
.Ltmp0:
0x12: {  	s0 =	smax.u32 s0, $0x1;
	s20 =	simm.s32 $0x7700;
	(pc) =	sbr.rel .LBB2_1-.Ltmp0, $4  }
0x13: {  	s22 =	simm.s32 $0xC600;
	s23 =	simm.s32 $0xED80;
	s24 =	simm.s32 $0x11500  }
0x14: {  	s25 =	simm.s32 $0x1;
	s26 =	simm.s32 $0x2;
	[dreg:$0xb] =	wrdreg s1  }
0x15: {  	s3 =	sadd.s32 $0x13D600, s3;
	[dreg:$0xc] =	wrdreg s0;
	s1 =	simm.s32 $0x7  }
0x16: {  	s0 =	simm.s32 $0x8;
	[dreg:$0x4] =	wrdreg s3;
	s3 =	simm.s32 $0x9  }
.LBB2_4:
0x17: {  	_ =	swait.ge [sflag:s6], $0x2780  }
0x18: {  	[sflag:s6] =	ssyncset.done $0x0  }
0x19: {  	[sflag:s6] =	ssyncadd.s32 $0xFFFFD880  }
0x1a: {  	_ =	swait.ge [sflag:s14], $0x2780  }
0x1b: {  	[sflag:s14] =	ssyncset.done $0x0  }
0x1c: {  	[sflag:s14] =	ssyncadd.s32 $0xFFFFD880  }
0x1d: {  	_ =	swait.ge [sflag:s15], $0x2780  }
0x1e: {  	[sflag:s15] =	ssyncset.done $0x0  }
0x1f: {  	[sflag:s15] =	ssyncadd.s32 $0xFFFFD880  }
0x20: {  	_ =	swait.ge [sflag:s4], $0x2780  }
0x21: {  	[sflag:s4] =	ssyncset.done $0x0  }
0x22: {  	[sflag:s4] =	ssyncadd.s32 $0xFFFFD880  }
0x23: {  	_ =	swait.ge [sflag:s7], $0x2780  }
0x24: {  	[sflag:s7] =	ssyncset.done $0x0  }
0x25: {  	[sflag:s7] =	ssyncadd.s32 $0xFFFFD880  }
0x26: {  	_ =	swait.ge [sflag:s8], $0x2780  }
0x27: {  	[sflag:s8] =	ssyncset.done $0x0  }
0x28: {  	[sflag:s8] =	ssyncadd.s32 $0xFFFFD880  }
0x29: {  	_ =	swait.ge [sflag:s9], $0x2780  }
0x2a: {  	s11 =	rddreg [dreg:$0xd]  }
0x2b: {  	s10 =	rddreg [dreg:$0xc];
	s11 =	sadd.s32 $0x1, s11  }
0x2c: {  	p0 =	sne.s32 s11, s10  }
.Ltmp1:
0x2d: {  	_ = 	snop;
	(pc) =	sbr.rel @!p0 .LBB2_5-.Ltmp1, $3  }
0x2e: {  	_ =	sdelay $0x1  }
0x2f: {  	[sflag:s9] =	ssyncset.done $0x0  }
0x30: {  	[sflag:s9] =	ssyncadd.s32 $0xFFFFD880  }
.LBB2_1:
0x31: {  	[dreg:$0xd] =	wrdreg s11  }
0x32: {  	s10 =	simm.s32 $0x0;
	s13 =	rddreg [dreg:$0x4];
	s11 =	simm.s32 $0x11  }
0x33: {  	[tilespmem:s10], [sflag:$0x11] =	stream.linear.gather [hbm4b:s13+s10], $0x20, $0x38;
	[tilespmem:$0x13C80] =	vst v63  }
0x34: {  	_ =	swait.ge [sflag:s11], $0x20  }
0x35: {  	[sflag:s11] =	ssyncset.done $0x0  }
0x36: {  	[sflag:s11] =	ssyncadd.s32 $0xFFFFFFE0  }
0x37: {  	v0 =	vld [tilespmem:$0x0];
	_ =	sdelay $0x4  }
0x38: {  	(v2sf) =	vpush v0, $0x0;
	_ =	sdelay $0x5  }
0x39: {  	(v2sf) =	vpush v0, $0x1;
	_ =	sdelay $0x8  }
0x3a: {  	s12 =	spop (v2sf);
	(v2sf) =	vpush v0, $0x2;
	_ =	sdelay $0x5  }
0x3b: {  	s13 =	sshrl.u32 s12, $0x3;
	s10 =	sshll.u32 s12, $0x7;
	s12 =	spop (v2sf);
	(v2sf) =	vpush v0, $0x3  }
0x3c: {  	s11 =	smul.u32 $0x13C00, s13  }
0x3d: {  	s10 =	sand.u32 $0x380, s10  }
0x3e: {  	s10 =	sor.u32 s10, s11  }
0x3f: {  	s10 =	sshrl.u32 s10, $0x3  }
0x40: {  	s13 =	sshrl.u32 s12, $0x3;
	s10 =	sadd.s32 s2, s10  }
0x41: {  	[tilespmem:s17], [sflag:$0x1] =	stream.strided.gather [hbm4b:s10+s17], $0x2780, s16, s17, $0x38;
	[tilespmem:$0x13C80] =	vst v63  }
0x42: {  	s11 =	sshll.u32 s12, $0x7;
	s10 =	smul.u32 $0x13C00, s13  }
0x43: {  	s11 =	sand.u32 $0x380, s11  }
0x44: {  	s10 =	sor.u32 s11, s10;
	s12 =	spop (v2sf);
	(v2sf) =	vpush v0, $0x4  }
0x45: {  	s10 =	sshrl.u32 s10, $0x3  }
0x46: {  	s10 =	sadd.s32 s2, s10  }
0x47: {  	[tilespmem:s18], [sflag:$0x2] =	stream.strided.gather [hbm4b:s10+s17], $0x2780, s16, s17, $0x38;
	[tilespmem:$0x13C80] =	vst v63  }
0x48: {  	s13 =	sshrl.u32 s12, $0x3  }
0x49: {  	s10 =	sshll.u32 s12, $0x7;
	s11 =	smul.u32 $0x13C00, s13  }
0x4a: {  	s12 =	spop (v2sf);
	(v2sf) =	vpush v0, $0x5;
	s10 =	sand.u32 $0x380, s10  }
0x4b: {  	s10 =	sor.u32 s10, s11  }
0x4c: {  	s10 =	sshrl.u32 s10, $0x3  }
0x4d: {  	s13 =	sshrl.u32 s12, $0x3;
	s10 =	sadd.s32 s2, s10  }
0x4e: {  	[tilespmem:s19], [sflag:$0x3] =	stream.strided.gather [hbm4b:s10+s17], $0x2780, s16, s17, $0x38;
	[tilespmem:$0x13C80] =	vst v63  }
0x4f: {  	s11 =	sshll.u32 s12, $0x7;
	s10 =	smul.u32 $0x13C00, s13  }
0x50: {  	s11 =	sand.u32 $0x380, s11  }
0x51: {  	s10 =	sor.u32 s11, s10  }
0x52: {  	s10 =	sshrl.u32 s10, $0x3  }
0x53: {  	s10 =	sadd.s32 s2, s10;
	s12 =	spop (v2sf);
	(v2sf) =	vpush v0, $0x6  }
0x54: {  	[tilespmem:s20], [sflag:$0x4] =	stream.strided.gather [hbm4b:s10+s17], $0x2780, s16, s17, $0x38;
	[tilespmem:$0x13C80] =	vst v63  }
0x55: {  	s13 =	sshrl.u32 s12, $0x3  }
0x56: {  	s10 =	sshll.u32 s12, $0x7;
	s11 =	smul.u32 $0x13C00, s13  }
0x57: {  	s10 =	sand.u32 $0x380, s10  }
0x58: {  	s10 =	sor.u32 s10, s11  }
0x59: {  	s12 =	spop (v2sf);
	s10 =	sshrl.u32 s10, $0x3  }
0x5a: {  	s13 =	sshrl.u32 s12, $0x3;
	s10 =	sadd.s32 s2, s10  }
0x5b: {  	[tilespmem:s21], [sflag:$0x5] =	stream.strided.gather [hbm4b:s10+s17], $0x2780, s16, s17, $0x38;
	[tilespmem:$0x13C80] =	vst v63  }
0x5c: {  	s11 =	sshll.u32 s12, $0x7;
	s10 =	smul.u32 $0x13C00, s13  }
0x5d: {  	s11 =	sand.u32 $0x380, s11  }
0x5e: {  	s10 =	sor.u32 s11, s10  }
0x5f: {  	s10 =	sshrl.u32 s10, $0x3  }
0x60: {  	s10 =	sadd.s32 s2, s10  }
0x61: {  	[tilespmem:s22], [sflag:$0x6] =	stream.strided.gather [hbm4b:s10+s17], $0x2780, s16, s17, $0x38;
	[tilespmem:$0x13C80] =	vst v63  }
0x62: {  	s12 =	spop (v2sf)  }
0x63: {  	s13 =	sshrl.u32 s12, $0x3  }
0x64: {  	s10 =	sshll.u32 s12, $0x7;
	s11 =	smul.u32 $0x13C00, s13  }
0x65: {  	s10 =	sand.u32 $0x380, s10  }
0x66: {  	s10 =	sor.u32 s10, s11  }
0x67: {  	s10 =	sshrl.u32 s10, $0x3  }
0x68: {  	s10 =	sadd.s32 s2, s10  }
0x69: {  	[tilespmem:s23], [sflag:$0x7] =	stream.strided.gather [hbm4b:s10+s17], $0x2780, s16, s17, $0x38;
	[tilespmem:$0x13C80] =	vst v63  }
0x6a: {  	p0 =	por $0x1, $0x1;
	s10 =	simm.s32 $0x0  }
.LBB2_2:
0x6b: {  	_ =	sdelay $0x1  }
0x6c: {  	(v2sf) =	vpush v0, $0x7;
	_ =	sdelay $0xe  }
0x6d: {  	s11 =	spop (v2sf)  }
0x6e: {  	s12 =	sshrl.u32 s11, $0x3  }
0x6f: {  	s11 =	sshll.u32 s11, $0x7;
	s12 =	smul.u32 $0x13C00, s12  }
0x70: {  	s11 =	sand.u32 $0x380, s11  }
0x71: {  	s11 =	sor.u32 s11, s12  }
0x72: {  	s11 =	sshrl.u32 s11, $0x3  }
0x73: {  	s12 =	rddreg [dreg:$0x3];
	s11 =	sadd.s32 s2, s11  }
0x74: {  	[tilespmem:s24], [sflag:$0x8] =	stream.strided.gather [hbm4b:s11+s17], $0x2780, s16, s17, $0x38;
	[tilespmem:$0x13C80] =	vst v63  }
0x75: {  	s11 =	sor.u32 s12, s10  }
0x76: {  	s11 =	sshrl.u32 s11, $0x3  }
0x77: {  	v0 =	vld [tilespmem:s10+$0x0];
	_ =	swait.ge [sflag:s25], $0x2780;
	s12 =	smul.u32 $0x2780, s11  }
0x78: {  	[sflag:s25] =	ssyncset.done $0x0  }
0x79: {  	[sflag:s25] =	ssyncadd.s32 $0xFFFFD880;
	s13 =	sadd.s32 s5, s12  }
0x7a: {  	[hbm4b:s13+s17] =	stream.strided.scatter [tilespmem:s17], [sflag:$0x9], $0x2780, s16, s17, $0x38;
	[tilespmem:$0x13C80] =	vst v63  }
0x7b: {  	_ =	swait.ge [sflag:s26], $0x2780  }
0x7c: {  	[sflag:s26] =	ssyncset.done $0x0;
	s13 =	rddreg [dreg:$0x5]  }
0x7d: {  	[sflag:s26] =	ssyncadd.s32 $0xFFFFD880;
	s13 =	sadd.s32 s12, s13  }
0x7e: {  	[hbm4b:s13+s17] =	stream.strided.scatter [tilespmem:s18], [sflag:$0xA], $0x2780, s16, s17, $0x38;
	[tilespmem:$0x13C80] =	vst v63  }
0x7f: {  	_ =	swait.ge [sflag:s28], $0x2780  }
0x80: {  	[sflag:s28] =	ssyncset.done $0x0;
	s13 =	rddreg [dreg:$0x6]  }
0x81: {  	[sflag:s28] =	ssyncadd.s32 $0xFFFFD880;
	s13 =	sadd.s32 s12, s13  }
0x82: {  	[hbm4b:s13+s17] =	stream.strided.scatter [tilespmem:s19], [sflag:$0xB], $0x2780, s16, s17, $0x38;
	[tilespmem:$0x13C80] =	vst v63  }
0x83: {  	_ =	swait.ge [sflag:s29], $0x2780  }
0x84: {  	[sflag:s29] =	ssyncset.done $0x0;
	s13 =	rddreg [dreg:$0x7]  }
0x85: {  	[sflag:s29] =	ssyncadd.s32 $0xFFFFD880;
	s13 =	sadd.s32 s12, s13  }
0x86: {  	[hbm4b:s13+s17] =	stream.strided.scatter [tilespmem:s20], [sflag:$0xC], $0x2780, s16, s17, $0x38;
	[tilespmem:$0x13C80] =	vst v63  }
0x87: {  	_ =	swait.ge [sflag:s30], $0x2780  }
0x88: {  	[sflag:s30] =	ssyncset.done $0x0;
	s13 =	rddreg [dreg:$0x8]  }
0x89: {  	[sflag:s30] =	ssyncadd.s32 $0xFFFFD880;
	s13 =	sadd.s32 s12, s13  }
0x8a: {  	[hbm4b:s13+s17] =	stream.strided.scatter [tilespmem:s21], [sflag:$0xD], $0x2780, s16, s17, $0x38;
	[tilespmem:$0x13C80] =	vst v63  }
0x8b: {  	_ =	swait.ge [sflag:s31], $0x2780  }
0x8c: {  	[sflag:s31] =	ssyncset.done $0x0;
	s13 =	rddreg [dreg:$0x9]  }
0x8d: {  	[sflag:s31] =	ssyncadd.s32 $0xFFFFD880;
	s13 =	sadd.s32 s12, s13  }
0x8e: {  	[hbm4b:s13+s17] =	stream.strided.scatter [tilespmem:s22], [sflag:$0xE], $0x2780, s16, s17, $0x38;
	[tilespmem:$0x13C80] =	vst v63  }
0x8f: {  	_ =	swait.ge [sflag:s1], $0x2780  }
0x90: {  	[sflag:s1] =	ssyncset.done $0x0;
	s13 =	rddreg [dreg:$0xa]  }
0x91: {  	[sflag:s1] =	ssyncadd.s32 $0xFFFFD880;
	s13 =	sadd.s32 s12, s13  }
0x92: {  	[hbm4b:s13+s17] =	stream.strided.scatter [tilespmem:s23], [sflag:$0xF], $0x2780, s16, s17, $0x38;
	[tilespmem:$0x13C80] =	vst v63  }
0x93: {  	_ =	swait.ge [sflag:s0], $0x2780  }
0x94: {  	[sflag:s0] =	ssyncset.done $0x0;
	s13 =	rddreg [dreg:$0xb]  }
0x95: {  	[sflag:s0] =	ssyncadd.s32 $0xFFFFD880;
	s12 =	sadd.s32 s12, s13  }
0x96: {  	[hbm4b:s12+s17] =	stream.strided.scatter [tilespmem:s24], [sflag:$0x10], $0x2780, s16, s17, $0x38;
	[tilespmem:$0x13C80] =	vst v63  }
0x97: {  	_ =	swait.ge [sflag:s3], $0x2780  }
0x98: {  	(v2sf) =	vpush v0, $0x8;
	_ =	sdelay $0xe  }
0x99: {  	s12 =	spop (v2sf)  }
0x9a: {  	s13 =	sshrl.u32 s12, $0x3  }
0x9b: {  	s12 =	sshll.u32 s12, $0x7;
	s13 =	smul.u32 $0x13C00, s13  }
0x9c: {  	s12 =	sand.u32 $0x380, s12  }
0x9d: {  	s12 =	sor.u32 s12, s13  }
0x9e: {  	[sflag:s3] =	ssyncset.done $0x0;
	s12 =	sshrl.u32 s12, $0x3  }
0x9f: {  	[sflag:s3] =	ssyncadd.s32 $0xFFFFD880;
	s12 =	sadd.s32 s2, s12  }
0xa0: {  	[tilespmem:s17], [sflag:$0x1] =	stream.strided.gather [hbm4b:s12+s17], $0x2780, s16, s17, $0x38;
	[tilespmem:$0x13C80] =	vst v63  }
0xa1: {  	_ =	swait.ge [sflag:s6], $0x2780  }
0xa2: {  	(v2sf) =	vpush v0, $0x9;
	_ =	sdelay $0xe  }
0xa3: {  	s12 =	spop (v2sf)  }
0xa4: {  	s13 =	sshrl.u32 s12, $0x3  }
0xa5: {  	s12 =	sshll.u32 s12, $0x7;
	s13 =	smul.u32 $0x13C00, s13  }
0xa6: {  	s12 =	sand.u32 $0x380, s12  }
0xa7: {  	s12 =	sor.u32 s12, s13  }
0xa8: {  	[sflag:s6] =	ssyncset.done $0x0;
	s12 =	sshrl.u32 s12, $0x3  }
0xa9: {  	[sflag:s6] =	ssyncadd.s32 $0xFFFFD880;
	s12 =	sadd.s32 s2, s12  }
0xaa: {  	[tilespmem:s18], [sflag:$0x2] =	stream.strided.gather [hbm4b:s12+s17], $0x2780, s16, s17, $0x38;
	[tilespmem:$0x13C80] =	vst v63  }
0xab: {  	_ =	swait.ge [sflag:s14], $0x2780  }
0xac: {  	(v2sf) =	vpush v0, $0xA;
	_ =	sdelay $0xe  }
0xad: {  	s12 =	spop (v2sf)  }
0xae: {  	s13 =	sshrl.u32 s12, $0x3  }
0xaf: {  	s12 =	sshll.u32 s12, $0x7;
	s13 =	smul.u32 $0x13C00, s13  }
0xb0: {  	s12 =	sand.u32 $0x380, s12  }
0xb1: {  	s12 =	sor.u32 s12, s13  }
0xb2: {  	[sflag:s14] =	ssyncset.done $0x0;
	s12 =	sshrl.u32 s12, $0x3  }
0xb3: {  	[sflag:s14] =	ssyncadd.s32 $0xFFFFD880;
	s12 =	sadd.s32 s2, s12  }
0xb4: {  	[tilespmem:s19], [sflag:$0x3] =	stream.strided.gather [hbm4b:s12+s17], $0x2780, s16, s17, $0x38;
	[tilespmem:$0x13C80] =	vst v63  }
0xb5: {  	_ =	swait.ge [sflag:s15], $0x2780  }
0xb6: {  	(v2sf) =	vpush v0, $0xB;
	_ =	sdelay $0xe  }
0xb7: {  	s12 =	spop (v2sf)  }
0xb8: {  	s13 =	sshrl.u32 s12, $0x3  }
0xb9: {  	s12 =	sshll.u32 s12, $0x7;
	s13 =	smul.u32 $0x13C00, s13  }
0xba: {  	s12 =	sand.u32 $0x380, s12  }
0xbb: {  	s12 =	sor.u32 s12, s13  }
0xbc: {  	[sflag:s15] =	ssyncset.done $0x0;
	s12 =	sshrl.u32 s12, $0x3  }
0xbd: {  	[sflag:s15] =	ssyncadd.s32 $0xFFFFD880;
	s12 =	sadd.s32 s2, s12  }
0xbe: {  	[tilespmem:s20], [sflag:$0x4] =	stream.strided.gather [hbm4b:s12+s17], $0x2780, s16, s17, $0x38;
	[tilespmem:$0x13C80] =	vst v63  }
0xbf: {  	_ =	swait.ge [sflag:s4], $0x2780  }
0xc0: {  	(v2sf) =	vpush v0, $0xC;
	_ =	sdelay $0xe  }
0xc1: {  	s12 =	spop (v2sf)  }
0xc2: {  	s13 =	sshrl.u32 s12, $0x3  }
0xc3: {  	s12 =	sshll.u32 s12, $0x7;
	s13 =	smul.u32 $0x13C00, s13  }
0xc4: {  	s12 =	sand.u32 $0x380, s12  }
0xc5: {  	s12 =	sor.u32 s12, s13  }
0xc6: {  	[sflag:s4] =	ssyncset.done $0x0;
	s12 =	sshrl.u32 s12, $0x3  }
0xc7: {  	[sflag:s4] =	ssyncadd.s32 $0xFFFFD880;
	s12 =	sadd.s32 s2, s12  }
0xc8: {  	[tilespmem:s21], [sflag:$0x5] =	stream.strided.gather [hbm4b:s12+s17], $0x2780, s16, s17, $0x38;
	[tilespmem:$0x13C80] =	vst v63  }
0xc9: {  	_ =	swait.ge [sflag:s7], $0x2780  }
0xca: {  	(v2sf) =	vpush v0, $0xD;
	_ =	sdelay $0xe  }
0xcb: {  	s12 =	spop (v2sf)  }
0xcc: {  	s13 =	sshrl.u32 s12, $0x3  }
0xcd: {  	s12 =	sshll.u32 s12, $0x7;
	s13 =	smul.u32 $0x13C00, s13  }
0xce: {  	s12 =	sand.u32 $0x380, s12  }
0xcf: {  	s12 =	sor.u32 s12, s13  }
0xd0: {  	[sflag:s7] =	ssyncset.done $0x0;
	s12 =	sshrl.u32 s12, $0x3  }
0xd1: {  	[sflag:s7] =	ssyncadd.s32 $0xFFFFD880;
	s12 =	sadd.s32 s2, s12  }
0xd2: {  	[tilespmem:s22], [sflag:$0x6] =	stream.strided.gather [hbm4b:s12+s17], $0x2780, s16, s17, $0x38;
	[tilespmem:$0x13C80] =	vst v63  }
0xd3: {  	_ =	swait.ge [sflag:s8], $0x2780  }
0xd4: {  	(v2sf) =	vpush v0, $0xE;
	_ =	sdelay $0xe  }
0xd5: {  	s12 =	spop (v2sf)  }
0xd6: {  	s13 =	sshrl.u32 s12, $0x3  }
0xd7: {  	s12 =	sshll.u32 s12, $0x7;
	s13 =	smul.u32 $0x13C00, s13  }
0xd8: {  	s12 =	sand.u32 $0x380, s12  }
0xd9: {  	s12 =	sor.u32 s12, s13  }
0xda: {  	[sflag:s8] =	ssyncset.done $0x0;
	s12 =	sshrl.u32 s12, $0x3  }
0xdb: {  	[sflag:s8] =	ssyncadd.s32 $0xFFFFD880;
	s12 =	sadd.s32 s2, s12  }
0xdc: {  	[tilespmem:s23], [sflag:$0x7] =	stream.strided.gather [hbm4b:s12+s17], $0x2780, s16, s17, $0x38;
	[tilespmem:$0x13C80] =	vst v63  }
0xdd: {  	_ =	swait.ge [sflag:s9], $0x2780  }
0xde: {  	(v2sf) =	vpush v0, $0xF;
	_ =	sdelay $0xe  }
0xdf: {  	s12 =	spop (v2sf)  }
0xe0: {  	s13 =	sshrl.u32 s12, $0x3  }
0xe1: {  	s12 =	sshll.u32 s12, $0x7;
	s13 =	smul.u32 $0x13C00, s13  }
0xe2: {  	s12 =	sand.u32 $0x380, s12  }
0xe3: {  	s12 =	sor.u32 s12, s13  }
0xe4: {  	[sflag:s9] =	ssyncset.done $0x0;
	s12 =	sshrl.u32 s12, $0x3  }
0xe5: {  	s11 =	smul.u32 $0x13C00, s11;
	[sflag:s9] =	ssyncadd.s32 $0xFFFFD880;
	s12 =	sadd.s32 s2, s12  }
0xe6: {  	[tilespmem:s24], [sflag:$0x8] =	stream.strided.gather [hbm4b:s12+s17], $0x2780, s16, s17, $0x38;
	[tilespmem:$0x13C80] =	vst v63  }
0xe7: {  	s11 =	sshrl.u32 s11, $0x3;
	_ =	swait.ge [sflag:s25], $0x2780  }
0xe8: {  	s11 =	sadd.s32 s5, s11;
	[sflag:s25] =	ssyncset.done $0x0  }
0xe9: {  	s13 =	sadd.s32 $0x2780, s11;
	[sflag:s25] =	ssyncadd.s32 $0xFFFFD880  }
0xea: {  	[hbm4b:s13+s17] =	stream.strided.scatter [tilespmem:s17], [sflag:$0x9], $0x2780, s16, s17, $0x38;
	[tilespmem:$0x13C80] =	vst v63  }
0xeb: {  	_ =	swait.ge [sflag:s26], $0x2780  }
0xec: {  	[sflag:s26] =	ssyncset.done $0x0  }
0xed: {  	s13 =	sadd.s32 $0x2790, s11;
	[sflag:s26] =	ssyncadd.s32 $0xFFFFD880  }
0xee: {  	[hbm4b:s13+s17] =	stream.strided.scatter [tilespmem:s18], [sflag:$0xA], $0x2780, s16, s17, $0x38;
	[tilespmem:$0x13C80] =	vst v63  }
0xef: {  	_ =	swait.ge [sflag:s28], $0x2780  }
0xf0: {  	[sflag:s28] =	ssyncset.done $0x0  }
0xf1: {  	s13 =	sadd.s32 $0x27A0, s11;
	[sflag:s28] =	ssyncadd.s32 $0xFFFFD880  }
0xf2: {  	[hbm4b:s13+s17] =	stream.strided.scatter [tilespmem:s19], [sflag:$0xB], $0x2780, s16, s17, $0x38;
	[tilespmem:$0x13C80] =	vst v63  }
0xf3: {  	_ =	swait.ge [sflag:s29], $0x2780  }
0xf4: {  	[sflag:s29] =	ssyncset.done $0x0  }
0xf5: {  	s13 =	sadd.s32 $0x27B0, s11;
	[sflag:s29] =	ssyncadd.s32 $0xFFFFD880  }
0xf6: {  	[hbm4b:s13+s17] =	stream.strided.scatter [tilespmem:s20], [sflag:$0xC], $0x2780, s16, s17, $0x38;
	[tilespmem:$0x13C80] =	vst v63  }
0xf7: {  	_ =	swait.ge [sflag:s30], $0x2780  }
0xf8: {  	[sflag:s30] =	ssyncset.done $0x0  }
0xf9: {  	s13 =	sadd.s32 $0x27C0, s11;
	[sflag:s30] =	ssyncadd.s32 $0xFFFFD880  }
0xfa: {  	[hbm4b:s13+s17] =	stream.strided.scatter [tilespmem:s21], [sflag:$0xD], $0x2780, s16, s17, $0x38;
	[tilespmem:$0x13C80] =	vst v63  }
0xfb: {  	_ =	swait.ge [sflag:s31], $0x2780  }
0xfc: {  	[sflag:s31] =	ssyncset.done $0x0  }
0xfd: {  	s13 =	sadd.s32 $0x27D0, s11;
	[sflag:s31] =	ssyncadd.s32 $0xFFFFD880  }
0xfe: {  	[hbm4b:s13+s17] =	stream.strided.scatter [tilespmem:s22], [sflag:$0xE], $0x2780, s16, s17, $0x38;
	[tilespmem:$0x13C80] =	vst v63  }
0xff: {  	_ =	swait.ge [sflag:s1], $0x2780  }
0x100: {  	[sflag:s1] =	ssyncset.done $0x0  }
0x101: {  	s13 =	sadd.s32 $0x27E0, s11;
	[sflag:s1] =	ssyncadd.s32 $0xFFFFD880  }
0x102: {  	[hbm4b:s13+s17] =	stream.strided.scatter [tilespmem:s23], [sflag:$0xF], $0x2780, s16, s17, $0x38;
	[tilespmem:$0x13C80] =	vst v63  }
0x103: {  	_ =	swait.ge [sflag:s0], $0x2780  }
0x104: {  	[sflag:s0] =	ssyncset.done $0x0  }
.Ltmp2:
0x105: {  	s11 =	sadd.s32 $0x27F0, s11;
	[sflag:s0] =	ssyncadd.s32 $0xFFFFD880;
	(pc) =	sbr.rel @!p0 .LBB2_4-.Ltmp2, $4  }
0x106: {  	[hbm4b:s11+s17] =	stream.strided.scatter [tilespmem:s24], [sflag:$0x10], $0x2780, s16, s17, $0x38;
	[tilespmem:$0x13C80] =	vst v63  }
0x107: {  	v0 =	vld [tilespmem:s10+$0x10];
	_ =	swait.ge [sflag:s3], $0x2780  }
0x108: {  	[sflag:s3] =	ssyncset.done $0x0  }
0x109: {  	[sflag:s3] =	ssyncadd.s32 $0xFFFFD880  }
0x10a: {  	_ =	sdelay $0x1  }
0x10b: {  	(v2sf) =	vpush v0, $0x0;
	_ =	sdelay $0xe  }
0x10c: {  	s10 =	spop (v2sf)  }
0x10d: {  	s11 =	sshrl.u32 s10, $0x3  }
0x10e: {  	s10 =	sshll.u32 s10, $0x7;
	s11 =	smul.u32 $0x13C00, s11  }
0x10f: {  	s10 =	sand.u32 $0x380, s10  }
0x110: {  	s10 =	sor.u32 s10, s11  }
0x111: {  	s10 =	sshrl.u32 s10, $0x3  }
0x112: {  	s10 =	sadd.s32 s2, s10  }
0x113: {  	[tilespmem:s17], [sflag:$0x1] =	stream.strided.gather [hbm4b:s10+s17], $0x2780, s16, s17, $0x38;
	[tilespmem:$0x13C80] =	vst v63  }
0x114: {  	_ =	swait.ge [sflag:s6], $0x2780  }
0x115: {  	(v2sf) =	vpush v0, $0x1;
	_ =	sdelay $0xe  }
0x116: {  	s12 =	spop (v2sf)  }
0x117: {  	s13 =	sshrl.u32 s12, $0x3  }
0x118: {  	s10 =	sshll.u32 s12, $0x7;
	s11 =	smul.u32 $0x13C00, s13  }
0x119: {  	s10 =	sand.u32 $0x380, s10  }
0x11a: {  	s10 =	sor.u32 s10, s11  }
0x11b: {  	[sflag:s6] =	ssyncset.done $0x0;
	s10 =	sshrl.u32 s10, $0x3  }
0x11c: {  	[sflag:s6] =	ssyncadd.s32 $0xFFFFD880;
	s10 =	sadd.s32 s2, s10  }
0x11d: {  	[tilespmem:s18], [sflag:$0x2] =	stream.strided.gather [hbm4b:s10+s17], $0x2780, s16, s17, $0x38;
	[tilespmem:$0x13C80] =	vst v63  }
0x11e: {  	_ =	swait.ge [sflag:s14], $0x2780  }
0x11f: {  	(v2sf) =	vpush v0, $0x2;
	_ =	sdelay $0xe  }
0x120: {  	s12 =	spop (v2sf)  }
0x121: {  	s13 =	sshrl.u32 s12, $0x3  }
0x122: {  	s10 =	sshll.u32 s12, $0x7;
	s11 =	smul.u32 $0x13C00, s13  }
0x123: {  	s10 =	sand.u32 $0x380, s10  }
0x124: {  	s10 =	sor.u32 s10, s11  }
0x125: {  	[sflag:s14] =	ssyncset.done $0x0;
	s10 =	sshrl.u32 s10, $0x3  }
0x126: {  	[sflag:s14] =	ssyncadd.s32 $0xFFFFD880;
	s10 =	sadd.s32 s2, s10  }
0x127: {  	[tilespmem:s19], [sflag:$0x3] =	stream.strided.gather [hbm4b:s10+s17], $0x2780, s16, s17, $0x38;
	[tilespmem:$0x13C80] =	vst v63  }
0x128: {  	_ =	swait.ge [sflag:s15], $0x2780  }
0x129: {  	(v2sf) =	vpush v0, $0x3;
	_ =	sdelay $0xe  }
0x12a: {  	s12 =	spop (v2sf)  }
0x12b: {  	s13 =	sshrl.u32 s12, $0x3  }
0x12c: {  	s10 =	sshll.u32 s12, $0x7;
	s11 =	smul.u32 $0x13C00, s13  }
0x12d: {  	s10 =	sand.u32 $0x380, s10  }
0x12e: {  	s10 =	sor.u32 s10, s11  }
0x12f: {  	[sflag:s15] =	ssyncset.done $0x0;
	s10 =	sshrl.u32 s10, $0x3  }
0x130: {  	[sflag:s15] =	ssyncadd.s32 $0xFFFFD880;
	s10 =	sadd.s32 s2, s10  }
0x131: {  	[tilespmem:s20], [sflag:$0x4] =	stream.strided.gather [hbm4b:s10+s17], $0x2780, s16, s17, $0x38;
	[tilespmem:$0x13C80] =	vst v63  }
0x132: {  	_ =	swait.ge [sflag:s4], $0x2780  }
0x133: {  	(v2sf) =	vpush v0, $0x4;
	_ =	sdelay $0xe  }
0x134: {  	s12 =	spop (v2sf)  }
0x135: {  	s13 =	sshrl.u32 s12, $0x3  }
0x136: {  	s10 =	sshll.u32 s12, $0x7;
	s11 =	smul.u32 $0x13C00, s13  }
0x137: {  	s10 =	sand.u32 $0x380, s10  }
0x138: {  	s10 =	sor.u32 s10, s11  }
0x139: {  	[sflag:s4] =	ssyncset.done $0x0;
	s10 =	sshrl.u32 s10, $0x3  }
0x13a: {  	[sflag:s4] =	ssyncadd.s32 $0xFFFFD880;
	s10 =	sadd.s32 s2, s10  }
0x13b: {  	[tilespmem:s21], [sflag:$0x5] =	stream.strided.gather [hbm4b:s10+s17], $0x2780, s16, s17, $0x38;
	[tilespmem:$0x13C80] =	vst v63  }
0x13c: {  	_ =	swait.ge [sflag:s7], $0x2780  }
0x13d: {  	(v2sf) =	vpush v0, $0x5;
	_ =	sdelay $0xe  }
0x13e: {  	s12 =	spop (v2sf)  }
0x13f: {  	s13 =	sshrl.u32 s12, $0x3  }
0x140: {  	s10 =	sshll.u32 s12, $0x7;
	s11 =	smul.u32 $0x13C00, s13  }
0x141: {  	s10 =	sand.u32 $0x380, s10  }
0x142: {  	s10 =	sor.u32 s10, s11  }
0x143: {  	[sflag:s7] =	ssyncset.done $0x0;
	s10 =	sshrl.u32 s10, $0x3  }
0x144: {  	[sflag:s7] =	ssyncadd.s32 $0xFFFFD880;
	s10 =	sadd.s32 s2, s10  }
0x145: {  	[tilespmem:s22], [sflag:$0x6] =	stream.strided.gather [hbm4b:s10+s17], $0x2780, s16, s17, $0x38;
	[tilespmem:$0x13C80] =	vst v63  }
0x146: {  	_ =	swait.ge [sflag:s8], $0x2780  }
0x147: {  	(v2sf) =	vpush v0, $0x6;
	_ =	sdelay $0xe  }
0x148: {  	s12 =	spop (v2sf)  }
0x149: {  	s13 =	sshrl.u32 s12, $0x3  }
0x14a: {  	s10 =	sshll.u32 s12, $0x7;
	s11 =	smul.u32 $0x13C00, s13  }
0x14b: {  	s10 =	sand.u32 $0x380, s10  }
0x14c: {  	s10 =	sor.u32 s10, s11  }
0x14d: {  	[sflag:s8] =	ssyncset.done $0x0;
	s10 =	sshrl.u32 s10, $0x3  }
0x14e: {  	[sflag:s8] =	ssyncadd.s32 $0xFFFFD880;
	s10 =	sadd.s32 s2, s10  }
0x14f: {  	[tilespmem:s23], [sflag:$0x7] =	stream.strided.gather [hbm4b:s10+s17], $0x2780, s16, s17, $0x38;
	[tilespmem:$0x13C80] =	vst v63  }
.Ltmp3:
0x150: {  	_ = 	snop;
	(pc) =	sbr.rel .LBB2_2-.Ltmp3, $4  }
0x151: {  	s10 =	simm.s32 $0x10  }
0x152: {  	_ =	swait.ge [sflag:s10], $0x2780  }
0x153: {  	[sflag:s10] =	ssyncset.done $0x0  }
0x154: {  	p0 =	por $0x0, $0x0;
	[sflag:s10] =	ssyncadd.s32 $0xFFFFD880  }
.LBB2_5:
0x155: {  	_ =	sfence.sel $0x180000  }
0x156: {  	[bflag:$0x0] =	sbarrier.arrive $0xFFFF  }
0x157: {  	_ =	strace $0x90000050  }
0x158: {  	s0 =	stileid.u32;
	[bflag:$0x2] =	sbarrier.arrive $0xFFFF  }
0x159: {  	p0 =	sne.s32 s0, $0x0;
	s0 =	rddreg [dreg:$0x2]  }
0x15a: {  	s0 =	sadd.s32 @!p0 $0x100000, s0  }
0x15b: {  	[sflag:s0] =	ssyncadd.tile.s32 @!p0 $0x1;
	_ =	shalt  }
.Lfunc_end2:
_tile_overlayer_lowered:
.L_overlay_start_2:
0x15c: {  	(tag) =	ssettag $0x2  }
0x15d: {  	s0 =	rddreg [dreg:$0x0];
	s2 =	stileid.u32  }
0x15e: {  	s1 =	rddreg [dreg:$0x1];
	p0 =	sne.s32 s2, $0x0  }
0x15f: {  	s3 =	rddreg [dreg:$0x2];
	[bflag:$0x3] =	sbarrier.arrive $0xFFFF;
	s2 =	simm.s32 @!p0 $0x1C11  }
0x160: {  	[timem:s3], [sflag:s2] =	dma.local @!p0 [hbm:s0], s1  }
0x161: {  	s0 =	simm.s32 @!p0 $0x11  }
0x162: {  	_ =	swait.ge @!p0 [sflag:s0], s1  }
0x163: {  	s1 =	ssub.s32 @!p0 $0x0, s1;
	[sflag:s0] =	ssyncset.done @!p0 $0x0  }
0x164: {  	[sflag:s0] =	ssyncadd.s32 @!p0 s1  }
0x165: {  	[bflag:$0x3] =	sbarrier.arrive $0xFFFF  }
0x166: {  	_ =	shalt  }

</sc_bundles>
